<compile_context>
chip_gen: v7x
topology: tpu7x:2x2x1
jax: 0.10.2.dev20260603
libtpu: 0.0.44.dev20260713+nightly
codegen_flags: <defaults>
</compile_context>

<pallas_src>
import jax
import jax.numpy as jnp
from jax import lax
from jax.experimental import pallas as pl
from jax.experimental.pallas import tpu as pltpu
from jax.experimental.pallas import tpu_sc as plsc

EPS = 1e-5
G = 64
LANES = 16
CHUNK = 64
NBUF = 4
NSLOT = 4
NTILES = 32
TPC = 16
WCHUNK = 128


def _round_up(a, b):
    return (a + b - 1) // b * b


def _deg_body(dst_hbm, deg_hbm, dst_v, deg_v):
    cid = lax.axis_index("c")
    sid = lax.axis_index("s")
    wid = cid * TPC + sid
    npad = deg_v.shape[0]
    ept = dst_v.shape[0]

    def zero(i, carry):
        deg_v[pl.ds(i * LANES, LANES)] = jnp.zeros((LANES,), jnp.float32)
        return carry

    lax.fori_loop(0, npad // LANES, zero, 0)
    pltpu.sync_copy(dst_hbm.at[wid], dst_v)

    ones = jnp.ones((LANES,), jnp.float32)

    def accum(i, carry):
        idx = dst_v[pl.ds(i * LANES, LANES)]
        plsc.addupdate_scatter(deg_v, [idx], ones)
        return carry

    lax.fori_loop(0, ept // LANES, accum, 0)
    pltpu.sync_copy(deg_v, deg_hbm.at[wid])


def _spmm_body(src_hbm, dst_hbm, table_hbm, out_hbm, sidx_v, didx_v, rows_v,
               acc_sh, gsem, isem):
    cid = lax.axis_index("c")
    sid = lax.axis_index("s")
    wid = cid * TPC + sid
    k = src_hbm.shape[1]
    ng = k // NBUF
    npad = acc_sh.shape[0]
    rows_per_tile = npad // TPC

    def idx_issue(g, sl):
        gr = pl.ds(g * NBUF, NBUF)
        pltpu.async_copy(src_hbm.at[wid, gr], sidx_v.at[sl], isem.at[sl])
        pltpu.async_copy(dst_hbm.at[wid, gr], didx_v.at[sl], isem.at[sl])

    def idx_wait(sl):
        pltpu.make_async_copy(src_hbm.at[wid, pl.ds(0, NBUF)], sidx_v.at[sl],
                              isem.at[sl]).wait()
        pltpu.make_async_copy(dst_hbm.at[wid, pl.ds(0, NBUF)], didx_v.at[sl],
                              isem.at[sl]).wait()

    def zero(r, carry):
        for c in range(rows_v.shape[2] // LANES):
            rows_v[0, r, pl.ds(c * LANES, LANES)] = jnp.zeros((LANES,),
                                                              jnp.float32)
        return carry

    lax.fori_loop(0, CHUNK, zero, 0)
    base = sid * rows_per_tile
    for i in range(rows_per_tile // CHUNK):
        pltpu.sync_copy(rows_v.at[0], acc_sh.at[pl.ds(base + i * CHUNK,
                                                      CHUNK)])

    idx_issue(0, 0)
    idx_issue(1, 1)
    plsc.subcore_barrier()

    idx_wait(0)
    for b in range(NBUF):
        pltpu.async_copy(table_hbm.at[sidx_v.at[0, b]], rows_v.at[b],
                         gsem.at[b])

    def group(g, carry):
        csl = jnp.bitwise_and(g, NSLOT - 1)
        nsl = jnp.bitwise_and(g + 1, NSLOT - 1)

        @pl.when(g + 2 < ng)
        def _():
            idx_issue(g + 2, jnp.bitwise_and(g + 2, NSLOT - 1))

        @pl.when(g + 1 < ng)
        def _():
            idx_wait(nsl)

        for b in range(NBUF):
            pltpu.make_async_copy(table_hbm.at[sidx_v.at[csl, b]],
                                  rows_v.at[b], gsem.at[b]).wait()
            pltpu.sync_copy(rows_v.at[b], acc_sh.at[didx_v.at[csl, b]],
                            add=True)

            @pl.when(g + 1 < ng)
            def _():
                pltpu.async_copy(table_hbm.at[sidx_v.at[nsl, b]],
                                 rows_v.at[b], gsem.at[b])
        return carry

    lax.fori_loop(0, ng, group, 0)
    plsc.subcore_barrier()

    for i in range(rows_per_tile // WCHUNK):
        sl = pl.ds(base + i * WCHUNK, WCHUNK)
        pltpu.sync_copy(acc_sh.at[sl], out_hbm.at[cid, sl])


def _dinv_b(degp_ref, shape):
    deg = jnp.sum(degp_ref[...], axis=0) + 1.0
    dinv = lax.rsqrt(jnp.maximum(deg, 1.0))
    return jnp.broadcast_to(dinv[:, None], shape)


def _tc1_body(x_ref, w_ref, b_ref, degp_ref, xs_ref):
    xw = jnp.dot(x_ref[...], w_ref[...],
                 preferred_element_type=jnp.float32) + b_ref[...]
    xs_ref[...] = xw * _dinv_b(degp_ref, xw.shape)


def _bn_relu(agg, g_ref, be_ref, m_ref, v_ref):
    s = g_ref[...] * lax.rsqrt(v_ref[...] + EPS)
    t = be_ref[...] - m_ref[...] * s
    return jnp.maximum(agg * s + t, 0.0)


def _tc_mid_body(acc_ref, xs_ref, degp_ref, g_ref, be_ref, m_ref, v_ref,
                 w_ref, b_ref, out_ref):
    dinv_b = _dinv_b(degp_ref, xs_ref.shape)
    agg = (acc_ref[0] + acc_ref[1] + xs_ref[...]) * dinv_b
    h = _bn_relu(agg, g_ref, be_ref, m_ref, v_ref)
    xw = jnp.dot(h, w_ref[...], preferred_element_type=jnp.float32) + b_ref[...]
    out_ref[...] = xw * dinv_b


def _tc_final_body(acc_ref, xs_ref, degp_ref, g_ref, be_ref, m_ref, v_ref,
                   batch_ref, out_ref):
    agg = (acc_ref[0] + acc_ref[1] + xs_ref[...]) * _dinv_b(
        degp_ref, xs_ref.shape)
    h = _bn_relu(agg, g_ref, be_ref, m_ref, v_ref)
    gids = lax.broadcasted_iota(jnp.int32, (G, batch_ref.shape[1]),
                                0).astype(jnp.float32)
    p = jnp.where(batch_ref[...] == gids, 1.0, 0.0)
    sums = jnp.dot(p, h, preferred_element_type=jnp.float32)
    cnt = jnp.sum(p, axis=1, keepdims=True)
    out_ref[...] = sums / jnp.maximum(cnt, 1.0)


def _tc_call(body, out_shape):
    return pl.pallas_call(body, out_shape=out_shape)


def kernel(x, edge_index, batch,
           W1, b1, gamma1, beta1, mean1, var1,
           W2, b2, gamma2, beta2, mean2, var2,
           W3, b3, gamma3, beta3, mean3, var3):
    n, d = x.shape
    h = W1.shape[1]
    e = edge_index.shape[1]

    npad = _round_up(n + 1, TPC * WCHUNK)
    ep = _round_up(e, NTILES * NBUF * CHUNK)
    ept = ep // NTILES
    k = ept // CHUNK

    pad_e = ep - e
    pad_idx = n + jnp.arange(pad_e, dtype=jnp.int32) % (npad - n)
    src_p = jnp.concatenate([edge_index[0], pad_idx])
    dst_p = jnp.concatenate([edge_index[1], pad_idx])
    src3 = src_p.reshape(NTILES, k, CHUNK)
    dst3 = dst_p.reshape(NTILES, k, CHUNK)
    dstf = edge_index[1].reshape(NTILES, e // NTILES)
    x_p = jnp.zeros((npad, d), jnp.float32).at[:n].set(x)
    batch_row = jnp.concatenate(
        [batch, jnp.full((npad - n,), G, jnp.int32)]).astype(
            jnp.float32).reshape(1, npad)
    row = lambda v: v.reshape(1, h)

    mesh = plsc.VectorSubcoreMesh(core_axis_name="c", subcore_axis_name="s")

    deg_call = pl.kernel(
        _deg_body,
        out_type=jax.ShapeDtypeStruct((NTILES, npad), jnp.float32),
        mesh=mesh,
        compiler_params=pltpu.CompilerParams(needs_layout_passes=False),
        scratch_types=[
            pltpu.VMEM((e // NTILES,), jnp.int32),
            pltpu.VMEM((npad,), jnp.float32),
        ],
    )

    spmm_call = pl.kernel(
        _spmm_body,
        out_type=jax.ShapeDtypeStruct((2, npad, h), jnp.float32),
        mesh=mesh,
        scratch_types=[
            pltpu.VMEM((NSLOT, NBUF, CHUNK), jnp.int32),
            pltpu.VMEM((NSLOT, NBUF, CHUNK), jnp.int32),
            pltpu.VMEM((NBUF, CHUNK, h), jnp.float32),
            pltpu.VMEM_SHARED((npad, h), jnp.float32),
            pltpu.SemaphoreType.DMA((NBUF,)),
            pltpu.SemaphoreType.DMA((NSLOT,)),
        ],
    )

    deg_parts = deg_call(dstf)

    xs1 = _tc_call(_tc1_body, jax.ShapeDtypeStruct((npad, h), jnp.float32))(
        x_p, W1, row(b1), deg_parts)

    acc1 = spmm_call(src3, dst3, xs1)
    xs2 = _tc_call(_tc_mid_body, jax.ShapeDtypeStruct((npad, h), jnp.float32))(
        acc1, xs1, deg_parts, row(gamma1), row(beta1), row(mean1), row(var1),
        W2, row(b2))

    acc2 = spmm_call(src3, dst3, xs2)
    xs3 = _tc_call(_tc_mid_body, jax.ShapeDtypeStruct((npad, h), jnp.float32))(
        acc2, xs2, deg_parts, row(gamma2), row(beta2), row(mean2), row(var2),
        W3, row(b3))

    acc3 = spmm_call(src3, dst3, xs3)
    out = _tc_call(_tc_final_body, jax.ShapeDtypeStruct((G, h), jnp.float32))(
        acc3, xs3, deg_parts, row(gamma3), row(beta3), row(mean3), row(var3),
        batch_row)
    return out

# --- scband reference (transcript-rebuilt; emitter-appended) ---
"""Pipeline reference for scband-molecular-graph-encoder-48747878810102 (READ-ONLY COPY).

The authoritative reference and input builder live on the scoring server;
editing this copy changes nothing except your own understanding.
"""

import jax, jax.numpy as jnp
import numpy as np

N = 10000
E = 320000
D = 128
H = 128
G = 64
EPS = 1e-5


def setup_inputs(seed: int = 0) -> dict:
    key = jax.random.key(seed)
    ks = jax.random.split(key, 32)
    inp = {}
    inp['x'] = jax.random.normal(ks[0], (N, D), dtype=jnp.float32)
    inp['edge_index'] = jax.random.randint(ks[1], (2, E), 0, N, dtype=jnp.int32)
    inp['batch'] = jnp.sort(jax.random.randint(ks[2], (N,), 0, G, dtype=jnp.int32))
    dims = [(D, H), (H, H), (H, H)]
    for i, (din, dout) in enumerate(dims, start=1):
        k = 3 + (i - 1) * 6
        inp[f'W{i}'] = jax.random.normal(ks[k], (din, dout), dtype=jnp.float32) * (1.0 / np.sqrt(din))
        inp[f'b{i}'] = jnp.zeros((dout,), dtype=jnp.float32)
        inp[f'gamma{i}'] = 1.0 + 0.1 * jax.random.normal(ks[k + 1], (dout,), dtype=jnp.float32)
        inp[f'beta{i}'] = 0.1 * jax.random.normal(ks[k + 2], (dout,), dtype=jnp.float32)
        inp[f'mean{i}'] = 0.1 * jax.random.normal(ks[k + 3], (dout,), dtype=jnp.float32)
        inp[f'var{i}'] = 0.5 + jax.random.uniform(ks[k + 4], (dout,), dtype=jnp.float32)
    return inp


def _gcn_conv(x, W, b, src, dst):
    n = x.shape[0]
    xw = x @ W + b
    loop = jnp.arange(n, dtype=src.dtype)
    s = jnp.concatenate([src, loop])
    d = jnp.concatenate([dst, loop])
    deg = jnp.zeros((n,), x.dtype).at[d].add(1.0)
    dinv = jax.lax.rsqrt(jnp.clip(deg, 1.0))
    coef = dinv[s] * dinv[d]
    msg = xw[s] * coef[:, None]
    return jax.ops.segment_sum(msg, d, num_segments=n)


def _bn_eval(x, g, be, m, v):
    return (x - m) * jax.lax.rsqrt(v + EPS) * g + be


def reference(x, edge_index, batch,
              W1, b1, gamma1, beta1, mean1, var1,
              W2, b2, gamma2, beta2, mean2, var2,
              W3, b3, gamma3, beta3, mean3, var3):
    src, dst = edge_index[0], edge_index[1]
    h = x
    layers = [
        (W1, b1, gamma1, beta1, mean1, var1),
        (W2, b2, gamma2, beta2, mean2, var2),
        (W3, b3, gamma3, beta3, mean3, var3),
    ]
    for (W, b, g, be, m, v) in layers:
        h = _gcn_conv(h, W, b, src, dst)
        h = _bn_eval(h, g, be, m, v)
        h = jax.nn.relu(h)
        # dropout is identity in eval mode
    sums = jax.ops.segment_sum(h, batch, num_segments=G)
    cnt = jax.ops.segment_sum(jnp.ones((h.shape[0], 1), h.dtype), batch, num_segments=G)
    return sums / jnp.clip(cnt, 1.0)

if __name__ == "__main__":
    import jax
    _d = setup_inputs()
    print(jax.jit(kernel)(*tuple(_d.values())))

</pallas_src>

<mosaic_0001>
#map = affine_map<(d0, d1) -> (0, 0, 0)>
#map1 = affine_map<(d0, d1) -> (0, 0)>
module attributes {stable_mosaic.version = 14 : i64} {
  func.func @_spmm_body(%arg0: i32, %arg1: i32, %arg2: memref<32x160x64xi32, #tpu.memory_space<hbm>>, %arg3: memref<32x160x64xi32, #tpu.memory_space<hbm>>, %arg4: memref<10240x128xf32, #tpu.memory_space<hbm>>, %arg5: memref<2x10240x128xf32, #tpu.memory_space<hbm>>, %arg6: memref<4x4x64xi32, #tpu.memory_space<vmem>>, %arg7: memref<4x4x64xi32, #tpu.memory_space<vmem>>, %arg8: memref<4x64x128xf32, #tpu.memory_space<vmem>>, %arg9: memref<10240x128xf32, #tpu.memory_space<vmem_shared>>, %arg10: memref<4x!tpu.dma_semaphore, #tpu.memory_space<semaphore_mem>>, %arg11: memref<4x!tpu.dma_semaphore, #tpu.memory_space<semaphore_mem>>) attributes {dimension_semantics = [#tpu.dimension_semantics<core_parallel>, #tpu.dimension_semantics<subcore_parallel>], iteration_bounds = array<i64: 2, 16>, scalar_prefetch = 0 : i64, scratch_operands = 6 : i64, tpu.core_type = #tpu.core_type<sc_vector_subcore>, window_params = [{transform_indices = #map}, {transform_indices = #map}, {transform_indices = #map1}, {transform_indices = #map}]} {
    %mul3A = arith.constant 16 : i32
    %mul3A_0 = arith.muli %arg0, %mul3A : i32
    %add3A = arith.addi %mul3A_0, %arg1 : i32
    %scan3A = arith.constant 0 : i32
    %scan3A_1 = arith.constant 0 : i32
    %scan3A_2 = arith.constant 64 : i32
    %scan3A_3 = arith.addi %scan3A_1, %scan3A_2 : i32
    %scan3A_4 = arith.constant 1 : i32
    scf.for %scan3A_236 = %scan3A_1 to %scan3A_3 step %scan3A_4  : i32 {
      %broadcast_in_dim3A = arith.constant 0.000000e+00 : f32
      %broadcast_in_dim3A_237 = vector.broadcast %broadcast_in_dim3A : f32 to vector<16xf32>
      %swap3A = arith.constant 0 : i32
      %swap3A_238 = arith.index_cast %swap3A : i32 to index
      %swap3A_239 = arith.index_cast %scan3A_236 : i32 to index
      %swap3A_240 = arith.constant 0 : index
      %swap3A_241 = tpu.vector_load %arg8[%swap3A_238, %swap3A_239, %swap3A_240] {strides = array<i32>} : memref<4x64x128xf32, #tpu.memory_space<vmem>>, vector<1x1x16xf32>,
      %swap3A_242 = vector.shape_cast %swap3A_241 : vector<1x1x16xf32> to vector<16xf32>
      %swap3A_243 = vector.shape_cast %broadcast_in_dim3A_237 : vector<16xf32> to vector<1x1x16xf32>
      tpu.vector_store %arg8[%swap3A_238, %swap3A_239, %swap3A_240], %swap3A_243 {strides = array<i32>} : memref<4x64x128xf32, #tpu.memory_space<vmem>>, vector<1x1x16xf32>,
      %broadcast_in_dim3A_244 = arith.constant 0.000000e+00 : f32
      %broadcast_in_dim3A_245 = vector.broadcast %broadcast_in_dim3A_244 : f32 to vector<16xf32>
      %swap3A_246 = arith.constant 0 : i32
      %swap3A_247 = arith.index_cast %swap3A_246 : i32 to index
      %swap3A_248 = arith.index_cast %scan3A_236 : i32 to index
      %swap3A_249 = arith.constant 16 : index
      %swap3A_250 = tpu.vector_load %arg8[%swap3A_247, %swap3A_248, %swap3A_249] {strides = array<i32>} : memref<4x64x128xf32, #tpu.memory_space<vmem>>, vector<1x1x16xf32>,
      %swap3A_251 = vector.shape_cast %swap3A_250 : vector<1x1x16xf32> to vector<16xf32>
      %swap3A_252 = vector.shape_cast %broadcast_in_dim3A_245 : vector<16xf32> to vector<1x1x16xf32>
      tpu.vector_store %arg8[%swap3A_247, %swap3A_248, %swap3A_249], %swap3A_252 {strides = array<i32>} : memref<4x64x128xf32, #tpu.memory_space<vmem>>, vector<1x1x16xf32>,
      %broadcast_in_dim3A_253 = arith.constant 0.000000e+00 : f32
      %broadcast_in_dim3A_254 = vector.broadcast %broadcast_in_dim3A_253 : f32 to vector<16xf32>
      %swap3A_255 = arith.constant 0 : i32
      %swap3A_256 = arith.index_cast %swap3A_255 : i32 to index
      %swap3A_257 = arith.index_cast %scan3A_236 : i32 to index
      %swap3A_258 = arith.constant 32 : index
      %swap3A_259 = tpu.vector_load %arg8[%swap3A_256, %swap3A_257, %swap3A_258] {strides = array<i32>} : memref<4x64x128xf32, #tpu.memory_space<vmem>>, vector<1x1x16xf32>,
      %swap3A_260 = vector.shape_cast %swap3A_259 : vector<1x1x16xf32> to vector<16xf32>
      %swap3A_261 = vector.shape_cast %broadcast_in_dim3A_254 : vector<16xf32> to vector<1x1x16xf32>
      tpu.vector_store %arg8[%swap3A_256, %swap3A_257, %swap3A_258], %swap3A_261 {strides = array<i32>} : memref<4x64x128xf32, #tpu.memory_space<vmem>>, vector<1x1x16xf32>,
      %broadcast_in_dim3A_262 = arith.constant 0.000000e+00 : f32
      %broadcast_in_dim3A_263 = vector.broadcast %broadcast_in_dim3A_262 : f32 to vector<16xf32>
      %swap3A_264 = arith.constant 0 : i32
      %swap3A_265 = arith.index_cast %swap3A_264 : i32 to index
      %swap3A_266 = arith.index_cast %scan3A_236 : i32 to index
      %swap3A_267 = arith.constant 48 : index
      %swap3A_268 = tpu.vector_load %arg8[%swap3A_265, %swap3A_266, %swap3A_267] {strides = array<i32>} : memref<4x64x128xf32, #tpu.memory_space<vmem>>, vector<1x1x16xf32>,
      %swap3A_269 = vector.shape_cast %swap3A_268 : vector<1x1x16xf32> to vector<16xf32>
      %swap3A_270 = vector.shape_cast %broadcast_in_dim3A_263 : vector<16xf32> to vector<1x1x16xf32>
      tpu.vector_store %arg8[%swap3A_265, %swap3A_266, %swap3A_267], %swap3A_270 {strides = array<i32>} : memref<4x64x128xf32, #tpu.memory_space<vmem>>, vector<1x1x16xf32>,
      %broadcast_in_dim3A_271 = arith.constant 0.000000e+00 : f32
      %broadcast_in_dim3A_272 = vector.broadcast %broadcast_in_dim3A_271 : f32 to vector<16xf32>
      %swap3A_273 = arith.constant 0 : i32
      %swap3A_274 = arith.index_cast %swap3A_273 : i32 to index
      %swap3A_275 = arith.index_cast %scan3A_236 : i32 to index
      %swap3A_276 = arith.constant 64 : index
      %swap3A_277 = tpu.vector_load %arg8[%swap3A_274, %swap3A_275, %swap3A_276] {strides = array<i32>} : memref<4x64x128xf32, #tpu.memory_space<vmem>>, vector<1x1x16xf32>,
      %swap3A_278 = vector.shape_cast %swap3A_277 : vector<1x1x16xf32> to vector<16xf32>
      %swap3A_279 = vector.shape_cast %broadcast_in_dim3A_272 : vector<16xf32> to vector<1x1x16xf32>
      tpu.vector_store %arg8[%swap3A_274, %swap3A_275, %swap3A_276], %swap3A_279 {strides = array<i32>} : memref<4x64x128xf32, #tpu.memory_space<vmem>>, vector<1x1x16xf32>,
      %broadcast_in_dim3A_280 = arith.constant 0.000000e+00 : f32
      %broadcast_in_dim3A_281 = vector.broadcast %broadcast_in_dim3A_280 : f32 to vector<16xf32>
      %swap3A_282 = arith.constant 0 : i32
      %swap3A_283 = arith.index_cast %swap3A_282 : i32 to index
      %swap3A_284 = arith.index_cast %scan3A_236 : i32 to index
      %swap3A_285 = arith.constant 80 : index
      %swap3A_286 = tpu.vector_load %arg8[%swap3A_283, %swap3A_284, %swap3A_285] {strides = array<i32>} : memref<4x64x128xf32, #tpu.memory_space<vmem>>, vector<1x1x16xf32>,
      %swap3A_287 = vector.shape_cast %swap3A_286 : vector<1x1x16xf32> to vector<16xf32>
      %swap3A_288 = vector.shape_cast %broadcast_in_dim3A_281 : vector<16xf32> to vector<1x1x16xf32>
      tpu.vector_store %arg8[%swap3A_283, %swap3A_284, %swap3A_285], %swap3A_288 {strides = array<i32>} : memref<4x64x128xf32, #tpu.memory_space<vmem>>, vector<1x1x16xf32>,
      %broadcast_in_dim3A_289 = arith.constant 0.000000e+00 : f32
      %broadcast_in_dim3A_290 = vector.broadcast %broadcast_in_dim3A_289 : f32 to vector<16xf32>
      %swap3A_291 = arith.constant 0 : i32
      %swap3A_292 = arith.index_cast %swap3A_291 : i32 to index
      %swap3A_293 = arith.index_cast %scan3A_236 : i32 to index
      %swap3A_294 = arith.constant 96 : index
      %swap3A_295 = tpu.vector_load %arg8[%swap3A_292, %swap3A_293, %swap3A_294] {strides = array<i32>} : memref<4x64x128xf32, #tpu.memory_space<vmem>>, vector<1x1x16xf32>,
      %swap3A_296 = vector.shape_cast %swap3A_295 : vector<1x1x16xf32> to vector<16xf32>
      %swap3A_297 = vector.shape_cast %broadcast_in_dim3A_290 : vector<16xf32> to vector<1x1x16xf32>
      tpu.vector_store %arg8[%swap3A_292, %swap3A_293, %swap3A_294], %swap3A_297 {strides = array<i32>} : memref<4x64x128xf32, #tpu.memory_space<vmem>>, vector<1x1x16xf32>,
      %broadcast_in_dim3A_298 = arith.constant 0.000000e+00 : f32
      %broadcast_in_dim3A_299 = vector.broadcast %broadcast_in_dim3A_298 : f32 to vector<16xf32>
      %swap3A_300 = arith.constant 0 : i32
      %swap3A_301 = arith.index_cast %swap3A_300 : i32 to index
      %swap3A_302 = arith.index_cast %scan3A_236 : i32 to index
      %swap3A_303 = arith.constant 112 : index
      %swap3A_304 = tpu.vector_load %arg8[%swap3A_301, %swap3A_302, %swap3A_303] {strides = array<i32>} : memref<4x64x128xf32, #tpu.memory_space<vmem>>, vector<1x1x16xf32>,
      %swap3A_305 = vector.shape_cast %swap3A_304 : vector<1x1x16xf32> to vector<16xf32>
      %swap3A_306 = vector.shape_cast %broadcast_in_dim3A_299 : vector<16xf32> to vector<1x1x16xf32>
      tpu.vector_store %arg8[%swap3A_301, %swap3A_302, %swap3A_303], %swap3A_306 {strides = array<i32>} : memref<4x64x128xf32, #tpu.memory_space<vmem>>, vector<1x1x16xf32>,
    }
    %scan3A_5 = arith.constant 64 : i32
    %mul3A_6 = arith.constant 640 : i32
    %mul3A_7 = arith.muli %arg1, %mul3A_6 : i32
    %add3A_8 = arith.constant 0 : i32
    %add3A_9 = arith.addi %mul3A_7, %add3A_8 : i32
    %run_scoped3A = arith.constant 0 : i32
    "tpu.region"() ({
      %run_scoped3A_236 = tpu.sem_alloc : memref<!tpu.dma_semaphore, #tpu.memory_space<semaphore_mem>>
      %dma_start3A_237 = arith.constant 0 : i32
      %dma_start3A_238 = arith.constant 0 : i32
      %dma_start3A_239 = tpu.memref_slice %arg8[%run_scoped3A, %dma_start3A_237, %dma_start3A_238] : memref<4x64x128xf32, #tpu.memory_space<vmem>> -> memref<1x64x128xf32, #tpu.memory_space<vmem>>
      %dma_start3A_240 = tpu.memref_squeeze %dma_start3A_239 : memref<1x64x128xf32, #tpu.memory_space<vmem>> -> memref<64x128xf32, #tpu.memory_space<vmem>>
      %dma_start3A_241 = arith.constant 0 : i32
      %dma_start3A_242 = tpu.memref_slice %arg9[%add3A_9, %dma_start3A_241] : memref<10240x128xf32, #tpu.memory_space<vmem_shared>> -> memref<64x128xf32, #tpu.memory_space<vmem_shared>>
      %dma_start3A_243 = arith.constant 0 : i32
      %dma_start3A_244 = tpu.memref_slice %arg9[%add3A_9, %dma_start3A_243] : memref<10240x128xf32, #tpu.memory_space<vmem_shared>> -> memref<64x128xf32, #tpu.memory_space<vmem_shared>>
      %dma_start3A_245 = arith.constant 0 : i32
      %dma_start3A_246 = arith.constant 0 : i32
      %dma_start3A_247 = tpu.memref_slice %arg8[%run_scoped3A, %dma_start3A_245, %dma_start3A_246] : memref<4x64x128xf32, #tpu.memory_space<vmem>> -> memref<1x64x128xf32, #tpu.memory_space<vmem>>
      %dma_start3A_248 = tpu.memref_squeeze %dma_start3A_247 : memref<1x64x128xf32, #tpu.memory_space<vmem>> -> memref<64x128xf32, #tpu.memory_space<vmem>>
      tpu.enqueue_dma source(%dma_start3A_248 : memref<64x128xf32, #tpu.memory_space<vmem>>) target(%dma_start3A_244 : memref<64x128xf32, #tpu.memory_space<vmem_shared>>) target_semaphore(%run_scoped3A_236 : memref<!tpu.dma_semaphore, #tpu.memory_space<semaphore_mem>>)
      %dma_wait3A_249 = arith.constant 0 : i32
      %dma_wait3A_250 = arith.constant 0 : i32
      %dma_wait3A_251 = tpu.memref_slice %arg8[%run_scoped3A, %dma_wait3A_249, %dma_wait3A_250] : memref<4x64x128xf32, #tpu.memory_space<vmem>> -> memref<1x64x128xf32, #tpu.memory_space<vmem>>
      %dma_wait3A_252 = tpu.memref_squeeze %dma_wait3A_251 : memref<1x64x128xf32, #tpu.memory_space<vmem>> -> memref<64x128xf32, #tpu.memory_space<vmem>>
      %dma_wait3A_253 = arith.constant 0 : i32
      %dma_wait3A_254 = tpu.memref_slice %arg9[%add3A_9, %dma_wait3A_253] : memref<10240x128xf32, #tpu.memory_space<vmem_shared>> -> memref<64x128xf32, #tpu.memory_space<vmem_shared>>
      %dma_wait3A_255 = arith.constant 0 : i32
      %dma_wait3A_256 = tpu.memref_slice %arg9[%add3A_9, %dma_wait3A_255] : memref<10240x128xf32, #tpu.memory_space<vmem_shared>> -> memref<64x128xf32, #tpu.memory_space<vmem_shared>>
      %dma_wait3A_257 = arith.constant 0 : i32
      %dma_wait3A_258 = arith.constant 0 : i32
      %dma_wait3A_259 = tpu.memref_slice %arg8[%run_scoped3A, %dma_wait3A_257, %dma_wait3A_258] : memref<4x64x128xf32, #tpu.memory_space<vmem>> -> memref<1x64x128xf32, #tpu.memory_space<vmem>>
      %dma_wait3A_260 = tpu.memref_squeeze %dma_wait3A_259 : memref<1x64x128xf32, #tpu.memory_space<vmem>> -> memref<64x128xf32, #tpu.memory_space<vmem>>
      tpu.wait_dma2 semaphore(%run_scoped3A_236 : memref<!tpu.dma_semaphore, #tpu.memory_space<semaphore_mem>>) src(%dma_wait3A_260 : memref<64x128xf32, #tpu.memory_space<vmem>>) dst(%dma_wait3A_256 : memref<64x128xf32, #tpu.memory_space<vmem_shared>>)
      tpu.yield
    }) : () -> ()
    %add3A_10 = arith.constant 64 : i32
    %add3A_11 = arith.addi %mul3A_7, %add3A_10 : i32
    %run_scoped3A_12 = arith.constant 0 : i32
    "tpu.region"() ({
      %run_scoped3A_236 = tpu.sem_alloc : memref<!tpu.dma_semaphore, #tpu.memory_space<semaphore_mem>>
      %dma_start3A_237 = arith.constant 0 : i32
      %dma_start3A_238 = arith.constant 0 : i32
      %dma_start3A_239 = tpu.memref_slice %arg8[%run_scoped3A_12, %dma_start3A_237, %dma_start3A_238] : memref<4x64x128xf32, #tpu.memory_space<vmem>> -> memref<1x64x128xf32, #tpu.memory_space<vmem>>
      %dma_start3A_240 = tpu.memref_squeeze %dma_start3A_239 : memref<1x64x128xf32, #tpu.memory_space<vmem>> -> memref<64x128xf32, #tpu.memory_space<vmem>>
      %dma_start3A_241 = arith.constant 0 : i32
      %dma_start3A_242 = tpu.memref_slice %arg9[%add3A_11, %dma_start3A_241] : memref<10240x128xf32, #tpu.memory_space<vmem_shared>> -> memref<64x128xf32, #tpu.memory_space<vmem_shared>>
      %dma_start3A_243 = arith.constant 0 : i32
      %dma_start3A_244 = tpu.memref_slice %arg9[%add3A_11, %dma_start3A_243] : memref<10240x128xf32, #tpu.memory_space<vmem_shared>> -> memref<64x128xf32, #tpu.memory_space<vmem_shared>>
      %dma_start3A_245 = arith.constant 0 : i32
      %dma_start3A_246 = arith.constant 0 : i32
      %dma_start3A_247 = tpu.memref_slice %arg8[%run_scoped3A_12, %dma_start3A_245, %dma_start3A_246] : memref<4x64x128xf32, #tpu.memory_space<vmem>> -> memref<1x64x128xf32, #tpu.memory_space<vmem>>
      %dma_start3A_248 = tpu.memref_squeeze %dma_start3A_247 : memref<1x64x128xf32, #tpu.memory_space<vmem>> -> memref<64x128xf32, #tpu.memory_space<vmem>>
      tpu.enqueue_dma source(%dma_start3A_248 : memref<64x128xf32, #tpu.memory_space<vmem>>) target(%dma_start3A_244 : memref<64x128xf32, #tpu.memory_space<vmem_shared>>) target_semaphore(%run_scoped3A_236 : memref<!tpu.dma_semaphore, #tpu.memory_space<semaphore_mem>>)
      %dma_wait3A_249 = arith.constant 0 : i32
      %dma_wait3A_250 = arith.constant 0 : i32
      %dma_wait3A_251 = tpu.memref_slice %arg8[%run_scoped3A_12, %dma_wait3A_249, %dma_wait3A_250] : memref<4x64x128xf32, #tpu.memory_space<vmem>> -> memref<1x64x128xf32, #tpu.memory_space<vmem>>
      %dma_wait3A_252 = tpu.memref_squeeze %dma_wait3A_251 : memref<1x64x128xf32, #tpu.memory_space<vmem>> -> memref<64x128xf32, #tpu.memory_space<vmem>>
      %dma_wait3A_253 = arith.constant 0 : i32
      %dma_wait3A_254 = tpu.memref_slice %arg9[%add3A_11, %dma_wait3A_253] : memref<10240x128xf32, #tpu.memory_space<vmem_shared>> -> memref<64x128xf32, #tpu.memory_space<vmem_shared>>
      %dma_wait3A_255 = arith.constant 0 : i32
      %dma_wait3A_256 = tpu.memref_slice %arg9[%add3A_11, %dma_wait3A_255] : memref<10240x128xf32, #tpu.memory_space<vmem_shared>> -> memref<64x128xf32, #tpu.memory_space<vmem_shared>>
      %dma_wait3A_257 = arith.constant 0 : i32
      %dma_wait3A_258 = arith.constant 0 : i32
      %dma_wait3A_259 = tpu.memref_slice %arg8[%run_scoped3A_12, %dma_wait3A_257, %dma_wait3A_258] : memref<4x64x128xf32, #tpu.memory_space<vmem>> -> memref<1x64x128xf32, #tpu.memory_space<vmem>>
      %dma_wait3A_260 = tpu.memref_squeeze %dma_wait3A_259 : memref<1x64x128xf32, #tpu.memory_space<vmem>> -> memref<64x128xf32, #tpu.memory_space<vmem>>
      tpu.wait_dma2 semaphore(%run_scoped3A_236 : memref<!tpu.dma_semaphore, #tpu.memory_space<semaphore_mem>>) src(%dma_wait3A_260 : memref<64x128xf32, #tpu.memory_space<vmem>>) dst(%dma_wait3A_256 : memref<64x128xf32, #tpu.memory_space<vmem_shared>>)
      tpu.yield
    }) : () -> ()
    %add3A_13 = arith.constant 128 : i32
    %add3A_14 = arith.addi %mul3A_7, %add3A_13 : i32
    %run_scoped3A_15 = arith.constant 0 : i32
    "tpu.region"() ({
      %run_scoped3A_236 = tpu.sem_alloc : memref<!tpu.dma_semaphore, #tpu.memory_space<semaphore_mem>>
      %dma_start3A_237 = arith.constant 0 : i32
      %dma_start3A_238 = arith.constant 0 : i32
      %dma_start3A_239 = tpu.memref_slice %arg8[%run_scoped3A_15, %dma_start3A_237, %dma_start3A_238] : memref<4x64x128xf32, #tpu.memory_space<vmem>> -> memref<1x64x128xf32, #tpu.memory_space<vmem>>
      %dma_start3A_240 = tpu.memref_squeeze %dma_start3A_239 : memref<1x64x128xf32, #tpu.memory_space<vmem>> -> memref<64x128xf32, #tpu.memory_space<vmem>>
      %dma_start3A_241 = arith.constant 0 : i32
      %dma_start3A_242 = tpu.memref_slice %arg9[%add3A_14, %dma_start3A_241] : memref<10240x128xf32, #tpu.memory_space<vmem_shared>> -> memref<64x128xf32, #tpu.memory_space<vmem_shared>>
      %dma_start3A_243 = arith.constant 0 : i32
      %dma_start3A_244 = tpu.memref_slice %arg9[%add3A_14, %dma_start3A_243] : memref<10240x128xf32, #tpu.memory_space<vmem_shared>> -> memref<64x128xf32, #tpu.memory_space<vmem_shared>>
      %dma_start3A_245 = arith.constant 0 : i32
      %dma_start3A_246 = arith.constant 0 : i32
      %dma_start3A_247 = tpu.memref_slice %arg8[%run_scoped3A_15, %dma_start3A_245, %dma_start3A_246] : memref<4x64x128xf32, #tpu.memory_space<vmem>> -> memref<1x64x128xf32, #tpu.memory_space<vmem>>
      %dma_start3A_248 = tpu.memref_squeeze %dma_start3A_247 : memref<1x64x128xf32, #tpu.memory_space<vmem>> -> memref<64x128xf32, #tpu.memory_space<vmem>>
      tpu.enqueue_dma source(%dma_start3A_248 : memref<64x128xf32, #tpu.memory_space<vmem>>) target(%dma_start3A_244 : memref<64x128xf32, #tpu.memory_space<vmem_shared>>) target_semaphore(%run_scoped3A_236 : memref<!tpu.dma_semaphore, #tpu.memory_space<semaphore_mem>>)
      %dma_wait3A_249 = arith.constant 0 : i32
      %dma_wait3A_250 = arith.constant 0 : i32
      %dma_wait3A_251 = tpu.memref_slice %arg8[%run_scoped3A_15, %dma_wait3A_249, %dma_wait3A_250] : memref<4x64x128xf32, #tpu.memory_space<vmem>> -> memref<1x64x128xf32, #tpu.memory_space<vmem>>
      %dma_wait3A_252 = tpu.memref_squeeze %dma_wait3A_251 : memref<1x64x128xf32, #tpu.memory_space<vmem>> -> memref<64x128xf32, #tpu.memory_space<vmem>>
      %dma_wait3A_253 = arith.constant 0 : i32
      %dma_wait3A_254 = tpu.memref_slice %arg9[%add3A_14, %dma_wait3A_253] : memref<10240x128xf32, #tpu.memory_space<vmem_shared>> -> memref<64x128xf32, #tpu.memory_space<vmem_shared>>
      %dma_wait3A_255 = arith.constant 0 : i32
      %dma_wait3A_256 = tpu.memref_slice %arg9[%add3A_14, %dma_wait3A_255] : memref<10240x128xf32, #tpu.memory_space<vmem_shared>> -> memref<64x128xf32, #tpu.memory_space<vmem_shared>>
      %dma_wait3A_257 = arith.constant 0 : i32
      %dma_wait3A_258 = arith.constant 0 : i32
      %dma_wait3A_259 = tpu.memref_slice %arg8[%run_scoped3A_15, %dma_wait3A_257, %dma_wait3A_258] : memref<4x64x128xf32, #tpu.memory_space<vmem>> -> memref<1x64x128xf32, #tpu.memory_space<vmem>>
      %dma_wait3A_260 = tpu.memref_squeeze %dma_wait3A_259 : memref<1x64x128xf32, #tpu.memory_space<vmem>> -> memref<64x128xf32, #tpu.memory_space<vmem>>
      tpu.wait_dma2 semaphore(%run_scoped3A_236 : memref<!tpu.dma_semaphore, #tpu.memory_space<semaphore_mem>>) src(%dma_wait3A_260 : memref<64x128xf32, #tpu.memory_space<vmem>>) dst(%dma_wait3A_256 : memref<64x128xf32, #tpu.memory_space<vmem_shared>>)
      tpu.yield
    }) : () -> ()
    %add3A_16 = arith.constant 192 : i32
    %add3A_17 = arith.addi %mul3A_7, %add3A_16 : i32
    %run_scoped3A_18 = arith.constant 0 : i32
    "tpu.region"() ({
      %run_scoped3A_236 = tpu.sem_alloc : memref<!tpu.dma_semaphore, #tpu.memory_space<semaphore_mem>>
      %dma_start3A_237 = arith.constant 0 : i32
      %dma_start3A_238 = arith.constant 0 : i32
      %dma_start3A_239 = tpu.memref_slice %arg8[%run_scoped3A_18, %dma_start3A_237, %dma_start3A_238] : memref<4x64x128xf32, #tpu.memory_space<vmem>> -> memref<1x64x128xf32, #tpu.memory_space<vmem>>
      %dma_start3A_240 = tpu.memref_squeeze %dma_start3A_239 : memref<1x64x128xf32, #tpu.memory_space<vmem>> -> memref<64x128xf32, #tpu.memory_space<vmem>>
      %dma_start3A_241 = arith.constant 0 : i32
      %dma_start3A_242 = tpu.memref_slice %arg9[%add3A_17, %dma_start3A_241] : memref<10240x128xf32, #tpu.memory_space<vmem_shared>> -> memref<64x128xf32, #tpu.memory_space<vmem_shared>>
      %dma_start3A_243 = arith.constant 0 : i32
      %dma_start3A_244 = tpu.memref_slice %arg9[%add3A_17, %dma_start3A_243] : memref<10240x128xf32, #tpu.memory_space<vmem_shared>> -> memref<64x128xf32, #tpu.memory_space<vmem_shared>>
      %dma_start3A_245 = arith.constant 0 : i32
      %dma_start3A_246 = arith.constant 0 : i32
      %dma_start3A_247 = tpu.memref_slice %arg8[%run_scoped3A_18, %dma_start3A_245, %dma_start3A_246] : memref<4x64x128xf32, #tpu.memory_space<vmem>> -> memref<1x64x128xf32, #tpu.memory_space<vmem>>
      %dma_start3A_248 = tpu.memref_squeeze %dma_start3A_247 : memref<1x64x128xf32, #tpu.memory_space<vmem>> -> memref<64x128xf32, #tpu.memory_space<vmem>>
      tpu.enqueue_dma source(%dma_start3A_248 : memref<64x128xf32, #tpu.memory_space<vmem>>) target(%dma_start3A_244 : memref<64x128xf32, #tpu.memory_space<vmem_shared>>) target_semaphore(%run_scoped3A_236 : memref<!tpu.dma_semaphore, #tpu.memory_space<semaphore_mem>>)
      %dma_wait3A_249 = arith.constant 0 : i32
      %dma_wait3A_250 = arith.constant 0 : i32
      %dma_wait3A_251 = tpu.memref_slice %arg8[%run_scoped3A_18, %dma_wait3A_249, %dma_wait3A_250] : memref<4x64x128xf32, #tpu.memory_space<vmem>> -> memref<1x64x128xf32, #tpu.memory_space<vmem>>
      %dma_wait3A_252 = tpu.memref_squeeze %dma_wait3A_251 : memref<1x64x128xf32, #tpu.memory_space<vmem>> -> memref<64x128xf32, #tpu.memory_space<vmem>>
      %dma_wait3A_253 = arith.constant 0 : i32
      %dma_wait3A_254 = tpu.memref_slice %arg9[%add3A_17, %dma_wait3A_253] : memref<10240x128xf32, #tpu.memory_space<vmem_shared>> -> memref<64x128xf32, #tpu.memory_space<vmem_shared>>
      %dma_wait3A_255 = arith.constant 0 : i32
      %dma_wait3A_256 = tpu.memref_slice %arg9[%add3A_17, %dma_wait3A_255] : memref<10240x128xf32, #tpu.memory_space<vmem_shared>> -> memref<64x128xf32, #tpu.memory_space<vmem_shared>>
      %dma_wait3A_257 = arith.constant 0 : i32
      %dma_wait3A_258 = arith.constant 0 : i32
      %dma_wait3A_259 = tpu.memref_slice %arg8[%run_scoped3A_18, %dma_wait3A_257, %dma_wait3A_258] : memref<4x64x128xf32, #tpu.memory_space<vmem>> -> memref<1x64x128xf32, #tpu.memory_space<vmem>>
      %dma_wait3A_260 = tpu.memref_squeeze %dma_wait3A_259 : memref<1x64x128xf32, #tpu.memory_space<vmem>> -> memref<64x128xf32, #tpu.memory_space<vmem>>
      tpu.wait_dma2 semaphore(%run_scoped3A_236 : memref<!tpu.dma_semaphore, #tpu.memory_space<semaphore_mem>>) src(%dma_wait3A_260 : memref<64x128xf32, #tpu.memory_space<vmem>>) dst(%dma_wait3A_256 : memref<64x128xf32, #tpu.memory_space<vmem_shared>>)
      tpu.yield
    }) : () -> ()
    %add3A_19 = arith.constant 256 : i32
    %add3A_20 = arith.addi %mul3A_7, %add3A_19 : i32
    %run_scoped3A_21 = arith.constant 0 : i32
    "tpu.region"() ({
      %run_scoped3A_236 = tpu.sem_alloc : memref<!tpu.dma_semaphore, #tpu.memory_space<semaphore_mem>>
      %dma_start3A_237 = arith.constant 0 : i32
      %dma_start3A_238 = arith.constant 0 : i32
      %dma_start3A_239 = tpu.memref_slice %arg8[%run_scoped3A_21, %dma_start3A_237, %dma_start3A_238] : memref<4x64x128xf32, #tpu.memory_space<vmem>> -> memref<1x64x128xf32, #tpu.memory_space<vmem>>
      %dma_start3A_240 = tpu.memref_squeeze %dma_start3A_239 : memref<1x64x128xf32, #tpu.memory_space<vmem>> -> memref<64x128xf32, #tpu.memory_space<vmem>>
      %dma_start3A_241 = arith.constant 0 : i32
      %dma_start3A_242 = tpu.memref_slice %arg9[%add3A_20, %dma_start3A_241] : memref<10240x128xf32, #tpu.memory_space<vmem_shared>> -> memref<64x128xf32, #tpu.memory_space<vmem_shared>>
      %dma_start3A_243 = arith.constant 0 : i32
      %dma_start3A_244 = tpu.memref_slice %arg9[%add3A_20, %dma_start3A_243] : memref<10240x128xf32, #tpu.memory_space<vmem_shared>> -> memref<64x128xf32, #tpu.memory_space<vmem_shared>>
      %dma_start3A_245 = arith.constant 0 : i32
      %dma_start3A_246 = arith.constant 0 : i32
      %dma_start3A_247 = tpu.memref_slice %arg8[%run_scoped3A_21, %dma_start3A_245, %dma_start3A_246] : memref<4x64x128xf32, #tpu.memory_space<vmem>> -> memref<1x64x128xf32, #tpu.memory_space<vmem>>
      %dma_start3A_248 = tpu.memref_squeeze %dma_start3A_247 : memref<1x64x128xf32, #tpu.memory_space<vmem>> -> memref<64x128xf32, #tpu.memory_space<vmem>>
      tpu.enqueue_dma source(%dma_start3A_248 : memref<64x128xf32, #tpu.memory_space<vmem>>) target(%dma_start3A_244 : memref<64x128xf32, #tpu.memory_space<vmem_shared>>) target_semaphore(%run_scoped3A_236 : memref<!tpu.dma_semaphore, #tpu.memory_space<semaphore_mem>>)
      %dma_wait3A_249 = arith.constant 0 : i32
      %dma_wait3A_250 = arith.constant 0 : i32
      %dma_wait3A_251 = tpu.memref_slice %arg8[%run_scoped3A_21, %dma_wait3A_249, %dma_wait3A_250] : memref<4x64x128xf32, #tpu.memory_space<vmem>> -> memref<1x64x128xf32, #tpu.memory_space<vmem>>
      %dma_wait3A_252 = tpu.memref_squeeze %dma_wait3A_251 : memref<1x64x128xf32, #tpu.memory_space<vmem>> -> memref<64x128xf32, #tpu.memory_space<vmem>>
      %dma_wait3A_253 = arith.constant 0 : i32
      %dma_wait3A_254 = tpu.memref_slice %arg9[%add3A_20, %dma_wait3A_253] : memref<10240x128xf32, #tpu.memory_space<vmem_shared>> -> memref<64x128xf32, #tpu.memory_space<vmem_shared>>
      %dma_wait3A_255 = arith.constant 0 : i32
      %dma_wait3A_256 = tpu.memref_slice %arg9[%add3A_20, %dma_wait3A_255] : memref<10240x128xf32, #tpu.memory_space<vmem_shared>> -> memref<64x128xf32, #tpu.memory_space<vmem_shared>>
      %dma_wait3A_257 = arith.constant 0 : i32
      %dma_wait3A_258 = arith.constant 0 : i32
      %dma_wait3A_259 = tpu.memref_slice %arg8[%run_scoped3A_21, %dma_wait3A_257, %dma_wait3A_258] : memref<4x64x128xf32, #tpu.memory_space<vmem>> -> memref<1x64x128xf32, #tpu.memory_space<vmem>>
      %dma_wait3A_260 = tpu.memref_squeeze %dma_wait3A_259 : memref<1x64x128xf32, #tpu.memory_space<vmem>> -> memref<64x128xf32, #tpu.memory_space<vmem>>
      tpu.wait_dma2 semaphore(%run_scoped3A_236 : memref<!tpu.dma_semaphore, #tpu.memory_space<semaphore_mem>>) src(%dma_wait3A_260 : memref<64x128xf32, #tpu.memory_space<vmem>>) dst(%dma_wait3A_256 : memref<64x128xf32, #tpu.memory_space<vmem_shared>>)
      tpu.yield
    }) : () -> ()
    %add3A_22 = arith.constant 320 : i32
    %add3A_23 = arith.addi %mul3A_7, %add3A_22 : i32
    %run_scoped3A_24 = arith.constant 0 : i32
    "tpu.region"() ({
      %run_scoped3A_236 = tpu.sem_alloc : memref<!tpu.dma_semaphore, #tpu.memory_space<semaphore_mem>>
      %dma_start3A_237 = arith.constant 0 : i32
      %dma_start3A_238 = arith.constant 0 : i32
      %dma_start3A_239 = tpu.memref_slice %arg8[%run_scoped3A_24, %dma_start3A_237, %dma_start3A_238] : memref<4x64x128xf32, #tpu.memory_space<vmem>> -> memref<1x64x128xf32, #tpu.memory_space<vmem>>
      %dma_start3A_240 = tpu.memref_squeeze %dma_start3A_239 : memref<1x64x128xf32, #tpu.memory_space<vmem>> -> memref<64x128xf32, #tpu.memory_space<vmem>>
      %dma_start3A_241 = arith.constant 0 : i32
      %dma_start3A_242 = tpu.memref_slice %arg9[%add3A_23, %dma_start3A_241] : memref<10240x128xf32, #tpu.memory_space<vmem_shared>> -> memref<64x128xf32, #tpu.memory_space<vmem_shared>>
      %dma_start3A_243 = arith.constant 0 : i32
      %dma_start3A_244 = tpu.memref_slice %arg9[%add3A_23, %dma_start3A_243] : memref<10240x128xf32, #tpu.memory_space<vmem_shared>> -> memref<64x128xf32, #tpu.memory_space<vmem_shared>>
      %dma_start3A_245 = arith.constant 0 : i32
      %dma_start3A_246 = arith.constant 0 : i32
      %dma_start3A_247 = tpu.memref_slice %arg8[%run_scoped3A_24, %dma_start3A_245, %dma_start3A_246] : memref<4x64x128xf32, #tpu.memory_space<vmem>> -> memref<1x64x128xf32, #tpu.memory_space<vmem>>
      %dma_start3A_248 = tpu.memref_squeeze %dma_start3A_247 : memref<1x64x128xf32, #tpu.memory_space<vmem>> -> memref<64x128xf32, #tpu.memory_space<vmem>>
      tpu.enqueue_dma source(%dma_start3A_248 : memref<64x128xf32, #tpu.memory_space<vmem>>) target(%dma_start3A_244 : memref<64x128xf32, #tpu.memory_space<vmem_shared>>) target_semaphore(%run_scoped3A_236 : memref<!tpu.dma_semaphore, #tpu.memory_space<semaphore_mem>>)
      %dma_wait3A_249 = arith.constant 0 : i32
      %dma_wait3A_250 = arith.constant 0 : i32
      %dma_wait3A_251 = tpu.memref_slice %arg8[%run_scoped3A_24, %dma_wait3A_249, %dma_wait3A_250] : memref<4x64x128xf32, #tpu.memory_space<vmem>> -> memref<1x64x128xf32, #tpu.memory_space<vmem>>
      %dma_wait3A_252 = tpu.memref_squeeze %dma_wait3A_251 : memref<1x64x128xf32, #tpu.memory_space<vmem>> -> memref<64x128xf32, #tpu.memory_space<vmem>>
      %dma_wait3A_253 = arith.constant 0 : i32
      %dma_wait3A_254 = tpu.memref_slice %arg9[%add3A_23, %dma_wait3A_253] : memref<10240x128xf32, #tpu.memory_space<vmem_shared>> -> memref<64x128xf32, #tpu.memory_space<vmem_shared>>
      %dma_wait3A_255 = arith.constant 0 : i32
      %dma_wait3A_256 = tpu.memref_slice %arg9[%add3A_23, %dma_wait3A_255] : memref<10240x128xf32, #tpu.memory_space<vmem_shared>> -> memref<64x128xf32, #tpu.memory_space<vmem_shared>>
      %dma_wait3A_257 = arith.constant 0 : i32
      %dma_wait3A_258 = arith.constant 0 : i32
      %dma_wait3A_259 = tpu.memref_slice %arg8[%run_scoped3A_24, %dma_wait3A_257, %dma_wait3A_258] : memref<4x64x128xf32, #tpu.memory_space<vmem>> -> memref<1x64x128xf32, #tpu.memory_space<vmem>>
      %dma_wait3A_260 = tpu.memref_squeeze %dma_wait3A_259 : memref<1x64x128xf32, #tpu.memory_space<vmem>> -> memref<64x128xf32, #tpu.memory_space<vmem>>
      tpu.wait_dma2 semaphore(%run_scoped3A_236 : memref<!tpu.dma_semaphore, #tpu.memory_space<semaphore_mem>>) src(%dma_wait3A_260 : memref<64x128xf32, #tpu.memory_space<vmem>>) dst(%dma_wait3A_256 : memref<64x128xf32, #tpu.memory_space<vmem_shared>>)
      tpu.yield
    }) : () -> ()
    %add3A_25 = arith.constant 384 : i32
    %add3A_26 = arith.addi %mul3A_7, %add3A_25 : i32
    %run_scoped3A_27 = arith.constant 0 : i32
    "tpu.region"() ({
      %run_scoped3A_236 = tpu.sem_alloc : memref<!tpu.dma_semaphore, #tpu.memory_space<semaphore_mem>>
      %dma_start3A_237 = arith.constant 0 : i32
      %dma_start3A_238 = arith.constant 0 : i32
      %dma_start3A_239 = tpu.memref_slice %arg8[%run_scoped3A_27, %dma_start3A_237, %dma_start3A_238] : memref<4x64x128xf32, #tpu.memory_space<vmem>> -> memref<1x64x128xf32, #tpu.memory_space<vmem>>
      %dma_start3A_240 = tpu.memref_squeeze %dma_start3A_239 : memref<1x64x128xf32, #tpu.memory_space<vmem>> -> memref<64x128xf32, #tpu.memory_space<vmem>>
      %dma_start3A_241 = arith.constant 0 : i32
      %dma_start3A_242 = tpu.memref_slice %arg9[%add3A_26, %dma_start3A_241] : memref<10240x128xf32, #tpu.memory_space<vmem_shared>> -> memref<64x128xf32, #tpu.memory_space<vmem_shared>>
      %dma_start3A_243 = arith.constant 0 : i32
      %dma_start3A_244 = tpu.memref_slice %arg9[%add3A_26, %dma_start3A_243] : memref<10240x128xf32, #tpu.memory_space<vmem_shared>> -> memref<64x128xf32, #tpu.memory_space<vmem_shared>>
      %dma_start3A_245 = arith.constant 0 : i32
      %dma_start3A_246 = arith.constant 0 : i32
      %dma_start3A_247 = tpu.memref_slice %arg8[%run_scoped3A_27, %dma_start3A_245, %dma_start3A_246] : memref<4x64x128xf32, #tpu.memory_space<vmem>> -> memref<1x64x128xf32, #tpu.memory_space<vmem>>
      %dma_start3A_248 = tpu.memref_squeeze %dma_start3A_247 : memref<1x64x128xf32, #tpu.memory_space<vmem>> -> memref<64x128xf32, #tpu.memory_space<vmem>>
      tpu.enqueue_dma source(%dma_start3A_248 : memref<64x128xf32, #tpu.memory_space<vmem>>) target(%dma_start3A_244 : memref<64x128xf32, #tpu.memory_space<vmem_shared>>) target_semaphore(%run_scoped3A_236 : memref<!tpu.dma_semaphore, #tpu.memory_space<semaphore_mem>>)
      %dma_wait3A_249 = arith.constant 0 : i32
      %dma_wait3A_250 = arith.constant 0 : i32
      %dma_wait3A_251 = tpu.memref_slice %arg8[%run_scoped3A_27, %dma_wait3A_249, %dma_wait3A_250] : memref<4x64x128xf32, #tpu.memory_space<vmem>> -> memref<1x64x128xf32, #tpu.memory_space<vmem>>
      %dma_wait3A_252 = tpu.memref_squeeze %dma_wait3A_251 : memref<1x64x128xf32, #tpu.memory_space<vmem>> -> memref<64x128xf32, #tpu.memory_space<vmem>>
      %dma_wait3A_253 = arith.constant 0 : i32
      %dma_wait3A_254 = tpu.memref_slice %arg9[%add3A_26, %dma_wait3A_253] : memref<10240x128xf32, #tpu.memory_space<vmem_shared>> -> memref<64x128xf32, #tpu.memory_space<vmem_shared>>
      %dma_wait3A_255 = arith.constant 0 : i32
      %dma_wait3A_256 = tpu.memref_slice %arg9[%add3A_26, %dma_wait3A_255] : memref<10240x128xf32, #tpu.memory_space<vmem_shared>> -> memref<64x128xf32, #tpu.memory_space<vmem_shared>>
      %dma_wait3A_257 = arith.constant 0 : i32
      %dma_wait3A_258 = arith.constant 0 : i32
      %dma_wait3A_259 = tpu.memref_slice %arg8[%run_scoped3A_27, %dma_wait3A_257, %dma_wait3A_258] : memref<4x64x128xf32, #tpu.memory_space<vmem>> -> memref<1x64x128xf32, #tpu.memory_space<vmem>>
      %dma_wait3A_260 = tpu.memref_squeeze %dma_wait3A_259 : memref<1x64x128xf32, #tpu.memory_space<vmem>> -> memref<64x128xf32, #tpu.memory_space<vmem>>
      tpu.wait_dma2 semaphore(%run_scoped3A_236 : memref<!tpu.dma_semaphore, #tpu.memory_space<semaphore_mem>>) src(%dma_wait3A_260 : memref<64x128xf32, #tpu.memory_space<vmem>>) dst(%dma_wait3A_256 : memref<64x128xf32, #tpu.memory_space<vmem_shared>>)
      tpu.yield
    }) : () -> ()
    %add3A_28 = arith.constant 448 : i32
    %add3A_29 = arith.addi %mul3A_7, %add3A_28 : i32
    %run_scoped3A_30 = arith.constant 0 : i32
    "tpu.region"() ({
      %run_scoped3A_236 = tpu.sem_alloc : memref<!tpu.dma_semaphore, #tpu.memory_space<semaphore_mem>>
      %dma_start3A_237 = arith.constant 0 : i32
      %dma_start3A_238 = arith.constant 0 : i32
      %dma_start3A_239 = tpu.memref_slice %arg8[%run_scoped3A_30, %dma_start3A_237, %dma_start3A_238] : memref<4x64x128xf32, #tpu.memory_space<vmem>> -> memref<1x64x128xf32, #tpu.memory_space<vmem>>
      %dma_start3A_240 = tpu.memref_squeeze %dma_start3A_239 : memref<1x64x128xf32, #tpu.memory_space<vmem>> -> memref<64x128xf32, #tpu.memory_space<vmem>>
      %dma_start3A_241 = arith.constant 0 : i32
      %dma_start3A_242 = tpu.memref_slice %arg9[%add3A_29, %dma_start3A_241] : memref<10240x128xf32, #tpu.memory_space<vmem_shared>> -> memref<64x128xf32, #tpu.memory_space<vmem_shared>>
      %dma_start3A_243 = arith.constant 0 : i32
      %dma_start3A_244 = tpu.memref_slice %arg9[%add3A_29, %dma_start3A_243] : memref<10240x128xf32, #tpu.memory_space<vmem_shared>> -> memref<64x128xf32, #tpu.memory_space<vmem_shared>>
      %dma_start3A_245 = arith.constant 0 : i32
      %dma_start3A_246 = arith.constant 0 : i32
      %dma_start3A_247 = tpu.memref_slice %arg8[%run_scoped3A_30, %dma_start3A_245, %dma_start3A_246] : memref<4x64x128xf32, #tpu.memory_space<vmem>> -> memref<1x64x128xf32, #tpu.memory_space<vmem>>
      %dma_start3A_248 = tpu.memref_squeeze %dma_start3A_247 : memref<1x64x128xf32, #tpu.memory_space<vmem>> -> memref<64x128xf32, #tpu.memory_space<vmem>>
      tpu.enqueue_dma source(%dma_start3A_248 : memref<64x128xf32, #tpu.memory_space<vmem>>) target(%dma_start3A_244 : memref<64x128xf32, #tpu.memory_space<vmem_shared>>) target_semaphore(%run_scoped3A_236 : memref<!tpu.dma_semaphore, #tpu.memory_space<semaphore_mem>>)
      %dma_wait3A_249 = arith.constant 0 : i32
      %dma_wait3A_250 = arith.constant 0 : i32
      %dma_wait3A_251 = tpu.memref_slice %arg8[%run_scoped3A_30, %dma_wait3A_249, %dma_wait3A_250] : memref<4x64x128xf32, #tpu.memory_space<vmem>> -> memref<1x64x128xf32, #tpu.memory_space<vmem>>
      %dma_wait3A_252 = tpu.memref_squeeze %dma_wait3A_251 : memref<1x64x128xf32, #tpu.memory_space<vmem>> -> memref<64x128xf32, #tpu.memory_space<vmem>>
      %dma_wait3A_253 = arith.constant 0 : i32
      %dma_wait3A_254 = tpu.memref_slice %arg9[%add3A_29, %dma_wait3A_253] : memref<10240x128xf32, #tpu.memory_space<vmem_shared>> -> memref<64x128xf32, #tpu.memory_space<vmem_shared>>
      %dma_wait3A_255 = arith.constant 0 : i32
      %dma_wait3A_256 = tpu.memref_slice %arg9[%add3A_29, %dma_wait3A_255] : memref<10240x128xf32, #tpu.memory_space<vmem_shared>> -> memref<64x128xf32, #tpu.memory_space<vmem_shared>>
      %dma_wait3A_257 = arith.constant 0 : i32
      %dma_wait3A_258 = arith.constant 0 : i32
      %dma_wait3A_259 = tpu.memref_slice %arg8[%run_scoped3A_30, %dma_wait3A_257, %dma_wait3A_258] : memref<4x64x128xf32, #tpu.memory_space<vmem>> -> memref<1x64x128xf32, #tpu.memory_space<vmem>>
      %dma_wait3A_260 = tpu.memref_squeeze %dma_wait3A_259 : memref<1x64x128xf32, #tpu.memory_space<vmem>> -> memref<64x128xf32, #tpu.memory_space<vmem>>
      tpu.wait_dma2 semaphore(%run_scoped3A_236 : memref<!tpu.dma_semaphore, #tpu.memory_space<semaphore_mem>>) src(%dma_wait3A_260 : memref<64x128xf32, #tpu.memory_space<vmem>>) dst(%dma_wait3A_256 : memref<64x128xf32, #tpu.memory_space<vmem_shared>>)
      tpu.yield
    }) : () -> ()
    %add3A_31 = arith.constant 512 : i32
    %add3A_32 = arith.addi %mul3A_7, %add3A_31 : i32
    %run_scoped3A_33 = arith.constant 0 : i32
    "tpu.region"() ({
      %run_scoped3A_236 = tpu.sem_alloc : memref<!tpu.dma_semaphore, #tpu.memory_space<semaphore_mem>>
      %dma_start3A_237 = arith.constant 0 : i32
      %dma_start3A_238 = arith.constant 0 : i32
      %dma_start3A_239 = tpu.memref_slice %arg8[%run_scoped3A_33, %dma_start3A_237, %dma_start3A_238] : memref<4x64x128xf32, #tpu.memory_space<vmem>> -> memref<1x64x128xf32, #tpu.memory_space<vmem>>
      %dma_start3A_240 = tpu.memref_squeeze %dma_start3A_239 : memref<1x64x128xf32, #tpu.memory_space<vmem>> -> memref<64x128xf32, #tpu.memory_space<vmem>>
      %dma_start3A_241 = arith.constant 0 : i32
      %dma_start3A_242 = tpu.memref_slice %arg9[%add3A_32, %dma_start3A_241] : memref<10240x128xf32, #tpu.memory_space<vmem_shared>> -> memref<64x128xf32, #tpu.memory_space<vmem_shared>>
      %dma_start3A_243 = arith.constant 0 : i32
      %dma_start3A_244 = tpu.memref_slice %arg9[%add3A_32, %dma_start3A_243] : memref<10240x128xf32, #tpu.memory_space<vmem_shared>> -> memref<64x128xf32, #tpu.memory_space<vmem_shared>>
      %dma_start3A_245 = arith.constant 0 : i32
      %dma_start3A_246 = arith.constant 0 : i32
      %dma_start3A_247 = tpu.memref_slice %arg8[%run_scoped3A_33, %dma_start3A_245, %dma_start3A_246] : memref<4x64x128xf32, #tpu.memory_space<vmem>> -> memref<1x64x128xf32, #tpu.memory_space<vmem>>
      %dma_start3A_248 = tpu.memref_squeeze %dma_start3A_247 : memref<1x64x128xf32, #tpu.memory_space<vmem>> -> memref<64x128xf32, #tpu.memory_space<vmem>>
      tpu.enqueue_dma source(%dma_start3A_248 : memref<64x128xf32, #tpu.memory_space<vmem>>) target(%dma_start3A_244 : memref<64x128xf32, #tpu.memory_space<vmem_shared>>) target_semaphore(%run_scoped3A_236 : memref<!tpu.dma_semaphore, #tpu.memory_space<semaphore_mem>>)
      %dma_wait3A_249 = arith.constant 0 : i32
      %dma_wait3A_250 = arith.constant 0 : i32
      %dma_wait3A_251 = tpu.memref_slice %arg8[%run_scoped3A_33, %dma_wait3A_249, %dma_wait3A_250] : memref<4x64x128xf32, #tpu.memory_space<vmem>> -> memref<1x64x128xf32, #tpu.memory_space<vmem>>
      %dma_wait3A_252 = tpu.memref_squeeze %dma_wait3A_251 : memref<1x64x128xf32, #tpu.memory_space<vmem>> -> memref<64x128xf32, #tpu.memory_space<vmem>>
      %dma_wait3A_253 = arith.constant 0 : i32
      %dma_wait3A_254 = tpu.memref_slice %arg9[%add3A_32, %dma_wait3A_253] : memref<10240x128xf32, #tpu.memory_space<vmem_shared>> -> memref<64x128xf32, #tpu.memory_space<vmem_shared>>
      %dma_wait3A_255 = arith.constant 0 : i32
      %dma_wait3A_256 = tpu.memref_slice %arg9[%add3A_32, %dma_wait3A_255] : memref<10240x128xf32, #tpu.memory_space<vmem_shared>> -> memref<64x128xf32, #tpu.memory_space<vmem_shared>>
      %dma_wait3A_257 = arith.constant 0 : i32
      %dma_wait3A_258 = arith.constant 0 : i32
      %dma_wait3A_259 = tpu.memref_slice %arg8[%run_scoped3A_33, %dma_wait3A_257, %dma_wait3A_258] : memref<4x64x128xf32, #tpu.memory_space<vmem>> -> memref<1x64x128xf32, #tpu.memory_space<vmem>>
      %dma_wait3A_260 = tpu.memref_squeeze %dma_wait3A_259 : memref<1x64x128xf32, #tpu.memory_space<vmem>> -> memref<64x128xf32, #tpu.memory_space<vmem>>
      tpu.wait_dma2 semaphore(%run_scoped3A_236 : memref<!tpu.dma_semaphore, #tpu.memory_space<semaphore_mem>>) src(%dma_wait3A_260 : memref<64x128xf32, #tpu.memory_space<vmem>>) dst(%dma_wait3A_256 : memref<64x128xf32, #tpu.memory_space<vmem_shared>>)
      tpu.yield
    }) : () -> ()
    %add3A_34 = arith.constant 576 : i32
    %add3A_35 = arith.addi %mul3A_7, %add3A_34 : i32
    %run_scoped3A_36 = arith.constant 0 : i32
    "tpu.region"() ({
      %run_scoped3A_236 = tpu.sem_alloc : memref<!tpu.dma_semaphore, #tpu.memory_space<semaphore_mem>>
      %dma_start3A_237 = arith.constant 0 : i32
      %dma_start3A_238 = arith.constant 0 : i32
      %dma_start3A_239 = tpu.memref_slice %arg8[%run_scoped3A_36, %dma_start3A_237, %dma_start3A_238] : memref<4x64x128xf32, #tpu.memory_space<vmem>> -> memref<1x64x128xf32, #tpu.memory_space<vmem>>
      %dma_start3A_240 = tpu.memref_squeeze %dma_start3A_239 : memref<1x64x128xf32, #tpu.memory_space<vmem>> -> memref<64x128xf32, #tpu.memory_space<vmem>>
      %dma_start3A_241 = arith.constant 0 : i32
      %dma_start3A_242 = tpu.memref_slice %arg9[%add3A_35, %dma_start3A_241] : memref<10240x128xf32, #tpu.memory_space<vmem_shared>> -> memref<64x128xf32, #tpu.memory_space<vmem_shared>>
      %dma_start3A_243 = arith.constant 0 : i32
      %dma_start3A_244 = tpu.memref_slice %arg9[%add3A_35, %dma_start3A_243] : memref<10240x128xf32, #tpu.memory_space<vmem_shared>> -> memref<64x128xf32, #tpu.memory_space<vmem_shared>>
      %dma_start3A_245 = arith.constant 0 : i32
      %dma_start3A_246 = arith.constant 0 : i32
      %dma_start3A_247 = tpu.memref_slice %arg8[%run_scoped3A_36, %dma_start3A_245, %dma_start3A_246] : memref<4x64x128xf32, #tpu.memory_space<vmem>> -> memref<1x64x128xf32, #tpu.memory_space<vmem>>
      %dma_start3A_248 = tpu.memref_squeeze %dma_start3A_247 : memref<1x64x128xf32, #tpu.memory_space<vmem>> -> memref<64x128xf32, #tpu.memory_space<vmem>>
      tpu.enqueue_dma source(%dma_start3A_248 : memref<64x128xf32, #tpu.memory_space<vmem>>) target(%dma_start3A_244 : memref<64x128xf32, #tpu.memory_space<vmem_shared>>) target_semaphore(%run_scoped3A_236 : memref<!tpu.dma_semaphore, #tpu.memory_space<semaphore_mem>>)
      %dma_wait3A_249 = arith.constant 0 : i32
      %dma_wait3A_250 = arith.constant 0 : i32
      %dma_wait3A_251 = tpu.memref_slice %arg8[%run_scoped3A_36, %dma_wait3A_249, %dma_wait3A_250] : memref<4x64x128xf32, #tpu.memory_space<vmem>> -> memref<1x64x128xf32, #tpu.memory_space<vmem>>
      %dma_wait3A_252 = tpu.memref_squeeze %dma_wait3A_251 : memref<1x64x128xf32, #tpu.memory_space<vmem>> -> memref<64x128xf32, #tpu.memory_space<vmem>>
      %dma_wait3A_253 = arith.constant 0 : i32
      %dma_wait3A_254 = tpu.memref_slice %arg9[%add3A_35, %dma_wait3A_253] : memref<10240x128xf32, #tpu.memory_space<vmem_shared>> -> memref<64x128xf32, #tpu.memory_space<vmem_shared>>
      %dma_wait3A_255 = arith.constant 0 : i32
      %dma_wait3A_256 = tpu.memref_slice %arg9[%add3A_35, %dma_wait3A_255] : memref<10240x128xf32, #tpu.memory_space<vmem_shared>> -> memref<64x128xf32, #tpu.memory_space<vmem_shared>>
      %dma_wait3A_257 = arith.constant 0 : i32
      %dma_wait3A_258 = arith.constant 0 : i32
      %dma_wait3A_259 = tpu.memref_slice %arg8[%run_scoped3A_36, %dma_wait3A_257, %dma_wait3A_258] : memref<4x64x128xf32, #tpu.memory_space<vmem>> -> memref<1x64x128xf32, #tpu.memory_space<vmem>>
      %dma_wait3A_260 = tpu.memref_squeeze %dma_wait3A_259 : memref<1x64x128xf32, #tpu.memory_space<vmem>> -> memref<64x128xf32, #tpu.memory_space<vmem>>
      tpu.wait_dma2 semaphore(%run_scoped3A_236 : memref<!tpu.dma_semaphore, #tpu.memory_space<semaphore_mem>>) src(%dma_wait3A_260 : memref<64x128xf32, #tpu.memory_space<vmem>>) dst(%dma_wait3A_256 : memref<64x128xf32, #tpu.memory_space<vmem_shared>>)
      tpu.yield
    }) : () -> ()
    %dma_start3A = arith.constant 0 : i32
    %dma_start3A_37 = arith.constant 0 : i32
    %dma_start3A_38 = arith.constant 0 : i32
    %dma_start3A_39 = arith.constant 0 : i32
    %dma_start3A_40 = tpu.memref_slice %arg6[%dma_start3A, %dma_start3A_38, %dma_start3A_39] : memref<4x4x64xi32, #tpu.memory_space<vmem>> -> memref<1x4x64xi32, #tpu.memory_space<vmem>>
    %dma_start3A_41 = tpu.memref_squeeze %dma_start3A_40 : memref<1x4x64xi32, #tpu.memory_space<vmem>> -> memref<4x64xi32, #tpu.memory_space<vmem>>
    %dma_start3A_42 = arith.constant 0 : i32
    %dma_start3A_43 = arith.constant 0 : i32
    %dma_start3A_44 = tpu.memref_slice %arg2[%add3A, %dma_start3A_42, %dma_start3A_43] : memref<32x160x64xi32, #tpu.memory_space<hbm>> -> memref<1x4x64xi32, #tpu.memory_space<hbm>>
    %dma_start3A_45 = tpu.memref_squeeze %dma_start3A_44 : memref<1x4x64xi32, #tpu.memory_space<hbm>> -> memref<4x64xi32, #tpu.memory_space<hbm>>
    %dma_start3A_46 = tpu.memref_slice %arg11[%dma_start3A_37] : memref<4x!tpu.dma_semaphore, #tpu.memory_space<semaphore_mem>> -> memref<1x!tpu.dma_semaphore, #tpu.memory_space<semaphore_mem>>
    %dma_start3A_47 = tpu.memref_squeeze %dma_start3A_46 : memref<1x!tpu.dma_semaphore, #tpu.memory_space<semaphore_mem>> -> memref<!tpu.dma_semaphore, #tpu.memory_space<semaphore_mem>>
    %dma_start3A_48 = arith.constant 0 : i32
    %dma_start3A_49 = arith.constant 0 : i32
    %dma_start3A_50 = tpu.memref_slice %arg6[%dma_start3A, %dma_start3A_48, %dma_start3A_49] : memref<4x4x64xi32, #tpu.memory_space<vmem>> -> memref<1x4x64xi32, #tpu.memory_space<vmem>>
    %dma_start3A_51 = tpu.memref_squeeze %dma_start3A_50 : memref<1x4x64xi32, #tpu.memory_space<vmem>> -> memref<4x64xi32, #tpu.memory_space<vmem>>
    %dma_start3A_52 = arith.constant 0 : i32
    %dma_start3A_53 = arith.constant 0 : i32
    %dma_start3A_54 = tpu.memref_slice %arg2[%add3A, %dma_start3A_52, %dma_start3A_53] : memref<32x160x64xi32, #tpu.memory_space<hbm>> -> memref<1x4x64xi32, #tpu.memory_space<hbm>>
    %dma_start3A_55 = tpu.memref_squeeze %dma_start3A_54 : memref<1x4x64xi32, #tpu.memory_space<hbm>> -> memref<4x64xi32, #tpu.memory_space<hbm>>
    tpu.enqueue_dma source(%dma_start3A_55 : memref<4x64xi32, #tpu.memory_space<hbm>>) target(%dma_start3A_51 : memref<4x64xi32, #tpu.memory_space<vmem>>) target_semaphore(%dma_start3A_47 : memref<!tpu.dma_semaphore, #tpu.memory_space<semaphore_mem>>)
    %dma_start3A_56 = arith.constant 0 : i32
    %dma_start3A_57 = arith.constant 0 : i32
    %dma_start3A_58 = arith.constant 0 : i32
    %dma_start3A_59 = arith.constant 0 : i32
    %dma_start3A_60 = tpu.memref_slice %arg7[%dma_start3A_56, %dma_start3A_58, %dma_start3A_59] : memref<4x4x64xi32, #tpu.memory_space<vmem>> -> memref<1x4x64xi32, #tpu.memory_space<vmem>>
    %dma_start3A_61 = tpu.memref_squeeze %dma_start3A_60 : memref<1x4x64xi32, #tpu.memory_space<vmem>> -> memref<4x64xi32, #tpu.memory_space<vmem>>
    %dma_start3A_62 = arith.constant 0 : i32
    %dma_start3A_63 = arith.constant 0 : i32
    %dma_start3A_64 = tpu.memref_slice %arg3[%add3A, %dma_start3A_62, %dma_start3A_63] : memref<32x160x64xi32, #tpu.memory_space<hbm>> -> memref<1x4x64xi32, #tpu.memory_space<hbm>>
    %dma_start3A_65 = tpu.memref_squeeze %dma_start3A_64 : memref<1x4x64xi32, #tpu.memory_space<hbm>> -> memref<4x64xi32, #tpu.memory_space<hbm>>
    %dma_start3A_66 = tpu.memref_slice %arg11[%dma_start3A_57] : memref<4x!tpu.dma_semaphore, #tpu.memory_space<semaphore_mem>> -> memref<1x!tpu.dma_semaphore, #tpu.memory_space<semaphore_mem>>
    %dma_start3A_67 = tpu.memref_squeeze %dma_start3A_66 : memref<1x!tpu.dma_semaphore, #tpu.memory_space<semaphore_mem>> -> memref<!tpu.dma_semaphore, #tpu.memory_space<semaphore_mem>>
    %dma_start3A_68 = arith.constant 0 : i32
    %dma_start3A_69 = arith.constant 0 : i32
    %dma_start3A_70 = tpu.memref_slice %arg7[%dma_start3A_56, %dma_start3A_68, %dma_start3A_69] : memref<4x4x64xi32, #tpu.memory_space<vmem>> -> memref<1x4x64xi32, #tpu.memory_space<vmem>>
    %dma_start3A_71 = tpu.memref_squeeze %dma_start3A_70 : memref<1x4x64xi32, #tpu.memory_space<vmem>> -> memref<4x64xi32, #tpu.memory_space<vmem>>
    %dma_start3A_72 = arith.constant 0 : i32
    %dma_start3A_73 = arith.constant 0 : i32
    %dma_start3A_74 = tpu.memref_slice %arg3[%add3A, %dma_start3A_72, %dma_start3A_73] : memref<32x160x64xi32, #tpu.memory_space<hbm>> -> memref<1x4x64xi32, #tpu.memory_space<hbm>>
    %dma_start3A_75 = tpu.memref_squeeze %dma_start3A_74 : memref<1x4x64xi32, #tpu.memory_space<hbm>> -> memref<4x64xi32, #tpu.memory_space<hbm>>
    tpu.enqueue_dma source(%dma_start3A_75 : memref<4x64xi32, #tpu.memory_space<hbm>>) target(%dma_start3A_71 : memref<4x64xi32, #tpu.memory_space<vmem>>) target_semaphore(%dma_start3A_67 : memref<!tpu.dma_semaphore, #tpu.memory_space<semaphore_mem>>)
    %dma_start3A_76 = arith.constant 1 : i32
    %dma_start3A_77 = arith.constant 1 : i32
    %dma_start3A_78 = arith.constant 0 : i32
    %dma_start3A_79 = arith.constant 0 : i32
    %dma_start3A_80 = tpu.memref_slice %arg6[%dma_start3A_76, %dma_start3A_78, %dma_start3A_79] : memref<4x4x64xi32, #tpu.memory_space<vmem>> -> memref<1x4x64xi32, #tpu.memory_space<vmem>>
    %dma_start3A_81 = tpu.memref_squeeze %dma_start3A_80 : memref<1x4x64xi32, #tpu.memory_space<vmem>> -> memref<4x64xi32, #tpu.memory_space<vmem>>
    %dma_start3A_82 = arith.constant 4 : i32
    %dma_start3A_83 = arith.constant 0 : i32
    %dma_start3A_84 = tpu.memref_slice %arg2[%add3A, %dma_start3A_82, %dma_start3A_83] : memref<32x160x64xi32, #tpu.memory_space<hbm>> -> memref<1x4x64xi32, #tpu.memory_space<hbm>>
    %dma_start3A_85 = tpu.memref_squeeze %dma_start3A_84 : memref<1x4x64xi32, #tpu.memory_space<hbm>> -> memref<4x64xi32, #tpu.memory_space<hbm>>
    %dma_start3A_86 = tpu.memref_slice %arg11[%dma_start3A_77] : memref<4x!tpu.dma_semaphore, #tpu.memory_space<semaphore_mem>> -> memref<1x!tpu.dma_semaphore, #tpu.memory_space<semaphore_mem>>
    %dma_start3A_87 = tpu.memref_squeeze %dma_start3A_86 : memref<1x!tpu.dma_semaphore, #tpu.memory_space<semaphore_mem>> -> memref<!tpu.dma_semaphore, #tpu.memory_space<semaphore_mem>>
    %dma_start3A_88 = arith.constant 0 : i32
    %dma_start3A_89 = arith.constant 0 : i32
    %dma_start3A_90 = tpu.memref_slice %arg6[%dma_start3A_76, %dma_start3A_88, %dma_start3A_89] : memref<4x4x64xi32, #tpu.memory_space<vmem>> -> memref<1x4x64xi32, #tpu.memory_space<vmem>>
    %dma_start3A_91 = tpu.memref_squeeze %dma_start3A_90 : memref<1x4x64xi32, #tpu.memory_space<vmem>> -> memref<4x64xi32, #tpu.memory_space<vmem>>
    %dma_start3A_92 = arith.constant 4 : i32
    %dma_start3A_93 = arith.constant 0 : i32
    %dma_start3A_94 = tpu.memref_slice %arg2[%add3A, %dma_start3A_92, %dma_start3A_93] : memref<32x160x64xi32, #tpu.memory_space<hbm>> -> memref<1x4x64xi32, #tpu.memory_space<hbm>>
    %dma_start3A_95 = tpu.memref_squeeze %dma_start3A_94 : memref<1x4x64xi32, #tpu.memory_space<hbm>> -> memref<4x64xi32, #tpu.memory_space<hbm>>
    tpu.enqueue_dma source(%dma_start3A_95 : memref<4x64xi32, #tpu.memory_space<hbm>>) target(%dma_start3A_91 : memref<4x64xi32, #tpu.memory_space<vmem>>) target_semaphore(%dma_start3A_87 : memref<!tpu.dma_semaphore, #tpu.memory_space<semaphore_mem>>)
    %dma_start3A_96 = arith.constant 1 : i32
    %dma_start3A_97 = arith.constant 1 : i32
    %dma_start3A_98 = arith.constant 0 : i32
    %dma_start3A_99 = arith.constant 0 : i32
    %dma_start3A_100 = tpu.memref_slice %arg7[%dma_start3A_96, %dma_start3A_98, %dma_start3A_99] : memref<4x4x64xi32, #tpu.memory_space<vmem>> -> memref<1x4x64xi32, #tpu.memory_space<vmem>>
    %dma_start3A_101 = tpu.memref_squeeze %dma_start3A_100 : memref<1x4x64xi32, #tpu.memory_space<vmem>> -> memref<4x64xi32, #tpu.memory_space<vmem>>
    %dma_start3A_102 = arith.constant 4 : i32
    %dma_start3A_103 = arith.constant 0 : i32
    %dma_start3A_104 = tpu.memref_slice %arg3[%add3A, %dma_start3A_102, %dma_start3A_103] : memref<32x160x64xi32, #tpu.memory_space<hbm>> -> memref<1x4x64xi32, #tpu.memory_space<hbm>>
    %dma_start3A_105 = tpu.memref_squeeze %dma_start3A_104 : memref<1x4x64xi32, #tpu.memory_space<hbm>> -> memref<4x64xi32, #tpu.memory_space<hbm>>
    %dma_start3A_106 = tpu.memref_slice %arg11[%dma_start3A_97] : memref<4x!tpu.dma_semaphore, #tpu.memory_space<semaphore_mem>> -> memref<1x!tpu.dma_semaphore, #tpu.memory_space<semaphore_mem>>
    %dma_start3A_107 = tpu.memref_squeeze %dma_start3A_106 : memref<1x!tpu.dma_semaphore, #tpu.memory_space<semaphore_mem>> -> memref<!tpu.dma_semaphore, #tpu.memory_space<semaphore_mem>>
    %dma_start3A_108 = arith.constant 0 : i32
    %dma_start3A_109 = arith.constant 0 : i32
    %dma_start3A_110 = tpu.memref_slice %arg7[%dma_start3A_96, %dma_start3A_108, %dma_start3A_109] : memref<4x4x64xi32, #tpu.memory_space<vmem>> -> memref<1x4x64xi32, #tpu.memory_space<vmem>>
    %dma_start3A_111 = tpu.memref_squeeze %dma_start3A_110 : memref<1x4x64xi32, #tpu.memory_space<vmem>> -> memref<4x64xi32, #tpu.memory_space<vmem>>
    %dma_start3A_112 = arith.constant 4 : i32
    %dma_start3A_113 = arith.constant 0 : i32
    %dma_start3A_114 = tpu.memref_slice %arg3[%add3A, %dma_start3A_112, %dma_start3A_113] : memref<32x160x64xi32, #tpu.memory_space<hbm>> -> memref<1x4x64xi32, #tpu.memory_space<hbm>>
    %dma_start3A_115 = tpu.memref_squeeze %dma_start3A_114 : memref<1x4x64xi32, #tpu.memory_space<hbm>> -> memref<4x64xi32, #tpu.memory_space<hbm>>
    tpu.enqueue_dma source(%dma_start3A_115 : memref<4x64xi32, #tpu.memory_space<hbm>>) target(%dma_start3A_111 : memref<4x64xi32, #tpu.memory_space<vmem>>) target_semaphore(%dma_start3A_107 : memref<!tpu.dma_semaphore, #tpu.memory_space<semaphore_mem>>)
    %barrier3A = arith.constant 0 : index
    tpu.barrier barrier_id(%barrier3A)
    %dma_wait3A = arith.constant 0 : i32
    %dma_wait3A_116 = arith.constant 0 : i32
    %dma_wait3A_117 = arith.constant 0 : i32
    %dma_wait3A_118 = arith.constant 0 : i32
    %dma_wait3A_119 = tpu.memref_slice %arg6[%dma_wait3A, %dma_wait3A_117, %dma_wait3A_118] : memref<4x4x64xi32, #tpu.memory_space<vmem>> -> memref<1x4x64xi32, #tpu.memory_space<vmem>>
    %dma_wait3A_120 = tpu.memref_squeeze %dma_wait3A_119 : memref<1x4x64xi32, #tpu.memory_space<vmem>> -> memref<4x64xi32, #tpu.memory_space<vmem>>
    %dma_wait3A_121 = arith.constant 0 : i32
    %dma_wait3A_122 = arith.constant 0 : i32
    %dma_wait3A_123 = tpu.memref_slice %arg2[%add3A, %dma_wait3A_121, %dma_wait3A_122] : memref<32x160x64xi32, #tpu.memory_space<hbm>> -> memref<1x4x64xi32, #tpu.memory_space<hbm>>
    %dma_wait3A_124 = tpu.memref_squeeze %dma_wait3A_123 : memref<1x4x64xi32, #tpu.memory_space<hbm>> -> memref<4x64xi32, #tpu.memory_space<hbm>>
    %dma_wait3A_125 = tpu.memref_slice %arg11[%dma_wait3A_116] : memref<4x!tpu.dma_semaphore, #tpu.memory_space<semaphore_mem>> -> memref<1x!tpu.dma_semaphore, #tpu.memory_space<semaphore_mem>>
    %dma_wait3A_126 = tpu.memref_squeeze %dma_wait3A_125 : memref<1x!tpu.dma_semaphore, #tpu.memory_space<semaphore_mem>> -> memref<!tpu.dma_semaphore, #tpu.memory_space<semaphore_mem>>
    %dma_wait3A_127 = arith.constant 0 : i32
    %dma_wait3A_128 = arith.constant 0 : i32
    %dma_wait3A_129 = tpu.memref_slice %arg6[%dma_wait3A, %dma_wait3A_127, %dma_wait3A_128] : memref<4x4x64xi32, #tpu.memory_space<vmem>> -> memref<1x4x64xi32, #tpu.memory_space<vmem>>
    %dma_wait3A_130 = tpu.memref_squeeze %dma_wait3A_129 : memref<1x4x64xi32, #tpu.memory_space<vmem>> -> memref<4x64xi32, #tpu.memory_space<vmem>>
    %dma_wait3A_131 = arith.constant 0 : i32
    %dma_wait3A_132 = arith.constant 0 : i32
    %dma_wait3A_133 = tpu.memref_slice %arg2[%add3A, %dma_wait3A_131, %dma_wait3A_132] : memref<32x160x64xi32, #tpu.memory_space<hbm>> -> memref<1x4x64xi32, #tpu.memory_space<hbm>>
    %dma_wait3A_134 = tpu.memref_squeeze %dma_wait3A_133 : memref<1x4x64xi32, #tpu.memory_space<hbm>> -> memref<4x64xi32, #tpu.memory_space<hbm>>
    tpu.wait_dma2 semaphore(%dma_wait3A_126 : memref<!tpu.dma_semaphore, #tpu.memory_space<semaphore_mem>>) src(%dma_wait3A_134 : memref<4x64xi32, #tpu.memory_space<hbm>>) dst(%dma_wait3A_130 : memref<4x64xi32, #tpu.memory_space<vmem>>)
    %dma_wait3A_135 = arith.constant 0 : i32
    %dma_wait3A_136 = arith.constant 0 : i32
    %dma_wait3A_137 = arith.constant 0 : i32
    %dma_wait3A_138 = arith.constant 0 : i32
    %dma_wait3A_139 = tpu.memref_slice %arg7[%dma_wait3A_135, %dma_wait3A_137, %dma_wait3A_138] : memref<4x4x64xi32, #tpu.memory_space<vmem>> -> memref<1x4x64xi32, #tpu.memory_space<vmem>>
    %dma_wait3A_140 = tpu.memref_squeeze %dma_wait3A_139 : memref<1x4x64xi32, #tpu.memory_space<vmem>> -> memref<4x64xi32, #tpu.memory_space<vmem>>
    %dma_wait3A_141 = arith.constant 0 : i32
    %dma_wait3A_142 = arith.constant 0 : i32
    %dma_wait3A_143 = tpu.memref_slice %arg3[%add3A, %dma_wait3A_141, %dma_wait3A_142] : memref<32x160x64xi32, #tpu.memory_space<hbm>> -> memref<1x4x64xi32, #tpu.memory_space<hbm>>
    %dma_wait3A_144 = tpu.memref_squeeze %dma_wait3A_143 : memref<1x4x64xi32, #tpu.memory_space<hbm>> -> memref<4x64xi32, #tpu.memory_space<hbm>>
    %dma_wait3A_145 = tpu.memref_slice %arg11[%dma_wait3A_136] : memref<4x!tpu.dma_semaphore, #tpu.memory_space<semaphore_mem>> -> memref<1x!tpu.dma_semaphore, #tpu.memory_space<semaphore_mem>>
    %dma_wait3A_146 = tpu.memref_squeeze %dma_wait3A_145 : memref<1x!tpu.dma_semaphore, #tpu.memory_space<semaphore_mem>> -> memref<!tpu.dma_semaphore, #tpu.memory_space<semaphore_mem>>
    %dma_wait3A_147 = arith.constant 0 : i32
    %dma_wait3A_148 = arith.constant 0 : i32
    %dma_wait3A_149 = tpu.memref_slice %arg7[%dma_wait3A_135, %dma_wait3A_147, %dma_wait3A_148] : memref<4x4x64xi32, #tpu.memory_space<vmem>> -> memref<1x4x64xi32, #tpu.memory_space<vmem>>
    %dma_wait3A_150 = tpu.memref_squeeze %dma_wait3A_149 : memref<1x4x64xi32, #tpu.memory_space<vmem>> -> memref<4x64xi32, #tpu.memory_space<vmem>>
    %dma_wait3A_151 = arith.constant 0 : i32
    %dma_wait3A_152 = arith.constant 0 : i32
    %dma_wait3A_153 = tpu.memref_slice %arg3[%add3A, %dma_wait3A_151, %dma_wait3A_152] : memref<32x160x64xi32, #tpu.memory_space<hbm>> -> memref<1x4x64xi32, #tpu.memory_space<hbm>>
    %dma_wait3A_154 = tpu.memref_squeeze %dma_wait3A_153 : memref<1x4x64xi32, #tpu.memory_space<hbm>> -> memref<4x64xi32, #tpu.memory_space<hbm>>
    tpu.wait_dma2 semaphore(%dma_wait3A_146 : memref<!tpu.dma_semaphore, #tpu.memory_space<semaphore_mem>>) src(%dma_wait3A_154 : memref<4x64xi32, #tpu.memory_space<hbm>>) dst(%dma_wait3A_150 : memref<4x64xi32, #tpu.memory_space<vmem>>)
    %dma_start3A_155 = arith.constant 0 : i32
    %dma_start3A_156 = arith.constant 0 : i32
    %dma_start3A_157 = arith.constant 0 : i32
    %dma_start3A_158 = arith.constant 0 : i32
    %dma_start3A_159 = arith.constant 0 : i32
    %dma_start3A_160 = arith.constant 0 : i32
    %dma_start3A_161 = tpu.memref_slice %arg8[%dma_start3A_157, %dma_start3A_159, %dma_start3A_160] : memref<4x64x128xf32, #tpu.memory_space<vmem>> -> memref<1x64x128xf32, #tpu.memory_space<vmem>>
    %dma_start3A_162 = tpu.memref_squeeze %dma_start3A_161 : memref<1x64x128xf32, #tpu.memory_space<vmem>> -> memref<64x128xf32, #tpu.memory_space<vmem>>
    %dma_start3A_163 = arith.constant 0 : i32
    %dma_start3A_164 = tpu.memref_slice %arg6[%dma_start3A_155, %dma_start3A_156, %dma_start3A_163] : memref<4x4x64xi32, #tpu.memory_space<vmem>> -> memref<1x1x64xi32, #tpu.memory_space<vmem>>
    %dma_start3A_165 = tpu.memref_squeeze %dma_start3A_164 : memref<1x1x64xi32, #tpu.memory_space<vmem>> -> memref<64xi32, #tpu.memory_space<vmem>>
    %dma_start3A_166 = arith.constant 0 : i32
    %dma_start3A_167 = arith.constant 0 : i32
    %dma_start3A_168 = tpu.memref_slice %arg4[%dma_start3A_166, %dma_start3A_167] : memref<10240x128xf32, #tpu.memory_space<hbm>> -> memref<10240x128xf32, #tpu.memory_space<hbm>>
    %dma_start3A_169 = tpu.memref_slice %arg10[%dma_start3A_158] : memref<4x!tpu.dma_semaphore, #tpu.memory_space<semaphore_mem>> -> memref<1x!tpu.dma_semaphore, #tpu.memory_space<semaphore_mem>>
    %dma_start3A_170 = tpu.memref_squeeze %dma_start3A_169 : memref<1x!tpu.dma_semaphore, #tpu.memory_space<semaphore_mem>> -> memref<!tpu.dma_semaphore, #tpu.memory_space<semaphore_mem>>
    tpu.enqueue_indirect_dma source(%dma_start3A_168 : memref<10240x128xf32, #tpu.memory_space<hbm>>) target(%dma_start3A_162 : memref<64x128xf32, #tpu.memory_space<vmem>>) offsets(%dma_start3A_165 : memref<64xi32, #tpu.memory_space<vmem>>) semaphore(%dma_start3A_170 : memref<!tpu.dma_semaphore, #tpu.memory_space<semaphore_mem>>)
    %dma_start3A_171 = arith.constant 0 : i32
    %dma_start3A_172 = arith.constant 1 : i32
    %dma_start3A_173 = arith.constant 1 : i32
    %dma_start3A_174 = arith.constant 1 : i32
    %dma_start3A_175 = arith.constant 0 : i32
    %dma_start3A_176 = arith.constant 0 : i32
    %dma_start3A_177 = tpu.memref_slice %arg8[%dma_start3A_173, %dma_start3A_175, %dma_start3A_176] : memref<4x64x128xf32, #tpu.memory_space<vmem>> -> memref<1x64x128xf32, #tpu.memory_space<vmem>>
    %dma_start3A_178 = tpu.memref_squeeze %dma_start3A_177 : memref<1x64x128xf32, #tpu.memory_space<vmem>> -> memref<64x128xf32, #tpu.memory_space<vmem>>
    %dma_start3A_179 = arith.constant 0 : i32
    %dma_start3A_180 = tpu.memref_slice %arg6[%dma_start3A_171, %dma_start3A_172, %dma_start3A_179] : memref<4x4x64xi32, #tpu.memory_space<vmem>> -> memref<1x1x64xi32, #tpu.memory_space<vmem>>
    %dma_start3A_181 = tpu.memref_squeeze %dma_start3A_180 : memref<1x1x64xi32, #tpu.memory_space<vmem>> -> memref<64xi32, #tpu.memory_space<vmem>>
    %dma_start3A_182 = arith.constant 0 : i32
    %dma_start3A_183 = arith.constant 0 : i32
    %dma_start3A_184 = tpu.memref_slice %arg4[%dma_start3A_182, %dma_start3A_183] : memref<10240x128xf32, #tpu.memory_space<hbm>> -> memref<10240x128xf32, #tpu.memory_space<hbm>>
    %dma_start3A_185 = tpu.memref_slice %arg10[%dma_start3A_174] : memref<4x!tpu.dma_semaphore, #tpu.memory_space<semaphore_mem>> -> memref<1x!tpu.dma_semaphore, #tpu.memory_space<semaphore_mem>>
    %dma_start3A_186 = tpu.memref_squeeze %dma_start3A_185 : memref<1x!tpu.dma_semaphore, #tpu.memory_space<semaphore_mem>> -> memref<!tpu.dma_semaphore, #tpu.memory_space<semaphore_mem>>
    tpu.enqueue_indirect_dma source(%dma_start3A_184 : memref<10240x128xf32, #tpu.memory_space<hbm>>) target(%dma_start3A_178 : memref<64x128xf32, #tpu.memory_space<vmem>>) offsets(%dma_start3A_181 : memref<64xi32, #tpu.memory_space<vmem>>) semaphore(%dma_start3A_186 : memref<!tpu.dma_semaphore, #tpu.memory_space<semaphore_mem>>)
    %dma_start3A_187 = arith.constant 0 : i32
    %dma_start3A_188 = arith.constant 2 : i32
    %dma_start3A_189 = arith.constant 2 : i32
    %dma_start3A_190 = arith.constant 2 : i32
    %dma_start3A_191 = arith.constant 0 : i32
    %dma_start3A_192 = arith.constant 0 : i32
    %dma_start3A_193 = tpu.memref_slice %arg8[%dma_start3A_189, %dma_start3A_191, %dma_start3A_192] : memref<4x64x128xf32, #tpu.memory_space<vmem>> -> memref<1x64x128xf32, #tpu.memory_space<vmem>>
    %dma_start3A_194 = tpu.memref_squeeze %dma_start3A_193 : memref<1x64x128xf32, #tpu.memory_space<vmem>> -> memref<64x128xf32, #tpu.memory_space<vmem>>
    %dma_start3A_195 = arith.constant 0 : i32
    %dma_start3A_196 = tpu.memref_slice %arg6[%dma_start3A_187, %dma_start3A_188, %dma_start3A_195] : memref<4x4x64xi32, #tpu.memory_space<vmem>> -> memref<1x1x64xi32, #tpu.memory_space<vmem>>
    %dma_start3A_197 = tpu.memref_squeeze %dma_start3A_196 : memref<1x1x64xi32, #tpu.memory_space<vmem>> -> memref<64xi32, #tpu.memory_space<vmem>>
    %dma_start3A_198 = arith.constant 0 : i32
    %dma_start3A_199 = arith.constant 0 : i32
    %dma_start3A_200 = tpu.memref_slice %arg4[%dma_start3A_198, %dma_start3A_199] : memref<10240x128xf32, #tpu.memory_space<hbm>> -> memref<10240x128xf32, #tpu.memory_space<hbm>>
    %dma_start3A_201 = tpu.memref_slice %arg10[%dma_start3A_190] : memref<4x!tpu.dma_semaphore, #tpu.memory_space<semaphore_mem>> -> memref<1x!tpu.dma_semaphore, #tpu.memory_space<semaphore_mem>>
    %dma_start3A_202 = tpu.memref_squeeze %dma_start3A_201 : memref<1x!tpu.dma_semaphore, #tpu.memory_space<semaphore_mem>> -> memref<!tpu.dma_semaphore, #tpu.memory_space<semaphore_mem>>
    tpu.enqueue_indirect_dma source(%dma_start3A_200 : memref<10240x128xf32, #tpu.memory_space<hbm>>) target(%dma_start3A_194 : memref<64x128xf32, #tpu.memory_space<vmem>>) offsets(%dma_start3A_197 : memref<64xi32, #tpu.memory_space<vmem>>) semaphore(%dma_start3A_202 : memref<!tpu.dma_semaphore, #tpu.memory_space<semaphore_mem>>)
    %dma_start3A_203 = arith.constant 0 : i32
    %dma_start3A_204 = arith.constant 3 : i32
    %dma_start3A_205 = arith.constant 3 : i32
    %dma_start3A_206 = arith.constant 3 : i32
    %dma_start3A_207 = arith.constant 0 : i32
    %dma_start3A_208 = arith.constant 0 : i32
    %dma_start3A_209 = tpu.memref_slice %arg8[%dma_start3A_205, %dma_start3A_207, %dma_start3A_208] : memref<4x64x128xf32, #tpu.memory_space<vmem>> -> memref<1x64x128xf32, #tpu.memory_space<vmem>>
    %dma_start3A_210 = tpu.memref_squeeze %dma_start3A_209 : memref<1x64x128xf32, #tpu.memory_space<vmem>> -> memref<64x128xf32, #tpu.memory_space<vmem>>
    %dma_start3A_211 = arith.constant 0 : i32
    %dma_start3A_212 = tpu.memref_slice %arg6[%dma_start3A_203, %dma_start3A_204, %dma_start3A_211] : memref<4x4x64xi32, #tpu.memory_space<vmem>> -> memref<1x1x64xi32, #tpu.memory_space<vmem>>
    %dma_start3A_213 = tpu.memref_squeeze %dma_start3A_212 : memref<1x1x64xi32, #tpu.memory_space<vmem>> -> memref<64xi32, #tpu.memory_space<vmem>>
    %dma_start3A_214 = arith.constant 0 : i32
    %dma_start3A_215 = arith.constant 0 : i32
    %dma_start3A_216 = tpu.memref_slice %arg4[%dma_start3A_214, %dma_start3A_215] : memref<10240x128xf32, #tpu.memory_space<hbm>> -> memref<10240x128xf32, #tpu.memory_space<hbm>>
    %dma_start3A_217 = tpu.memref_slice %arg10[%dma_start3A_206] : memref<4x!tpu.dma_semaphore, #tpu.memory_space<semaphore_mem>> -> memref<1x!tpu.dma_semaphore, #tpu.memory_space<semaphore_mem>>
    %dma_start3A_218 = tpu.memref_squeeze %dma_start3A_217 : memref<1x!tpu.dma_semaphore, #tpu.memory_space<semaphore_mem>> -> memref<!tpu.dma_semaphore, #tpu.memory_space<semaphore_mem>>
    tpu.enqueue_indirect_dma source(%dma_start3A_216 : memref<10240x128xf32, #tpu.memory_space<hbm>>) target(%dma_start3A_210 : memref<64x128xf32, #tpu.memory_space<vmem>>) offsets(%dma_start3A_213 : memref<64xi32, #tpu.memory_space<vmem>>) semaphore(%dma_start3A_218 : memref<!tpu.dma_semaphore, #tpu.memory_space<semaphore_mem>>)
    %scan3A_219 = arith.constant 0 : i32
    %scan3A_220 = arith.constant 0 : i32
    %scan3A_221 = arith.constant 40 : i32
    %scan3A_222 = arith.addi %scan3A_220, %scan3A_221 : i32
    %scan3A_223 = arith.constant 1 : i32
    scf.for %scan3A_236 = %scan3A_220 to %scan3A_222 step %scan3A_223  : i32 {
      %and3A = arith.constant 3 : i32
      %and3A_237 = arith.andi %scan3A_236, %and3A : i32
      %add3A_238 = arith.constant 1 : i32
      %add3A_239 = arith.addi %scan3A_236, %add3A_238 : i32
      %and3A_240 = arith.constant 3 : i32
      %and3A_241 = arith.andi %add3A_239, %and3A_240 : i32
      %add3A_242 = arith.constant 2 : i32
      %add3A_243 = arith.addi %scan3A_236, %add3A_242 : i32
      %lt3A = arith.constant 40 : i32
      %lt3A_244 = arith.cmpi slt, %add3A_243, %lt3A : i32
      %convert_element_type3A = arith.extui %lt3A_244 : i1 to i32
      %cond3A = arith.constant 0 : i32
      %cond3A_245 = arith.cmpi ne, %convert_element_type3A, %cond3A : i32
      scf.if %cond3A_245 {
        %add3A_349 = arith.constant 2 : i32
        %add3A_350 = arith.addi %scan3A_236, %add3A_349 : i32
        %add3A_351 = arith.constant 2 : i32
        %add3A_352 = arith.addi %scan3A_236, %add3A_351 : i32
        %and3A_353 = arith.constant 3 : i32
        %and3A_354 = arith.andi %add3A_352, %and3A_353 : i32
        %mul3A_355 = arith.constant 4 : i32
        %mul3A_356 = arith.muli %add3A_350, %mul3A_355 : i32
        %dma_start3A_357 = arith.constant 0 : i32
        %dma_start3A_358 = arith.constant 0 : i32
        %dma_start3A_359 = tpu.memref_slice %arg6[%and3A_354, %dma_start3A_357, %dma_start3A_358] : memref<4x4x64xi32, #tpu.memory_space<vmem>> -> memref<1x4x64xi32, #tpu.memory_space<vmem>>
        %dma_start3A_360 = tpu.memref_squeeze %dma_start3A_359 : memref<1x4x64xi32, #tpu.memory_space<vmem>> -> memref<4x64xi32, #tpu.memory_space<vmem>>
        %dma_start3A_361 = arith.constant 0 : i32
        %dma_start3A_362 = tpu.memref_slice %arg2[%add3A, %mul3A_356, %dma_start3A_361] : memref<32x160x64xi32, #tpu.memory_space<hbm>> -> memref<1x4x64xi32, #tpu.memory_space<hbm>>
        %dma_start3A_363 = tpu.memref_squeeze %dma_start3A_362 : memref<1x4x64xi32, #tpu.memory_space<hbm>> -> memref<4x64xi32, #tpu.memory_space<hbm>>
        %dma_start3A_364 = tpu.memref_slice %arg11[%and3A_354] : memref<4x!tpu.dma_semaphore, #tpu.memory_space<semaphore_mem>> -> memref<1x!tpu.dma_semaphore, #tpu.memory_space<semaphore_mem>>
        %dma_start3A_365 = tpu.memref_squeeze %dma_start3A_364 : memref<1x!tpu.dma_semaphore, #tpu.memory_space<semaphore_mem>> -> memref<!tpu.dma_semaphore, #tpu.memory_space<semaphore_mem>>
        %dma_start3A_366 = arith.constant 0 : i32
        %dma_start3A_367 = arith.constant 0 : i32
        %dma_start3A_368 = tpu.memref_slice %arg6[%and3A_354, %dma_start3A_366, %dma_start3A_367] : memref<4x4x64xi32, #tpu.memory_space<vmem>> -> memref<1x4x64xi32, #tpu.memory_space<vmem>>
        %dma_start3A_369 = tpu.memref_squeeze %dma_start3A_368 : memref<1x4x64xi32, #tpu.memory_space<vmem>> -> memref<4x64xi32, #tpu.memory_space<vmem>>
        %dma_start3A_370 = arith.constant 0 : i32
        %dma_start3A_371 = tpu.memref_slice %arg2[%add3A, %mul3A_356, %dma_start3A_370] : memref<32x160x64xi32, #tpu.memory_space<hbm>> -> memref<1x4x64xi32, #tpu.memory_space<hbm>>
        %dma_start3A_372 = tpu.memref_squeeze %dma_start3A_371 : memref<1x4x64xi32, #tpu.memory_space<hbm>> -> memref<4x64xi32, #tpu.memory_space<hbm>>
        tpu.enqueue_dma source(%dma_start3A_372 : memref<4x64xi32, #tpu.memory_space<hbm>>) target(%dma_start3A_369 : memref<4x64xi32, #tpu.memory_space<vmem>>) target_semaphore(%dma_start3A_365 : memref<!tpu.dma_semaphore, #tpu.memory_space<semaphore_mem>>)
        %dma_start3A_373 = arith.constant 0 : i32
        %dma_start3A_374 = arith.constant 0 : i32
        %dma_start3A_375 = tpu.memref_slice %arg7[%and3A_354, %dma_start3A_373, %dma_start3A_374] : memref<4x4x64xi32, #tpu.memory_space<vmem>> -> memref<1x4x64xi32, #tpu.memory_space<vmem>>
        %dma_start3A_376 = tpu.memref_squeeze %dma_start3A_375 : memref<1x4x64xi32, #tpu.memory_space<vmem>> -> memref<4x64xi32, #tpu.memory_space<vmem>>
        %dma_start3A_377 = arith.constant 0 : i32
        %dma_start3A_378 = tpu.memref_slice %arg3[%add3A, %mul3A_356, %dma_start3A_377] : memref<32x160x64xi32, #tpu.memory_space<hbm>> -> memref<1x4x64xi32, #tpu.memory_space<hbm>>
        %dma_start3A_379 = tpu.memref_squeeze %dma_start3A_378 : memref<1x4x64xi32, #tpu.memory_space<hbm>> -> memref<4x64xi32, #tpu.memory_space<hbm>>
        %dma_start3A_380 = tpu.memref_slice %arg11[%and3A_354] : memref<4x!tpu.dma_semaphore, #tpu.memory_space<semaphore_mem>> -> memref<1x!tpu.dma_semaphore, #tpu.memory_space<semaphore_mem>>
        %dma_start3A_381 = tpu.memref_squeeze %dma_start3A_380 : memref<1x!tpu.dma_semaphore, #tpu.memory_space<semaphore_mem>> -> memref<!tpu.dma_semaphore, #tpu.memory_space<semaphore_mem>>
        %dma_start3A_382 = arith.constant 0 : i32
        %dma_start3A_383 = arith.constant 0 : i32
        %dma_start3A_384 = tpu.memref_slice %arg7[%and3A_354, %dma_start3A_382, %dma_start3A_383] : memref<4x4x64xi32, #tpu.memory_space<vmem>> -> memref<1x4x64xi32, #tpu.memory_space<vmem>>
        %dma_start3A_385 = tpu.memref_squeeze %dma_start3A_384 : memref<1x4x64xi32, #tpu.memory_space<vmem>> -> memref<4x64xi32, #tpu.memory_space<vmem>>
        %dma_start3A_386 = arith.constant 0 : i32
        %dma_start3A_387 = tpu.memref_slice %arg3[%add3A, %mul3A_356, %dma_start3A_386] : memref<32x160x64xi32, #tpu.memory_space<hbm>> -> memref<1x4x64xi32, #tpu.memory_space<hbm>>
        %dma_start3A_388 = tpu.memref_squeeze %dma_start3A_387 : memref<1x4x64xi32, #tpu.memory_space<hbm>> -> memref<4x64xi32, #tpu.memory_space<hbm>>
        tpu.enqueue_dma source(%dma_start3A_388 : memref<4x64xi32, #tpu.memory_space<hbm>>) target(%dma_start3A_385 : memref<4x64xi32, #tpu.memory_space<vmem>>) target_semaphore(%dma_start3A_381 : memref<!tpu.dma_semaphore, #tpu.memory_space<semaphore_mem>>)
      } else {
      }
      %add3A_246 = arith.constant 1 : i32
      %add3A_247 = arith.addi %scan3A_236, %add3A_246 : i32
      %lt3A_248 = arith.constant 40 : i32
      %lt3A_249 = arith.cmpi slt, %add3A_247, %lt3A_248 : i32
      %convert_element_type3A_250 = arith.extui %lt3A_249 : i1 to i32
      %cond3A_251 = arith.constant 0 : i32
      %cond3A_252 = arith.cmpi ne, %convert_element_type3A_250, %cond3A_251 : i32
      scf.if %cond3A_252 {
        %dma_wait3A_349 = arith.constant 0 : i32
        %dma_wait3A_350 = arith.constant 0 : i32
        %dma_wait3A_351 = tpu.memref_slice %arg6[%and3A_241, %dma_wait3A_349, %dma_wait3A_350] : memref<4x4x64xi32, #tpu.memory_space<vmem>> -> memref<1x4x64xi32, #tpu.memory_space<vmem>>
        %dma_wait3A_352 = tpu.memref_squeeze %dma_wait3A_351 : memref<1x4x64xi32, #tpu.memory_space<vmem>> -> memref<4x64xi32, #tpu.memory_space<vmem>>
        %dma_wait3A_353 = arith.constant 0 : i32
        %dma_wait3A_354 = arith.constant 0 : i32
        %dma_wait3A_355 = tpu.memref_slice %arg2[%add3A, %dma_wait3A_353, %dma_wait3A_354] : memref<32x160x64xi32, #tpu.memory_space<hbm>> -> memref<1x4x64xi32, #tpu.memory_space<hbm>>
        %dma_wait3A_356 = tpu.memref_squeeze %dma_wait3A_355 : memref<1x4x64xi32, #tpu.memory_space<hbm>> -> memref<4x64xi32, #tpu.memory_space<hbm>>
        %dma_wait3A_357 = tpu.memref_slice %arg11[%and3A_241] : memref<4x!tpu.dma_semaphore, #tpu.memory_space<semaphore_mem>> -> memref<1x!tpu.dma_semaphore, #tpu.memory_space<semaphore_mem>>
        %dma_wait3A_358 = tpu.memref_squeeze %dma_wait3A_357 : memref<1x!tpu.dma_semaphore, #tpu.memory_space<semaphore_mem>> -> memref<!tpu.dma_semaphore, #tpu.memory_space<semaphore_mem>>
        %dma_wait3A_359 = arith.constant 0 : i32
        %dma_wait3A_360 = arith.constant 0 : i32
        %dma_wait3A_361 = tpu.memref_slice %arg6[%and3A_241, %dma_wait3A_359, %dma_wait3A_360] : memref<4x4x64xi32, #tpu.memory_space<vmem>> -> memref<1x4x64xi32, #tpu.memory_space<vmem>>
        %dma_wait3A_362 = tpu.memref_squeeze %dma_wait3A_361 : memref<1x4x64xi32, #tpu.memory_space<vmem>> -> memref<4x64xi32, #tpu.memory_space<vmem>>
        %dma_wait3A_363 = arith.constant 0 : i32
        %dma_wait3A_364 = arith.constant 0 : i32
        %dma_wait3A_365 = tpu.memref_slice %arg2[%add3A, %dma_wait3A_363, %dma_wait3A_364] : memref<32x160x64xi32, #tpu.memory_space<hbm>> -> memref<1x4x64xi32, #tpu.memory_space<hbm>>
        %dma_wait3A_366 = tpu.memref_squeeze %dma_wait3A_365 : memref<1x4x64xi32, #tpu.memory_space<hbm>> -> memref<4x64xi32, #tpu.memory_space<hbm>>
        tpu.wait_dma2 semaphore(%dma_wait3A_358 : memref<!tpu.dma_semaphore, #tpu.memory_space<semaphore_mem>>) src(%dma_wait3A_366 : memref<4x64xi32, #tpu.memory_space<hbm>>) dst(%dma_wait3A_362 : memref<4x64xi32, #tpu.memory_space<vmem>>)
        %dma_wait3A_367 = arith.constant 0 : i32
        %dma_wait3A_368 = arith.constant 0 : i32
        %dma_wait3A_369 = tpu.memref_slice %arg7[%and3A_241, %dma_wait3A_367, %dma_wait3A_368] : memref<4x4x64xi32, #tpu.memory_space<vmem>> -> memref<1x4x64xi32, #tpu.memory_space<vmem>>
        %dma_wait3A_370 = tpu.memref_squeeze %dma_wait3A_369 : memref<1x4x64xi32, #tpu.memory_space<vmem>> -> memref<4x64xi32, #tpu.memory_space<vmem>>
        %dma_wait3A_371 = arith.constant 0 : i32
        %dma_wait3A_372 = arith.constant 0 : i32
        %dma_wait3A_373 = tpu.memref_slice %arg3[%add3A, %dma_wait3A_371, %dma_wait3A_372] : memref<32x160x64xi32, #tpu.memory_space<hbm>> -> memref<1x4x64xi32, #tpu.memory_space<hbm>>
        %dma_wait3A_374 = tpu.memref_squeeze %dma_wait3A_373 : memref<1x4x64xi32, #tpu.memory_space<hbm>> -> memref<4x64xi32, #tpu.memory_space<hbm>>
        %dma_wait3A_375 = tpu.memref_slice %arg11[%and3A_241] : memref<4x!tpu.dma_semaphore, #tpu.memory_space<semaphore_mem>> -> memref<1x!tpu.dma_semaphore, #tpu.memory_space<semaphore_mem>>
        %dma_wait3A_376 = tpu.memref_squeeze %dma_wait3A_375 : memref<1x!tpu.dma_semaphore, #tpu.memory_space<semaphore_mem>> -> memref<!tpu.dma_semaphore, #tpu.memory_space<semaphore_mem>>
        %dma_wait3A_377 = arith.constant 0 : i32
        %dma_wait3A_378 = arith.constant 0 : i32
        %dma_wait3A_379 = tpu.memref_slice %arg7[%and3A_241, %dma_wait3A_377, %dma_wait3A_378] : memref<4x4x64xi32, #tpu.memory_space<vmem>> -> memref<1x4x64xi32, #tpu.memory_space<vmem>>
        %dma_wait3A_380 = tpu.memref_squeeze %dma_wait3A_379 : memref<1x4x64xi32, #tpu.memory_space<vmem>> -> memref<4x64xi32, #tpu.memory_space<vmem>>
        %dma_wait3A_381 = arith.constant 0 : i32
        %dma_wait3A_382 = arith.constant 0 : i32
        %dma_wait3A_383 = tpu.memref_slice %arg3[%add3A, %dma_wait3A_381, %dma_wait3A_382] : memref<32x160x64xi32, #tpu.memory_space<hbm>> -> memref<1x4x64xi32, #tpu.memory_space<hbm>>
        %dma_wait3A_384 = tpu.memref_squeeze %dma_wait3A_383 : memref<1x4x64xi32, #tpu.memory_space<hbm>> -> memref<4x64xi32, #tpu.memory_space<hbm>>
        tpu.wait_dma2 semaphore(%dma_wait3A_376 : memref<!tpu.dma_semaphore, #tpu.memory_space<semaphore_mem>>) src(%dma_wait3A_384 : memref<4x64xi32, #tpu.memory_space<hbm>>) dst(%dma_wait3A_380 : memref<4x64xi32, #tpu.memory_space<vmem>>)
      } else {
      }
      %dma_wait3A_253 = arith.constant 0 : i32
      %dma_wait3A_254 = arith.constant 0 : i32
      %dma_wait3A_255 = arith.constant 0 : i32
      %dma_wait3A_256 = arith.constant 0 : i32
      %dma_wait3A_257 = arith.constant 0 : i32
      %dma_wait3A_258 = tpu.memref_slice %arg8[%dma_wait3A_254, %dma_wait3A_256, %dma_wait3A_257] : memref<4x64x128xf32, #tpu.memory_space<vmem>> -> memref<1x64x128xf32, #tpu.memory_space<vmem>>
      %dma_wait3A_259 = tpu.memref_squeeze %dma_wait3A_258 : memref<1x64x128xf32, #tpu.memory_space<vmem>> -> memref<64x128xf32, #tpu.memory_space<vmem>>
      %dma_wait3A_260 = arith.constant 0 : i32
      %dma_wait3A_261 = tpu.memref_slice %arg6[%and3A_237, %dma_wait3A_253, %dma_wait3A_260] : memref<4x4x64xi32, #tpu.memory_space<vmem>> -> memref<1x1x64xi32, #tpu.memory_space<vmem>>
      %dma_wait3A_262 = tpu.memref_squeeze %dma_wait3A_261 : memref<1x1x64xi32, #tpu.memory_space<vmem>> -> memref<64xi32, #tpu.memory_space<vmem>>
      %dma_wait3A_263 = arith.constant 0 : i32
      %dma_wait3A_264 = arith.constant 0 : i32
      %dma_wait3A_265 = tpu.memref_slice %arg4[%dma_wait3A_263, %dma_wait3A_264] : memref<10240x128xf32, #tpu.memory_space<hbm>> -> memref<10240x128xf32, #tpu.memory_space<hbm>>
      %dma_wait3A_266 = tpu.memref_slice %arg10[%dma_wait3A_255] : memref<4x!tpu.dma_semaphore, #tpu.memory_space<semaphore_mem>> -> memref<1x!tpu.dma_semaphore, #tpu.memory_space<semaphore_mem>>
      %dma_wait3A_267 = tpu.memref_squeeze %dma_wait3A_266 : memref<1x!tpu.dma_semaphore, #tpu.memory_space<semaphore_mem>> -> memref<!tpu.dma_semaphore, #tpu.memory_space<semaphore_mem>>
      tpu.wait_indirect_dma semaphore(%dma_wait3A_267 : memref<!tpu.dma_semaphore, #tpu.memory_space<semaphore_mem>>) src(%dma_wait3A_265 : memref<10240x128xf32, #tpu.memory_space<hbm>>) dst(%dma_wait3A_259 : memref<64x128xf32, #tpu.memory_space<vmem>>)
      %run_scoped3A_268 = arith.constant 0 : i32
      %run_scoped3A_269 = arith.constant 0 : i32
      "tpu.region"() ({
        %run_scoped3A_349 = tpu.sem_alloc : memref<!tpu.dma_semaphore, #tpu.memory_space<semaphore_mem>>
        %dma_start3A_350 = arith.constant 0 : i32
        %dma_start3A_351 = arith.constant 0 : i32
        %dma_start3A_352 = tpu.memref_slice %arg8[%run_scoped3A_268, %dma_start3A_350, %dma_start3A_351] : memref<4x64x128xf32, #tpu.memory_space<vmem>> -> memref<1x64x128xf32, #tpu.memory_space<vmem>>
        %dma_start3A_353 = tpu.memref_squeeze %dma_start3A_352 : memref<1x64x128xf32, #tpu.memory_space<vmem>> -> memref<64x128xf32, #tpu.memory_space<vmem>>
        %dma_start3A_354 = arith.constant 0 : i32
        %dma_start3A_355 = tpu.memref_slice %arg7[%and3A_237, %run_scoped3A_269, %dma_start3A_354] : memref<4x4x64xi32, #tpu.memory_space<vmem>> -> memref<1x1x64xi32, #tpu.memory_space<vmem>>
        %dma_start3A_356 = tpu.memref_squeeze %dma_start3A_355 : memref<1x1x64xi32, #tpu.memory_space<vmem>> -> memref<64xi32, #tpu.memory_space<vmem>>
        %dma_start3A_357 = arith.constant 0 : i32
        %dma_start3A_358 = arith.constant 0 : i32
        %dma_start3A_359 = tpu.memref_slice %arg9[%dma_start3A_357, %dma_start3A_358] : memref<10240x128xf32, #tpu.memory_space<vmem_shared>> -> memref<10240x128xf32, #tpu.memory_space<vmem_shared>>
        tpu.enqueue_indirect_dma source(%dma_start3A_353 : memref<64x128xf32, #tpu.memory_space<vmem>>) target(%dma_start3A_359 : memref<10240x128xf32, #tpu.memory_space<vmem_shared>>) offsets(%dma_start3A_356 : memref<64xi32, #tpu.memory_space<vmem>>) semaphore(%run_scoped3A_349 : memref<!tpu.dma_semaphore, #tpu.memory_space<semaphore_mem>>) {add = true}
        %dma_wait3A_360 = arith.constant 0 : i32
        %dma_wait3A_361 = arith.constant 0 : i32
        %dma_wait3A_362 = tpu.memref_slice %arg8[%run_scoped3A_268, %dma_wait3A_360, %dma_wait3A_361] : memref<4x64x128xf32, #tpu.memory_space<vmem>> -> memref<1x64x128xf32, #tpu.memory_space<vmem>>
        %dma_wait3A_363 = tpu.memref_squeeze %dma_wait3A_362 : memref<1x64x128xf32, #tpu.memory_space<vmem>> -> memref<64x128xf32, #tpu.memory_space<vmem>>
        %dma_wait3A_364 = arith.constant 0 : i32
        %dma_wait3A_365 = tpu.memref_slice %arg7[%and3A_237, %run_scoped3A_269, %dma_wait3A_364] : memref<4x4x64xi32, #tpu.memory_space<vmem>> -> memref<1x1x64xi32, #tpu.memory_space<vmem>>
        %dma_wait3A_366 = tpu.memref_squeeze %dma_wait3A_365 : memref<1x1x64xi32, #tpu.memory_space<vmem>> -> memref<64xi32, #tpu.memory_space<vmem>>
        %dma_wait3A_367 = arith.constant 0 : i32
        %dma_wait3A_368 = arith.constant 0 : i32
        %dma_wait3A_369 = tpu.memref_slice %arg9[%dma_wait3A_367, %dma_wait3A_368] : memref<10240x128xf32, #tpu.memory_space<vmem_shared>> -> memref<10240x128xf32, #tpu.memory_space<vmem_shared>>
        tpu.wait_indirect_dma semaphore(%run_scoped3A_349 : memref<!tpu.dma_semaphore, #tpu.memory_space<semaphore_mem>>) src(%dma_wait3A_363 : memref<64x128xf32, #tpu.memory_space<vmem>>) dst(%dma_wait3A_369 : memref<10240x128xf32, #tpu.memory_space<vmem_shared>>)
        tpu.yield
      }) : () -> ()
      %add3A_270 = arith.constant 1 : i32
      %add3A_271 = arith.addi %scan3A_236, %add3A_270 : i32
      %lt3A_272 = arith.constant 40 : i32
      %lt3A_273 = arith.cmpi slt, %add3A_271, %lt3A_272 : i32
      %convert_element_type3A_274 = arith.extui %lt3A_273 : i1 to i32
      %cond3A_275 = arith.constant 0 : i32
      %cond3A_276 = arith.cmpi ne, %convert_element_type3A_274, %cond3A_275 : i32
      scf.if %cond3A_276 {
        %dma_start3A_349 = arith.constant 0 : i32
        %dma_start3A_350 = arith.constant 0 : i32
        %dma_start3A_351 = arith.constant 0 : i32
        %dma_start3A_352 = arith.constant 0 : i32
        %dma_start3A_353 = arith.constant 0 : i32
        %dma_start3A_354 = tpu.memref_slice %arg8[%dma_start3A_350, %dma_start3A_352, %dma_start3A_353] : memref<4x64x128xf32, #tpu.memory_space<vmem>> -> memref<1x64x128xf32, #tpu.memory_space<vmem>>
        %dma_start3A_355 = tpu.memref_squeeze %dma_start3A_354 : memref<1x64x128xf32, #tpu.memory_space<vmem>> -> memref<64x128xf32, #tpu.memory_space<vmem>>
        %dma_start3A_356 = arith.constant 0 : i32
        %dma_start3A_357 = tpu.memref_slice %arg6[%and3A_241, %dma_start3A_349, %dma_start3A_356] : memref<4x4x64xi32, #tpu.memory_space<vmem>> -> memref<1x1x64xi32, #tpu.memory_space<vmem>>
        %dma_start3A_358 = tpu.memref_squeeze %dma_start3A_357 : memref<1x1x64xi32, #tpu.memory_space<vmem>> -> memref<64xi32, #tpu.memory_space<vmem>>
        %dma_start3A_359 = arith.constant 0 : i32
        %dma_start3A_360 = arith.constant 0 : i32
        %dma_start3A_361 = tpu.memref_slice %arg4[%dma_start3A_359, %dma_start3A_360] : memref<10240x128xf32, #tpu.memory_space<hbm>> -> memref<10240x128xf32, #tpu.memory_space<hbm>>
        %dma_start3A_362 = tpu.memref_slice %arg10[%dma_start3A_351] : memref<4x!tpu.dma_semaphore, #tpu.memory_space<semaphore_mem>> -> memref<1x!tpu.dma_semaphore, #tpu.memory_space<semaphore_mem>>
        %dma_start3A_363 = tpu.memref_squeeze %dma_start3A_362 : memref<1x!tpu.dma_semaphore, #tpu.memory_space<semaphore_mem>> -> memref<!tpu.dma_semaphore, #tpu.memory_space<semaphore_mem>>
        tpu.enqueue_indirect_dma source(%dma_start3A_361 : memref<10240x128xf32, #tpu.memory_space<hbm>>) target(%dma_start3A_355 : memref<64x128xf32, #tpu.memory_space<vmem>>) offsets(%dma_start3A_358 : memref<64xi32, #tpu.memory_space<vmem>>) semaphore(%dma_start3A_363 : memref<!tpu.dma_semaphore, #tpu.memory_space<semaphore_mem>>)
      } else {
      }
      %dma_wait3A_277 = arith.constant 1 : i32
      %dma_wait3A_278 = arith.constant 1 : i32
      %dma_wait3A_279 = arith.constant 1 : i32
      %dma_wait3A_280 = arith.constant 0 : i32
      %dma_wait3A_281 = arith.constant 0 : i32
      %dma_wait3A_282 = tpu.memref_slice %arg8[%dma_wait3A_278, %dma_wait3A_280, %dma_wait3A_281] : memref<4x64x128xf32, #tpu.memory_space<vmem>> -> memref<1x64x128xf32, #tpu.memory_space<vmem>>
      %dma_wait3A_283 = tpu.memref_squeeze %dma_wait3A_282 : memref<1x64x128xf32, #tpu.memory_space<vmem>> -> memref<64x128xf32, #tpu.memory_space<vmem>>
      %dma_wait3A_284 = arith.constant 0 : i32
      %dma_wait3A_285 = tpu.memref_slice %arg6[%and3A_237, %dma_wait3A_277, %dma_wait3A_284] : memref<4x4x64xi32, #tpu.memory_space<vmem>> -> memref<1x1x64xi32, #tpu.memory_space<vmem>>
      %dma_wait3A_286 = tpu.memref_squeeze %dma_wait3A_285 : memref<1x1x64xi32, #tpu.memory_space<vmem>> -> memref<64xi32, #tpu.memory_space<vmem>>
      %dma_wait3A_287 = arith.constant 0 : i32
      %dma_wait3A_288 = arith.constant 0 : i32
      %dma_wait3A_289 = tpu.memref_slice %arg4[%dma_wait3A_287, %dma_wait3A_288] : memref<10240x128xf32, #tpu.memory_space<hbm>> -> memref<10240x128xf32, #tpu.memory_space<hbm>>
      %dma_wait3A_290 = tpu.memref_slice %arg10[%dma_wait3A_279] : memref<4x!tpu.dma_semaphore, #tpu.memory_space<semaphore_mem>> -> memref<1x!tpu.dma_semaphore, #tpu.memory_space<semaphore_mem>>
      %dma_wait3A_291 = tpu.memref_squeeze %dma_wait3A_290 : memref<1x!tpu.dma_semaphore, #tpu.memory_space<semaphore_mem>> -> memref<!tpu.dma_semaphore, #tpu.memory_space<semaphore_mem>>
      tpu.wait_indirect_dma semaphore(%dma_wait3A_291 : memref<!tpu.dma_semaphore, #tpu.memory_space<semaphore_mem>>) src(%dma_wait3A_289 : memref<10240x128xf32, #tpu.memory_space<hbm>>) dst(%dma_wait3A_283 : memref<64x128xf32, #tpu.memory_space<vmem>>)
      %run_scoped3A_292 = arith.constant 1 : i32
      %run_scoped3A_293 = arith.constant 1 : i32
      "tpu.region"() ({
        %run_scoped3A_349 = tpu.sem_alloc : memref<!tpu.dma_semaphore, #tpu.memory_space<semaphore_mem>>
        %dma_start3A_350 = arith.constant 0 : i32
        %dma_start3A_351 = arith.constant 0 : i32
        %dma_start3A_352 = tpu.memref_slice %arg8[%run_scoped3A_292, %dma_start3A_350, %dma_start3A_351] : memref<4x64x128xf32, #tpu.memory_space<vmem>> -> memref<1x64x128xf32, #tpu.memory_space<vmem>>
        %dma_start3A_353 = tpu.memref_squeeze %dma_start3A_352 : memref<1x64x128xf32, #tpu.memory_space<vmem>> -> memref<64x128xf32, #tpu.memory_space<vmem>>
        %dma_start3A_354 = arith.constant 0 : i32
        %dma_start3A_355 = tpu.memref_slice %arg7[%and3A_237, %run_scoped3A_293, %dma_start3A_354] : memref<4x4x64xi32, #tpu.memory_space<vmem>> -> memref<1x1x64xi32, #tpu.memory_space<vmem>>
        %dma_start3A_356 = tpu.memref_squeeze %dma_start3A_355 : memref<1x1x64xi32, #tpu.memory_space<vmem>> -> memref<64xi32, #tpu.memory_space<vmem>>
        %dma_start3A_357 = arith.constant 0 : i32
        %dma_start3A_358 = arith.constant 0 : i32
        %dma_start3A_359 = tpu.memref_slice %arg9[%dma_start3A_357, %dma_start3A_358] : memref<10240x128xf32, #tpu.memory_space<vmem_shared>> -> memref<10240x128xf32, #tpu.memory_space<vmem_shared>>
        tpu.enqueue_indirect_dma source(%dma_start3A_353 : memref<64x128xf32, #tpu.memory_space<vmem>>) target(%dma_start3A_359 : memref<10240x128xf32, #tpu.memory_space<vmem_shared>>) offsets(%dma_start3A_356 : memref<64xi32, #tpu.memory_space<vmem>>) semaphore(%run_scoped3A_349 : memref<!tpu.dma_semaphore, #tpu.memory_space<semaphore_mem>>) {add = true}
        %dma_wait3A_360 = arith.constant 0 : i32
        %dma_wait3A_361 = arith.constant 0 : i32
        %dma_wait3A_362 = tpu.memref_slice %arg8[%run_scoped3A_292, %dma_wait3A_360, %dma_wait3A_361] : memref<4x64x128xf32, #tpu.memory_space<vmem>> -> memref<1x64x128xf32, #tpu.memory_space<vmem>>
        %dma_wait3A_363 = tpu.memref_squeeze %dma_wait3A_362 : memref<1x64x128xf32, #tpu.memory_space<vmem>> -> memref<64x128xf32, #tpu.memory_space<vmem>>
        %dma_wait3A_364 = arith.constant 0 : i32
        %dma_wait3A_365 = tpu.memref_slice %arg7[%and3A_237, %run_scoped3A_293, %dma_wait3A_364] : memref<4x4x64xi32, #tpu.memory_space<vmem>> -> memref<1x1x64xi32, #tpu.memory_space<vmem>>
        %dma_wait3A_366 = tpu.memref_squeeze %dma_wait3A_365 : memref<1x1x64xi32, #tpu.memory_space<vmem>> -> memref<64xi32, #tpu.memory_space<vmem>>
        %dma_wait3A_367 = arith.constant 0 : i32
        %dma_wait3A_368 = arith.constant 0 : i32
        %dma_wait3A_369 = tpu.memref_slice %arg9[%dma_wait3A_367, %dma_wait3A_368] : memref<10240x128xf32, #tpu.memory_space<vmem_shared>> -> memref<10240x128xf32, #tpu.memory_space<vmem_shared>>
        tpu.wait_indirect_dma semaphore(%run_scoped3A_349 : memref<!tpu.dma_semaphore, #tpu.memory_space<semaphore_mem>>) src(%dma_wait3A_363 : memref<64x128xf32, #tpu.memory_space<vmem>>) dst(%dma_wait3A_369 : memref<10240x128xf32, #tpu.memory_space<vmem_shared>>)
        tpu.yield
      }) : () -> ()
      %add3A_294 = arith.constant 1 : i32
      %add3A_295 = arith.addi %scan3A_236, %add3A_294 : i32
      %lt3A_296 = arith.constant 40 : i32
      %lt3A_297 = arith.cmpi slt, %add3A_295, %lt3A_296 : i32
      %convert_element_type3A_298 = arith.extui %lt3A_297 : i1 to i32
      %cond3A_299 = arith.constant 0 : i32
      %cond3A_300 = arith.cmpi ne, %convert_element_type3A_298, %cond3A_299 : i32
      scf.if %cond3A_300 {
        %dma_start3A_349 = arith.constant 1 : i32
        %dma_start3A_350 = arith.constant 1 : i32
        %dma_start3A_351 = arith.constant 1 : i32
        %dma_start3A_352 = arith.constant 0 : i32
        %dma_start3A_353 = arith.constant 0 : i32
        %dma_start3A_354 = tpu.memref_slice %arg8[%dma_start3A_350, %dma_start3A_352, %dma_start3A_353] : memref<4x64x128xf32, #tpu.memory_space<vmem>> -> memref<1x64x128xf32, #tpu.memory_space<vmem>>
        %dma_start3A_355 = tpu.memref_squeeze %dma_start3A_354 : memref<1x64x128xf32, #tpu.memory_space<vmem>> -> memref<64x128xf32, #tpu.memory_space<vmem>>
        %dma_start3A_356 = arith.constant 0 : i32
        %dma_start3A_357 = tpu.memref_slice %arg6[%and3A_241, %dma_start3A_349, %dma_start3A_356] : memref<4x4x64xi32, #tpu.memory_space<vmem>> -> memref<1x1x64xi32, #tpu.memory_space<vmem>>
        %dma_start3A_358 = tpu.memref_squeeze %dma_start3A_357 : memref<1x1x64xi32, #tpu.memory_space<vmem>> -> memref<64xi32, #tpu.memory_space<vmem>>
        %dma_start3A_359 = arith.constant 0 : i32
        %dma_start3A_360 = arith.constant 0 : i32
        %dma_start3A_361 = tpu.memref_slice %arg4[%dma_start3A_359, %dma_start3A_360] : memref<10240x128xf32, #tpu.memory_space<hbm>> -> memref<10240x128xf32, #tpu.memory_space<hbm>>
        %dma_start3A_362 = tpu.memref_slice %arg10[%dma_start3A_351] : memref<4x!tpu.dma_semaphore, #tpu.memory_space<semaphore_mem>> -> memref<1x!tpu.dma_semaphore, #tpu.memory_space<semaphore_mem>>
        %dma_start3A_363 = tpu.memref_squeeze %dma_start3A_362 : memref<1x!tpu.dma_semaphore, #tpu.memory_space<semaphore_mem>> -> memref<!tpu.dma_semaphore, #tpu.memory_space<semaphore_mem>>
        tpu.enqueue_indirect_dma source(%dma_start3A_361 : memref<10240x128xf32, #tpu.memory_space<hbm>>) target(%dma_start3A_355 : memref<64x128xf32, #tpu.memory_space<vmem>>) offsets(%dma_start3A_358 : memref<64xi32, #tpu.memory_space<vmem>>) semaphore(%dma_start3A_363 : memref<!tpu.dma_semaphore, #tpu.memory_space<semaphore_mem>>)
      } else {
      }
      %dma_wait3A_301 = arith.constant 2 : i32
      %dma_wait3A_302 = arith.constant 2 : i32
      %dma_wait3A_303 = arith.constant 2 : i32
      %dma_wait3A_304 = arith.constant 0 : i32
      %dma_wait3A_305 = arith.constant 0 : i32
      %dma_wait3A_306 = tpu.memref_slice %arg8[%dma_wait3A_302, %dma_wait3A_304, %dma_wait3A_305] : memref<4x64x128xf32, #tpu.memory_space<vmem>> -> memref<1x64x128xf32, #tpu.memory_space<vmem>>
      %dma_wait3A_307 = tpu.memref_squeeze %dma_wait3A_306 : memref<1x64x128xf32, #tpu.memory_space<vmem>> -> memref<64x128xf32, #tpu.memory_space<vmem>>
      %dma_wait3A_308 = arith.constant 0 : i32
      %dma_wait3A_309 = tpu.memref_slice %arg6[%and3A_237, %dma_wait3A_301, %dma_wait3A_308] : memref<4x4x64xi32, #tpu.memory_space<vmem>> -> memref<1x1x64xi32, #tpu.memory_space<vmem>>
      %dma_wait3A_310 = tpu.memref_squeeze %dma_wait3A_309 : memref<1x1x64xi32, #tpu.memory_space<vmem>> -> memref<64xi32, #tpu.memory_space<vmem>>
      %dma_wait3A_311 = arith.constant 0 : i32
      %dma_wait3A_312 = arith.constant 0 : i32
      %dma_wait3A_313 = tpu.memref_slice %arg4[%dma_wait3A_311, %dma_wait3A_312] : memref<10240x128xf32, #tpu.memory_space<hbm>> -> memref<10240x128xf32, #tpu.memory_space<hbm>>
      %dma_wait3A_314 = tpu.memref_slice %arg10[%dma_wait3A_303] : memref<4x!tpu.dma_semaphore, #tpu.memory_space<semaphore_mem>> -> memref<1x!tpu.dma_semaphore, #tpu.memory_space<semaphore_mem>>
      %dma_wait3A_315 = tpu.memref_squeeze %dma_wait3A_314 : memref<1x!tpu.dma_semaphore, #tpu.memory_space<semaphore_mem>> -> memref<!tpu.dma_semaphore, #tpu.memory_space<semaphore_mem>>
      tpu.wait_indirect_dma semaphore(%dma_wait3A_315 : memref<!tpu.dma_semaphore, #tpu.memory_space<semaphore_mem>>) src(%dma_wait3A_313 : memref<10240x128xf32, #tpu.memory_space<hbm>>) dst(%dma_wait3A_307 : memref<64x128xf32, #tpu.memory_space<vmem>>)
      %run_scoped3A_316 = arith.constant 2 : i32
      %run_scoped3A_317 = arith.constant 2 : i32
      "tpu.region"() ({
        %run_scoped3A_349 = tpu.sem_alloc : memref<!tpu.dma_semaphore, #tpu.memory_space<semaphore_mem>>
        %dma_start3A_350 = arith.constant 0 : i32
        %dma_start3A_351 = arith.constant 0 : i32
        %dma_start3A_352 = tpu.memref_slice %arg8[%run_scoped3A_316, %dma_start3A_350, %dma_start3A_351] : memref<4x64x128xf32, #tpu.memory_space<vmem>> -> memref<1x64x128xf32, #tpu.memory_space<vmem>>
        %dma_start3A_353 = tpu.memref_squeeze %dma_start3A_352 : memref<1x64x128xf32, #tpu.memory_space<vmem>> -> memref<64x128xf32, #tpu.memory_space<vmem>>
        %dma_start3A_354 = arith.constant 0 : i32
        %dma_start3A_355 = tpu.memref_slice %arg7[%and3A_237, %run_scoped3A_317, %dma_start3A_354] : memref<4x4x64xi32, #tpu.memory_space<vmem>> -> memref<1x1x64xi32, #tpu.memory_space<vmem>>
        %dma_start3A_356 = tpu.memref_squeeze %dma_start3A_355 : memref<1x1x64xi32, #tpu.memory_space<vmem>> -> memref<64xi32, #tpu.memory_space<vmem>>
        %dma_start3A_357 = arith.constant 0 : i32
        %dma_start3A_358 = arith.constant 0 : i32
        %dma_start3A_359 = tpu.memref_slice %arg9[%dma_start3A_357, %dma_start3A_358] : memref<10240x128xf32, #tpu.memory_space<vmem_shared>> -> memref<10240x128xf32, #tpu.memory_space<vmem_shared>>
        tpu.enqueue_indirect_dma source(%dma_start3A_353 : memref<64x128xf32, #tpu.memory_space<vmem>>) target(%dma_start3A_359 : memref<10240x128xf32, #tpu.memory_space<vmem_shared>>) offsets(%dma_start3A_356 : memref<64xi32, #tpu.memory_space<vmem>>) semaphore(%run_scoped3A_349 : memref<!tpu.dma_semaphore, #tpu.memory_space<semaphore_mem>>) {add = true}
        %dma_wait3A_360 = arith.constant 0 : i32
        %dma_wait3A_361 = arith.constant 0 : i32
        %dma_wait3A_362 = tpu.memref_slice %arg8[%run_scoped3A_316, %dma_wait3A_360, %dma_wait3A_361] : memref<4x64x128xf32, #tpu.memory_space<vmem>> -> memref<1x64x128xf32, #tpu.memory_space<vmem>>
        %dma_wait3A_363 = tpu.memref_squeeze %dma_wait3A_362 : memref<1x64x128xf32, #tpu.memory_space<vmem>> -> memref<64x128xf32, #tpu.memory_space<vmem>>
        %dma_wait3A_364 = arith.constant 0 : i32
        %dma_wait3A_365 = tpu.memref_slice %arg7[%and3A_237, %run_scoped3A_317, %dma_wait3A_364] : memref<4x4x64xi32, #tpu.memory_space<vmem>> -> memref<1x1x64xi32, #tpu.memory_space<vmem>>
        %dma_wait3A_366 = tpu.memref_squeeze %dma_wait3A_365 : memref<1x1x64xi32, #tpu.memory_space<vmem>> -> memref<64xi32, #tpu.memory_space<vmem>>
        %dma_wait3A_367 = arith.constant 0 : i32
        %dma_wait3A_368 = arith.constant 0 : i32
        %dma_wait3A_369 = tpu.memref_slice %arg9[%dma_wait3A_367, %dma_wait3A_368] : memref<10240x128xf32, #tpu.memory_space<vmem_shared>> -> memref<10240x128xf32, #tpu.memory_space<vmem_shared>>
        tpu.wait_indirect_dma semaphore(%run_scoped3A_349 : memref<!tpu.dma_semaphore, #tpu.memory_space<semaphore_mem>>) src(%dma_wait3A_363 : memref<64x128xf32, #tpu.memory_space<vmem>>) dst(%dma_wait3A_369 : memref<10240x128xf32, #tpu.memory_space<vmem_shared>>)
        tpu.yield
      }) : () -> ()
      %add3A_318 = arith.constant 1 : i32
      %add3A_319 = arith.addi %scan3A_236, %add3A_318 : i32
      %lt3A_320 = arith.constant 40 : i32
      %lt3A_321 = arith.cmpi slt, %add3A_319, %lt3A_320 : i32
      %convert_element_type3A_322 = arith.extui %lt3A_321 : i1 to i32
      %cond3A_323 = arith.constant 0 : i32
      %cond3A_324 = arith.cmpi ne, %convert_element_type3A_322, %cond3A_323 : i32
      scf.if %cond3A_324 {
        %dma_start3A_349 = arith.constant 2 : i32
        %dma_start3A_350 = arith.constant 2 : i32
        %dma_start3A_351 = arith.constant 2 : i32
        %dma_start3A_352 = arith.constant 0 : i32
        %dma_start3A_353 = arith.constant 0 : i32
        %dma_start3A_354 = tpu.memref_slice %arg8[%dma_start3A_350, %dma_start3A_352, %dma_start3A_353] : memref<4x64x128xf32, #tpu.memory_space<vmem>> -> memref<1x64x128xf32, #tpu.memory_space<vmem>>
        %dma_start3A_355 = tpu.memref_squeeze %dma_start3A_354 : memref<1x64x128xf32, #tpu.memory_space<vmem>> -> memref<64x128xf32, #tpu.memory_space<vmem>>
        %dma_start3A_356 = arith.constant 0 : i32
        %dma_start3A_357 = tpu.memref_slice %arg6[%and3A_241, %dma_start3A_349, %dma_start3A_356] : memref<4x4x64xi32, #tpu.memory_space<vmem>> -> memref<1x1x64xi32, #tpu.memory_space<vmem>>
        %dma_start3A_358 = tpu.memref_squeeze %dma_start3A_357 : memref<1x1x64xi32, #tpu.memory_space<vmem>> -> memref<64xi32, #tpu.memory_space<vmem>>
        %dma_start3A_359 = arith.constant 0 : i32
        %dma_start3A_360 = arith.constant 0 : i32
        %dma_start3A_361 = tpu.memref_slice %arg4[%dma_start3A_359, %dma_start3A_360] : memref<10240x128xf32, #tpu.memory_space<hbm>> -> memref<10240x128xf32, #tpu.memory_space<hbm>>
        %dma_start3A_362 = tpu.memref_slice %arg10[%dma_start3A_351] : memref<4x!tpu.dma_semaphore, #tpu.memory_space<semaphore_mem>> -> memref<1x!tpu.dma_semaphore, #tpu.memory_space<semaphore_mem>>
        %dma_start3A_363 = tpu.memref_squeeze %dma_start3A_362 : memref<1x!tpu.dma_semaphore, #tpu.memory_space<semaphore_mem>> -> memref<!tpu.dma_semaphore, #tpu.memory_space<semaphore_mem>>
        tpu.enqueue_indirect_dma source(%dma_start3A_361 : memref<10240x128xf32, #tpu.memory_space<hbm>>) target(%dma_start3A_355 : memref<64x128xf32, #tpu.memory_space<vmem>>) offsets(%dma_start3A_358 : memref<64xi32, #tpu.memory_space<vmem>>) semaphore(%dma_start3A_363 : memref<!tpu.dma_semaphore, #tpu.memory_space<semaphore_mem>>)
      } else {
      }
      %dma_wait3A_325 = arith.constant 3 : i32
      %dma_wait3A_326 = arith.constant 3 : i32
      %dma_wait3A_327 = arith.constant 3 : i32
      %dma_wait3A_328 = arith.constant 0 : i32
      %dma_wait3A_329 = arith.constant 0 : i32
      %dma_wait3A_330 = tpu.memref_slice %arg8[%dma_wait3A_326, %dma_wait3A_328, %dma_wait3A_329] : memref<4x64x128xf32, #tpu.memory_space<vmem>> -> memref<1x64x128xf32, #tpu.memory_space<vmem>>
      %dma_wait3A_331 = tpu.memref_squeeze %dma_wait3A_330 : memref<1x64x128xf32, #tpu.memory_space<vmem>> -> memref<64x128xf32, #tpu.memory_space<vmem>>
      %dma_wait3A_332 = arith.constant 0 : i32
      %dma_wait3A_333 = tpu.memref_slice %arg6[%and3A_237, %dma_wait3A_325, %dma_wait3A_332] : memref<4x4x64xi32, #tpu.memory_space<vmem>> -> memref<1x1x64xi32, #tpu.memory_space<vmem>>
      %dma_wait3A_334 = tpu.memref_squeeze %dma_wait3A_333 : memref<1x1x64xi32, #tpu.memory_space<vmem>> -> memref<64xi32, #tpu.memory_space<vmem>>
      %dma_wait3A_335 = arith.constant 0 : i32
      %dma_wait3A_336 = arith.constant 0 : i32
      %dma_wait3A_337 = tpu.memref_slice %arg4[%dma_wait3A_335, %dma_wait3A_336] : memref<10240x128xf32, #tpu.memory_space<hbm>> -> memref<10240x128xf32, #tpu.memory_space<hbm>>
      %dma_wait3A_338 = tpu.memref_slice %arg10[%dma_wait3A_327] : memref<4x!tpu.dma_semaphore, #tpu.memory_space<semaphore_mem>> -> memref<1x!tpu.dma_semaphore, #tpu.memory_space<semaphore_mem>>
      %dma_wait3A_339 = tpu.memref_squeeze %dma_wait3A_338 : memref<1x!tpu.dma_semaphore, #tpu.memory_space<semaphore_mem>> -> memref<!tpu.dma_semaphore, #tpu.memory_space<semaphore_mem>>
      tpu.wait_indirect_dma semaphore(%dma_wait3A_339 : memref<!tpu.dma_semaphore, #tpu.memory_space<semaphore_mem>>) src(%dma_wait3A_337 : memref<10240x128xf32, #tpu.memory_space<hbm>>) dst(%dma_wait3A_331 : memref<64x128xf32, #tpu.memory_space<vmem>>)
      %run_scoped3A_340 = arith.constant 3 : i32
      %run_scoped3A_341 = arith.constant 3 : i32
      "tpu.region"() ({
        %run_scoped3A_349 = tpu.sem_alloc : memref<!tpu.dma_semaphore, #tpu.memory_space<semaphore_mem>>
        %dma_start3A_350 = arith.constant 0 : i32
        %dma_start3A_351 = arith.constant 0 : i32
        %dma_start3A_352 = tpu.memref_slice %arg8[%run_scoped3A_340, %dma_start3A_350, %dma_start3A_351] : memref<4x64x128xf32, #tpu.memory_space<vmem>> -> memref<1x64x128xf32, #tpu.memory_space<vmem>>
        %dma_start3A_353 = tpu.memref_squeeze %dma_start3A_352 : memref<1x64x128xf32, #tpu.memory_space<vmem>> -> memref<64x128xf32, #tpu.memory_space<vmem>>
        %dma_start3A_354 = arith.constant 0 : i32
        %dma_start3A_355 = tpu.memref_slice %arg7[%and3A_237, %run_scoped3A_341, %dma_start3A_354] : memref<4x4x64xi32, #tpu.memory_space<vmem>> -> memref<1x1x64xi32, #tpu.memory_space<vmem>>
        %dma_start3A_356 = tpu.memref_squeeze %dma_start3A_355 : memref<1x1x64xi32, #tpu.memory_space<vmem>> -> memref<64xi32, #tpu.memory_space<vmem>>
        %dma_start3A_357 = arith.constant 0 : i32
        %dma_start3A_358 = arith.constant 0 : i32
        %dma_start3A_359 = tpu.memref_slice %arg9[%dma_start3A_357, %dma_start3A_358] : memref<10240x128xf32, #tpu.memory_space<vmem_shared>> -> memref<10240x128xf32, #tpu.memory_space<vmem_shared>>
        tpu.enqueue_indirect_dma source(%dma_start3A_353 : memref<64x128xf32, #tpu.memory_space<vmem>>) target(%dma_start3A_359 : memref<10240x128xf32, #tpu.memory_space<vmem_shared>>) offsets(%dma_start3A_356 : memref<64xi32, #tpu.memory_space<vmem>>) semaphore(%run_scoped3A_349 : memref<!tpu.dma_semaphore, #tpu.memory_space<semaphore_mem>>) {add = true}
        %dma_wait3A_360 = arith.constant 0 : i32
        %dma_wait3A_361 = arith.constant 0 : i32
        %dma_wait3A_362 = tpu.memref_slice %arg8[%run_scoped3A_340, %dma_wait3A_360, %dma_wait3A_361] : memref<4x64x128xf32, #tpu.memory_space<vmem>> -> memref<1x64x128xf32, #tpu.memory_space<vmem>>
        %dma_wait3A_363 = tpu.memref_squeeze %dma_wait3A_362 : memref<1x64x128xf32, #tpu.memory_space<vmem>> -> memref<64x128xf32, #tpu.memory_space<vmem>>
        %dma_wait3A_364 = arith.constant 0 : i32
        %dma_wait3A_365 = tpu.memref_slice %arg7[%and3A_237, %run_scoped3A_341, %dma_wait3A_364] : memref<4x4x64xi32, #tpu.memory_space<vmem>> -> memref<1x1x64xi32, #tpu.memory_space<vmem>>
        %dma_wait3A_366 = tpu.memref_squeeze %dma_wait3A_365 : memref<1x1x64xi32, #tpu.memory_space<vmem>> -> memref<64xi32, #tpu.memory_space<vmem>>
        %dma_wait3A_367 = arith.constant 0 : i32
        %dma_wait3A_368 = arith.constant 0 : i32
        %dma_wait3A_369 = tpu.memref_slice %arg9[%dma_wait3A_367, %dma_wait3A_368] : memref<10240x128xf32, #tpu.memory_space<vmem_shared>> -> memref<10240x128xf32, #tpu.memory_space<vmem_shared>>
        tpu.wait_indirect_dma semaphore(%run_scoped3A_349 : memref<!tpu.dma_semaphore, #tpu.memory_space<semaphore_mem>>) src(%dma_wait3A_363 : memref<64x128xf32, #tpu.memory_space<vmem>>) dst(%dma_wait3A_369 : memref<10240x128xf32, #tpu.memory_space<vmem_shared>>)
        tpu.yield
      }) : () -> ()
      %add3A_342 = arith.constant 1 : i32
      %add3A_343 = arith.addi %scan3A_236, %add3A_342 : i32
      %lt3A_344 = arith.constant 40 : i32
      %lt3A_345 = arith.cmpi slt, %add3A_343, %lt3A_344 : i32
      %convert_element_type3A_346 = arith.extui %lt3A_345 : i1 to i32
      %cond3A_347 = arith.constant 0 : i32
      %cond3A_348 = arith.cmpi ne, %convert_element_type3A_346, %cond3A_347 : i32
      scf.if %cond3A_348 {
        %dma_start3A_349 = arith.constant 3 : i32
        %dma_start3A_350 = arith.constant 3 : i32
        %dma_start3A_351 = arith.constant 3 : i32
        %dma_start3A_352 = arith.constant 0 : i32
        %dma_start3A_353 = arith.constant 0 : i32
        %dma_start3A_354 = tpu.memref_slice %arg8[%dma_start3A_350, %dma_start3A_352, %dma_start3A_353] : memref<4x64x128xf32, #tpu.memory_space<vmem>> -> memref<1x64x128xf32, #tpu.memory_space<vmem>>
        %dma_start3A_355 = tpu.memref_squeeze %dma_start3A_354 : memref<1x64x128xf32, #tpu.memory_space<vmem>> -> memref<64x128xf32, #tpu.memory_space<vmem>>
        %dma_start3A_356 = arith.constant 0 : i32
        %dma_start3A_357 = tpu.memref_slice %arg6[%and3A_241, %dma_start3A_349, %dma_start3A_356] : memref<4x4x64xi32, #tpu.memory_space<vmem>> -> memref<1x1x64xi32, #tpu.memory_space<vmem>>
        %dma_start3A_358 = tpu.memref_squeeze %dma_start3A_357 : memref<1x1x64xi32, #tpu.memory_space<vmem>> -> memref<64xi32, #tpu.memory_space<vmem>>
        %dma_start3A_359 = arith.constant 0 : i32
        %dma_start3A_360 = arith.constant 0 : i32
        %dma_start3A_361 = tpu.memref_slice %arg4[%dma_start3A_359, %dma_start3A_360] : memref<10240x128xf32, #tpu.memory_space<hbm>> -> memref<10240x128xf32, #tpu.memory_space<hbm>>
        %dma_start3A_362 = tpu.memref_slice %arg10[%dma_start3A_351] : memref<4x!tpu.dma_semaphore, #tpu.memory_space<semaphore_mem>> -> memref<1x!tpu.dma_semaphore, #tpu.memory_space<semaphore_mem>>
        %dma_start3A_363 = tpu.memref_squeeze %dma_start3A_362 : memref<1x!tpu.dma_semaphore, #tpu.memory_space<semaphore_mem>> -> memref<!tpu.dma_semaphore, #tpu.memory_space<semaphore_mem>>
        tpu.enqueue_indirect_dma source(%dma_start3A_361 : memref<10240x128xf32, #tpu.memory_space<hbm>>) target(%dma_start3A_355 : memref<64x128xf32, #tpu.memory_space<vmem>>) offsets(%dma_start3A_358 : memref<64xi32, #tpu.memory_space<vmem>>) semaphore(%dma_start3A_363 : memref<!tpu.dma_semaphore, #tpu.memory_space<semaphore_mem>>)
      } else {
      }
    }
    %scan3A_224 = arith.constant 40 : i32
    %barrier3A_225 = arith.constant 0 : index
    tpu.barrier barrier_id(%barrier3A_225)
    %add3A_226 = arith.constant 0 : i32
    %add3A_227 = arith.addi %mul3A_7, %add3A_226 : i32
    "tpu.region"() ({
      %run_scoped3A_236 = tpu.sem_alloc : memref<!tpu.dma_semaphore, #tpu.memory_space<semaphore_mem>>
      %dma_start3A_237 = arith.constant 0 : i32
      %dma_start3A_238 = tpu.memref_slice %arg5[%arg0, %add3A_227, %dma_start3A_237] : memref<2x10240x128xf32, #tpu.memory_space<hbm>> -> memref<1x128x128xf32, #tpu.memory_space<hbm>>
      %dma_start3A_239 = tpu.memref_squeeze %dma_start3A_238 : memref<1x128x128xf32, #tpu.memory_space<hbm>> -> memref<128x128xf32, #tpu.memory_space<hbm>>
      %dma_start3A_240 = arith.constant 0 : i32
      %dma_start3A_241 = tpu.memref_slice %arg9[%add3A_227, %dma_start3A_240] : memref<10240x128xf32, #tpu.memory_space<vmem_shared>> -> memref<128x128xf32, #tpu.memory_space<vmem_shared>>
      tpu.enqueue_dma source(%dma_start3A_241 : memref<128x128xf32, #tpu.memory_space<vmem_shared>>) target(%dma_start3A_239 : memref<128x128xf32, #tpu.memory_space<hbm>>) target_semaphore(%run_scoped3A_236 : memref<!tpu.dma_semaphore, #tpu.memory_space<semaphore_mem>>)
      %dma_wait3A_242 = arith.constant 0 : i32
      %dma_wait3A_243 = tpu.memref_slice %arg5[%arg0, %add3A_227, %dma_wait3A_242] : memref<2x10240x128xf32, #tpu.memory_space<hbm>> -> memref<1x128x128xf32, #tpu.memory_space<hbm>>
      %dma_wait3A_244 = tpu.memref_squeeze %dma_wait3A_243 : memref<1x128x128xf32, #tpu.memory_space<hbm>> -> memref<128x128xf32, #tpu.memory_space<hbm>>
      %dma_wait3A_245 = arith.constant 0 : i32
      %dma_wait3A_246 = tpu.memref_slice %arg9[%add3A_227, %dma_wait3A_245] : memref<10240x128xf32, #tpu.memory_space<vmem_shared>> -> memref<128x128xf32, #tpu.memory_space<vmem_shared>>
      tpu.wait_dma2 semaphore(%run_scoped3A_236 : memref<!tpu.dma_semaphore, #tpu.memory_space<semaphore_mem>>) src(%dma_wait3A_246 : memref<128x128xf32, #tpu.memory_space<vmem_shared>>) dst(%dma_wait3A_244 : memref<128x128xf32, #tpu.memory_space<hbm>>)
      tpu.yield
    }) : () -> ()
    %add3A_228 = arith.constant 128 : i32
    %add3A_229 = arith.addi %mul3A_7, %add3A_228 : i32
    "tpu.region"() ({
      %run_scoped3A_236 = tpu.sem_alloc : memref<!tpu.dma_semaphore, #tpu.memory_space<semaphore_mem>>
      %dma_start3A_237 = arith.constant 0 : i32
      %dma_start3A_238 = tpu.memref_slice %arg5[%arg0, %add3A_229, %dma_start3A_237] : memref<2x10240x128xf32, #tpu.memory_space<hbm>> -> memref<1x128x128xf32, #tpu.memory_space<hbm>>
      %dma_start3A_239 = tpu.memref_squeeze %dma_start3A_238 : memref<1x128x128xf32, #tpu.memory_space<hbm>> -> memref<128x128xf32, #tpu.memory_space<hbm>>
      %dma_start3A_240 = arith.constant 0 : i32
      %dma_start3A_241 = tpu.memref_slice %arg9[%add3A_229, %dma_start3A_240] : memref<10240x128xf32, #tpu.memory_space<vmem_shared>> -> memref<128x128xf32, #tpu.memory_space<vmem_shared>>
      tpu.enqueue_dma source(%dma_start3A_241 : memref<128x128xf32, #tpu.memory_space<vmem_shared>>) target(%dma_start3A_239 : memref<128x128xf32, #tpu.memory_space<hbm>>) target_semaphore(%run_scoped3A_236 : memref<!tpu.dma_semaphore, #tpu.memory_space<semaphore_mem>>)
      %dma_wait3A_242 = arith.constant 0 : i32
      %dma_wait3A_243 = tpu.memref_slice %arg5[%arg0, %add3A_229, %dma_wait3A_242] : memref<2x10240x128xf32, #tpu.memory_space<hbm>> -> memref<1x128x128xf32, #tpu.memory_space<hbm>>
      %dma_wait3A_244 = tpu.memref_squeeze %dma_wait3A_243 : memref<1x128x128xf32, #tpu.memory_space<hbm>> -> memref<128x128xf32, #tpu.memory_space<hbm>>
      %dma_wait3A_245 = arith.constant 0 : i32
      %dma_wait3A_246 = tpu.memref_slice %arg9[%add3A_229, %dma_wait3A_245] : memref<10240x128xf32, #tpu.memory_space<vmem_shared>> -> memref<128x128xf32, #tpu.memory_space<vmem_shared>>
      tpu.wait_dma2 semaphore(%run_scoped3A_236 : memref<!tpu.dma_semaphore, #tpu.memory_space<semaphore_mem>>) src(%dma_wait3A_246 : memref<128x128xf32, #tpu.memory_space<vmem_shared>>) dst(%dma_wait3A_244 : memref<128x128xf32, #tpu.memory_space<hbm>>)
      tpu.yield
    }) : () -> ()
    %add3A_230 = arith.constant 256 : i32
    %add3A_231 = arith.addi %mul3A_7, %add3A_230 : i32
    "tpu.region"() ({
      %run_scoped3A_236 = tpu.sem_alloc : memref<!tpu.dma_semaphore, #tpu.memory_space<semaphore_mem>>
      %dma_start3A_237 = arith.constant 0 : i32
      %dma_start3A_238 = tpu.memref_slice %arg5[%arg0, %add3A_231, %dma_start3A_237] : memref<2x10240x128xf32, #tpu.memory_space<hbm>> -> memref<1x128x128xf32, #tpu.memory_space<hbm>>
      %dma_start3A_239 = tpu.memref_squeeze %dma_start3A_238 : memref<1x128x128xf32, #tpu.memory_space<hbm>> -> memref<128x128xf32, #tpu.memory_space<hbm>>
      %dma_start3A_240 = arith.constant 0 : i32
      %dma_start3A_241 = tpu.memref_slice %arg9[%add3A_231, %dma_start3A_240] : memref<10240x128xf32, #tpu.memory_space<vmem_shared>> -> memref<128x128xf32, #tpu.memory_space<vmem_shared>>
      tpu.enqueue_dma source(%dma_start3A_241 : memref<128x128xf32, #tpu.memory_space<vmem_shared>>) target(%dma_start3A_239 : memref<128x128xf32, #tpu.memory_space<hbm>>) target_semaphore(%run_scoped3A_236 : memref<!tpu.dma_semaphore, #tpu.memory_space<semaphore_mem>>)
      %dma_wait3A_242 = arith.constant 0 : i32
      %dma_wait3A_243 = tpu.memref_slice %arg5[%arg0, %add3A_231, %dma_wait3A_242] : memref<2x10240x128xf32, #tpu.memory_space<hbm>> -> memref<1x128x128xf32, #tpu.memory_space<hbm>>
      %dma_wait3A_244 = tpu.memref_squeeze %dma_wait3A_243 : memref<1x128x128xf32, #tpu.memory_space<hbm>> -> memref<128x128xf32, #tpu.memory_space<hbm>>
      %dma_wait3A_245 = arith.constant 0 : i32
      %dma_wait3A_246 = tpu.memref_slice %arg9[%add3A_231, %dma_wait3A_245] : memref<10240x128xf32, #tpu.memory_space<vmem_shared>> -> memref<128x128xf32, #tpu.memory_space<vmem_shared>>
      tpu.wait_dma2 semaphore(%run_scoped3A_236 : memref<!tpu.dma_semaphore, #tpu.memory_space<semaphore_mem>>) src(%dma_wait3A_246 : memref<128x128xf32, #tpu.memory_space<vmem_shared>>) dst(%dma_wait3A_244 : memref<128x128xf32, #tpu.memory_space<hbm>>)
      tpu.yield
    }) : () -> ()
    %add3A_232 = arith.constant 384 : i32
    %add3A_233 = arith.addi %mul3A_7, %add3A_232 : i32
    "tpu.region"() ({
      %run_scoped3A_236 = tpu.sem_alloc : memref<!tpu.dma_semaphore, #tpu.memory_space<semaphore_mem>>
      %dma_start3A_237 = arith.constant 0 : i32
      %dma_start3A_238 = tpu.memref_slice %arg5[%arg0, %add3A_233, %dma_start3A_237] : memref<2x10240x128xf32, #tpu.memory_space<hbm>> -> memref<1x128x128xf32, #tpu.memory_space<hbm>>
      %dma_start3A_239 = tpu.memref_squeeze %dma_start3A_238 : memref<1x128x128xf32, #tpu.memory_space<hbm>> -> memref<128x128xf32, #tpu.memory_space<hbm>>
      %dma_start3A_240 = arith.constant 0 : i32
      %dma_start3A_241 = tpu.memref_slice %arg9[%add3A_233, %dma_start3A_240] : memref<10240x128xf32, #tpu.memory_space<vmem_shared>> -> memref<128x128xf32, #tpu.memory_space<vmem_shared>>
      tpu.enqueue_dma source(%dma_start3A_241 : memref<128x128xf32, #tpu.memory_space<vmem_shared>>) target(%dma_start3A_239 : memref<128x128xf32, #tpu.memory_space<hbm>>) target_semaphore(%run_scoped3A_236 : memref<!tpu.dma_semaphore, #tpu.memory_space<semaphore_mem>>)
      %dma_wait3A_242 = arith.constant 0 : i32
      %dma_wait3A_243 = tpu.memref_slice %arg5[%arg0, %add3A_233, %dma_wait3A_242] : memref<2x10240x128xf32, #tpu.memory_space<hbm>> -> memref<1x128x128xf32, #tpu.memory_space<hbm>>
      %dma_wait3A_244 = tpu.memref_squeeze %dma_wait3A_243 : memref<1x128x128xf32, #tpu.memory_space<hbm>> -> memref<128x128xf32, #tpu.memory_space<hbm>>
      %dma_wait3A_245 = arith.constant 0 : i32
      %dma_wait3A_246 = tpu.memref_slice %arg9[%add3A_233, %dma_wait3A_245] : memref<10240x128xf32, #tpu.memory_space<vmem_shared>> -> memref<128x128xf32, #tpu.memory_space<vmem_shared>>
      tpu.wait_dma2 semaphore(%run_scoped3A_236 : memref<!tpu.dma_semaphore, #tpu.memory_space<semaphore_mem>>) src(%dma_wait3A_246 : memref<128x128xf32, #tpu.memory_space<vmem_shared>>) dst(%dma_wait3A_244 : memref<128x128xf32, #tpu.memory_space<hbm>>)
      tpu.yield
    }) : () -> ()
    %add3A_234 = arith.constant 512 : i32
    %add3A_235 = arith.addi %mul3A_7, %add3A_234 : i32
    "tpu.region"() ({
      %run_scoped3A_236 = tpu.sem_alloc : memref<!tpu.dma_semaphore, #tpu.memory_space<semaphore_mem>>
      %dma_start3A_237 = arith.constant 0 : i32
      %dma_start3A_238 = tpu.memref_slice %arg5[%arg0, %add3A_235, %dma_start3A_237] : memref<2x10240x128xf32, #tpu.memory_space<hbm>> -> memref<1x128x128xf32, #tpu.memory_space<hbm>>
      %dma_start3A_239 = tpu.memref_squeeze %dma_start3A_238 : memref<1x128x128xf32, #tpu.memory_space<hbm>> -> memref<128x128xf32, #tpu.memory_space<hbm>>
      %dma_start3A_240 = arith.constant 0 : i32
      %dma_start3A_241 = tpu.memref_slice %arg9[%add3A_235, %dma_start3A_240] : memref<10240x128xf32, #tpu.memory_space<vmem_shared>> -> memref<128x128xf32, #tpu.memory_space<vmem_shared>>
      tpu.enqueue_dma source(%dma_start3A_241 : memref<128x128xf32, #tpu.memory_space<vmem_shared>>) target(%dma_start3A_239 : memref<128x128xf32, #tpu.memory_space<hbm>>) target_semaphore(%run_scoped3A_236 : memref<!tpu.dma_semaphore, #tpu.memory_space<semaphore_mem>>)
      %dma_wait3A_242 = arith.constant 0 : i32
      %dma_wait3A_243 = tpu.memref_slice %arg5[%arg0, %add3A_235, %dma_wait3A_242] : memref<2x10240x128xf32, #tpu.memory_space<hbm>> -> memref<1x128x128xf32, #tpu.memory_space<hbm>>
      %dma_wait3A_244 = tpu.memref_squeeze %dma_wait3A_243 : memref<1x128x128xf32, #tpu.memory_space<hbm>> -> memref<128x128xf32, #tpu.memory_space<hbm>>
      %dma_wait3A_245 = arith.constant 0 : i32
      %dma_wait3A_246 = tpu.memref_slice %arg9[%add3A_235, %dma_wait3A_245] : memref<10240x128xf32, #tpu.memory_space<vmem_shared>> -> memref<128x128xf32, #tpu.memory_space<vmem_shared>>
      tpu.wait_dma2 semaphore(%run_scoped3A_236 : memref<!tpu.dma_semaphore, #tpu.memory_space<semaphore_mem>>) src(%dma_wait3A_246 : memref<128x128xf32, #tpu.memory_space<vmem_shared>>) dst(%dma_wait3A_244 : memref<128x128xf32, #tpu.memory_space<hbm>>)
      tpu.yield
    }) : () -> ()
    return
  }
}

#map = affine_map<(d0, d1) -> (0, 0, 0)>
#map1 = affine_map<(d0, d1) -> (0, 0)>
module attributes {stable_mosaic.version = 14 : i64} {
  func.func @_spmm_body(%arg0: i32, %arg1: i32, %arg2: memref<32x160x64xi32, #tpu.memory_space<hbm>>, %arg3: memref<32x160x64xi32, #tpu.memory_space<hbm>>, %arg4: memref<10240x128xf32, #tpu.memory_space<hbm>>, %arg5: memref<2x10240x128xf32, #tpu.memory_space<hbm>>, %arg6: memref<4x4x64xi32, #tpu.memory_space<vmem>>, %arg7: memref<4x4x64xi32, #tpu.memory_space<vmem>>, %arg8: memref<4x64x128xf32, #tpu.memory_space<vmem>>, %arg9: memref<10240x128xf32, #tpu.memory_space<vmem_shared>>, %arg10: memref<4x!tpu.dma_semaphore, #tpu.memory_space<semaphore_mem>>, %arg11: memref<4x!tpu.dma_semaphore, #tpu.memory_space<semaphore_mem>>) attributes {dimension_semantics = [#tpu.dimension_semantics<core_parallel>, #tpu.dimension_semantics<subcore_parallel>], iteration_bounds = array<i64: 2, 16>, scalar_prefetch = 0 : i64, scratch_operands = 6 : i64, tpu.core_type = #tpu.core_type<sc_vector_subcore>, window_params = [{transform_indices = #map}, {transform_indices = #map}, {transform_indices = #map1}, {transform_indices = #map}]} {
    %mul3A = arith.constant 16 : i32
    %mul3A_0 = arith.muli %arg0, %mul3A : i32
    %add3A = arith.addi %mul3A_0, %arg1 : i32
    %scan3A = arith.constant 0 : i32
    %scan3A_1 = arith.constant 0 : i32
    %scan3A_2 = arith.constant 64 : i32
    %scan3A_3 = arith.addi %scan3A_1, %scan3A_2 : i32
    %scan3A_4 = arith.constant 1 : i32
    scf.for %scan3A_236 = %scan3A_1 to %scan3A_3 step %scan3A_4  : i32 {
      %broadcast_in_dim3A = arith.constant 0.000000e+00 : f32
      %broadcast_in_dim3A_237 = vector.broadcast %broadcast_in_dim3A : f32 to vector<16xf32>
      %swap3A = arith.constant 0 : i32
      %swap3A_238 = arith.index_cast %swap3A : i32 to index
      %swap3A_239 = arith.index_cast %scan3A_236 : i32 to index
      %swap3A_240 = arith.constant 0 : index
      %swap3A_241 = tpu.vector_load %arg8[%swap3A_238, %swap3A_239, %swap3A_240] {strides = array<i32>} : memref<4x64x128xf32, #tpu.memory_space<vmem>>, vector<1x1x16xf32>,
      %swap3A_242 = vector.shape_cast %swap3A_241 : vector<1x1x16xf32> to vector<16xf32>
      %swap3A_243 = vector.shape_cast %broadcast_in_dim3A_237 : vector<16xf32> to vector<1x1x16xf32>
      tpu.vector_store %arg8[%swap3A_238, %swap3A_239, %swap3A_240], %swap3A_243 {strides = array<i32>} : memref<4x64x128xf32, #tpu.memory_space<vmem>>, vector<1x1x16xf32>,
      %broadcast_in_dim3A_244 = arith.constant 0.000000e+00 : f32
      %broadcast_in_dim3A_245 = vector.broadcast %broadcast_in_dim3A_244 : f32 to vector<16xf32>
      %swap3A_246 = arith.constant 0 : i32
      %swap3A_247 = arith.index_cast %swap3A_246 : i32 to index
      %swap3A_248 = arith.index_cast %scan3A_236 : i32 to index
      %swap3A_249 = arith.constant 16 : index
      %swap3A_250 = tpu.vector_load %arg8[%swap3A_247, %swap3A_248, %swap3A_249] {strides = array<i32>} : memref<4x64x128xf32, #tpu.memory_space<vmem>>, vector<1x1x16xf32>,
      %swap3A_251 = vector.shape_cast %swap3A_250 : vector<1x1x16xf32> to vector<16xf32>
      %swap3A_252 = vector.shape_cast %broadcast_in_dim3A_245 : vector<16xf32> to vector<1x1x16xf32>
      tpu.vector_store %arg8[%swap3A_247, %swap3A_248, %swap3A_249], %swap3A_252 {strides = array<i32>} : memref<4x64x128xf32, #tpu.memory_space<vmem>>, vector<1x1x16xf32>,
      %broadcast_in_dim3A_253 = arith.constant 0.000000e+00 : f32
      %broadcast_in_dim3A_254 = vector.broadcast %broadcast_in_dim3A_253 : f32 to vector<16xf32>
      %swap3A_255 = arith.constant 0 : i32
      %swap3A_256 = arith.index_cast %swap3A_255 : i32 to index
      %swap3A_257 = arith.index_cast %scan3A_236 : i32 to index
      %swap3A_258 = arith.constant 32 : index
      %swap3A_259 = tpu.vector_load %arg8[%swap3A_256, %swap3A_257, %swap3A_258] {strides = array<i32>} : memref<4x64x128xf32, #tpu.memory_space<vmem>>, vector<1x1x16xf32>,
      %swap3A_260 = vector.shape_cast %swap3A_259 : vector<1x1x16xf32> to vector<16xf32>
      %swap3A_261 = vector.shape_cast %broadcast_in_dim3A_254 : vector<16xf32> to vector<1x1x16xf32>
      tpu.vector_store %arg8[%swap3A_256, %swap3A_257, %swap3A_258], %swap3A_261 {strides = array<i32>} : memref<4x64x128xf32, #tpu.memory_space<vmem>>, vector<1x1x16xf32>,
      %broadcast_in_dim3A_262 = arith.constant 0.000000e+00 : f32
      %broadcast_in_dim3A_263 = vector.broadcast %broadcast_in_dim3A_262 : f32 to vector<16xf32>
      %swap3A_264 = arith.constant 0 : i32
      %swap3A_265 = arith.index_cast %swap3A_264 : i32 to index
      %swap3A_266 = arith.index_cast %scan3A_236 : i32 to index
      %swap3A_267 = arith.constant 48 : index
      %swap3A_268 = tpu.vector_load %arg8[%swap3A_265, %swap3A_266, %swap3A_267] {strides = array<i32>} : memref<4x64x128xf32, #tpu.memory_space<vmem>>, vector<1x1x16xf32>,
      %swap3A_269 = vector.shape_cast %swap3A_268 : vector<1x1x16xf32> to vector<16xf32>
      %swap3A_270 = vector.shape_cast %broadcast_in_dim3A_263 : vector<16xf32> to vector<1x1x16xf32>
      tpu.vector_store %arg8[%swap3A_265, %swap3A_266, %swap3A_267], %swap3A_270 {strides = array<i32>} : memref<4x64x128xf32, #tpu.memory_space<vmem>>, vector<1x1x16xf32>,
      %broadcast_in_dim3A_271 = arith.constant 0.000000e+00 : f32
      %broadcast_in_dim3A_272 = vector.broadcast %broadcast_in_dim3A_271 : f32 to vector<16xf32>
      %swap3A_273 = arith.constant 0 : i32
      %swap3A_274 = arith.index_cast %swap3A_273 : i32 to index
      %swap3A_275 = arith.index_cast %scan3A_236 : i32 to index
      %swap3A_276 = arith.constant 64 : index
      %swap3A_277 = tpu.vector_load %arg8[%swap3A_274, %swap3A_275, %swap3A_276] {strides = array<i32>} : memref<4x64x128xf32, #tpu.memory_space<vmem>>, vector<1x1x16xf32>,
      %swap3A_278 = vector.shape_cast %swap3A_277 : vector<1x1x16xf32> to vector<16xf32>
      %swap3A_279 = vector.shape_cast %broadcast_in_dim3A_272 : vector<16xf32> to vector<1x1x16xf32>
      tpu.vector_store %arg8[%swap3A_274, %swap3A_275, %swap3A_276], %swap3A_279 {strides = array<i32>} : memref<4x64x128xf32, #tpu.memory_space<vmem>>, vector<1x1x16xf32>,
      %broadcast_in_dim3A_280 = arith.constant 0.000000e+00 : f32
      %broadcast_in_dim3A_281 = vector.broadcast %broadcast_in_dim3A_280 : f32 to vector<16xf32>
      %swap3A_282 = arith.constant 0 : i32
      %swap3A_283 = arith.index_cast %swap3A_282 : i32 to index
      %swap3A_284 = arith.index_cast %scan3A_236 : i32 to index
      %swap3A_285 = arith.constant 80 : index
      %swap3A_286 = tpu.vector_load %arg8[%swap3A_283, %swap3A_284, %swap3A_285] {strides = array<i32>} : memref<4x64x128xf32, #tpu.memory_space<vmem>>, vector<1x1x16xf32>,
      %swap3A_287 = vector.shape_cast %swap3A_286 : vector<1x1x16xf32> to vector<16xf32>
      %swap3A_288 = vector.shape_cast %broadcast_in_dim3A_281 : vector<16xf32> to vector<1x1x16xf32>
      tpu.vector_store %arg8[%swap3A_283, %swap3A_284, %swap3A_285], %swap3A_288 {strides = array<i32>} : memref<4x64x128xf32, #tpu.memory_space<vmem>>, vector<1x1x16xf32>,
      %broadcast_in_dim3A_289 = arith.constant 0.000000e+00 : f32
      %broadcast_in_dim3A_290 = vector.broadcast %broadcast_in_dim3A_289 : f32 to vector<16xf32>
      %swap3A_291 = arith.constant 0 : i32
      %swap3A_292 = arith.index_cast %swap3A_291 : i32 to index
      %swap3A_293 = arith.index_cast %scan3A_236 : i32 to index
      %swap3A_294 = arith.constant 96 : index
      %swap3A_295 = tpu.vector_load %arg8[%swap3A_292, %swap3A_293, %swap3A_294] {strides = array<i32>} : memref<4x64x128xf32, #tpu.memory_space<vmem>>, vector<1x1x16xf32>,
      %swap3A_296 = vector.shape_cast %swap3A_295 : vector<1x1x16xf32> to vector<16xf32>
      %swap3A_297 = vector.shape_cast %broadcast_in_dim3A_290 : vector<16xf32> to vector<1x1x16xf32>
      tpu.vector_store %arg8[%swap3A_292, %swap3A_293, %swap3A_294], %swap3A_297 {strides = array<i32>} : memref<4x64x128xf32, #tpu.memory_space<vmem>>, vector<1x1x16xf32>,
      %broadcast_in_dim3A_298 = arith.constant 0.000000e+00 : f32
      %broadcast_in_dim3A_299 = vector.broadcast %broadcast_in_dim3A_298 : f32 to vector<16xf32>
      %swap3A_300 = arith.constant 0 : i32
      %swap3A_301 = arith.index_cast %swap3A_300 : i32 to index
      %swap3A_302 = arith.index_cast %scan3A_236 : i32 to index
      %swap3A_303 = arith.constant 112 : index
      %swap3A_304 = tpu.vector_load %arg8[%swap3A_301, %swap3A_302, %swap3A_303] {strides = array<i32>} : memref<4x64x128xf32, #tpu.memory_space<vmem>>, vector<1x1x16xf32>,
      %swap3A_305 = vector.shape_cast %swap3A_304 : vector<1x1x16xf32> to vector<16xf32>
      %swap3A_306 = vector.shape_cast %broadcast_in_dim3A_299 : vector<16xf32> to vector<1x1x16xf32>
      tpu.vector_store %arg8[%swap3A_301, %swap3A_302, %swap3A_303], %swap3A_306 {strides = array<i32>} : memref<4x64x128xf32, #tpu.memory_space<vmem>>, vector<1x1x16xf32>,
    }
    %scan3A_5 = arith.constant 64 : i32
    %mul3A_6 = arith.constant 640 : i32
    %mul3A_7 = arith.muli %arg1, %mul3A_6 : i32
    %add3A_8 = arith.constant 0 : i32
    %add3A_9 = arith.addi %mul3A_7, %add3A_8 : i32
    %run_scoped3A = arith.constant 0 : i32
    "tpu.region"() ({
      %run_scoped3A_236 = tpu.sem_alloc : memref<!tpu.dma_semaphore, #tpu.memory_space<semaphore_mem>>
      %dma_start3A_237 = arith.constant 0 : i32
      %dma_start3A_238 = arith.constant 0 : i32
      %dma_start3A_239 = tpu.memref_slice %arg8[%run_scoped3A, %dma_start3A_237, %dma_start3A_238] : memref<4x64x128xf32, #tpu.memory_space<vmem>> -> memref<1x64x128xf32, #tpu.memory_space<vmem>>
      %dma_start3A_240 = tpu.memref_squeeze %dma_start3A_239 : memref<1x64x128xf32, #tpu.memory_space<vmem>> -> memref<64x128xf32, #tpu.memory_space<vmem>>
      %dma_start3A_241 = arith.constant 0 : i32
      %dma_start3A_242 = tpu.memref_slice %arg9[%add3A_9, %dma_start3A_241] : memref<10240x128xf32, #tpu.memory_space<vmem_shared>> -> memref<64x128xf32, #tpu.memory_space<vmem_shared>>
      %dma_start3A_243 = arith.constant 0 : i32
      %dma_start3A_244 = tpu.memref_slice %arg9[%add3A_9, %dma_start3A_243] : memref<10240x128xf32, #tpu.memory_space<vmem_shared>> -> memref<64x128xf32, #tpu.memory_space<vmem_shared>>
      %dma_start3A_245 = arith.constant 0 : i32
      %dma_start3A_246 = arith.constant 0 : i32
      %dma_start3A_247 = tpu.memref_slice %arg8[%run_scoped3A, %dma_start3A_245, %dma_start3A_246] : memref<4x64x128xf32, #tpu.memory_space<vmem>> -> memref<1x64x128xf32, #tpu.memory_space<vmem>>
      %dma_start3A_248 = tpu.memref_squeeze %dma_start3A_247 : memref<1x64x128xf32, #tpu.memory_space<vmem>> -> memref<64x128xf32, #tpu.memory_space<vmem>>
      tpu.enqueue_dma source(%dma_start3A_248 : memref<64x128xf32, #tpu.memory_space<vmem>>) target(%dma_start3A_244 : memref<64x128xf32, #tpu.memory_space<vmem_shared>>) target_semaphore(%run_scoped3A_236 : memref<!tpu.dma_semaphore, #tpu.memory_space<semaphore_mem>>)
      %dma_wait3A_249 = arith.constant 0 : i32
      %dma_wait3A_250 = arith.constant 0 : i32
      %dma_wait3A_251 = tpu.memref_slice %arg8[%run_scoped3A, %dma_wait3A_249, %dma_wait3A_250] : memref<4x64x128xf32, #tpu.memory_space<vmem>> -> memref<1x64x128xf32, #tpu.memory_space<vmem>>
      %dma_wait3A_252 = tpu.memref_squeeze %dma_wait3A_251 : memref<1x64x128xf32, #tpu.memory_space<vmem>> -> memref<64x128xf32, #tpu.memory_space<vmem>>
      %dma_wait3A_253 = arith.constant 0 : i32
      %dma_wait3A_254 = tpu.memref_slice %arg9[%add3A_9, %dma_wait3A_253] : memref<10240x128xf32, #tpu.memory_space<vmem_shared>> -> memref<64x128xf32, #tpu.memory_space<vmem_shared>>
      %dma_wait3A_255 = arith.constant 0 : i32
      %dma_wait3A_256 = tpu.memref_slice %arg9[%add3A_9, %dma_wait3A_255] : memref<10240x128xf32, #tpu.memory_space<vmem_shared>> -> memref<64x128xf32, #tpu.memory_space<vmem_shared>>
      %dma_wait3A_257 = arith.constant 0 : i32
      %dma_wait3A_258 = arith.constant 0 : i32
      %dma_wait3A_259 = tpu.memref_slice %arg8[%run_scoped3A, %dma_wait3A_257, %dma_wait3A_258] : memref<4x64x128xf32, #tpu.memory_space<vmem>> -> memref<1x64x128xf32, #tpu.memory_space<vmem>>
      %dma_wait3A_260 = tpu.memref_squeeze %dma_wait3A_259 : memref<1x64x128xf32, #tpu.memory_space<vmem>> -> memref<64x128xf32, #tpu.memory_space<vmem>>
      tpu.wait_dma2 semaphore(%run_scoped3A_236 : memref<!tpu.dma_semaphore, #tpu.memory_space<semaphore_mem>>) src(%dma_wait3A_260 : memref<64x128xf32, #tpu.memory_space<vmem>>) dst(%dma_wait3A_256 : memref<64x128xf32, #tpu.memory_space<vmem_shared>>)
      tpu.yield
    }) : () -> ()
    %add3A_10 = arith.constant 64 : i32
    %add3A_11 = arith.addi %mul3A_7, %add3A_10 : i32
    %run_scoped3A_12 = arith.constant 0 : i32
    "tpu.region"() ({
      %run_scoped3A_236 = tpu.sem_alloc : memref<!tpu.dma_semaphore, #tpu.memory_space<semaphore_mem>>
      %dma_start3A_237 = arith.constant 0 : i32
      %dma_start3A_238 = arith.constant 0 : i32
      %dma_start3A_239 = tpu.memref_slice %arg8[%run_scoped3A_12, %dma_start3A_237, %dma_start3A_238] : memref<4x64x128xf32, #tpu.memory_space<vmem>> -> memref<1x64x128xf32, #tpu.memory_space<vmem>>
      %dma_start3A_240 = tpu.memref_squeeze %dma_start3A_239 : memref<1x64x128xf32, #tpu.memory_space<vmem>> -> memref<64x128xf32, #tpu.memory_space<vmem>>
      %dma_start3A_241 = arith.constant 0 : i32
      %dma_start3A_242 = tpu.memref_slice %arg9[%add3A_11, %dma_start3A_241] : memref<10240x128xf32, #tpu.memory_space<vmem_shared>> -> memref<64x128xf32, #tpu.memory_space<vmem_shared>>
      %dma_start3A_243 = arith.constant 0 : i32
      %dma_start3A_244 = tpu.memref_slice %arg9[%add3A_11, %dma_start3A_243] : memref<10240x128xf32, #tpu.memory_space<vmem_shared>> -> memref<64x128xf32, #tpu.memory_space<vmem_shared>>
      %dma_start3A_245 = arith.constant 0 : i32
      %dma_start3A_246 = arith.constant 0 : i32
      %dma_start3A_247 = tpu.memref_slice %arg8[%run_scoped3A_12, %dma_start3A_245, %dma_start3A_246] : memref<4x64x128xf32, #tpu.memory_space<vmem>> -> memref<1x64x128xf32, #tpu.memory_space<vmem>>
      %dma_start3A_248 = tpu.memref_squeeze %dma_start3A_247 : memref<1x64x128xf32, #tpu.memory_space<vmem>> -> memref<64x128xf32, #tpu.memory_space<vmem>>
      tpu.enqueue_dma source(%dma_start3A_248 : memref<64x128xf32, #tpu.memory_space<vmem>>) target(%dma_start3A_244 : memref<64x128xf32, #tpu.memory_space<vmem_shared>>) target_semaphore(%run_scoped3A_236 : memref<!tpu.dma_semaphore, #tpu.memory_space<semaphore_mem>>)
      %dma_wait3A_249 = arith.constant 0 : i32
      %dma_wait3A_250 = arith.constant 0 : i32
      %dma_wait3A_251 = tpu.memref_slice %arg8[%run_scoped3A_12, %dma_wait3A_249, %dma_wait3A_250] : memref<4x64x128xf32, #tpu.memory_space<vmem>> -> memref<1x64x128xf32, #tpu.memory_space<vmem>>
      %dma_wait3A_252 = tpu.memref_squeeze %dma_wait3A_251 : memref<1x64x128xf32, #tpu.memory_space<vmem>> -> memref<64x128xf32, #tpu.memory_space<vmem>>
      %dma_wait3A_253 = arith.constant 0 : i32
      %dma_wait3A_254 = tpu.memref_slice %arg9[%add3A_11, %dma_wait3A_253] : memref<10240x128xf32, #tpu.memory_space<vmem_shared>> -> memref<64x128xf32, #tpu.memory_space<vmem_shared>>
      %dma_wait3A_255 = arith.constant 0 : i32
      %dma_wait3A_256 = tpu.memref_slice %arg9[%add3A_11, %dma_wait3A_255] : memref<10240x128xf32, #tpu.memory_space<vmem_shared>> -> memref<64x128xf32, #tpu.memory_space<vmem_shared>>
      %dma_wait3A_257 = arith.constant 0 : i32
      %dma_wait3A_258 = arith.constant 0 : i32
      %dma_wait3A_259 = tpu.memref_slice %arg8[%run_scoped3A_12, %dma_wait3A_257, %dma_wait3A_258] : memref<4x64x128xf32, #tpu.memory_space<vmem>> -> memref<1x64x128xf32, #tpu.memory_space<vmem>>
      %dma_wait3A_260 = tpu.memref_squeeze %dma_wait3A_259 : memref<1x64x128xf32, #tpu.memory_space<vmem>> -> memref<64x128xf32, #tpu.memory_space<vmem>>
      tpu.wait_dma2 semaphore(%run_scoped3A_236 : memref<!tpu.dma_semaphore, #tpu.memory_space<semaphore_mem>>) src(%dma_wait3A_260 : memref<64x128xf32, #tpu.memory_space<vmem>>) dst(%dma_wait3A_256 : memref<64x128xf32, #tpu.memory_space<vmem_shared>>)
      tpu.yield
    }) : () -> ()
    %add3A_13 = arith.constant 128 : i32
    %add3A_14 = arith.addi %mul3A_7, %add3A_13 : i32
    %run_scoped3A_15 = arith.constant 0 : i32
    "tpu.region"() ({
      %run_scoped3A_236 = tpu.sem_alloc : memref<!tpu.dma_semaphore, #tpu.memory_space<semaphore_mem>>
      %dma_start3A_237 = arith.constant 0 : i32
      %dma_start3A_238 = arith.constant 0 : i32
      %dma_start3A_239 = tpu.memref_slice %arg8[%run_scoped3A_15, %dma_start3A_237, %dma_start3A_238] : memref<4x64x128xf32, #tpu.memory_space<vmem>> -> memref<1x64x128xf32, #tpu.memory_space<vmem>>
      %dma_start3A_240 = tpu.memref_squeeze %dma_start3A_239 : memref<1x64x128xf32, #tpu.memory_space<vmem>> -> memref<64x128xf32, #tpu.memory_space<vmem>>
      %dma_start3A_241 = arith.constant 0 : i32
      %dma_start3A_242 = tpu.memref_slice %arg9[%add3A_14, %dma_start3A_241] : memref<10240x128xf32, #tpu.memory_space<vmem_shared>> -> memref<64x128xf32, #tpu.memory_space<vmem_shared>>
      %dma_start3A_243 = arith.constant 0 : i32
      %dma_start3A_244 = tpu.memref_slice %arg9[%add3A_14, %dma_start3A_243] : memref<10240x128xf32, #tpu.memory_space<vmem_shared>> -> memref<64x128xf32, #tpu.memory_space<vmem_shared>>
      %dma_start3A_245 = arith.constant 0 : i32
      %dma_start3A_246 = arith.constant 0 : i32
      %dma_start3A_247 = tpu.memref_slice %arg8[%run_scoped3A_15, %dma_start3A_245, %dma_start3A_246] : memref<4x64x128xf32, #tpu.memory_space<vmem>> -> memref<1x64x128xf32, #tpu.memory_space<vmem>>
      %dma_start3A_248 = tpu.memref_squeeze %dma_start3A_247 : memref<1x64x128xf32, #tpu.memory_space<vmem>> -> memref<64x128xf32, #tpu.memory_space<vmem>>
      tpu.enqueue_dma source(%dma_start3A_248 : memref<64x128xf32, #tpu.memory_space<vmem>>) target(%dma_start3A_244 : memref<64x128xf32, #tpu.memory_space<vmem_shared>>) target_semaphore(%run_scoped3A_236 : memref<!tpu.dma_semaphore, #tpu.memory_space<semaphore_mem>>)
      %dma_wait3A_249 = arith.constant 0 : i32
      %dma_wait3A_250 = arith.constant 0 : i32
      %dma_wait3A_251 = tpu.memref_slice %arg8[%run_scoped3A_15, %dma_wait3A_249, %dma_wait3A_250] : memref<4x64x128xf32, #tpu.memory_space<vmem>> -> memref<1x64x128xf32, #tpu.memory_space<vmem>>
      %dma_wait3A_252 = tpu.memref_squeeze %dma_wait3A_251 : memref<1x64x128xf32, #tpu.memory_space<vmem>> -> memref<64x128xf32, #tpu.memory_space<vmem>>
      %dma_wait3A_253 = arith.constant 0 : i32
      %dma_wait3A_254 = tpu.memref_slice %arg9[%add3A_14, %dma_wait3A_253] : memref<10240x128xf32, #tpu.memory_space<vmem_shared>> -> memref<64x128xf32, #tpu.memory_space<vmem_shared>>
      %dma_wait3A_255 = arith.constant 0 : i32
      %dma_wait3A_256 = tpu.memref_slice %arg9[%add3A_14, %dma_wait3A_255] : memref<10240x128xf32, #tpu.memory_space<vmem_shared>> -> memref<64x128xf32, #tpu.memory_space<vmem_shared>>
      %dma_wait3A_257 = arith.constant 0 : i32
      %dma_wait3A_258 = arith.constant 0 : i32
      %dma_wait3A_259 = tpu.memref_slice %arg8[%run_scoped3A_15, %dma_wait3A_257, %dma_wait3A_258] : memref<4x64x128xf32, #tpu.memory_space<vmem>> -> memref<1x64x128xf32, #tpu.memory_space<vmem>>
      %dma_wait3A_260 = tpu.memref_squeeze %dma_wait3A_259 : memref<1x64x128xf32, #tpu.memory_space<vmem>> -> memref<64x128xf32, #tpu.memory_space<vmem>>
      tpu.wait_dma2 semaphore(%run_scoped3A_236 : memref<!tpu.dma_semaphore, #tpu.memory_space<semaphore_mem>>) src(%dma_wait3A_260 : memref<64x128xf32, #tpu.memory_space<vmem>>) dst(%dma_wait3A_256 : memref<64x128xf32, #tpu.memory_space<vmem_shared>>)
      tpu.yield
    }) : () -> ()
    %add3A_16 = arith.constant 192 : i32
    %add3A_17 = arith.addi %mul3A_7, %add3A_16 : i32
    %run_scoped3A_18 = arith.constant 0 : i32
    "tpu.region"() ({
      %run_scoped3A_236 = tpu.sem_alloc : memref<!tpu.dma_semaphore, #tpu.memory_space<semaphore_mem>>
      %dma_start3A_237 = arith.constant 0 : i32
      %dma_start3A_238 = arith.constant 0 : i32
      %dma_start3A_239 = tpu.memref_slice %arg8[%run_scoped3A_18, %dma_start3A_237, %dma_start3A_238] : memref<4x64x128xf32, #tpu.memory_space<vmem>> -> memref<1x64x128xf32, #tpu.memory_space<vmem>>
      %dma_start3A_240 = tpu.memref_squeeze %dma_start3A_239 : memref<1x64x128xf32, #tpu.memory_space<vmem>> -> memref<64x128xf32, #tpu.memory_space<vmem>>
      %dma_start3A_241 = arith.constant 0 : i32
      %dma_start3A_242 = tpu.memref_slice %arg9[%add3A_17, %dma_start3A_241] : memref<10240x128xf32, #tpu.memory_space<vmem_shared>> -> memref<64x128xf32, #tpu.memory_space<vmem_shared>>
      %dma_start3A_243 = arith.constant 0 : i32
      %dma_start3A_244 = tpu.memref_slice %arg9[%add3A_17, %dma_start3A_243] : memref<10240x128xf32, #tpu.memory_space<vmem_shared>> -> memref<64x128xf32, #tpu.memory_space<vmem_shared>>
      %dma_start3A_245 = arith.constant 0 : i32
      %dma_start3A_246 = arith.constant 0 : i32
      %dma_start3A_247 = tpu.memref_slice %arg8[%run_scoped3A_18, %dma_start3A_245, %dma_start3A_246] : memref<4x64x128xf32, #tpu.memory_space<vmem>> -> memref<1x64x128xf32, #tpu.memory_space<vmem>>
      %dma_start3A_248 = tpu.memref_squeeze %dma_start3A_247 : memref<1x64x128xf32, #tpu.memory_space<vmem>> -> memref<64x128xf32, #tpu.memory_space<vmem>>
      tpu.enqueue_dma source(%dma_start3A_248 : memref<64x128xf32, #tpu.memory_space<vmem>>) target(%dma_start3A_244 : memref<64x128xf32, #tpu.memory_space<vmem_shared>>) target_semaphore(%run_scoped3A_236 : memref<!tpu.dma_semaphore, #tpu.memory_space<semaphore_mem>>)
      %dma_wait3A_249 = arith.constant 0 : i32
      %dma_wait3A_250 = arith.constant 0 : i32
      %dma_wait3A_251 = tpu.memref_slice %arg8[%run_scoped3A_18, %dma_wait3A_249, %dma_wait3A_250] : memref<4x64x128xf32, #tpu.memory_space<vmem>> -> memref<1x64x128xf32, #tpu.memory_space<vmem>>
      %dma_wait3A_252 = tpu.memref_squeeze %dma_wait3A_251 : memref<1x64x128xf32, #tpu.memory_space<vmem>> -> memref<64x128xf32, #tpu.memory_space<vmem>>
      %dma_wait3A_253 = arith.constant 0 : i32
      %dma_wait3A_254 = tpu.memref_slice %arg9[%add3A_17, %dma_wait3A_253] : memref<10240x128xf32, #tpu.memory_space<vmem_shared>> -> memref<64x128xf32, #tpu.memory_space<vmem_shared>>
      %dma_wait3A_255 = arith.constant 0 : i32
      %dma_wait3A_256 = tpu.memref_slice %arg9[%add3A_17, %dma_wait3A_255] : memref<10240x128xf32, #tpu.memory_space<vmem_shared>> -> memref<64x128xf32, #tpu.memory_space<vmem_shared>>
      %dma_wait3A_257 = arith.constant 0 : i32
      %dma_wait3A_258 = arith.constant 0 : i32
      %dma_wait3A_259 = tpu.memref_slice %arg8[%run_scoped3A_18, %dma_wait3A_257, %dma_wait3A_258] : memref<4x64x128xf32, #tpu.memory_space<vmem>> -> memref<1x64x128xf32, #tpu.memory_space<vmem>>
      %dma_wait3A_260 = tpu.memref_squeeze %dma_wait3A_259 : memref<1x64x128xf32, #tpu.memory_space<vmem>> -> memref<64x128xf32, #tpu.memory_space<vmem>>
      tpu.wait_dma2 semaphore(%run_scoped3A_236 : memref<!tpu.dma_semaphore, #tpu.memory_space<semaphore_mem>>) src(%dma_wait3A_260 : memref<64x128xf32, #tpu.memory_space<vmem>>) dst(%dma_wait3A_256 : memref<64x128xf32, #tpu.memory_space<vmem_shared>>)
      tpu.yield
    }) : () -> ()
    %add3A_19 = arith.constant 256 : i32
    %add3A_20 = arith.addi %mul3A_7, %add3A_19 : i32
    %run_scoped3A_21 = arith.constant 0 : i32
    "tpu.region"() ({
      %run_scoped3A_236 = tpu.sem_alloc : memref<!tpu.dma_semaphore, #tpu.memory_space<semaphore_mem>>
      %dma_start3A_237 = arith.constant 0 : i32
      %dma_start3A_238 = arith.constant 0 : i32
      %dma_start3A_239 = tpu.memref_slice %arg8[%run_scoped3A_21, %dma_start3A_237, %dma_start3A_238] : memref<4x64x128xf32, #tpu.memory_space<vmem>> -> memref<1x64x128xf32, #tpu.memory_space<vmem>>
      %dma_start3A_240 = tpu.memref_squeeze %dma_start3A_239 : memref<1x64x128xf32, #tpu.memory_space<vmem>> -> memref<64x128xf32, #tpu.memory_space<vmem>>
      %dma_start3A_241 = arith.constant 0 : i32
      %dma_start3A_242 = tpu.memref_slice %arg9[%add3A_20, %dma_start3A_241] : memref<10240x128xf32, #tpu.memory_space<vmem_shared>> -> memref<64x128xf32, #tpu.memory_space<vmem_shared>>
      %dma_start3A_243 = arith.constant 0 : i32
      %dma_start3A_244 = tpu.memref_slice %arg9[%add3A_20, %dma_start3A_243] : memref<10240x128xf32, #tpu.memory_space<vmem_shared>> -> memref<64x128xf32, #tpu.memory_space<vmem_shared>>
      %dma_start3A_245 = arith.constant 0 : i32
      %dma_start3A_246 = arith.constant 0 : i32
      %dma_start3A_247 = tpu.memref_slice %arg8[%run_scoped3A_21, %dma_start3A_245, %dma_start3A_246] : memref<4x64x128xf32, #tpu.memory_space<vmem>> -> memref<1x64x128xf32, #tpu.memory_space<vmem>>
      %dma_start3A_248 = tpu.memref_squeeze %dma_start3A_247 : memref<1x64x128xf32, #tpu.memory_space<vmem>> -> memref<64x128xf32, #tpu.memory_space<vmem>>
      tpu.enqueue_dma source(%dma_start3A_248 : memref<64x128xf32, #tpu.memory_space<vmem>>) target(%dma_start3A_244 : memref<64x128xf32, #tpu.memory_space<vmem_shared>>) target_semaphore(%run_scoped3A_236 : memref<!tpu.dma_semaphore, #tpu.memory_space<semaphore_mem>>)
      %dma_wait3A_249 = arith.constant 0 : i32
      %dma_wait3A_250 = arith.constant 0 : i32
      %dma_wait3A_251 = tpu.memref_slice %arg8[%run_scoped3A_21, %dma_wait3A_249, %dma_wait3A_250] : memref<4x64x128xf32, #tpu.memory_space<vmem>> -> memref<1x64x128xf32, #tpu.memory_space<vmem>>
      %dma_wait3A_252 = tpu.memref_squeeze %dma_wait3A_251 : memref<1x64x128xf32, #tpu.memory_space<vmem>> -> memref<64x128xf32, #tpu.memory_space<vmem>>
      %dma_wait3A_253 = arith.constant 0 : i32
      %dma_wait3A_254 = tpu.memref_slice %arg9[%add3A_20, %dma_wait3A_253] : memref<10240x128xf32, #tpu.memory_space<vmem_shared>> -> memref<64x128xf32, #tpu.memory_space<vmem_shared>>
      %dma_wait3A_255 = arith.constant 0 : i32
      %dma_wait3A_256 = tpu.memref_slice %arg9[%add3A_20, %dma_wait3A_255] : memref<10240x128xf32, #tpu.memory_space<vmem_shared>> -> memref<64x128xf32, #tpu.memory_space<vmem_shared>>
      %dma_wait3A_257 = arith.constant 0 : i32
      %dma_wait3A_258 = arith.constant 0 : i32
      %dma_wait3A_259 = tpu.memref_slice %arg8[%run_scoped3A_21, %dma_wait3A_257, %dma_wait3A_258] : memref<4x64x128xf32, #tpu.memory_space<vmem>> -> memref<1x64x128xf32, #tpu.memory_space<vmem>>
      %dma_wait3A_260 = tpu.memref_squeeze %dma_wait3A_259 : memref<1x64x128xf32, #tpu.memory_space<vmem>> -> memref<64x128xf32, #tpu.memory_space<vmem>>
      tpu.wait_dma2 semaphore(%run_scoped3A_236 : memref<!tpu.dma_semaphore, #tpu.memory_space<semaphore_mem>>) src(%dma_wait3A_260 : memref<64x128xf32, #tpu.memory_space<vmem>>) dst(%dma_wait3A_256 : memref<64x128xf32, #tpu.memory_space<vmem_shared>>)
      tpu.yield
    }) : () -> ()
    %add3A_22 = arith.constant 320 : i32
    %add3A_23 = arith.addi %mul3A_7, %add3A_22 : i32
    %run_scoped3A_24 = arith.constant 0 : i32
    "tpu.region"() ({
      %run_scoped3A_236 = tpu.sem_alloc : memref<!tpu.dma_semaphore, #tpu.memory_space<semaphore_mem>>
      %dma_start3A_237 = arith.constant 0 : i32
      %dma_start3A_238 = arith.constant 0 : i32
      %dma_start3A_239 = tpu.memref_slice %arg8[%run_scoped3A_24, %dma_start3A_237, %dma_start3A_238] : memref<4x64x128xf32, #tpu.memory_space<vmem>> -> memref<1x64x128xf32, #tpu.memory_space<vmem>>
      %dma_start3A_240 = tpu.memref_squeeze %dma_start3A_239 : memref<1x64x128xf32, #tpu.memory_space<vmem>> -> memref<64x128xf32, #tpu.memory_space<vmem>>
      %dma_start3A_241 = arith.constant 0 : i32
      %dma_start3A_242 = tpu.memref_slice %arg9[%add3A_23, %dma_start3A_241] : memref<10240x128xf32, #tpu.memory_space<vmem_shared>> -> memref<64x128xf32, #tpu.memory_space<vmem_shared>>
      %dma_start3A_243 = arith.constant 0 : i32
      %dma_start3A_244 = tpu.memref_slice %arg9[%add3A_23, %dma_start3A_243] : memref<10240x128xf32, #tpu.memory_space<vmem_shared>> -> memref<64x128xf32, #tpu.memory_space<vmem_shared>>
      %dma_start3A_245 = arith.constant 0 : i32
      %dma_start3A_246 = arith.constant 0 : i32
      %dma_start3A_247 = tpu.memref_slice %arg8[%run_scoped3A_24, %dma_start3A_245, %dma_start3A_246] : memref<4x64x128xf32, #tpu.memory_space<vmem>> -> memref<1x64x128xf32, #tpu.memory_space<vmem>>
      %dma_start3A_248 = tpu.memref_squeeze %dma_start3A_247 : memref<1x64x128xf32, #tpu.memory_space<vmem>> -> memref<64x128xf32, #tpu.memory_space<vmem>>
      tpu.enqueue_dma source(%dma_start3A_248 : memref<64x128xf32, #tpu.memory_space<vmem>>) target(%dma_start3A_244 : memref<64x128xf32, #tpu.memory_space<vmem_shared>>) target_semaphore(%run_scoped3A_236 : memref<!tpu.dma_semaphore, #tpu.memory_space<semaphore_mem>>)
      %dma_wait3A_249 = arith.constant 0 : i32
      %dma_wait3A_250 = arith.constant 0 : i32
      %dma_wait3A_251 = tpu.memref_slice %arg8[%run_scoped3A_24, %dma_wait3A_249, %dma_wait3A_250] : memref<4x64x128xf32, #tpu.memory_space<vmem>> -> memref<1x64x128xf32, #tpu.memory_space<vmem>>
      %dma_wait3A_252 = tpu.memref_squeeze %dma_wait3A_251 : memref<1x64x128xf32, #tpu.memory_space<vmem>> -> memref<64x128xf32, #tpu.memory_space<vmem>>
      %dma_wait3A_253 = arith.constant 0 : i32
      %dma_wait3A_254 = tpu.memref_slice %arg9[%add3A_23, %dma_wait3A_253] : memref<10240x128xf32, #tpu.memory_space<vmem_shared>> -> memref<64x128xf32, #tpu.memory_space<vmem_shared>>
      %dma_wait3A_255 = arith.constant 0 : i32
      %dma_wait3A_256 = tpu.memref_slice %arg9[%add3A_23, %dma_wait3A_255] : memref<10240x128xf32, #tpu.memory_space<vmem_shared>> -> memref<64x128xf32, #tpu.memory_space<vmem_shared>>
      %dma_wait3A_257 = arith.constant 0 : i32
      %dma_wait3A_258 = arith.constant 0 : i32
      %dma_wait3A_259 = tpu.memref_slice %arg8[%run_scoped3A_24, %dma_wait3A_257, %dma_wait3A_258] : memref<4x64x128xf32, #tpu.memory_space<vmem>> -> memref<1x64x128xf32, #tpu.memory_space<vmem>>
      %dma_wait3A_260 = tpu.memref_squeeze %dma_wait3A_259 : memref<1x64x128xf32, #tpu.memory_space<vmem>> -> memref<64x128xf32, #tpu.memory_space<vmem>>
      tpu.wait_dma2 semaphore(%run_scoped3A_236 : memref<!tpu.dma_semaphore, #tpu.memory_space<semaphore_mem>>) src(%dma_wait3A_260 : memref<64x128xf32, #tpu.memory_space<vmem>>) dst(%dma_wait3A_256 : memref<64x128xf32, #tpu.memory_space<vmem_shared>>)
      tpu.yield
    }) : () -> ()
    %add3A_25 = arith.constant 384 : i32
    %add3A_26 = arith.addi %mul3A_7, %add3A_25 : i32
    %run_scoped3A_27 = arith.constant 0 : i32
    "tpu.region"() ({
      %run_scoped3A_236 = tpu.sem_alloc : memref<!tpu.dma_semaphore, #tpu.memory_space<semaphore_mem>>
      %dma_start3A_237 = arith.constant 0 : i32
      %dma_start3A_238 = arith.constant 0 : i32
      %dma_start3A_239 = tpu.memref_slice %arg8[%run_scoped3A_27, %dma_start3A_237, %dma_start3A_238] : memref<4x64x128xf32, #tpu.memory_space<vmem>> -> memref<1x64x128xf32, #tpu.memory_space<vmem>>
      %dma_start3A_240 = tpu.memref_squeeze %dma_start3A_239 : memref<1x64x128xf32, #tpu.memory_space<vmem>> -> memref<64x128xf32, #tpu.memory_space<vmem>>
      %dma_start3A_241 = arith.constant 0 : i32
      %dma_start3A_242 = tpu.memref_slice %arg9[%add3A_26, %dma_start3A_241] : memref<10240x128xf32, #tpu.memory_space<vmem_shared>> -> memref<64x128xf32, #tpu.memory_space<vmem_shared>>
      %dma_start3A_243 = arith.constant 0 : i32
      %dma_start3A_244 = tpu.memref_slice %arg9[%add3A_26, %dma_start3A_243] : memref<10240x128xf32, #tpu.memory_space<vmem_shared>> -> memref<64x128xf32, #tpu.memory_space<vmem_shared>>
      %dma_start3A_245 = arith.constant 0 : i32
      %dma_start3A_246 = arith.constant 0 : i32
      %dma_start3A_247 = tpu.memref_slice %arg8[%run_scoped3A_27, %dma_start3A_245, %dma_start3A_246] : memref<4x64x128xf32, #tpu.memory_space<vmem>> -> memref<1x64x128xf32, #tpu.memory_space<vmem>>
      %dma_start3A_248 = tpu.memref_squeeze %dma_start3A_247 : memref<1x64x128xf32, #tpu.memory_space<vmem>> -> memref<64x128xf32, #tpu.memory_space<vmem>>
      tpu.enqueue_dma source(%dma_start3A_248 : memref<64x128xf32, #tpu.memory_space<vmem>>) target(%dma_start3A_244 : memref<64x128xf32, #tpu.memory_space<vmem_shared>>) target_semaphore(%run_scoped3A_236 : memref<!tpu.dma_semaphore, #tpu.memory_space<semaphore_mem>>)
      %dma_wait3A_249 = arith.constant 0 : i32
      %dma_wait3A_250 = arith.constant 0 : i32
      %dma_wait3A_251 = tpu.memref_slice %arg8[%run_scoped3A_27, %dma_wait3A_249, %dma_wait3A_250] : memref<4x64x128xf32, #tpu.memory_space<vmem>> -> memref<1x64x128xf32, #tpu.memory_space<vmem>>
      %dma_wait3A_252 = tpu.memref_squeeze %dma_wait3A_251 : memref<1x64x128xf32, #tpu.memory_space<vmem>> -> memref<64x128xf32, #tpu.memory_space<vmem>>
      %dma_wait3A_253 = arith.constant 0 : i32
      %dma_wait3A_254 = tpu.memref_slice %arg9[%add3A_26, %dma_wait3A_253] : memref<10240x128xf32, #tpu.memory_space<vmem_shared>> -> memref<64x128xf32, #tpu.memory_space<vmem_shared>>
      %dma_wait3A_255 = arith.constant 0 : i32
      %dma_wait3A_256 = tpu.memref_slice %arg9[%add3A_26, %dma_wait3A_255] : memref<10240x128xf32, #tpu.memory_space<vmem_shared>> -> memref<64x128xf32, #tpu.memory_space<vmem_shared>>
      %dma_wait3A_257 = arith.constant 0 : i32
      %dma_wait3A_258 = arith.constant 0 : i32
      %dma_wait3A_259 = tpu.memref_slice %arg8[%run_scoped3A_27, %dma_wait3A_257, %dma_wait3A_258] : memref<4x64x128xf32, #tpu.memory_space<vmem>> -> memref<1x64x128xf32, #tpu.memory_space<vmem>>
      %dma_wait3A_260 = tpu.memref_squeeze %dma_wait3A_259 : memref<1x64x128xf32, #tpu.memory_space<vmem>> -> memref<64x128xf32, #tpu.memory_space<vmem>>
      tpu.wait_dma2 semaphore(%run_scoped3A_236 : memref<!tpu.dma_semaphore, #tpu.memory_space<semaphore_mem>>) src(%dma_wait3A_260 : memref<64x128xf32, #tpu.memory_space<vmem>>) dst(%dma_wait3A_256 : memref<64x128xf32, #tpu.memory_space<vmem_shared>>)
      tpu.yield
    }) : () -> ()
    %add3A_28 = arith.constant 448 : i32
    %add3A_29 = arith.addi %mul3A_7, %add3A_28 : i32
    %run_scoped3A_30 = arith.constant 0 : i32
    "tpu.region"() ({
      %run_scoped3A_236 = tpu.sem_alloc : memref<!tpu.dma_semaphore, #tpu.memory_space<semaphore_mem>>
      %dma_start3A_237 = arith.constant 0 : i32
      %dma_start3A_238 = arith.constant 0 : i32
      %dma_start3A_239 = tpu.memref_slice %arg8[%run_scoped3A_30, %dma_start3A_237, %dma_start3A_238] : memref<4x64x128xf32, #tpu.memory_space<vmem>> -> memref<1x64x128xf32, #tpu.memory_space<vmem>>
      %dma_start3A_240 = tpu.memref_squeeze %dma_start3A_239 : memref<1x64x128xf32, #tpu.memory_space<vmem>> -> memref<64x128xf32, #tpu.memory_space<vmem>>
      %dma_start3A_241 = arith.constant 0 : i32
      %dma_start3A_242 = tpu.memref_slice %arg9[%add3A_29, %dma_start3A_241] : memref<10240x128xf32, #tpu.memory_space<vmem_shared>> -> memref<64x128xf32, #tpu.memory_space<vmem_shared>>
      %dma_start3A_243 = arith.constant 0 : i32
      %dma_start3A_244 = tpu.memref_slice %arg9[%add3A_29, %dma_start3A_243] : memref<10240x128xf32, #tpu.memory_space<vmem_shared>> -> memref<64x128xf32, #tpu.memory_space<vmem_shared>>
      %dma_start3A_245 = arith.constant 0 : i32
      %dma_start3A_246 = arith.constant 0 : i32
      %dma_start3A_247 = tpu.memref_slice %arg8[%run_scoped3A_30, %dma_start3A_245, %dma_start3A_246] : memref<4x64x128xf32, #tpu.memory_space<vmem>> -> memref<1x64x128xf32, #tpu.memory_space<vmem>>
      %dma_start3A_248 = tpu.memref_squeeze %dma_start3A_247 : memref<1x64x128xf32, #tpu.memory_space<vmem>> -> memref<64x128xf32, #tpu.memory_space<vmem>>
      tpu.enqueue_dma source(%dma_start3A_248 : memref<64x128xf32, #tpu.memory_space<vmem>>) target(%dma_start3A_244 : memref<64x128xf32, #tpu.memory_space<vmem_shared>>) target_semaphore(%run_scoped3A_236 : memref<!tpu.dma_semaphore, #tpu.memory_space<semaphore_mem>>)
      %dma_wait3A_249 = arith.constant 0 : i32
      %dma_wait3A_250 = arith.constant 0 : i32
      %dma_wait3A_251 = tpu.memref_slice %arg8[%run_scoped3A_30, %dma_wait3A_249, %dma_wait3A_250] : memref<4x64x128xf32, #tpu.memory_space<vmem>> -> memref<1x64x128xf32, #tpu.memory_space<vmem>>
      %dma_wait3A_252 = tpu.memref_squeeze %dma_wait3A_251 : memref<1x64x128xf32, #tpu.memory_space<vmem>> -> memref<64x128xf32, #tpu.memory_space<vmem>>
      %dma_wait3A_253 = arith.constant 0 : i32
      %dma_wait3A_254 = tpu.memref_slice %arg9[%add3A_29, %dma_wait3A_253] : memref<10240x128xf32, #tpu.memory_space<vmem_shared>> -> memref<64x128xf32, #tpu.memory_space<vmem_shared>>
      %dma_wait3A_255 = arith.constant 0 : i32
      %dma_wait3A_256 = tpu.memref_slice %arg9[%add3A_29, %dma_wait3A_255] : memref<10240x128xf32, #tpu.memory_space<vmem_shared>> -> memref<64x128xf32, #tpu.memory_space<vmem_shared>>
      %dma_wait3A_257 = arith.constant 0 : i32
      %dma_wait3A_258 = arith.constant 0 : i32
      %dma_wait3A_259 = tpu.memref_slice %arg8[%run_scoped3A_30, %dma_wait3A_257, %dma_wait3A_258] : memref<4x64x128xf32, #tpu.memory_space<vmem>> -> memref<1x64x128xf32, #tpu.memory_space<vmem>>
      %dma_wait3A_260 = tpu.memref_squeeze %dma_wait3A_259 : memref<1x64x128xf32, #tpu.memory_space<vmem>> -> memref<64x128xf32, #tpu.memory_space<vmem>>
      tpu.wait_dma2 semaphore(%run_scoped3A_236 : memref<!tpu.dma_semaphore, #tpu.memory_space<semaphore_mem>>) src(%dma_wait3A_260 : memref<64x128xf32, #tpu.memory_space<vmem>>) dst(%dma_wait3A_256 : memref<64x128xf32, #tpu.memory_space<vmem_shared>>)
      tpu.yield
    }) : () -> ()
    %add3A_31 = arith.constant 512 : i32
    %add3A_32 = arith.addi %mul3A_7, %add3A_31 : i32
    %run_scoped3A_33 = arith.constant 0 : i32
    "tpu.region"() ({
      %run_scoped3A_236 = tpu.sem_alloc : memref<!tpu.dma_semaphore, #tpu.memory_space<semaphore_mem>>
      %dma_start3A_237 = arith.constant 0 : i32
      %dma_start3A_238 = arith.constant 0 : i32
      %dma_start3A_239 = tpu.memref_slice %arg8[%run_scoped3A_33, %dma_start3A_237, %dma_start3A_238] : memref<4x64x128xf32, #tpu.memory_space<vmem>> -> memref<1x64x128xf32, #tpu.memory_space<vmem>>
      %dma_start3A_240 = tpu.memref_squeeze %dma_start3A_239 : memref<1x64x128xf32, #tpu.memory_space<vmem>> -> memref<64x128xf32, #tpu.memory_space<vmem>>
      %dma_start3A_241 = arith.constant 0 : i32
      %dma_start3A_242 = tpu.memref_slice %arg9[%add3A_32, %dma_start3A_241] : memref<10240x128xf32, #tpu.memory_space<vmem_shared>> -> memref<64x128xf32, #tpu.memory_space<vmem_shared>>
      %dma_start3A_243 = arith.constant 0 : i32
      %dma_start3A_244 = tpu.memref_slice %arg9[%add3A_32, %dma_start3A_243] : memref<10240x128xf32, #tpu.memory_space<vmem_shared>> -> memref<64x128xf32, #tpu.memory_space<vmem_shared>>
      %dma_start3A_245 = arith.constant 0 : i32
      %dma_start3A_246 = arith.constant 0 : i32
      %dma_start3A_247 = tpu.memref_slice %arg8[%run_scoped3A_33, %dma_start3A_245, %dma_start3A_246] : memref<4x64x128xf32, #tpu.memory_space<vmem>> -> memref<1x64x128xf32, #tpu.memory_space<vmem>>
      %dma_start3A_248 = tpu.memref_squeeze %dma_start3A_247 : memref<1x64x128xf32, #tpu.memory_space<vmem>> -> memref<64x128xf32, #tpu.memory_space<vmem>>
      tpu.enqueue_dma source(%dma_start3A_248 : memref<64x128xf32, #tpu.memory_space<vmem>>) target(%dma_start3A_244 : memref<64x128xf32, #tpu.memory_space<vmem_shared>>) target_semaphore(%run_scoped3A_236 : memref<!tpu.dma_semaphore, #tpu.memory_space<semaphore_mem>>)
      %dma_wait3A_249 = arith.constant 0 : i32
      %dma_wait3A_250 = arith.constant 0 : i32
      %dma_wait3A_251 = tpu.memref_slice %arg8[%run_scoped3A_33, %dma_wait3A_249, %dma_wait3A_250] : memref<4x64x128xf32, #tpu.memory_space<vmem>> -> memref<1x64x128xf32, #tpu.memory_space<vmem>>
      %dma_wait3A_252 = tpu.memref_squeeze %dma_wait3A_251 : memref<1x64x128xf32, #tpu.memory_space<vmem>> -> memref<64x128xf32, #tpu.memory_space<vmem>>
      %dma_wait3A_253 = arith.constant 0 : i32
      %dma_wait3A_254 = tpu.memref_slice %arg9[%add3A_32, %dma_wait3A_253] : memref<10240x128xf32, #tpu.memory_space<vmem_shared>> -> memref<64x128xf32, #tpu.memory_space<vmem_shared>>
      %dma_wait3A_255 = arith.constant 0 : i32
      %dma_wait3A_256 = tpu.memref_slice %arg9[%add3A_32, %dma_wait3A_255] : memref<10240x128xf32, #tpu.memory_space<vmem_shared>> -> memref<64x128xf32, #tpu.memory_space<vmem_shared>>
      %dma_wait3A_257 = arith.constant 0 : i32
      %dma_wait3A_258 = arith.constant 0 : i32
      %dma_wait3A_259 = tpu.memref_slice %arg8[%run_scoped3A_33, %dma_wait3A_257, %dma_wait3A_258] : memref<4x64x128xf32, #tpu.memory_space<vmem>> -> memref<1x64x128xf32, #tpu.memory_space<vmem>>
      %dma_wait3A_260 = tpu.memref_squeeze %dma_wait3A_259 : memref<1x64x128xf32, #tpu.memory_space<vmem>> -> memref<64x128xf32, #tpu.memory_space<vmem>>
      tpu.wait_dma2 semaphore(%run_scoped3A_236 : memref<!tpu.dma_semaphore, #tpu.memory_space<semaphore_mem>>) src(%dma_wait3A_260 : memref<64x128xf32, #tpu.memory_space<vmem>>) dst(%dma_wait3A_256 : memref<64x128xf32, #tpu.memory_space<vmem_shared>>)
      tpu.yield
    }) : () -> ()
    %add3A_34 = arith.constant 576 : i32
    %add3A_35 = arith.addi %mul3A_7, %add3A_34 : i32
    %run_scoped3A_36 = arith.constant 0 : i32
    "tpu.region"() ({
      %run_scoped3A_236 = tpu.sem_alloc : memref<!tpu.dma_semaphore, #tpu.memory_space<semaphore_mem>>
      %dma_start3A_237 = arith.constant 0 : i32
      %dma_start3A_238 = arith.constant 0 : i32
      %dma_start3A_239 = tpu.memref_slice %arg8[%run_scoped3A_36, %dma_start3A_237, %dma_start3A_238] : memref<4x64x128xf32, #tpu.memory_space<vmem>> -> memref<1x64x128xf32, #tpu.memory_space<vmem>>
      %dma_start3A_240 = tpu.memref_squeeze %dma_start3A_239 : memref<1x64x128xf32, #tpu.memory_space<vmem>> -> memref<64x128xf32, #tpu.memory_space<vmem>>
      %dma_start3A_241 = arith.constant 0 : i32
      %dma_start3A_242 = tpu.memref_slice %arg9[%add3A_35, %dma_start3A_241] : memref<10240x128xf32, #tpu.memory_space<vmem_shared>> -> memref<64x128xf32, #tpu.memory_space<vmem_shared>>
      %dma_start3A_243 = arith.constant 0 : i32
      %dma_start3A_244 = tpu.memref_slice %arg9[%add3A_35, %dma_start3A_243] : memref<10240x128xf32, #tpu.memory_space<vmem_shared>> -> memref<64x128xf32, #tpu.memory_space<vmem_shared>>
      %dma_start3A_245 = arith.constant 0 : i32
      %dma_start3A_246 = arith.constant 0 : i32
      %dma_start3A_247 = tpu.memref_slice %arg8[%run_scoped3A_36, %dma_start3A_245, %dma_start3A_246] : memref<4x64x128xf32, #tpu.memory_space<vmem>> -> memref<1x64x128xf32, #tpu.memory_space<vmem>>
      %dma_start3A_248 = tpu.memref_squeeze %dma_start3A_247 : memref<1x64x128xf32, #tpu.memory_space<vmem>> -> memref<64x128xf32, #tpu.memory_space<vmem>>
      tpu.enqueue_dma source(%dma_start3A_248 : memref<64x128xf32, #tpu.memory_space<vmem>>) target(%dma_start3A_244 : memref<64x128xf32, #tpu.memory_space<vmem_shared>>) target_semaphore(%run_scoped3A_236 : memref<!tpu.dma_semaphore, #tpu.memory_space<semaphore_mem>>)
      %dma_wait3A_249 = arith.constant 0 : i32
      %dma_wait3A_250 = arith.constant 0 : i32
      %dma_wait3A_251 = tpu.memref_slice %arg8[%run_scoped3A_36, %dma_wait3A_249, %dma_wait3A_250] : memref<4x64x128xf32, #tpu.memory_space<vmem>> -> memref<1x64x128xf32, #tpu.memory_space<vmem>>
      %dma_wait3A_252 = tpu.memref_squeeze %dma_wait3A_251 : memref<1x64x128xf32, #tpu.memory_space<vmem>> -> memref<64x128xf32, #tpu.memory_space<vmem>>
      %dma_wait3A_253 = arith.constant 0 : i32
      %dma_wait3A_254 = tpu.memref_slice %arg9[%add3A_35, %dma_wait3A_253] : memref<10240x128xf32, #tpu.memory_space<vmem_shared>> -> memref<64x128xf32, #tpu.memory_space<vmem_shared>>
      %dma_wait3A_255 = arith.constant 0 : i32
      %dma_wait3A_256 = tpu.memref_slice %arg9[%add3A_35, %dma_wait3A_255] : memref<10240x128xf32, #tpu.memory_space<vmem_shared>> -> memref<64x128xf32, #tpu.memory_space<vmem_shared>>
      %dma_wait3A_257 = arith.constant 0 : i32
      %dma_wait3A_258 = arith.constant 0 : i32
      %dma_wait3A_259 = tpu.memref_slice %arg8[%run_scoped3A_36, %dma_wait3A_257, %dma_wait3A_258] : memref<4x64x128xf32, #tpu.memory_space<vmem>> -> memref<1x64x128xf32, #tpu.memory_space<vmem>>
      %dma_wait3A_260 = tpu.memref_squeeze %dma_wait3A_259 : memref<1x64x128xf32, #tpu.memory_space<vmem>> -> memref<64x128xf32, #tpu.memory_space<vmem>>
      tpu.wait_dma2 semaphore(%run_scoped3A_236 : memref<!tpu.dma_semaphore, #tpu.memory_space<semaphore_mem>>) src(%dma_wait3A_260 : memref<64x128xf32, #tpu.memory_space<vmem>>) dst(%dma_wait3A_256 : memref<64x128xf32, #tpu.memory_space<vmem_shared>>)
      tpu.yield
    }) : () -> ()
    %dma_start3A = arith.constant 0 : i32
    %dma_start3A_37 = arith.constant 0 : i32
    %dma_start3A_38 = arith.constant 0 : i32
    %dma_start3A_39 = arith.constant 0 : i32
    %dma_start3A_40 = tpu.memref_slice %arg6[%dma_start3A, %dma_start3A_38, %dma_start3A_39] : memref<4x4x64xi32, #tpu.memory_space<vmem>> -> memref<1x4x64xi32, #tpu.memory_space<vmem>>
    %dma_start3A_41 = tpu.memref_squeeze %dma_start3A_40 : memref<1x4x64xi32, #tpu.memory_space<vmem>> -> memref<4x64xi32, #tpu.memory_space<vmem>>
    %dma_start3A_42 = arith.constant 0 : i32
    %dma_start3A_43 = arith.constant 0 : i32
    %dma_start3A_44 = tpu.memref_slice %arg2[%add3A, %dma_start3A_42, %dma_start3A_43] : memref<32x160x64xi32, #tpu.memory_space<hbm>> -> memref<1x4x64xi32, #tpu.memory_space<hbm>>
    %dma_start3A_45 = tpu.memref_squeeze %dma_start3A_44 : memref<1x4x64xi32, #tpu.memory_space<hbm>> -> memref<4x64xi32, #tpu.memory_space<hbm>>
    %dma_start3A_46 = tpu.memref_slice %arg11[%dma_start3A_37] : memref<4x!tpu.dma_semaphore, #tpu.memory_space<semaphore_mem>> -> memref<1x!tpu.dma_semaphore, #tpu.memory_space<semaphore_mem>>
    %dma_start3A_47 = tpu.memref_squeeze %dma_start3A_46 : memref<1x!tpu.dma_semaphore, #tpu.memory_space<semaphore_mem>> -> memref<!tpu.dma_semaphore, #tpu.memory_space<semaphore_mem>>
    %dma_start3A_48 = arith.constant 0 : i32
    %dma_start3A_49 = arith.constant 0 : i32
    %dma_start3A_50 = tpu.memref_slice %arg6[%dma_start3A, %dma_start3A_48, %dma_start3A_49] : memref<4x4x64xi32, #tpu.memory_space<vmem>> -> memref<1x4x64xi32, #tpu.memory_space<vmem>>
    %dma_start3A_51 = tpu.memref_squeeze %dma_start3A_50 : memref<1x4x64xi32, #tpu.memory_space<vmem>> -> memref<4x64xi32, #tpu.memory_space<vmem>>
    %dma_start3A_52 = arith.constant 0 : i32
    %dma_start3A_53 = arith.constant 0 : i32
    %dma_start3A_54 = tpu.memref_slice %arg2[%add3A, %dma_start3A_52, %dma_start3A_53] : memref<32x160x64xi32, #tpu.memory_space<hbm>> -> memref<1x4x64xi32, #tpu.memory_space<hbm>>
    %dma_start3A_55 = tpu.memref_squeeze %dma_start3A_54 : memref<1x4x64xi32, #tpu.memory_space<hbm>> -> memref<4x64xi32, #tpu.memory_space<hbm>>
    tpu.enqueue_dma source(%dma_start3A_55 : memref<4x64xi32, #tpu.memory_space<hbm>>) target(%dma_start3A_51 : memref<4x64xi32, #tpu.memory_space<vmem>>) target_semaphore(%dma_start3A_47 : memref<!tpu.dma_semaphore, #tpu.memory_space<semaphore_mem>>)
    %dma_start3A_56 = arith.constant 0 : i32
    %dma_start3A_57 = arith.constant 0 : i32
    %dma_start3A_58 = arith.constant 0 : i32
    %dma_start3A_59 = arith.constant 0 : i32
    %dma_start3A_60 = tpu.memref_slice %arg7[%dma_start3A_56, %dma_start3A_58, %dma_start3A_59] : memref<4x4x64xi32, #tpu.memory_space<vmem>> -> memref<1x4x64xi32, #tpu.memory_space<vmem>>
    %dma_start3A_61 = tpu.memref_squeeze %dma_start3A_60 : memref<1x4x64xi32, #tpu.memory_space<vmem>> -> memref<4x64xi32, #tpu.memory_space<vmem>>
    %dma_start3A_62 = arith.constant 0 : i32
    %dma_start3A_63 = arith.constant 0 : i32
    %dma_start3A_64 = tpu.memref_slice %arg3[%add3A, %dma_start3A_62, %dma_start3A_63] : memref<32x160x64xi32, #tpu.memory_space<hbm>> -> memref<1x4x64xi32, #tpu.memory_space<hbm>>
    %dma_start3A_65 = tpu.memref_squeeze %dma_start3A_64 : memref<1x4x64xi32, #tpu.memory_space<hbm>> -> memref<4x64xi32, #tpu.memory_space<hbm>>
    %dma_start3A_66 = tpu.memref_slice %arg11[%dma_start3A_57] : memref<4x!tpu.dma_semaphore, #tpu.memory_space<semaphore_mem>> -> memref<1x!tpu.dma_semaphore, #tpu.memory_space<semaphore_mem>>
    %dma_start3A_67 = tpu.memref_squeeze %dma_start3A_66 : memref<1x!tpu.dma_semaphore, #tpu.memory_space<semaphore_mem>> -> memref<!tpu.dma_semaphore, #tpu.memory_space<semaphore_mem>>
    %dma_start3A_68 = arith.constant 0 : i32
    %dma_start3A_69 = arith.constant 0 : i32
    %dma_start3A_70 = tpu.memref_slice %arg7[%dma_start3A_56, %dma_start3A_68, %dma_start3A_69] : memref<4x4x64xi32, #tpu.memory_space<vmem>> -> memref<1x4x64xi32, #tpu.memory_space<vmem>>
    %dma_start3A_71 = tpu.memref_squeeze %dma_start3A_70 : memref<1x4x64xi32, #tpu.memory_space<vmem>> -> memref<4x64xi32, #tpu.memory_space<vmem>>
    %dma_start3A_72 = arith.constant 0 : i32
    %dma_start3A_73 = arith.constant 0 : i32
    %dma_start3A_74 = tpu.memref_slice %arg3[%add3A, %dma_start3A_72, %dma_start3A_73] : memref<32x160x64xi32, #tpu.memory_space<hbm>> -> memref<1x4x64xi32, #tpu.memory_space<hbm>>
    %dma_start3A_75 = tpu.memref_squeeze %dma_start3A_74 : memref<1x4x64xi32, #tpu.memory_space<hbm>> -> memref<4x64xi32, #tpu.memory_space<hbm>>
    tpu.enqueue_dma source(%dma_start3A_75 : memref<4x64xi32, #tpu.memory_space<hbm>>) target(%dma_start3A_71 : memref<4x64xi32, #tpu.memory_space<vmem>>) target_semaphore(%dma_start3A_67 : memref<!tpu.dma_semaphore, #tpu.memory_space<semaphore_mem>>)
    %dma_start3A_76 = arith.constant 1 : i32
    %dma_start3A_77 = arith.constant 1 : i32
    %dma_start3A_78 = arith.constant 0 : i32
    %dma_start3A_79 = arith.constant 0 : i32
    %dma_start3A_80 = tpu.memref_slice %arg6[%dma_start3A_76, %dma_start3A_78, %dma_start3A_79] : memref<4x4x64xi32, #tpu.memory_space<vmem>> -> memref<1x4x64xi32, #tpu.memory_space<vmem>>
    %dma_start3A_81 = tpu.memref_squeeze %dma_start3A_80 : memref<1x4x64xi32, #tpu.memory_space<vmem>> -> memref<4x64xi32, #tpu.memory_space<vmem>>
    %dma_start3A_82 = arith.constant 4 : i32
    %dma_start3A_83 = arith.constant 0 : i32
    %dma_start3A_84 = tpu.memref_slice %arg2[%add3A, %dma_start3A_82, %dma_start3A_83] : memref<32x160x64xi32, #tpu.memory_space<hbm>> -> memref<1x4x64xi32, #tpu.memory_space<hbm>>
    %dma_start3A_85 = tpu.memref_squeeze %dma_start3A_84 : memref<1x4x64xi32, #tpu.memory_space<hbm>> -> memref<4x64xi32, #tpu.memory_space<hbm>>
    %dma_start3A_86 = tpu.memref_slice %arg11[%dma_start3A_77] : memref<4x!tpu.dma_semaphore, #tpu.memory_space<semaphore_mem>> -> memref<1x!tpu.dma_semaphore, #tpu.memory_space<semaphore_mem>>
    %dma_start3A_87 = tpu.memref_squeeze %dma_start3A_86 : memref<1x!tpu.dma_semaphore, #tpu.memory_space<semaphore_mem>> -> memref<!tpu.dma_semaphore, #tpu.memory_space<semaphore_mem>>
    %dma_start3A_88 = arith.constant 0 : i32
    %dma_start3A_89 = arith.constant 0 : i32
    %dma_start3A_90 = tpu.memref_slice %arg6[%dma_start3A_76, %dma_start3A_88, %dma_start3A_89] : memref<4x4x64xi32, #tpu.memory_space<vmem>> -> memref<1x4x64xi32, #tpu.memory_space<vmem>>
    %dma_start3A_91 = tpu.memref_squeeze %dma_start3A_90 : memref<1x4x64xi32, #tpu.memory_space<vmem>> -> memref<4x64xi32, #tpu.memory_space<vmem>>
    %dma_start3A_92 = arith.constant 4 : i32
    %dma_start3A_93 = arith.constant 0 : i32
    %dma_start3A_94 = tpu.memref_slice %arg2[%add3A, %dma_start3A_92, %dma_start3A_93] : memref<32x160x64xi32, #tpu.memory_space<hbm>> -> memref<1x4x64xi32, #tpu.memory_space<hbm>>
    %dma_start3A_95 = tpu.memref_squeeze %dma_start3A_94 : memref<1x4x64xi32, #tpu.memory_space<hbm>> -> memref<4x64xi32, #tpu.memory_space<hbm>>
    tpu.enqueue_dma source(%dma_start3A_95 : memref<4x64xi32, #tpu.memory_space<hbm>>) target(%dma_start3A_91 : memref<4x64xi32, #tpu.memory_space<vmem>>) target_semaphore(%dma_start3A_87 : memref<!tpu.dma_semaphore, #tpu.memory_space<semaphore_mem>>)
    %dma_start3A_96 = arith.constant 1 : i32
    %dma_start3A_97 = arith.constant 1 : i32
    %dma_start3A_98 = arith.constant 0 : i32
    %dma_start3A_99 = arith.constant 0 : i32
    %dma_start3A_100 = tpu.memref_slice %arg7[%dma_start3A_96, %dma_start3A_98, %dma_start3A_99] : memref<4x4x64xi32, #tpu.memory_space<vmem>> -> memref<1x4x64xi32, #tpu.memory_space<vmem>>
    %dma_start3A_101 = tpu.memref_squeeze %dma_start3A_100 : memref<1x4x64xi32, #tpu.memory_space<vmem>> -> memref<4x64xi32, #tpu.memory_space<vmem>>
    %dma_start3A_102 = arith.constant 4 : i32
    %dma_start3A_103 = arith.constant 0 : i32
    %dma_start3A_104 = tpu.memref_slice %arg3[%add3A, %dma_start3A_102, %dma_start3A_103] : memref<32x160x64xi32, #tpu.memory_space<hbm>> -> memref<1x4x64xi32, #tpu.memory_space<hbm>>
    %dma_start3A_105 = tpu.memref_squeeze %dma_start3A_104 : memref<1x4x64xi32, #tpu.memory_space<hbm>> -> memref<4x64xi32, #tpu.memory_space<hbm>>
    %dma_start3A_106 = tpu.memref_slice %arg11[%dma_start3A_97] : memref<4x!tpu.dma_semaphore, #tpu.memory_space<semaphore_mem>> -> memref<1x!tpu.dma_semaphore, #tpu.memory_space<semaphore_mem>>
    %dma_start3A_107 = tpu.memref_squeeze %dma_start3A_106 : memref<1x!tpu.dma_semaphore, #tpu.memory_space<semaphore_mem>> -> memref<!tpu.dma_semaphore, #tpu.memory_space<semaphore_mem>>
    %dma_start3A_108 = arith.constant 0 : i32
    %dma_start3A_109 = arith.constant 0 : i32
    %dma_start3A_110 = tpu.memref_slice %arg7[%dma_start3A_96, %dma_start3A_108, %dma_start3A_109] : memref<4x4x64xi32, #tpu.memory_space<vmem>> -> memref<1x4x64xi32, #tpu.memory_space<vmem>>
    %dma_start3A_111 = tpu.memref_squeeze %dma_start3A_110 : memref<1x4x64xi32, #tpu.memory_space<vmem>> -> memref<4x64xi32, #tpu.memory_space<vmem>>
    %dma_start3A_112 = arith.constant 4 : i32
    %dma_start3A_113 = arith.constant 0 : i32
    %dma_start3A_114 = tpu.memref_slice %arg3[%add3A, %dma_start3A_112, %dma_start3A_113] : memref<32x160x64xi32, #tpu.memory_space<hbm>> -> memref<1x4x64xi32, #tpu.memory_space<hbm>>
    %dma_start3A_115 = tpu.memref_squeeze %dma_start3A_114 : memref<1x4x64xi32, #tpu.memory_space<hbm>> -> memref<4x64xi32, #tpu.memory_space<hbm>>
    tpu.enqueue_dma source(%dma_start3A_115 : memref<4x64xi32, #tpu.memory_space<hbm>>) target(%dma_start3A_111 : memref<4x64xi32, #tpu.memory_space<vmem>>) target_semaphore(%dma_start3A_107 : memref<!tpu.dma_semaphore, #tpu.memory_space<semaphore_mem>>)
    %barrier3A = arith.constant 0 : index
    tpu.barrier barrier_id(%barrier3A)
    %dma_wait3A = arith.constant 0 : i32
    %dma_wait3A_116 = arith.constant 0 : i32
    %dma_wait3A_117 = arith.constant 0 : i32
    %dma_wait3A_118 = arith.constant 0 : i32
    %dma_wait3A_119 = tpu.memref_slice %arg6[%dma_wait3A, %dma_wait3A_117, %dma_wait3A_118] : memref<4x4x64xi32, #tpu.memory_space<vmem>> -> memref<1x4x64xi32, #tpu.memory_space<vmem>>
    %dma_wait3A_120 = tpu.memref_squeeze %dma_wait3A_119 : memref<1x4x64xi32, #tpu.memory_space<vmem>> -> memref<4x64xi32, #tpu.memory_space<vmem>>
    %dma_wait3A_121 = arith.constant 0 : i32
    %dma_wait3A_122 = arith.constant 0 : i32
    %dma_wait3A_123 = tpu.memref_slice %arg2[%add3A, %dma_wait3A_121, %dma_wait3A_122] : memref<32x160x64xi32, #tpu.memory_space<hbm>> -> memref<1x4x64xi32, #tpu.memory_space<hbm>>
    %dma_wait3A_124 = tpu.memref_squeeze %dma_wait3A_123 : memref<1x4x64xi32, #tpu.memory_space<hbm>> -> memref<4x64xi32, #tpu.memory_space<hbm>>
    %dma_wait3A_125 = tpu.memref_slice %arg11[%dma_wait3A_116] : memref<4x!tpu.dma_semaphore, #tpu.memory_space<semaphore_mem>> -> memref<1x!tpu.dma_semaphore, #tpu.memory_space<semaphore_mem>>
    %dma_wait3A_126 = tpu.memref_squeeze %dma_wait3A_125 : memref<1x!tpu.dma_semaphore, #tpu.memory_space<semaphore_mem>> -> memref<!tpu.dma_semaphore, #tpu.memory_space<semaphore_mem>>
    %dma_wait3A_127 = arith.constant 0 : i32
    %dma_wait3A_128 = arith.constant 0 : i32
    %dma_wait3A_129 = tpu.memref_slice %arg6[%dma_wait3A, %dma_wait3A_127, %dma_wait3A_128] : memref<4x4x64xi32, #tpu.memory_space<vmem>> -> memref<1x4x64xi32, #tpu.memory_space<vmem>>
    %dma_wait3A_130 = tpu.memref_squeeze %dma_wait3A_129 : memref<1x4x64xi32, #tpu.memory_space<vmem>> -> memref<4x64xi32, #tpu.memory_space<vmem>>
    %dma_wait3A_131 = arith.constant 0 : i32
    %dma_wait3A_132 = arith.constant 0 : i32
    %dma_wait3A_133 = tpu.memref_slice %arg2[%add3A, %dma_wait3A_131, %dma_wait3A_132] : memref<32x160x64xi32, #tpu.memory_space<hbm>> -> memref<1x4x64xi32, #tpu.memory_space<hbm>>
    %dma_wait3A_134 = tpu.memref_squeeze %dma_wait3A_133 : memref<1x4x64xi32, #tpu.memory_space<hbm>> -> memref<4x64xi32, #tpu.memory_space<hbm>>
    tpu.wait_dma2 semaphore(%dma_wait3A_126 : memref<!tpu.dma_semaphore, #tpu.memory_space<semaphore_mem>>) src(%dma_wait3A_134 : memref<4x64xi32, #tpu.memory_space<hbm>>) dst(%dma_wait3A_130 : memref<4x64xi32, #tpu.memory_space<vmem>>)
    %dma_wait3A_135 = arith.constant 0 : i32
    %dma_wait3A_136 = arith.constant 0 : i32
    %dma_wait3A_137 = arith.constant 0 : i32
    %dma_wait3A_138 = arith.constant 0 : i32
    %dma_wait3A_139 = tpu.memref_slice %arg7[%dma_wait3A_135, %dma_wait3A_137, %dma_wait3A_138] : memref<4x4x64xi32, #tpu.memory_space<vmem>> -> memref<1x4x64xi32, #tpu.memory_space<vmem>>
    %dma_wait3A_140 = tpu.memref_squeeze %dma_wait3A_139 : memref<1x4x64xi32, #tpu.memory_space<vmem>> -> memref<4x64xi32, #tpu.memory_space<vmem>>
    %dma_wait3A_141 = arith.constant 0 : i32
    %dma_wait3A_142 = arith.constant 0 : i32
    %dma_wait3A_143 = tpu.memref_slice %arg3[%add3A, %dma_wait3A_141, %dma_wait3A_142] : memref<32x160x64xi32, #tpu.memory_space<hbm>> -> memref<1x4x64xi32, #tpu.memory_space<hbm>>
    %dma_wait3A_144 = tpu.memref_squeeze %dma_wait3A_143 : memref<1x4x64xi32, #tpu.memory_space<hbm>> -> memref<4x64xi32, #tpu.memory_space<hbm>>
    %dma_wait3A_145 = tpu.memref_slice %arg11[%dma_wait3A_136] : memref<4x!tpu.dma_semaphore, #tpu.memory_space<semaphore_mem>> -> memref<1x!tpu.dma_semaphore, #tpu.memory_space<semaphore_mem>>
    %dma_wait3A_146 = tpu.memref_squeeze %dma_wait3A_145 : memref<1x!tpu.dma_semaphore, #tpu.memory_space<semaphore_mem>> -> memref<!tpu.dma_semaphore, #tpu.memory_space<semaphore_mem>>
    %dma_wait3A_147 = arith.constant 0 : i32
    %dma_wait3A_148 = arith.constant 0 : i32
    %dma_wait3A_149 = tpu.memref_slice %arg7[%dma_wait3A_135, %dma_wait3A_147, %dma_wait3A_148] : memref<4x4x64xi32, #tpu.memory_space<vmem>> -> memref<1x4x64xi32, #tpu.memory_space<vmem>>
    %dma_wait3A_150 = tpu.memref_squeeze %dma_wait3A_149 : memref<1x4x64xi32, #tpu.memory_space<vmem>> -> memref<4x64xi32, #tpu.memory_space<vmem>>
    %dma_wait3A_151 = arith.constant 0 : i32
    %dma_wait3A_152 = arith.constant 0 : i32
    %dma_wait3A_153 = tpu.memref_slice %arg3[%add3A, %dma_wait3A_151, %dma_wait3A_152] : memref<32x160x64xi32, #tpu.memory_space<hbm>> -> memref<1x4x64xi32, #tpu.memory_space<hbm>>
    %dma_wait3A_154 = tpu.memref_squeeze %dma_wait3A_153 : memref<1x4x64xi32, #tpu.memory_space<hbm>> -> memref<4x64xi32, #tpu.memory_space<hbm>>
    tpu.wait_dma2 semaphore(%dma_wait3A_146 : memref<!tpu.dma_semaphore, #tpu.memory_space<semaphore_mem>>) src(%dma_wait3A_154 : memref<4x64xi32, #tpu.memory_space<hbm>>) dst(%dma_wait3A_150 : memref<4x64xi32, #tpu.memory_space<vmem>>)
    %dma_start3A_155 = arith.constant 0 : i32
    %dma_start3A_156 = arith.constant 0 : i32
    %dma_start3A_157 = arith.constant 0 : i32
    %dma_start3A_158 = arith.constant 0 : i32
    %dma_start3A_159 = arith.constant 0 : i32
    %dma_start3A_160 = arith.constant 0 : i32
    %dma_start3A_161 = tpu.memref_slice %arg8[%dma_start3A_157, %dma_start3A_159, %dma_start3A_160] : memref<4x64x128xf32, #tpu.memory_space<vmem>> -> memref<1x64x128xf32, #tpu.memory_space<vmem>>
    %dma_start3A_162 = tpu.memref_squeeze %dma_start3A_161 : memref<1x64x128xf32, #tpu.memory_space<vmem>> -> memref<64x128xf32, #tpu.memory_space<vmem>>
    %dma_start3A_163 = arith.constant 0 : i32
    %dma_start3A_164 = tpu.memref_slice %arg6[%dma_start3A_155, %dma_start3A_156, %dma_start3A_163] : memref<4x4x64xi32, #tpu.memory_space<vmem>> -> memref<1x1x64xi32, #tpu.memory_space<vmem>>
    %dma_start3A_165 = tpu.memref_squeeze %dma_start3A_164 : memref<1x1x64xi32, #tpu.memory_space<vmem>> -> memref<64xi32, #tpu.memory_space<vmem>>
    %dma_start3A_166 = arith.constant 0 : i32
    %dma_start3A_167 = arith.constant 0 : i32
    %dma_start3A_168 = tpu.memref_slice %arg4[%dma_start3A_166, %dma_start3A_167] : memref<10240x128xf32, #tpu.memory_space<hbm>> -> memref<10240x128xf32, #tpu.memory_space<hbm>>
    %dma_start3A_169 = tpu.memref_slice %arg10[%dma_start3A_158] : memref<4x!tpu.dma_semaphore, #tpu.memory_space<semaphore_mem>> -> memref<1x!tpu.dma_semaphore, #tpu.memory_space<semaphore_mem>>
    %dma_start3A_170 = tpu.memref_squeeze %dma_start3A_169 : memref<1x!tpu.dma_semaphore, #tpu.memory_space<semaphore_mem>> -> memref<!tpu.dma_semaphore, #tpu.memory_space<semaphore_mem>>
    tpu.enqueue_indirect_dma source(%dma_start3A_168 : memref<10240x128xf32, #tpu.memory_space<hbm>>) target(%dma_start3A_162 : memref<64x128xf32, #tpu.memory_space<vmem>>) offsets(%dma_start3A_165 : memref<64xi32, #tpu.memory_space<vmem>>) semaphore(%dma_start3A_170 : memref<!tpu.dma_semaphore, #tpu.memory_space<semaphore_mem>>)
    %dma_start3A_171 = arith.constant 0 : i32
    %dma_start3A_172 = arith.constant 1 : i32
    %dma_start3A_173 = arith.constant 1 : i32
    %dma_start3A_174 = arith.constant 1 : i32
    %dma_start3A_175 = arith.constant 0 : i32
    %dma_start3A_176 = arith.constant 0 : i32
    %dma_start3A_177 = tpu.memref_slice %arg8[%dma_start3A_173, %dma_start3A_175, %dma_start3A_176] : memref<4x64x128xf32, #tpu.memory_space<vmem>> -> memref<1x64x128xf32, #tpu.memory_space<vmem>>
    %dma_start3A_178 = tpu.memref_squeeze %dma_start3A_177 : memref<1x64x128xf32, #tpu.memory_space<vmem>> -> memref<64x128xf32, #tpu.memory_space<vmem>>
    %dma_start3A_179 = arith.constant 0 : i32
    %dma_start3A_180 = tpu.memref_slice %arg6[%dma_start3A_171, %dma_start3A_172, %dma_start3A_179] : memref<4x4x64xi32, #tpu.memory_space<vmem>> -> memref<1x1x64xi32, #tpu.memory_space<vmem>>
    %dma_start3A_181 = tpu.memref_squeeze %dma_start3A_180 : memref<1x1x64xi32, #tpu.memory_space<vmem>> -> memref<64xi32, #tpu.memory_space<vmem>>
    %dma_start3A_182 = arith.constant 0 : i32
    %dma_start3A_183 = arith.constant 0 : i32
    %dma_start3A_184 = tpu.memref_slice %arg4[%dma_start3A_182, %dma_start3A_183] : memref<10240x128xf32, #tpu.memory_space<hbm>> -> memref<10240x128xf32, #tpu.memory_space<hbm>>
    %dma_start3A_185 = tpu.memref_slice %arg10[%dma_start3A_174] : memref<4x!tpu.dma_semaphore, #tpu.memory_space<semaphore_mem>> -> memref<1x!tpu.dma_semaphore, #tpu.memory_space<semaphore_mem>>
    %dma_start3A_186 = tpu.memref_squeeze %dma_start3A_185 : memref<1x!tpu.dma_semaphore, #tpu.memory_space<semaphore_mem>> -> memref<!tpu.dma_semaphore, #tpu.memory_space<semaphore_mem>>
    tpu.enqueue_indirect_dma source(%dma_start3A_184 : memref<10240x128xf32, #tpu.memory_space<hbm>>) target(%dma_start3A_178 : memref<64x128xf32, #tpu.memory_space<vmem>>) offsets(%dma_start3A_181 : memref<64xi32, #tpu.memory_space<vmem>>) semaphore(%dma_start3A_186 : memref<!tpu.dma_semaphore, #tpu.memory_space<semaphore_mem>>)
    %dma_start3A_187 = arith.constant 0 : i32
    %dma_start3A_188 = arith.constant 2 : i32
    %dma_start3A_189 = arith.constant 2 : i32
    %dma_start3A_190 = arith.constant 2 : i32
    %dma_start3A_191 = arith.constant 0 : i32
    %dma_start3A_192 = arith.constant 0 : i32
    %dma_start3A_193 = tpu.memref_slice %arg8[%dma_start3A_189, %dma_start3A_191, %dma_start3A_192] : memref<4x64x128xf32, #tpu.memory_space<vmem>> -> memref<1x64x128xf32, #tpu.memory_space<vmem>>
    %dma_start3A_194 = tpu.memref_squeeze %dma_start3A_193 : memref<1x64x128xf32, #tpu.memory_space<vmem>> -> memref<64x128xf32, #tpu.memory_space<vmem>>
    %dma_start3A_195 = arith.constant 0 : i32
    %dma_start3A_196 = tpu.memref_slice %arg6[%dma_start3A_187, %dma_start3A_188, %dma_start3A_195] : memref<4x4x64xi32, #tpu.memory_space<vmem>> -> memref<1x1x64xi32, #tpu.memory_space<vmem>>
    %dma_start3A_197 = tpu.memref_squeeze %dma_start3A_196 : memref<1x1x64xi32, #tpu.memory_space<vmem>> -> memref<64xi32, #tpu.memory_space<vmem>>
    %dma_start3A_198 = arith.constant 0 : i32
    %dma_start3A_199 = arith.constant 0 : i32
    %dma_start3A_200 = tpu.memref_slice %arg4[%dma_start3A_198, %dma_start3A_199] : memref<10240x128xf32, #tpu.memory_space<hbm>> -> memref<10240x128xf32, #tpu.memory_space<hbm>>
    %dma_start3A_201 = tpu.memref_slice %arg10[%dma_start3A_190] : memref<4x!tpu.dma_semaphore, #tpu.memory_space<semaphore_mem>> -> memref<1x!tpu.dma_semaphore, #tpu.memory_space<semaphore_mem>>
    %dma_start3A_202 = tpu.memref_squeeze %dma_start3A_201 : memref<1x!tpu.dma_semaphore, #tpu.memory_space<semaphore_mem>> -> memref<!tpu.dma_semaphore, #tpu.memory_space<semaphore_mem>>
    tpu.enqueue_indirect_dma source(%dma_start3A_200 : memref<10240x128xf32, #tpu.memory_space<hbm>>) target(%dma_start3A_194 : memref<64x128xf32, #tpu.memory_space<vmem>>) offsets(%dma_start3A_197 : memref<64xi32, #tpu.memory_space<vmem>>) semaphore(%dma_start3A_202 : memref<!tpu.dma_semaphore, #tpu.memory_space<semaphore_mem>>)
    %dma_start3A_203 = arith.constant 0 : i32
    %dma_start3A_204 = arith.constant 3 : i32
    %dma_start3A_205 = arith.constant 3 : i32
    %dma_start3A_206 = arith.constant 3 : i32
    %dma_start3A_207 = arith.constant 0 : i32
    %dma_start3A_208 = arith.constant 0 : i32
    %dma_start3A_209 = tpu.memref_slice %arg8[%dma_start3A_205, %dma_start3A_207, %dma_start3A_208] : memref<4x64x128xf32, #tpu.memory_space<vmem>> -> memref<1x64x128xf32, #tpu.memory_space<vmem>>
    %dma_start3A_210 = tpu.memref_squeeze %dma_start3A_209 : memref<1x64x128xf32, #tpu.memory_space<vmem>> -> memref<64x128xf32, #tpu.memory_space<vmem>>
    %dma_start3A_211 = arith.constant 0 : i32
    %dma_start3A_212 = tpu.memref_slice %arg6[%dma_start3A_203, %dma_start3A_204, %dma_start3A_211] : memref<4x4x64xi32, #tpu.memory_space<vmem>> -> memref<1x1x64xi32, #tpu.memory_space<vmem>>
    %dma_start3A_213 = tpu.memref_squeeze %dma_start3A_212 : memref<1x1x64xi32, #tpu.memory_space<vmem>> -> memref<64xi32, #tpu.memory_space<vmem>>
    %dma_start3A_214 = arith.constant 0 : i32
    %dma_start3A_215 = arith.constant 0 : i32
    %dma_start3A_216 = tpu.memref_slice %arg4[%dma_start3A_214, %dma_start3A_215] : memref<10240x128xf32, #tpu.memory_space<hbm>> -> memref<10240x128xf32, #tpu.memory_space<hbm>>
    %dma_start3A_217 = tpu.memref_slice %arg10[%dma_start3A_206] : memref<4x!tpu.dma_semaphore, #tpu.memory_space<semaphore_mem>> -> memref<1x!tpu.dma_semaphore, #tpu.memory_space<semaphore_mem>>
    %dma_start3A_218 = tpu.memref_squeeze %dma_start3A_217 : memref<1x!tpu.dma_semaphore, #tpu.memory_space<semaphore_mem>> -> memref<!tpu.dma_semaphore, #tpu.memory_space<semaphore_mem>>
    tpu.enqueue_indirect_dma source(%dma_start3A_216 : memref<10240x128xf32, #tpu.memory_space<hbm>>) target(%dma_start3A_210 : memref<64x128xf32, #tpu.memory_space<vmem>>) offsets(%dma_start3A_213 : memref<64xi32, #tpu.memory_space<vmem>>) semaphore(%dma_start3A_218 : memref<!tpu.dma_semaphore, #tpu.memory_space<semaphore_mem>>)
    %scan3A_219 = arith.constant 0 : i32
    %scan3A_220 = arith.constant 0 : i32
    %scan3A_221 = arith.constant 40 : i32
    %scan3A_222 = arith.addi %scan3A_220, %scan3A_221 : i32
    %scan3A_223 = arith.constant 1 : i32
    scf.for %scan3A_236 = %scan3A_220 to %scan3A_222 step %scan3A_223  : i32 {
      %and3A = arith.constant 3 : i32
      %and3A_237 = arith.andi %scan3A_236, %and3A : i32
      %add3A_238 = arith.constant 1 : i32
      %add3A_239 = arith.addi %scan3A_236, %add3A_238 : i32
      %and3A_240 = arith.constant 3 : i32
      %and3A_241 = arith.andi %add3A_239, %and3A_240 : i32
      %add3A_242 = arith.constant 2 : i32
      %add3A_243 = arith.addi %scan3A_236, %add3A_242 : i32
      %lt3A = arith.constant 40 : i32
      %lt3A_244 = arith.cmpi slt, %add3A_243, %lt3A : i32
      %convert_element_type3A = arith.extui %lt3A_244 : i1 to i32
      %cond3A = arith.constant 0 : i32
      %cond3A_245 = arith.cmpi ne, %convert_element_type3A, %cond3A : i32
      scf.if %cond3A_245 {
        %add3A_349 = arith.constant 2 : i32
        %add3A_350 = arith.addi %scan3A_236, %add3A_349 : i32
        %add3A_351 = arith.constant 2 : i32
        %add3A_352 = arith.addi %scan3A_236, %add3A_351 : i32
        %and3A_353 = arith.constant 3 : i32
        %and3A_354 = arith.andi %add3A_352, %and3A_353 : i32
        %mul3A_355 = arith.constant 4 : i32
        %mul3A_356 = arith.muli %add3A_350, %mul3A_355 : i32
        %dma_start3A_357 = arith.constant 0 : i32
        %dma_start3A_358 = arith.constant 0 : i32
        %dma_start3A_359 = tpu.memref_slice %arg6[%and3A_354, %dma_start3A_357, %dma_start3A_358] : memref<4x4x64xi32, #tpu.memory_space<vmem>> -> memref<1x4x64xi32, #tpu.memory_space<vmem>>
        %dma_start3A_360 = tpu.memref_squeeze %dma_start3A_359 : memref<1x4x64xi32, #tpu.memory_space<vmem>> -> memref<4x64xi32, #tpu.memory_space<vmem>>
        %dma_start3A_361 = arith.constant 0 : i32
        %dma_start3A_362 = tpu.memref_slice %arg2[%add3A, %mul3A_356, %dma_start3A_361] : memref<32x160x64xi32, #tpu.memory_space<hbm>> -> memref<1x4x64xi32, #tpu.memory_space<hbm>>
        %dma_start3A_363 = tpu.memref_squeeze %dma_start3A_362 : memref<1x4x64xi32, #tpu.memory_space<hbm>> -> memref<4x64xi32, #tpu.memory_space<hbm>>
        %dma_start3A_364 = tpu.memref_slice %arg11[%and3A_354] : memref<4x!tpu.dma_semaphore, #tpu.memory_space<semaphore_mem>> -> memref<1x!tpu.dma_semaphore, #tpu.memory_space<semaphore_mem>>
        %dma_start3A_365 = tpu.memref_squeeze %dma_start3A_364 : memref<1x!tpu.dma_semaphore, #tpu.memory_space<semaphore_mem>> -> memref<!tpu.dma_semaphore, #tpu.memory_space<semaphore_mem>>
        %dma_start3A_366 = arith.constant 0 : i32
        %dma_start3A_367 = arith.constant 0 : i32
        %dma_start3A_368 = tpu.memref_slice %arg6[%and3A_354, %dma_start3A_366, %dma_start3A_367] : memref<4x4x64xi32, #tpu.memory_space<vmem>> -> memref<1x4x64xi32, #tpu.memory_space<vmem>>
        %dma_start3A_369 = tpu.memref_squeeze %dma_start3A_368 : memref<1x4x64xi32, #tpu.memory_space<vmem>> -> memref<4x64xi32, #tpu.memory_space<vmem>>
        %dma_start3A_370 = arith.constant 0 : i32
        %dma_start3A_371 = tpu.memref_slice %arg2[%add3A, %mul3A_356, %dma_start3A_370] : memref<32x160x64xi32, #tpu.memory_space<hbm>> -> memref<1x4x64xi32, #tpu.memory_space<hbm>>
        %dma_start3A_372 = tpu.memref_squeeze %dma_start3A_371 : memref<1x4x64xi32, #tpu.memory_space<hbm>> -> memref<4x64xi32, #tpu.memory_space<hbm>>
        tpu.enqueue_dma source(%dma_start3A_372 : memref<4x64xi32, #tpu.memory_space<hbm>>) target(%dma_start3A_369 : memref<4x64xi32, #tpu.memory_space<vmem>>) target_semaphore(%dma_start3A_365 : memref<!tpu.dma_semaphore, #tpu.memory_space<semaphore_mem>>)
        %dma_start3A_373 = arith.constant 0 : i32
        %dma_start3A_374 = arith.constant 0 : i32
        %dma_start3A_375 = tpu.memref_slice %arg7[%and3A_354, %dma_start3A_373, %dma_start3A_374] : memref<4x4x64xi32, #tpu.memory_space<vmem>> -> memref<1x4x64xi32, #tpu.memory_space<vmem>>
        %dma_start3A_376 = tpu.memref_squeeze %dma_start3A_375 : memref<1x4x64xi32, #tpu.memory_space<vmem>> -> memref<4x64xi32, #tpu.memory_space<vmem>>
        %dma_start3A_377 = arith.constant 0 : i32
        %dma_start3A_378 = tpu.memref_slice %arg3[%add3A, %mul3A_356, %dma_start3A_377] : memref<32x160x64xi32, #tpu.memory_space<hbm>> -> memref<1x4x64xi32, #tpu.memory_space<hbm>>
        %dma_start3A_379 = tpu.memref_squeeze %dma_start3A_378 : memref<1x4x64xi32, #tpu.memory_space<hbm>> -> memref<4x64xi32, #tpu.memory_space<hbm>>
        %dma_start3A_380 = tpu.memref_slice %arg11[%and3A_354] : memref<4x!tpu.dma_semaphore, #tpu.memory_space<semaphore_mem>> -> memref<1x!tpu.dma_semaphore, #tpu.memory_space<semaphore_mem>>
        %dma_start3A_381 = tpu.memref_squeeze %dma_start3A_380 : memref<1x!tpu.dma_semaphore, #tpu.memory_space<semaphore_mem>> -> memref<!tpu.dma_semaphore, #tpu.memory_space<semaphore_mem>>
        %dma_start3A_382 = arith.constant 0 : i32
        %dma_start3A_383 = arith.constant 0 : i32
        %dma_start3A_384 = tpu.memref_slice %arg7[%and3A_354, %dma_start3A_382, %dma_start3A_383] : memref<4x4x64xi32, #tpu.memory_space<vmem>> -> memref<1x4x64xi32, #tpu.memory_space<vmem>>
        %dma_start3A_385 = tpu.memref_squeeze %dma_start3A_384 : memref<1x4x64xi32, #tpu.memory_space<vmem>> -> memref<4x64xi32, #tpu.memory_space<vmem>>
        %dma_start3A_386 = arith.constant 0 : i32
        %dma_start3A_387 = tpu.memref_slice %arg3[%add3A, %mul3A_356, %dma_start3A_386] : memref<32x160x64xi32, #tpu.memory_space<hbm>> -> memref<1x4x64xi32, #tpu.memory_space<hbm>>
        %dma_start3A_388 = tpu.memref_squeeze %dma_start3A_387 : memref<1x4x64xi32, #tpu.memory_space<hbm>> -> memref<4x64xi32, #tpu.memory_space<hbm>>
        tpu.enqueue_dma source(%dma_start3A_388 : memref<4x64xi32, #tpu.memory_space<hbm>>) target(%dma_start3A_385 : memref<4x64xi32, #tpu.memory_space<vmem>>) target_semaphore(%dma_start3A_381 : memref<!tpu.dma_semaphore, #tpu.memory_space<semaphore_mem>>)
      } else {
      }
      %add3A_246 = arith.constant 1 : i32
      %add3A_247 = arith.addi %scan3A_236, %add3A_246 : i32
      %lt3A_248 = arith.constant 40 : i32
      %lt3A_249 = arith.cmpi slt, %add3A_247, %lt3A_248 : i32
      %convert_element_type3A_250 = arith.extui %lt3A_249 : i1 to i32
      %cond3A_251 = arith.constant 0 : i32
      %cond3A_252 = arith.cmpi ne, %convert_element_type3A_250, %cond3A_251 : i32
      scf.if %cond3A_252 {
        %dma_wait3A_349 = arith.constant 0 : i32
        %dma_wait3A_350 = arith.constant 0 : i32
        %dma_wait3A_351 = tpu.memref_slice %arg6[%and3A_241, %dma_wait3A_349, %dma_wait3A_350] : memref<4x4x64xi32, #tpu.memory_space<vmem>> -> memref<1x4x64xi32, #tpu.memory_space<vmem>>
        %dma_wait3A_352 = tpu.memref_squeeze %dma_wait3A_351 : memref<1x4x64xi32, #tpu.memory_space<vmem>> -> memref<4x64xi32, #tpu.memory_space<vmem>>
        %dma_wait3A_353 = arith.constant 0 : i32
        %dma_wait3A_354 = arith.constant 0 : i32
        %dma_wait3A_355 = tpu.memref_slice %arg2[%add3A, %dma_wait3A_353, %dma_wait3A_354] : memref<32x160x64xi32, #tpu.memory_space<hbm>> -> memref<1x4x64xi32, #tpu.memory_space<hbm>>
        %dma_wait3A_356 = tpu.memref_squeeze %dma_wait3A_355 : memref<1x4x64xi32, #tpu.memory_space<hbm>> -> memref<4x64xi32, #tpu.memory_space<hbm>>
        %dma_wait3A_357 = tpu.memref_slice %arg11[%and3A_241] : memref<4x!tpu.dma_semaphore, #tpu.memory_space<semaphore_mem>> -> memref<1x!tpu.dma_semaphore, #tpu.memory_space<semaphore_mem>>
        %dma_wait3A_358 = tpu.memref_squeeze %dma_wait3A_357 : memref<1x!tpu.dma_semaphore, #tpu.memory_space<semaphore_mem>> -> memref<!tpu.dma_semaphore, #tpu.memory_space<semaphore_mem>>
        %dma_wait3A_359 = arith.constant 0 : i32
        %dma_wait3A_360 = arith.constant 0 : i32
        %dma_wait3A_361 = tpu.memref_slice %arg6[%and3A_241, %dma_wait3A_359, %dma_wait3A_360] : memref<4x4x64xi32, #tpu.memory_space<vmem>> -> memref<1x4x64xi32, #tpu.memory_space<vmem>>
        %dma_wait3A_362 = tpu.memref_squeeze %dma_wait3A_361 : memref<1x4x64xi32, #tpu.memory_space<vmem>> -> memref<4x64xi32, #tpu.memory_space<vmem>>
        %dma_wait3A_363 = arith.constant 0 : i32
        %dma_wait3A_364 = arith.constant 0 : i32
        %dma_wait3A_365 = tpu.memref_slice %arg2[%add3A, %dma_wait3A_363, %dma_wait3A_364] : memref<32x160x64xi32, #tpu.memory_space<hbm>> -> memref<1x4x64xi32, #tpu.memory_space<hbm>>
        %dma_wait3A_366 = tpu.memref_squeeze %dma_wait3A_365 : memref<1x4x64xi32, #tpu.memory_space<hbm>> -> memref<4x64xi32, #tpu.memory_space<hbm>>
        tpu.wait_dma2 semaphore(%dma_wait3A_358 : memref<!tpu.dma_semaphore, #tpu.memory_space<semaphore_mem>>) src(%dma_wait3A_366 : memref<4x64xi32, #tpu.memory_space<hbm>>) dst(%dma_wait3A_362 : memref<4x64xi32, #tpu.memory_space<vmem>>)
        %dma_wait3A_367 = arith.constant 0 : i32
        %dma_wait3A_368 = arith.constant 0 : i32
        %dma_wait3A_369 = tpu.memref_slice %arg7[%and3A_241, %dma_wait3A_367, %dma_wait3A_368] : memref<4x4x64xi32, #tpu.memory_space<vmem>> -> memref<1x4x64xi32, #tpu.memory_space<vmem>>
        %dma_wait3A_370 = tpu.memref_squeeze %dma_wait3A_369 : memref<1x4x64xi32, #tpu.memory_space<vmem>> -> memref<4x64xi32, #tpu.memory_space<vmem>>
        %dma_wait3A_371 = arith.constant 0 : i32
        %dma_wait3A_372 = arith.constant 0 : i32
        %dma_wait3A_373 = tpu.memref_slice %arg3[%add3A, %dma_wait3A_371, %dma_wait3A_372] : memref<32x160x64xi32, #tpu.memory_space<hbm>> -> memref<1x4x64xi32, #tpu.memory_space<hbm>>
        %dma_wait3A_374 = tpu.memref_squeeze %dma_wait3A_373 : memref<1x4x64xi32, #tpu.memory_space<hbm>> -> memref<4x64xi32, #tpu.memory_space<hbm>>
        %dma_wait3A_375 = tpu.memref_slice %arg11[%and3A_241] : memref<4x!tpu.dma_semaphore, #tpu.memory_space<semaphore_mem>> -> memref<1x!tpu.dma_semaphore, #tpu.memory_space<semaphore_mem>>
        %dma_wait3A_376 = tpu.memref_squeeze %dma_wait3A_375 : memref<1x!tpu.dma_semaphore, #tpu.memory_space<semaphore_mem>> -> memref<!tpu.dma_semaphore, #tpu.memory_space<semaphore_mem>>
        %dma_wait3A_377 = arith.constant 0 : i32
        %dma_wait3A_378 = arith.constant 0 : i32
        %dma_wait3A_379 = tpu.memref_slice %arg7[%and3A_241, %dma_wait3A_377, %dma_wait3A_378] : memref<4x4x64xi32, #tpu.memory_space<vmem>> -> memref<1x4x64xi32, #tpu.memory_space<vmem>>
        %dma_wait3A_380 = tpu.memref_squeeze %dma_wait3A_379 : memref<1x4x64xi32, #tpu.memory_space<vmem>> -> memref<4x64xi32, #tpu.memory_space<vmem>>
        %dma_wait3A_381 = arith.constant 0 : i32
        %dma_wait3A_382 = arith.constant 0 : i32
        %dma_wait3A_383 = tpu.memref_slice %arg3[%add3A, %dma_wait3A_381, %dma_wait3A_382] : memref<32x160x64xi32, #tpu.memory_space<hbm>> -> memref<1x4x64xi32, #tpu.memory_space<hbm>>
        %dma_wait3A_384 = tpu.memref_squeeze %dma_wait3A_383 : memref<1x4x64xi32, #tpu.memory_space<hbm>> -> memref<4x64xi32, #tpu.memory_space<hbm>>
        tpu.wait_dma2 semaphore(%dma_wait3A_376 : memref<!tpu.dma_semaphore, #tpu.memory_space<semaphore_mem>>) src(%dma_wait3A_384 : memref<4x64xi32, #tpu.memory_space<hbm>>) dst(%dma_wait3A_380 : memref<4x64xi32, #tpu.memory_space<vmem>>)
      } else {
      }
      %dma_wait3A_253 = arith.constant 0 : i32
      %dma_wait3A_254 = arith.constant 0 : i32
      %dma_wait3A_255 = arith.constant 0 : i32
      %dma_wait3A_256 = arith.constant 0 : i32
      %dma_wait3A_257 = arith.constant 0 : i32
      %dma_wait3A_258 = tpu.memref_slice %arg8[%dma_wait3A_254, %dma_wait3A_256, %dma_wait3A_257] : memref<4x64x128xf32, #tpu.memory_space<vmem>> -> memref<1x64x128xf32, #tpu.memory_space<vmem>>
      %dma_wait3A_259 = tpu.memref_squeeze %dma_wait3A_258 : memref<1x64x128xf32, #tpu.memory_space<vmem>> -> memref<64x128xf32, #tpu.memory_space<vmem>>
      %dma_wait3A_260 = arith.constant 0 : i32
      %dma_wait3A_261 = tpu.memref_slice %arg6[%and3A_237, %dma_wait3A_253, %dma_wait3A_260] : memref<4x4x64xi32, #tpu.memory_space<vmem>> -> memref<1x1x64xi32, #tpu.memory_space<vmem>>
      %dma_wait3A_262 = tpu.memref_squeeze %dma_wait3A_261 : memref<1x1x64xi32, #tpu.memory_space<vmem>> -> memref<64xi32, #tpu.memory_space<vmem>>
      %dma_wait3A_263 = arith.constant 0 : i32
      %dma_wait3A_264 = arith.constant 0 : i32
      %dma_wait3A_265 = tpu.memref_slice %arg4[%dma_wait3A_263, %dma_wait3A_264] : memref<10240x128xf32, #tpu.memory_space<hbm>> -> memref<10240x128xf32, #tpu.memory_space<hbm>>
      %dma_wait3A_266 = tpu.memref_slice %arg10[%dma_wait3A_255] : memref<4x!tpu.dma_semaphore, #tpu.memory_space<semaphore_mem>> -> memref<1x!tpu.dma_semaphore, #tpu.memory_space<semaphore_mem>>
      %dma_wait3A_267 = tpu.memref_squeeze %dma_wait3A_266 : memref<1x!tpu.dma_semaphore, #tpu.memory_space<semaphore_mem>> -> memref<!tpu.dma_semaphore, #tpu.memory_space<semaphore_mem>>
      tpu.wait_indirect_dma semaphore(%dma_wait3A_267 : memref<!tpu.dma_semaphore, #tpu.memory_space<semaphore_mem>>) src(%dma_wait3A_265 : memref<10240x128xf32, #tpu.memory_space<hbm>>) dst(%dma_wait3A_259 : memref<64x128xf32, #tpu.memory_space<vmem>>)
      %run_scoped3A_268 = arith.constant 0 : i32
      %run_scoped3A_269 = arith.constant 0 : i32
      "tpu.region"() ({
        %run_scoped3A_349 = tpu.sem_alloc : memref<!tpu.dma_semaphore, #tpu.memory_space<semaphore_mem>>
        %dma_start3A_350 = arith.constant 0 : i32
        %dma_start3A_351 = arith.constant 0 : i32
        %dma_start3A_352 = tpu.memref_slice %arg8[%run_scoped3A_268, %dma_start3A_350, %dma_start3A_351] : memref<4x64x128xf32, #tpu.memory_space<vmem>> -> memref<1x64x128xf32, #tpu.memory_space<vmem>>
        %dma_start3A_353 = tpu.memref_squeeze %dma_start3A_352 : memref<1x64x128xf32, #tpu.memory_space<vmem>> -> memref<64x128xf32, #tpu.memory_space<vmem>>
        %dma_start3A_354 = arith.constant 0 : i32
        %dma_start3A_355 = tpu.memref_slice %arg7[%and3A_237, %run_scoped3A_269, %dma_start3A_354] : memref<4x4x64xi32, #tpu.memory_space<vmem>> -> memref<1x1x64xi32, #tpu.memory_space<vmem>>
        %dma_start3A_356 = tpu.memref_squeeze %dma_start3A_355 : memref<1x1x64xi32, #tpu.memory_space<vmem>> -> memref<64xi32, #tpu.memory_space<vmem>>
        %dma_start3A_357 = arith.constant 0 : i32
        %dma_start3A_358 = arith.constant 0 : i32
        %dma_start3A_359 = tpu.memref_slice %arg9[%dma_start3A_357, %dma_start3A_358] : memref<10240x128xf32, #tpu.memory_space<vmem_shared>> -> memref<10240x128xf32, #tpu.memory_space<vmem_shared>>
        tpu.enqueue_indirect_dma source(%dma_start3A_353 : memref<64x128xf32, #tpu.memory_space<vmem>>) target(%dma_start3A_359 : memref<10240x128xf32, #tpu.memory_space<vmem_shared>>) offsets(%dma_start3A_356 : memref<64xi32, #tpu.memory_space<vmem>>) semaphore(%run_scoped3A_349 : memref<!tpu.dma_semaphore, #tpu.memory_space<semaphore_mem>>) {add = true}
        %dma_wait3A_360 = arith.constant 0 : i32
        %dma_wait3A_361 = arith.constant 0 : i32
        %dma_wait3A_362 = tpu.memref_slice %arg8[%run_scoped3A_268, %dma_wait3A_360, %dma_wait3A_361] : memref<4x64x128xf32, #tpu.memory_space<vmem>> -> memref<1x64x128xf32, #tpu.memory_space<vmem>>
        %dma_wait3A_363 = tpu.memref_squeeze %dma_wait3A_362 : memref<1x64x128xf32, #tpu.memory_space<vmem>> -> memref<64x128xf32, #tpu.memory_space<vmem>>
        %dma_wait3A_364 = arith.constant 0 : i32
        %dma_wait3A_365 = tpu.memref_slice %arg7[%and3A_237, %run_scoped3A_269, %dma_wait3A_364] : memref<4x4x64xi32, #tpu.memory_space<vmem>> -> memref<1x1x64xi32, #tpu.memory_space<vmem>>
        %dma_wait3A_366 = tpu.memref_squeeze %dma_wait3A_365 : memref<1x1x64xi32, #tpu.memory_space<vmem>> -> memref<64xi32, #tpu.memory_space<vmem>>
        %dma_wait3A_367 = arith.constant 0 : i32
        %dma_wait3A_368 = arith.constant 0 : i32
        %dma_wait3A_369 = tpu.memref_slice %arg9[%dma_wait3A_367, %dma_wait3A_368] : memref<10240x128xf32, #tpu.memory_space<vmem_shared>> -> memref<10240x128xf32, #tpu.memory_space<vmem_shared>>
        tpu.wait_indirect_dma semaphore(%run_scoped3A_349 : memref<!tpu.dma_semaphore, #tpu.memory_space<semaphore_mem>>) src(%dma_wait3A_363 : memref<64x128xf32, #tpu.memory_space<vmem>>) dst(%dma_wait3A_369 : memref<10240x128xf32, #tpu.memory_space<vmem_shared>>)
        tpu.yield
      }) : () -> ()
      %add3A_270 = arith.constant 1 : i32
      %add3A_271 = arith.addi %scan3A_236, %add3A_270 : i32
      %lt3A_272 = arith.constant 40 : i32
      %lt3A_273 = arith.cmpi slt, %add3A_271, %lt3A_272 : i32
      %convert_element_type3A_274 = arith.extui %lt3A_273 : i1 to i32
      %cond3A_275 = arith.constant 0 : i32
      %cond3A_276 = arith.cmpi ne, %convert_element_type3A_274, %cond3A_275 : i32
      scf.if %cond3A_276 {
        %dma_start3A_349 = arith.constant 0 : i32
        %dma_start3A_350 = arith.constant 0 : i32
        %dma_start3A_351 = arith.constant 0 : i32
        %dma_start3A_352 = arith.constant 0 : i32
        %dma_start3A_353 = arith.constant 0 : i32
        %dma_start3A_354 = tpu.memref_slice %arg8[%dma_start3A_350, %dma_start3A_352, %dma_start3A_353] : memref<4x64x128xf32, #tpu.memory_space<vmem>> -> memref<1x64x128xf32, #tpu.memory_space<vmem>>
        %dma_start3A_355 = tpu.memref_squeeze %dma_start3A_354 : memref<1x64x128xf32, #tpu.memory_space<vmem>> -> memref<64x128xf32, #tpu.memory_space<vmem>>
        %dma_start3A_356 = arith.constant 0 : i32
        %dma_start3A_357 = tpu.memref_slice %arg6[%and3A_241, %dma_start3A_349, %dma_start3A_356] : memref<4x4x64xi32, #tpu.memory_space<vmem>> -> memref<1x1x64xi32, #tpu.memory_space<vmem>>
        %dma_start3A_358 = tpu.memref_squeeze %dma_start3A_357 : memref<1x1x64xi32, #tpu.memory_space<vmem>> -> memref<64xi32, #tpu.memory_space<vmem>>
        %dma_start3A_359 = arith.constant 0 : i32
        %dma_start3A_360 = arith.constant 0 : i32
        %dma_start3A_361 = tpu.memref_slice %arg4[%dma_start3A_359, %dma_start3A_360] : memref<10240x128xf32, #tpu.memory_space<hbm>> -> memref<10240x128xf32, #tpu.memory_space<hbm>>
        %dma_start3A_362 = tpu.memref_slice %arg10[%dma_start3A_351] : memref<4x!tpu.dma_semaphore, #tpu.memory_space<semaphore_mem>> -> memref<1x!tpu.dma_semaphore, #tpu.memory_space<semaphore_mem>>
        %dma_start3A_363 = tpu.memref_squeeze %dma_start3A_362 : memref<1x!tpu.dma_semaphore, #tpu.memory_space<semaphore_mem>> -> memref<!tpu.dma_semaphore, #tpu.memory_space<semaphore_mem>>
        tpu.enqueue_indirect_dma source(%dma_start3A_361 : memref<10240x128xf32, #tpu.memory_space<hbm>>) target(%dma_start3A_355 : memref<64x128xf32, #tpu.memory_space<vmem>>) offsets(%dma_start3A_358 : memref<64xi32, #tpu.memory_space<vmem>>) semaphore(%dma_start3A_363 : memref<!tpu.dma_semaphore, #tpu.memory_space<semaphore_mem>>)
      } else {
      }
      %dma_wait3A_277 = arith.constant 1 : i32
      %dma_wait3A_278 = arith.constant 1 : i32
      %dma_wait3A_279 = arith.constant 1 : i32
      %dma_wait3A_280 = arith.constant 0 : i32
      %dma_wait3A_281 = arith.constant 0 : i32
      %dma_wait3A_282 = tpu.memref_slice %arg8[%dma_wait3A_278, %dma_wait3A_280, %dma_wait3A_281] : memref<4x64x128xf32, #tpu.memory_space<vmem>> -> memref<1x64x128xf32, #tpu.memory_space<vmem>>
      %dma_wait3A_283 = tpu.memref_squeeze %dma_wait3A_282 : memref<1x64x128xf32, #tpu.memory_space<vmem>> -> memref<64x128xf32, #tpu.memory_space<vmem>>
      %dma_wait3A_284 = arith.constant 0 : i32
      %dma_wait3A_285 = tpu.memref_slice %arg6[%and3A_237, %dma_wait3A_277, %dma_wait3A_284] : memref<4x4x64xi32, #tpu.memory_space<vmem>> -> memref<1x1x64xi32, #tpu.memory_space<vmem>>
      %dma_wait3A_286 = tpu.memref_squeeze %dma_wait3A_285 : memref<1x1x64xi32, #tpu.memory_space<vmem>> -> memref<64xi32, #tpu.memory_space<vmem>>
      %dma_wait3A_287 = arith.constant 0 : i32
      %dma_wait3A_288 = arith.constant 0 : i32
      %dma_wait3A_289 = tpu.memref_slice %arg4[%dma_wait3A_287, %dma_wait3A_288] : memref<10240x128xf32, #tpu.memory_space<hbm>> -> memref<10240x128xf32, #tpu.memory_space<hbm>>
      %dma_wait3A_290 = tpu.memref_slice %arg10[%dma_wait3A_279] : memref<4x!tpu.dma_semaphore, #tpu.memory_space<semaphore_mem>> -> memref<1x!tpu.dma_semaphore, #tpu.memory_space<semaphore_mem>>
      %dma_wait3A_291 = tpu.memref_squeeze %dma_wait3A_290 : memref<1x!tpu.dma_semaphore, #tpu.memory_space<semaphore_mem>> -> memref<!tpu.dma_semaphore, #tpu.memory_space<semaphore_mem>>
      tpu.wait_indirect_dma semaphore(%dma_wait3A_291 : memref<!tpu.dma_semaphore, #tpu.memory_space<semaphore_mem>>) src(%dma_wait3A_289 : memref<10240x128xf32, #tpu.memory_space<hbm>>) dst(%dma_wait3A_283 : memref<64x128xf32, #tpu.memory_space<vmem>>)
      %run_scoped3A_292 = arith.constant 1 : i32
      %run_scoped3A_293 = arith.constant 1 : i32
      "tpu.region"() ({
        %run_scoped3A_349 = tpu.sem_alloc : memref<!tpu.dma_semaphore, #tpu.memory_space<semaphore_mem>>
        %dma_start3A_350 = arith.constant 0 : i32
        %dma_start3A_351 = arith.constant 0 : i32
        %dma_start3A_352 = tpu.memref_slice %arg8[%run_scoped3A_292, %dma_start3A_350, %dma_start3A_351] : memref<4x64x128xf32, #tpu.memory_space<vmem>> -> memref<1x64x128xf32, #tpu.memory_space<vmem>>
        %dma_start3A_353 = tpu.memref_squeeze %dma_start3A_352 : memref<1x64x128xf32, #tpu.memory_space<vmem>> -> memref<64x128xf32, #tpu.memory_space<vmem>>
        %dma_start3A_354 = arith.constant 0 : i32
        %dma_start3A_355 = tpu.memref_slice %arg7[%and3A_237, %run_scoped3A_293, %dma_start3A_354] : memref<4x4x64xi32, #tpu.memory_space<vmem>> -> memref<1x1x64xi32, #tpu.memory_space<vmem>>
        %dma_start3A_356 = tpu.memref_squeeze %dma_start3A_355 : memref<1x1x64xi32, #tpu.memory_space<vmem>> -> memref<64xi32, #tpu.memory_space<vmem>>
        %dma_start3A_357 = arith.constant 0 : i32
        %dma_start3A_358 = arith.constant 0 : i32
        %dma_start3A_359 = tpu.memref_slice %arg9[%dma_start3A_357, %dma_start3A_358] : memref<10240x128xf32, #tpu.memory_space<vmem_shared>> -> memref<10240x128xf32, #tpu.memory_space<vmem_shared>>
        tpu.enqueue_indirect_dma source(%dma_start3A_353 : memref<64x128xf32, #tpu.memory_space<vmem>>) target(%dma_start3A_359 : memref<10240x128xf32, #tpu.memory_space<vmem_shared>>) offsets(%dma_start3A_356 : memref<64xi32, #tpu.memory_space<vmem>>) semaphore(%run_scoped3A_349 : memref<!tpu.dma_semaphore, #tpu.memory_space<semaphore_mem>>) {add = true}
        %dma_wait3A_360 = arith.constant 0 : i32
        %dma_wait3A_361 = arith.constant 0 : i32
        %dma_wait3A_362 = tpu.memref_slice %arg8[%run_scoped3A_292, %dma_wait3A_360, %dma_wait3A_361] : memref<4x64x128xf32, #tpu.memory_space<vmem>> -> memref<1x64x128xf32, #tpu.memory_space<vmem>>
        %dma_wait3A_363 = tpu.memref_squeeze %dma_wait3A_362 : memref<1x64x128xf32, #tpu.memory_space<vmem>> -> memref<64x128xf32, #tpu.memory_space<vmem>>
        %dma_wait3A_364 = arith.constant 0 : i32
        %dma_wait3A_365 = tpu.memref_slice %arg7[%and3A_237, %run_scoped3A_293, %dma_wait3A_364] : memref<4x4x64xi32, #tpu.memory_space<vmem>> -> memref<1x1x64xi32, #tpu.memory_space<vmem>>
        %dma_wait3A_366 = tpu.memref_squeeze %dma_wait3A_365 : memref<1x1x64xi32, #tpu.memory_space<vmem>> -> memref<64xi32, #tpu.memory_space<vmem>>
        %dma_wait3A_367 = arith.constant 0 : i32
        %dma_wait3A_368 = arith.constant 0 : i32
        %dma_wait3A_369 = tpu.memref_slice %arg9[%dma_wait3A_367, %dma_wait3A_368] : memref<10240x128xf32, #tpu.memory_space<vmem_shared>> -> memref<10240x128xf32, #tpu.memory_space<vmem_shared>>
        tpu.wait_indirect_dma semaphore(%run_scoped3A_349 : memref<!tpu.dma_semaphore, #tpu.memory_space<semaphore_mem>>) src(%dma_wait3A_363 : memref<64x128xf32, #tpu.memory_space<vmem>>) dst(%dma_wait3A_369 : memref<10240x128xf32, #tpu.memory_space<vmem_shared>>)
        tpu.yield
      }) : () -> ()
      %add3A_294 = arith.constant 1 : i32
      %add3A_295 = arith.addi %scan3A_236, %add3A_294 : i32
      %lt3A_296 = arith.constant 40 : i32
      %lt3A_297 = arith.cmpi slt, %add3A_295, %lt3A_296 : i32
      %convert_element_type3A_298 = arith.extui %lt3A_297 : i1 to i32
      %cond3A_299 = arith.constant 0 : i32
      %cond3A_300 = arith.cmpi ne, %convert_element_type3A_298, %cond3A_299 : i32
      scf.if %cond3A_300 {
        %dma_start3A_349 = arith.constant 1 : i32
        %dma_start3A_350 = arith.constant 1 : i32
        %dma_start3A_351 = arith.constant 1 : i32
        %dma_start3A_352 = arith.constant 0 : i32
        %dma_start3A_353 = arith.constant 0 : i32
        %dma_start3A_354 = tpu.memref_slice %arg8[%dma_start3A_350, %dma_start3A_352, %dma_start3A_353] : memref<4x64x128xf32, #tpu.memory_space<vmem>> -> memref<1x64x128xf32, #tpu.memory_space<vmem>>
        %dma_start3A_355 = tpu.memref_squeeze %dma_start3A_354 : memref<1x64x128xf32, #tpu.memory_space<vmem>> -> memref<64x128xf32, #tpu.memory_space<vmem>>
        %dma_start3A_356 = arith.constant 0 : i32
        %dma_start3A_357 = tpu.memref_slice %arg6[%and3A_241, %dma_start3A_349, %dma_start3A_356] : memref<4x4x64xi32, #tpu.memory_space<vmem>> -> memref<1x1x64xi32, #tpu.memory_space<vmem>>
        %dma_start3A_358 = tpu.memref_squeeze %dma_start3A_357 : memref<1x1x64xi32, #tpu.memory_space<vmem>> -> memref<64xi32, #tpu.memory_space<vmem>>
        %dma_start3A_359 = arith.constant 0 : i32
        %dma_start3A_360 = arith.constant 0 : i32
        %dma_start3A_361 = tpu.memref_slice %arg4[%dma_start3A_359, %dma_start3A_360] : memref<10240x128xf32, #tpu.memory_space<hbm>> -> memref<10240x128xf32, #tpu.memory_space<hbm>>
        %dma_start3A_362 = tpu.memref_slice %arg10[%dma_start3A_351] : memref<4x!tpu.dma_semaphore, #tpu.memory_space<semaphore_mem>> -> memref<1x!tpu.dma_semaphore, #tpu.memory_space<semaphore_mem>>
        %dma_start3A_363 = tpu.memref_squeeze %dma_start3A_362 : memref<1x!tpu.dma_semaphore, #tpu.memory_space<semaphore_mem>> -> memref<!tpu.dma_semaphore, #tpu.memory_space<semaphore_mem>>
        tpu.enqueue_indirect_dma source(%dma_start3A_361 : memref<10240x128xf32, #tpu.memory_space<hbm>>) target(%dma_start3A_355 : memref<64x128xf32, #tpu.memory_space<vmem>>) offsets(%dma_start3A_358 : memref<64xi32, #tpu.memory_space<vmem>>) semaphore(%dma_start3A_363 : memref<!tpu.dma_semaphore, #tpu.memory_space<semaphore_mem>>)
      } else {
      }
      %dma_wait3A_301 = arith.constant 2 : i32
      %dma_wait3A_302 = arith.constant 2 : i32
      %dma_wait3A_303 = arith.constant 2 : i32
      %dma_wait3A_304 = arith.constant 0 : i32
      %dma_wait3A_305 = arith.constant 0 : i32
      %dma_wait3A_306 = tpu.memref_slice %arg8[%dma_wait3A_302, %dma_wait3A_304, %dma_wait3A_305] : memref<4x64x128xf32, #tpu.memory_space<vmem>> -> memref<1x64x128xf32, #tpu.memory_space<vmem>>
      %dma_wait3A_307 = tpu.memref_squeeze %dma_wait3A_306 : memref<1x64x128xf32, #tpu.memory_space<vmem>> -> memref<64x128xf32, #tpu.memory_space<vmem>>
      %dma_wait3A_308 = arith.constant 0 : i32
      %dma_wait3A_309 = tpu.memref_slice %arg6[%and3A_237, %dma_wait3A_301, %dma_wait3A_308] : memref<4x4x64xi32, #tpu.memory_space<vmem>> -> memref<1x1x64xi32, #tpu.memory_space<vmem>>
      %dma_wait3A_310 = tpu.memref_squeeze %dma_wait3A_309 : memref<1x1x64xi32, #tpu.memory_space<vmem>> -> memref<64xi32, #tpu.memory_space<vmem>>
      %dma_wait3A_311 = arith.constant 0 : i32
      %dma_wait3A_312 = arith.constant 0 : i32
      %dma_wait3A_313 = tpu.memref_slice %arg4[%dma_wait3A_311, %dma_wait3A_312] : memref<10240x128xf32, #tpu.memory_space<hbm>> -> memref<10240x128xf32, #tpu.memory_space<hbm>>
      %dma_wait3A_314 = tpu.memref_slice %arg10[%dma_wait3A_303] : memref<4x!tpu.dma_semaphore, #tpu.memory_space<semaphore_mem>> -> memref<1x!tpu.dma_semaphore, #tpu.memory_space<semaphore_mem>>
      %dma_wait3A_315 = tpu.memref_squeeze %dma_wait3A_314 : memref<1x!tpu.dma_semaphore, #tpu.memory_space<semaphore_mem>> -> memref<!tpu.dma_semaphore, #tpu.memory_space<semaphore_mem>>
      tpu.wait_indirect_dma semaphore(%dma_wait3A_315 : memref<!tpu.dma_semaphore, #tpu.memory_space<semaphore_mem>>) src(%dma_wait3A_313 : memref<10240x128xf32, #tpu.memory_space<hbm>>) dst(%dma_wait3A_307 : memref<64x128xf32, #tpu.memory_space<vmem>>)
      %run_scoped3A_316 = arith.constant 2 : i32
      %run_scoped3A_317 = arith.constant 2 : i32
      "tpu.region"() ({
        %run_scoped3A_349 = tpu.sem_alloc : memref<!tpu.dma_semaphore, #tpu.memory_space<semaphore_mem>>
        %dma_start3A_350 = arith.constant 0 : i32
        %dma_start3A_351 = arith.constant 0 : i32
        %dma_start3A_352 = tpu.memref_slice %arg8[%run_scoped3A_316, %dma_start3A_350, %dma_start3A_351] : memref<4x64x128xf32, #tpu.memory_space<vmem>> -> memref<1x64x128xf32, #tpu.memory_space<vmem>>
        %dma_start3A_353 = tpu.memref_squeeze %dma_start3A_352 : memref<1x64x128xf32, #tpu.memory_space<vmem>> -> memref<64x128xf32, #tpu.memory_space<vmem>>
        %dma_start3A_354 = arith.constant 0 : i32
        %dma_start3A_355 = tpu.memref_slice %arg7[%and3A_237, %run_scoped3A_317, %dma_start3A_354] : memref<4x4x64xi32, #tpu.memory_space<vmem>> -> memref<1x1x64xi32, #tpu.memory_space<vmem>>
        %dma_start3A_356 = tpu.memref_squeeze %dma_start3A_355 : memref<1x1x64xi32, #tpu.memory_space<vmem>> -> memref<64xi32, #tpu.memory_space<vmem>>
        %dma_start3A_357 = arith.constant 0 : i32
        %dma_start3A_358 = arith.constant 0 : i32
        %dma_start3A_359 = tpu.memref_slice %arg9[%dma_start3A_357, %dma_start3A_358] : memref<10240x128xf32, #tpu.memory_space<vmem_shared>> -> memref<10240x128xf32, #tpu.memory_space<vmem_shared>>
        tpu.enqueue_indirect_dma source(%dma_start3A_353 : memref<64x128xf32, #tpu.memory_space<vmem>>) target(%dma_start3A_359 : memref<10240x128xf32, #tpu.memory_space<vmem_shared>>) offsets(%dma_start3A_356 : memref<64xi32, #tpu.memory_space<vmem>>) semaphore(%run_scoped3A_349 : memref<!tpu.dma_semaphore, #tpu.memory_space<semaphore_mem>>) {add = true}
        %dma_wait3A_360 = arith.constant 0 : i32
        %dma_wait3A_361 = arith.constant 0 : i32
        %dma_wait3A_362 = tpu.memref_slice %arg8[%run_scoped3A_316, %dma_wait3A_360, %dma_wait3A_361] : memref<4x64x128xf32, #tpu.memory_space<vmem>> -> memref<1x64x128xf32, #tpu.memory_space<vmem>>
        %dma_wait3A_363 = tpu.memref_squeeze %dma_wait3A_362 : memref<1x64x128xf32, #tpu.memory_space<vmem>> -> memref<64x128xf32, #tpu.memory_space<vmem>>
        %dma_wait3A_364 = arith.constant 0 : i32
        %dma_wait3A_365 = tpu.memref_slice %arg7[%and3A_237, %run_scoped3A_317, %dma_wait3A_364] : memref<4x4x64xi32, #tpu.memory_space<vmem>> -> memref<1x1x64xi32, #tpu.memory_space<vmem>>
        %dma_wait3A_366 = tpu.memref_squeeze %dma_wait3A_365 : memref<1x1x64xi32, #tpu.memory_space<vmem>> -> memref<64xi32, #tpu.memory_space<vmem>>
        %dma_wait3A_367 = arith.constant 0 : i32
        %dma_wait3A_368 = arith.constant 0 : i32
        %dma_wait3A_369 = tpu.memref_slice %arg9[%dma_wait3A_367, %dma_wait3A_368] : memref<10240x128xf32, #tpu.memory_space<vmem_shared>> -> memref<10240x128xf32, #tpu.memory_space<vmem_shared>>
        tpu.wait_indirect_dma semaphore(%run_scoped3A_349 : memref<!tpu.dma_semaphore, #tpu.memory_space<semaphore_mem>>) src(%dma_wait3A_363 : memref<64x128xf32, #tpu.memory_space<vmem>>) dst(%dma_wait3A_369 : memref<10240x128xf32, #tpu.memory_space<vmem_shared>>)
        tpu.yield
      }) : () -> ()
      %add3A_318 = arith.constant 1 : i32
      %add3A_319 = arith.addi %scan3A_236, %add3A_318 : i32
      %lt3A_320 = arith.constant 40 : i32
      %lt3A_321 = arith.cmpi slt, %add3A_319, %lt3A_320 : i32
      %convert_element_type3A_322 = arith.extui %lt3A_321 : i1 to i32
      %cond3A_323 = arith.constant 0 : i32
      %cond3A_324 = arith.cmpi ne, %convert_element_type3A_322, %cond3A_323 : i32
      scf.if %cond3A_324 {
        %dma_start3A_349 = arith.constant 2 : i32
        %dma_start3A_350 = arith.constant 2 : i32
        %dma_start3A_351 = arith.constant 2 : i32
        %dma_start3A_352 = arith.constant 0 : i32
        %dma_start3A_353 = arith.constant 0 : i32
        %dma_start3A_354 = tpu.memref_slice %arg8[%dma_start3A_350, %dma_start3A_352, %dma_start3A_353] : memref<4x64x128xf32, #tpu.memory_space<vmem>> -> memref<1x64x128xf32, #tpu.memory_space<vmem>>
        %dma_start3A_355 = tpu.memref_squeeze %dma_start3A_354 : memref<1x64x128xf32, #tpu.memory_space<vmem>> -> memref<64x128xf32, #tpu.memory_space<vmem>>
        %dma_start3A_356 = arith.constant 0 : i32
        %dma_start3A_357 = tpu.memref_slice %arg6[%and3A_241, %dma_start3A_349, %dma_start3A_356] : memref<4x4x64xi32, #tpu.memory_space<vmem>> -> memref<1x1x64xi32, #tpu.memory_space<vmem>>
        %dma_start3A_358 = tpu.memref_squeeze %dma_start3A_357 : memref<1x1x64xi32, #tpu.memory_space<vmem>> -> memref<64xi32, #tpu.memory_space<vmem>>
        %dma_start3A_359 = arith.constant 0 : i32
        %dma_start3A_360 = arith.constant 0 : i32
        %dma_start3A_361 = tpu.memref_slice %arg4[%dma_start3A_359, %dma_start3A_360] : memref<10240x128xf32, #tpu.memory_space<hbm>> -> memref<10240x128xf32, #tpu.memory_space<hbm>>
        %dma_start3A_362 = tpu.memref_slice %arg10[%dma_start3A_351] : memref<4x!tpu.dma_semaphore, #tpu.memory_space<semaphore_mem>> -> memref<1x!tpu.dma_semaphore, #tpu.memory_space<semaphore_mem>>
        %dma_start3A_363 = tpu.memref_squeeze %dma_start3A_362 : memref<1x!tpu.dma_semaphore, #tpu.memory_space<semaphore_mem>> -> memref<!tpu.dma_semaphore, #tpu.memory_space<semaphore_mem>>
        tpu.enqueue_indirect_dma source(%dma_start3A_361 : memref<10240x128xf32, #tpu.memory_space<hbm>>) target(%dma_start3A_355 : memref<64x128xf32, #tpu.memory_space<vmem>>) offsets(%dma_start3A_358 : memref<64xi32, #tpu.memory_space<vmem>>) semaphore(%dma_start3A_363 : memref<!tpu.dma_semaphore, #tpu.memory_space<semaphore_mem>>)
      } else {
      }
      %dma_wait3A_325 = arith.constant 3 : i32
      %dma_wait3A_326 = arith.constant 3 : i32
      %dma_wait3A_327 = arith.constant 3 : i32
      %dma_wait3A_328 = arith.constant 0 : i32
      %dma_wait3A_329 = arith.constant 0 : i32
      %dma_wait3A_330 = tpu.memref_slice %arg8[%dma_wait3A_326, %dma_wait3A_328, %dma_wait3A_329] : memref<4x64x128xf32, #tpu.memory_space<vmem>> -> memref<1x64x128xf32, #tpu.memory_space<vmem>>
      %dma_wait3A_331 = tpu.memref_squeeze %dma_wait3A_330 : memref<1x64x128xf32, #tpu.memory_space<vmem>> -> memref<64x128xf32, #tpu.memory_space<vmem>>
      %dma_wait3A_332 = arith.constant 0 : i32
      %dma_wait3A_333 = tpu.memref_slice %arg6[%and3A_237, %dma_wait3A_325, %dma_wait3A_332] : memref<4x4x64xi32, #tpu.memory_space<vmem>> -> memref<1x1x64xi32, #tpu.memory_space<vmem>>
      %dma_wait3A_334 = tpu.memref_squeeze %dma_wait3A_333 : memref<1x1x64xi32, #tpu.memory_space<vmem>> -> memref<64xi32, #tpu.memory_space<vmem>>
      %dma_wait3A_335 = arith.constant 0 : i32
      %dma_wait3A_336 = arith.constant 0 : i32
      %dma_wait3A_337 = tpu.memref_slice %arg4[%dma_wait3A_335, %dma_wait3A_336] : memref<10240x128xf32, #tpu.memory_space<hbm>> -> memref<10240x128xf32, #tpu.memory_space<hbm>>
      %dma_wait3A_338 = tpu.memref_slice %arg10[%dma_wait3A_327] : memref<4x!tpu.dma_semaphore, #tpu.memory_space<semaphore_mem>> -> memref<1x!tpu.dma_semaphore, #tpu.memory_space<semaphore_mem>>
      %dma_wait3A_339 = tpu.memref_squeeze %dma_wait3A_338 : memref<1x!tpu.dma_semaphore, #tpu.memory_space<semaphore_mem>> -> memref<!tpu.dma_semaphore, #tpu.memory_space<semaphore_mem>>
      tpu.wait_indirect_dma semaphore(%dma_wait3A_339 : memref<!tpu.dma_semaphore, #tpu.memory_space<semaphore_mem>>) src(%dma_wait3A_337 : memref<10240x128xf32, #tpu.memory_space<hbm>>) dst(%dma_wait3A_331 : memref<64x128xf32, #tpu.memory_space<vmem>>)
      %run_scoped3A_340 = arith.constant 3 : i32
      %run_scoped3A_341 = arith.constant 3 : i32
      "tpu.region"() ({
        %run_scoped3A_349 = tpu.sem_alloc : memref<!tpu.dma_semaphore, #tpu.memory_space<semaphore_mem>>
        %dma_start3A_350 = arith.constant 0 : i32
        %dma_start3A_351 = arith.constant 0 : i32
        %dma_start3A_352 = tpu.memref_slice %arg8[%run_scoped3A_340, %dma_start3A_350, %dma_start3A_351] : memref<4x64x128xf32, #tpu.memory_space<vmem>> -> memref<1x64x128xf32, #tpu.memory_space<vmem>>
        %dma_start3A_353 = tpu.memref_squeeze %dma_start3A_352 : memref<1x64x128xf32, #tpu.memory_space<vmem>> -> memref<64x128xf32, #tpu.memory_space<vmem>>
        %dma_start3A_354 = arith.constant 0 : i32
        %dma_start3A_355 = tpu.memref_slice %arg7[%and3A_237, %run_scoped3A_341, %dma_start3A_354] : memref<4x4x64xi32, #tpu.memory_space<vmem>> -> memref<1x1x64xi32, #tpu.memory_space<vmem>>
        %dma_start3A_356 = tpu.memref_squeeze %dma_start3A_355 : memref<1x1x64xi32, #tpu.memory_space<vmem>> -> memref<64xi32, #tpu.memory_space<vmem>>
        %dma_start3A_357 = arith.constant 0 : i32
        %dma_start3A_358 = arith.constant 0 : i32
        %dma_start3A_359 = tpu.memref_slice %arg9[%dma_start3A_357, %dma_start3A_358] : memref<10240x128xf32, #tpu.memory_space<vmem_shared>> -> memref<10240x128xf32, #tpu.memory_space<vmem_shared>>
        tpu.enqueue_indirect_dma source(%dma_start3A_353 : memref<64x128xf32, #tpu.memory_space<vmem>>) target(%dma_start3A_359 : memref<10240x128xf32, #tpu.memory_space<vmem_shared>>) offsets(%dma_start3A_356 : memref<64xi32, #tpu.memory_space<vmem>>) semaphore(%run_scoped3A_349 : memref<!tpu.dma_semaphore, #tpu.memory_space<semaphore_mem>>) {add = true}
        %dma_wait3A_360 = arith.constant 0 : i32
        %dma_wait3A_361 = arith.constant 0 : i32
        %dma_wait3A_362 = tpu.memref_slice %arg8[%run_scoped3A_340, %dma_wait3A_360, %dma_wait3A_361] : memref<4x64x128xf32, #tpu.memory_space<vmem>> -> memref<1x64x128xf32, #tpu.memory_space<vmem>>
        %dma_wait3A_363 = tpu.memref_squeeze %dma_wait3A_362 : memref<1x64x128xf32, #tpu.memory_space<vmem>> -> memref<64x128xf32, #tpu.memory_space<vmem>>
        %dma_wait3A_364 = arith.constant 0 : i32
        %dma_wait3A_365 = tpu.memref_slice %arg7[%and3A_237, %run_scoped3A_341, %dma_wait3A_364] : memref<4x4x64xi32, #tpu.memory_space<vmem>> -> memref<1x1x64xi32, #tpu.memory_space<vmem>>
        %dma_wait3A_366 = tpu.memref_squeeze %dma_wait3A_365 : memref<1x1x64xi32, #tpu.memory_space<vmem>> -> memref<64xi32, #tpu.memory_space<vmem>>
        %dma_wait3A_367 = arith.constant 0 : i32
        %dma_wait3A_368 = arith.constant 0 : i32
        %dma_wait3A_369 = tpu.memref_slice %arg9[%dma_wait3A_367, %dma_wait3A_368] : memref<10240x128xf32, #tpu.memory_space<vmem_shared>> -> memref<10240x128xf32, #tpu.memory_space<vmem_shared>>
        tpu.wait_indirect_dma semaphore(%run_scoped3A_349 : memref<!tpu.dma_semaphore, #tpu.memory_space<semaphore_mem>>) src(%dma_wait3A_363 : memref<64x128xf32, #tpu.memory_space<vmem>>) dst(%dma_wait3A_369 : memref<10240x128xf32, #tpu.memory_space<vmem_shared>>)
        tpu.yield
      }) : () -> ()
      %add3A_342 = arith.constant 1 : i32
      %add3A_343 = arith.addi %scan3A_236, %add3A_342 : i32
      %lt3A_344 = arith.constant 40 : i32
      %lt3A_345 = arith.cmpi slt, %add3A_343, %lt3A_344 : i32
      %convert_element_type3A_346 = arith.extui %lt3A_345 : i1 to i32
      %cond3A_347 = arith.constant 0 : i32
      %cond3A_348 = arith.cmpi ne, %convert_element_type3A_346, %cond3A_347 : i32
      scf.if %cond3A_348 {
        %dma_start3A_349 = arith.constant 3 : i32
        %dma_start3A_350 = arith.constant 3 : i32
        %dma_start3A_351 = arith.constant 3 : i32
        %dma_start3A_352 = arith.constant 0 : i32
        %dma_start3A_353 = arith.constant 0 : i32
        %dma_start3A_354 = tpu.memref_slice %arg8[%dma_start3A_350, %dma_start3A_352, %dma_start3A_353] : memref<4x64x128xf32, #tpu.memory_space<vmem>> -> memref<1x64x128xf32, #tpu.memory_space<vmem>>
        %dma_start3A_355 = tpu.memref_squeeze %dma_start3A_354 : memref<1x64x128xf32, #tpu.memory_space<vmem>> -> memref<64x128xf32, #tpu.memory_space<vmem>>
        %dma_start3A_356 = arith.constant 0 : i32
        %dma_start3A_357 = tpu.memref_slice %arg6[%and3A_241, %dma_start3A_349, %dma_start3A_356] : memref<4x4x64xi32, #tpu.memory_space<vmem>> -> memref<1x1x64xi32, #tpu.memory_space<vmem>>
        %dma_start3A_358 = tpu.memref_squeeze %dma_start3A_357 : memref<1x1x64xi32, #tpu.memory_space<vmem>> -> memref<64xi32, #tpu.memory_space<vmem>>
        %dma_start3A_359 = arith.constant 0 : i32
        %dma_start3A_360 = arith.constant 0 : i32
        %dma_start3A_361 = tpu.memref_slice %arg4[%dma_start3A_359, %dma_start3A_360] : memref<10240x128xf32, #tpu.memory_space<hbm>> -> memref<10240x128xf32, #tpu.memory_space<hbm>>
        %dma_start3A_362 = tpu.memref_slice %arg10[%dma_start3A_351] : memref<4x!tpu.dma_semaphore, #tpu.memory_space<semaphore_mem>> -> memref<1x!tpu.dma_semaphore, #tpu.memory_space<semaphore_mem>>
        %dma_start3A_363 = tpu.memref_squeeze %dma_start3A_362 : memref<1x!tpu.dma_semaphore, #tpu.memory_space<semaphore_mem>> -> memref<!tpu.dma_semaphore, #tpu.memory_space<semaphore_mem>>
        tpu.enqueue_indirect_dma source(%dma_start3A_361 : memref<10240x128xf32, #tpu.memory_space<hbm>>) target(%dma_start3A_355 : memref<64x128xf32, #tpu.memory_space<vmem>>) offsets(%dma_start3A_358 : memref<64xi32, #tpu.memory_space<vmem>>) semaphore(%dma_start3A_363 : memref<!tpu.dma_semaphore, #tpu.memory_space<semaphore_mem>>)
      } else {
      }
    }
    %scan3A_224 = arith.constant 40 : i32
    %barrier3A_225 = arith.constant 0 : index
    tpu.barrier barrier_id(%barrier3A_225)
    %add3A_226 = arith.constant 0 : i32
    %add3A_227 = arith.addi %mul3A_7, %add3A_226 : i32
    "tpu.region"() ({
      %run_scoped3A_236 = tpu.sem_alloc : memref<!tpu.dma_semaphore, #tpu.memory_space<semaphore_mem>>
      %dma_start3A_237 = arith.constant 0 : i32
      %dma_start3A_238 = tpu.memref_slice %arg5[%arg0, %add3A_227, %dma_start3A_237] : memref<2x10240x128xf32, #tpu.memory_space<hbm>> -> memref<1x128x128xf32, #tpu.memory_space<hbm>>
      %dma_start3A_239 = tpu.memref_squeeze %dma_start3A_238 : memref<1x128x128xf32, #tpu.memory_space<hbm>> -> memref<128x128xf32, #tpu.memory_space<hbm>>
      %dma_start3A_240 = arith.constant 0 : i32
      %dma_start3A_241 = tpu.memref_slice %arg9[%add3A_227, %dma_start3A_240] : memref<10240x128xf32, #tpu.memory_space<vmem_shared>> -> memref<128x128xf32, #tpu.memory_space<vmem_shared>>
      tpu.enqueue_dma source(%dma_start3A_241 : memref<128x128xf32, #tpu.memory_space<vmem_shared>>) target(%dma_start3A_239 : memref<128x128xf32, #tpu.memory_space<hbm>>) target_semaphore(%run_scoped3A_236 : memref<!tpu.dma_semaphore, #tpu.memory_space<semaphore_mem>>)
      %dma_wait3A_242 = arith.constant 0 : i32
      %dma_wait3A_243 = tpu.memref_slice %arg5[%arg0, %add3A_227, %dma_wait3A_242] : memref<2x10240x128xf32, #tpu.memory_space<hbm>> -> memref<1x128x128xf32, #tpu.memory_space<hbm>>
      %dma_wait3A_244 = tpu.memref_squeeze %dma_wait3A_243 : memref<1x128x128xf32, #tpu.memory_space<hbm>> -> memref<128x128xf32, #tpu.memory_space<hbm>>
      %dma_wait3A_245 = arith.constant 0 : i32
      %dma_wait3A_246 = tpu.memref_slice %arg9[%add3A_227, %dma_wait3A_245] : memref<10240x128xf32, #tpu.memory_space<vmem_shared>> -> memref<128x128xf32, #tpu.memory_space<vmem_shared>>
      tpu.wait_dma2 semaphore(%run_scoped3A_236 : memref<!tpu.dma_semaphore, #tpu.memory_space<semaphore_mem>>) src(%dma_wait3A_246 : memref<128x128xf32, #tpu.memory_space<vmem_shared>>) dst(%dma_wait3A_244 : memref<128x128xf32, #tpu.memory_space<hbm>>)
      tpu.yield
    }) : () -> ()
    %add3A_228 = arith.constant 128 : i32
    %add3A_229 = arith.addi %mul3A_7, %add3A_228 : i32
    "tpu.region"() ({
      %run_scoped3A_236 = tpu.sem_alloc : memref<!tpu.dma_semaphore, #tpu.memory_space<semaphore_mem>>
      %dma_start3A_237 = arith.constant 0 : i32
      %dma_start3A_238 = tpu.memref_slice %arg5[%arg0, %add3A_229, %dma_start3A_237] : memref<2x10240x128xf32, #tpu.memory_space<hbm>> -> memref<1x128x128xf32, #tpu.memory_space<hbm>>
      %dma_start3A_239 = tpu.memref_squeeze %dma_start3A_238 : memref<1x128x128xf32, #tpu.memory_space<hbm>> -> memref<128x128xf32, #tpu.memory_space<hbm>>
      %dma_start3A_240 = arith.constant 0 : i32
      %dma_start3A_241 = tpu.memref_slice %arg9[%add3A_229, %dma_start3A_240] : memref<10240x128xf32, #tpu.memory_space<vmem_shared>> -> memref<128x128xf32, #tpu.memory_space<vmem_shared>>
      tpu.enqueue_dma source(%dma_start3A_241 : memref<128x128xf32, #tpu.memory_space<vmem_shared>>) target(%dma_start3A_239 : memref<128x128xf32, #tpu.memory_space<hbm>>) target_semaphore(%run_scoped3A_236 : memref<!tpu.dma_semaphore, #tpu.memory_space<semaphore_mem>>)
      %dma_wait3A_242 = arith.constant 0 : i32
      %dma_wait3A_243 = tpu.memref_slice %arg5[%arg0, %add3A_229, %dma_wait3A_242] : memref<2x10240x128xf32, #tpu.memory_space<hbm>> -> memref<1x128x128xf32, #tpu.memory_space<hbm>>
      %dma_wait3A_244 = tpu.memref_squeeze %dma_wait3A_243 : memref<1x128x128xf32, #tpu.memory_space<hbm>> -> memref<128x128xf32, #tpu.memory_space<hbm>>
      %dma_wait3A_245 = arith.constant 0 : i32
      %dma_wait3A_246 = tpu.memref_slice %arg9[%add3A_229, %dma_wait3A_245] : memref<10240x128xf32, #tpu.memory_space<vmem_shared>> -> memref<128x128xf32, #tpu.memory_space<vmem_shared>>
      tpu.wait_dma2 semaphore(%run_scoped3A_236 : memref<!tpu.dma_semaphore, #tpu.memory_space<semaphore_mem>>) src(%dma_wait3A_246 : memref<128x128xf32, #tpu.memory_space<vmem_shared>>) dst(%dma_wait3A_244 : memref<128x128xf32, #tpu.memory_space<hbm>>)
      tpu.yield
    }) : () -> ()
    %add3A_230 = arith.constant 256 : i32
    %add3A_231 = arith.addi %mul3A_7, %add3A_230 : i32
    "tpu.region"() ({
      %run_scoped3A_236 = tpu.sem_alloc : memref<!tpu.dma_semaphore, #tpu.memory_space<semaphore_mem>>
      %dma_start3A_237 = arith.constant 0 : i32
      %dma_start3A_238 = tpu.memref_slice %arg5[%arg0, %add3A_231, %dma_start3A_237] : memref<2x10240x128xf32, #tpu.memory_space<hbm>> -> memref<1x128x128xf32, #tpu.memory_space<hbm>>
      %dma_start3A_239 = tpu.memref_squeeze %dma_start3A_238 : memref<1x128x128xf32, #tpu.memory_space<hbm>> -> memref<128x128xf32, #tpu.memory_space<hbm>>
      %dma_start3A_240 = arith.constant 0 : i32
      %dma_start3A_241 = tpu.memref_slice %arg9[%add3A_231, %dma_start3A_240] : memref<10240x128xf32, #tpu.memory_space<vmem_shared>> -> memref<128x128xf32, #tpu.memory_space<vmem_shared>>
      tpu.enqueue_dma source(%dma_start3A_241 : memref<128x128xf32, #tpu.memory_space<vmem_shared>>) target(%dma_start3A_239 : memref<128x128xf32, #tpu.memory_space<hbm>>) target_semaphore(%run_scoped3A_236 : memref<!tpu.dma_semaphore, #tpu.memory_space<semaphore_mem>>)
      %dma_wait3A_242 = arith.constant 0 : i32
      %dma_wait3A_243 = tpu.memref_slice %arg5[%arg0, %add3A_231, %dma_wait3A_242] : memref<2x10240x128xf32, #tpu.memory_space<hbm>> -> memref<1x128x128xf32, #tpu.memory_space<hbm>>
      %dma_wait3A_244 = tpu.memref_squeeze %dma_wait3A_243 : memref<1x128x128xf32, #tpu.memory_space<hbm>> -> memref<128x128xf32, #tpu.memory_space<hbm>>
      %dma_wait3A_245 = arith.constant 0 : i32
      %dma_wait3A_246 = tpu.memref_slice %arg9[%add3A_231, %dma_wait3A_245] : memref<10240x128xf32, #tpu.memory_space<vmem_shared>> -> memref<128x128xf32, #tpu.memory_space<vmem_shared>>
      tpu.wait_dma2 semaphore(%run_scoped3A_236 : memref<!tpu.dma_semaphore, #tpu.memory_space<semaphore_mem>>) src(%dma_wait3A_246 : memref<128x128xf32, #tpu.memory_space<vmem_shared>>) dst(%dma_wait3A_244 : memref<128x128xf32, #tpu.memory_space<hbm>>)
      tpu.yield
    }) : () -> ()
    %add3A_232 = arith.constant 384 : i32
    %add3A_233 = arith.addi %mul3A_7, %add3A_232 : i32
    "tpu.region"() ({
      %run_scoped3A_236 = tpu.sem_alloc : memref<!tpu.dma_semaphore, #tpu.memory_space<semaphore_mem>>
      %dma_start3A_237 = arith.constant 0 : i32
      %dma_start3A_238 = tpu.memref_slice %arg5[%arg0, %add3A_233, %dma_start3A_237] : memref<2x10240x128xf32, #tpu.memory_space<hbm>> -> memref<1x128x128xf32, #tpu.memory_space<hbm>>
      %dma_start3A_239 = tpu.memref_squeeze %dma_start3A_238 : memref<1x128x128xf32, #tpu.memory_space<hbm>> -> memref<128x128xf32, #tpu.memory_space<hbm>>
      %dma_start3A_240 = arith.constant 0 : i32
      %dma_start3A_241 = tpu.memref_slice %arg9[%add3A_233, %dma_start3A_240] : memref<10240x128xf32, #tpu.memory_space<vmem_shared>> -> memref<128x128xf32, #tpu.memory_space<vmem_shared>>
      tpu.enqueue_dma source(%dma_start3A_241 : memref<128x128xf32, #tpu.memory_space<vmem_shared>>) target(%dma_start3A_239 : memref<128x128xf32, #tpu.memory_space<hbm>>) target_semaphore(%run_scoped3A_236 : memref<!tpu.dma_semaphore, #tpu.memory_space<semaphore_mem>>)
      %dma_wait3A_242 = arith.constant 0 : i32
      %dma_wait3A_243 = tpu.memref_slice %arg5[%arg0, %add3A_233, %dma_wait3A_242] : memref<2x10240x128xf32, #tpu.memory_space<hbm>> -> memref<1x128x128xf32, #tpu.memory_space<hbm>>
      %dma_wait3A_244 = tpu.memref_squeeze %dma_wait3A_243 : memref<1x128x128xf32, #tpu.memory_space<hbm>> -> memref<128x128xf32, #tpu.memory_space<hbm>>
      %dma_wait3A_245 = arith.constant 0 : i32
      %dma_wait3A_246 = tpu.memref_slice %arg9[%add3A_233, %dma_wait3A_245] : memref<10240x128xf32, #tpu.memory_space<vmem_shared>> -> memref<128x128xf32, #tpu.memory_space<vmem_shared>>
      tpu.wait_dma2 semaphore(%run_scoped3A_236 : memref<!tpu.dma_semaphore, #tpu.memory_space<semaphore_mem>>) src(%dma_wait3A_246 : memref<128x128xf32, #tpu.memory_space<vmem_shared>>) dst(%dma_wait3A_244 : memref<128x128xf32, #tpu.memory_space<hbm>>)
      tpu.yield
    }) : () -> ()
    %add3A_234 = arith.constant 512 : i32
    %add3A_235 = arith.addi %mul3A_7, %add3A_234 : i32
    "tpu.region"() ({
      %run_scoped3A_236 = tpu.sem_alloc : memref<!tpu.dma_semaphore, #tpu.memory_space<semaphore_mem>>
      %dma_start3A_237 = arith.constant 0 : i32
      %dma_start3A_238 = tpu.memref_slice %arg5[%arg0, %add3A_235, %dma_start3A_237] : memref<2x10240x128xf32, #tpu.memory_space<hbm>> -> memref<1x128x128xf32, #tpu.memory_space<hbm>>
      %dma_start3A_239 = tpu.memref_squeeze %dma_start3A_238 : memref<1x128x128xf32, #tpu.memory_space<hbm>> -> memref<128x128xf32, #tpu.memory_space<hbm>>
      %dma_start3A_240 = arith.constant 0 : i32
      %dma_start3A_241 = tpu.memref_slice %arg9[%add3A_235, %dma_start3A_240] : memref<10240x128xf32, #tpu.memory_space<vmem_shared>> -> memref<128x128xf32, #tpu.memory_space<vmem_shared>>
      tpu.enqueue_dma source(%dma_start3A_241 : memref<128x128xf32, #tpu.memory_space<vmem_shared>>) target(%dma_start3A_239 : memref<128x128xf32, #tpu.memory_space<hbm>>) target_semaphore(%run_scoped3A_236 : memref<!tpu.dma_semaphore, #tpu.memory_space<semaphore_mem>>)
      %dma_wait3A_242 = arith.constant 0 : i32
      %dma_wait3A_243 = tpu.memref_slice %arg5[%arg0, %add3A_235, %dma_wait3A_242] : memref<2x10240x128xf32, #tpu.memory_space<hbm>> -> memref<1x128x128xf32, #tpu.memory_space<hbm>>
      %dma_wait3A_244 = tpu.memref_squeeze %dma_wait3A_243 : memref<1x128x128xf32, #tpu.memory_space<hbm>> -> memref<128x128xf32, #tpu.memory_space<hbm>>
      %dma_wait3A_245 = arith.constant 0 : i32
      %dma_wait3A_246 = tpu.memref_slice %arg9[%add3A_235, %dma_wait3A_245] : memref<10240x128xf32, #tpu.memory_space<vmem_shared>> -> memref<128x128xf32, #tpu.memory_space<vmem_shared>>
      tpu.wait_dma2 semaphore(%run_scoped3A_236 : memref<!tpu.dma_semaphore, #tpu.memory_space<semaphore_mem>>) src(%dma_wait3A_246 : memref<128x128xf32, #tpu.memory_space<vmem_shared>>) dst(%dma_wait3A_244 : memref<128x128xf32, #tpu.memory_space<hbm>>)
      tpu.yield
    }) : () -> ()
    return
  }
}

#map = affine_map<(d0, d1) -> (0, 0)>
module attributes {stable_mosaic.version = 14 : i64} {
  func.func @_deg_body(%arg0: i32, %arg1: i32, %arg2: memref<32x10000xi32, #tpu.memory_space<hbm>>, %arg3: memref<32x10240xf32, #tpu.memory_space<hbm>>, %arg4: memref<10000xi32, #tpu.memory_space<vmem>>, %arg5: memref<10240xf32, #tpu.memory_space<vmem>>) attributes {dimension_semantics = [#tpu.dimension_semantics<core_parallel>, #tpu.dimension_semantics<subcore_parallel>], iteration_bounds = array<i64: 2, 16>, scalar_prefetch = 0 : i64, scratch_operands = 2 : i64, tpu.core_type = #tpu.core_type<sc_vector_subcore>, window_params = [{transform_indices = #map}, {transform_indices = #map}]} {
    %mul3A = arith.constant 16 : i32
    %mul3A_0 = arith.muli %arg0, %mul3A : i32
    %add3A = arith.addi %mul3A_0, %arg1 : i32
    %scan3A = arith.constant 0 : i32
    %scan3A_1 = arith.constant 0 : i32
    %scan3A_2 = arith.constant 640 : i32
    %scan3A_3 = arith.addi %scan3A_1, %scan3A_2 : i32
    %scan3A_4 = arith.constant 1 : i32
    scf.for %scan3A_13 = %scan3A_1 to %scan3A_3 step %scan3A_4  : i32 {
      %broadcast_in_dim3A_14 = arith.constant 0.000000e+00 : f32
      %broadcast_in_dim3A_15 = vector.broadcast %broadcast_in_dim3A_14 : f32 to vector<16xf32>
      %mul3A_16 = arith.constant 16 : i32
      %mul3A_17 = arith.muli %scan3A_13, %mul3A_16 : i32
      %swap3A = arith.index_cast %mul3A_17 : i32 to index
      %swap3A_18 = tpu.vector_load %arg5[%swap3A] {strides = array<i32>} : memref<10240xf32, #tpu.memory_space<vmem>>, vector<16xf32>,
      tpu.vector_store %arg5[%swap3A], %broadcast_in_dim3A_15 {strides = array<i32>} : memref<10240xf32, #tpu.memory_space<vmem>>, vector<16xf32>,
    }
    %scan3A_5 = arith.constant 640 : i32
    "tpu.region"() ({
      %run_scoped3A = tpu.sem_alloc : memref<!tpu.dma_semaphore, #tpu.memory_space<semaphore_mem>>
      %dma_start3A = arith.constant 0 : i32
      %dma_start3A_13 = tpu.memref_slice %arg2[%add3A, %dma_start3A] : memref<32x10000xi32, #tpu.memory_space<hbm>> -> memref<1x10000xi32, #tpu.memory_space<hbm>>
      %dma_start3A_14 = tpu.memref_squeeze %dma_start3A_13 : memref<1x10000xi32, #tpu.memory_space<hbm>> -> memref<10000xi32, #tpu.memory_space<hbm>>
      %dma_start3A_15 = arith.constant 0 : i32
      %dma_start3A_16 = tpu.memref_slice %arg2[%add3A, %dma_start3A_15] : memref<32x10000xi32, #tpu.memory_space<hbm>> -> memref<1x10000xi32, #tpu.memory_space<hbm>>
      %dma_start3A_17 = tpu.memref_squeeze %dma_start3A_16 : memref<1x10000xi32, #tpu.memory_space<hbm>> -> memref<10000xi32, #tpu.memory_space<hbm>>
      tpu.enqueue_dma source(%dma_start3A_17 : memref<10000xi32, #tpu.memory_space<hbm>>) target(%arg4 : memref<10000xi32, #tpu.memory_space<vmem>>) target_semaphore(%run_scoped3A : memref<!tpu.dma_semaphore, #tpu.memory_space<semaphore_mem>>)
      %dma_wait3A = arith.constant 0 : i32
      %dma_wait3A_18 = tpu.memref_slice %arg2[%add3A, %dma_wait3A] : memref<32x10000xi32, #tpu.memory_space<hbm>> -> memref<1x10000xi32, #tpu.memory_space<hbm>>
      %dma_wait3A_19 = tpu.memref_squeeze %dma_wait3A_18 : memref<1x10000xi32, #tpu.memory_space<hbm>> -> memref<10000xi32, #tpu.memory_space<hbm>>
      %dma_wait3A_20 = arith.constant 0 : i32
      %dma_wait3A_21 = tpu.memref_slice %arg2[%add3A, %dma_wait3A_20] : memref<32x10000xi32, #tpu.memory_space<hbm>> -> memref<1x10000xi32, #tpu.memory_space<hbm>>
      %dma_wait3A_22 = tpu.memref_squeeze %dma_wait3A_21 : memref<1x10000xi32, #tpu.memory_space<hbm>> -> memref<10000xi32, #tpu.memory_space<hbm>>
      tpu.wait_dma2 semaphore(%run_scoped3A : memref<!tpu.dma_semaphore, #tpu.memory_space<semaphore_mem>>) src(%dma_wait3A_22 : memref<10000xi32, #tpu.memory_space<hbm>>) dst(%arg4 : memref<10000xi32, #tpu.memory_space<vmem>>)
      tpu.yield
    }) : () -> ()
    %broadcast_in_dim3A = arith.constant 1.000000e+00 : f32
    %broadcast_in_dim3A_6 = vector.broadcast %broadcast_in_dim3A : f32 to vector<16xf32>
    %scan3A_7 = arith.constant 0 : i32
    %scan3A_8 = arith.constant 0 : i32
    %scan3A_9 = arith.constant 625 : i32
    %scan3A_10 = arith.addi %scan3A_8, %scan3A_9 : i32
    %scan3A_11 = arith.constant 1 : i32
    scf.for %scan3A_13 = %scan3A_8 to %scan3A_10 step %scan3A_11  : i32 {
      %mul3A_14 = arith.constant 16 : i32
      %mul3A_15 = arith.muli %scan3A_13, %mul3A_14 : i32
      %get3A = arith.index_cast %mul3A_15 : i32 to index
      %get3A_16 = tpu.vector_load %arg4[%get3A] {strides = array<i32>} : memref<10000xi32, #tpu.memory_space<vmem>>, vector<16xi32>,
      tpu.vector_store_idx %arg5[%get3A_16], %broadcast_in_dim3A_6 {add = true} : memref<10240xf32, #tpu.memory_space<vmem>>[vector<16xi32>], vector<16xf32>,
    }
    %scan3A_12 = arith.constant 625 : i32
    "tpu.region"() ({
      %run_scoped3A = tpu.sem_alloc : memref<!tpu.dma_semaphore, #tpu.memory_space<semaphore_mem>>
      %dma_start3A = arith.constant 0 : i32
      %dma_start3A_13 = tpu.memref_slice %arg3[%add3A, %dma_start3A] : memref<32x10240xf32, #tpu.memory_space<hbm>> -> memref<1x10240xf32, #tpu.memory_space<hbm>>
      %dma_start3A_14 = tpu.memref_squeeze %dma_start3A_13 : memref<1x10240xf32, #tpu.memory_space<hbm>> -> memref<10240xf32, #tpu.memory_space<hbm>>
      %dma_start3A_15 = arith.constant 0 : i32
      %dma_start3A_16 = tpu.memref_slice %arg3[%add3A, %dma_start3A_15] : memref<32x10240xf32, #tpu.memory_space<hbm>> -> memref<1x10240xf32, #tpu.memory_space<hbm>>
      %dma_start3A_17 = tpu.memref_squeeze %dma_start3A_16 : memref<1x10240xf32, #tpu.memory_space<hbm>> -> memref<10240xf32, #tpu.memory_space<hbm>>
      tpu.enqueue_dma source(%arg5 : memref<10240xf32, #tpu.memory_space<vmem>>) target(%dma_start3A_17 : memref<10240xf32, #tpu.memory_space<hbm>>) target_semaphore(%run_scoped3A : memref<!tpu.dma_semaphore, #tpu.memory_space<semaphore_mem>>)
      %dma_wait3A = arith.constant 0 : i32
      %dma_wait3A_18 = tpu.memref_slice %arg3[%add3A, %dma_wait3A] : memref<32x10240xf32, #tpu.memory_space<hbm>> -> memref<1x10240xf32, #tpu.memory_space<hbm>>
      %dma_wait3A_19 = tpu.memref_squeeze %dma_wait3A_18 : memref<1x10240xf32, #tpu.memory_space<hbm>> -> memref<10240xf32, #tpu.memory_space<hbm>>
      %dma_wait3A_20 = arith.constant 0 : i32
      %dma_wait3A_21 = tpu.memref_slice %arg3[%add3A, %dma_wait3A_20] : memref<32x10240xf32, #tpu.memory_space<hbm>> -> memref<1x10240xf32, #tpu.memory_space<hbm>>
      %dma_wait3A_22 = tpu.memref_squeeze %dma_wait3A_21 : memref<1x10240xf32, #tpu.memory_space<hbm>> -> memref<10240xf32, #tpu.memory_space<hbm>>
      tpu.wait_dma2 semaphore(%run_scoped3A : memref<!tpu.dma_semaphore, #tpu.memory_space<semaphore_mem>>) src(%arg5 : memref<10240xf32, #tpu.memory_space<vmem>>) dst(%dma_wait3A_22 : memref<10240xf32, #tpu.memory_space<hbm>>)
      tpu.yield
    }) : () -> ()
    return
  }
}

#map = affine_map<(d0, d1) -> (0, 0, 0)>
#map1 = affine_map<(d0, d1) -> (0, 0)>
module attributes {stable_mosaic.version = 14 : i64} {
  func.func @_spmm_body(%arg0: i32, %arg1: i32, %arg2: memref<32x160x64xi32, #tpu.memory_space<hbm>>, %arg3: memref<32x160x64xi32, #tpu.memory_space<hbm>>, %arg4: memref<10240x128xf32, #tpu.memory_space<hbm>>, %arg5: memref<2x10240x128xf32, #tpu.memory_space<hbm>>, %arg6: memref<4x4x64xi32, #tpu.memory_space<vmem>>, %arg7: memref<4x4x64xi32, #tpu.memory_space<vmem>>, %arg8: memref<4x64x128xf32, #tpu.memory_space<vmem>>, %arg9: memref<10240x128xf32, #tpu.memory_space<vmem_shared>>, %arg10: memref<4x!tpu.dma_semaphore, #tpu.memory_space<semaphore_mem>>, %arg11: memref<4x!tpu.dma_semaphore, #tpu.memory_space<semaphore_mem>>) attributes {dimension_semantics = [#tpu.dimension_semantics<core_parallel>, #tpu.dimension_semantics<subcore_parallel>], iteration_bounds = array<i64: 2, 16>, scalar_prefetch = 0 : i64, scratch_operands = 6 : i64, tpu.core_type = #tpu.core_type<sc_vector_subcore>, window_params = [{transform_indices = #map}, {transform_indices = #map}, {transform_indices = #map1}, {transform_indices = #map}]} {
    %mul3A = arith.constant 16 : i32
    %mul3A_0 = arith.muli %arg0, %mul3A : i32
    %add3A = arith.addi %mul3A_0, %arg1 : i32
    %scan3A = arith.constant 0 : i32
    %scan3A_1 = arith.constant 0 : i32
    %scan3A_2 = arith.constant 64 : i32
    %scan3A_3 = arith.addi %scan3A_1, %scan3A_2 : i32
    %scan3A_4 = arith.constant 1 : i32
    scf.for %scan3A_236 = %scan3A_1 to %scan3A_3 step %scan3A_4  : i32 {
      %broadcast_in_dim3A = arith.constant 0.000000e+00 : f32
      %broadcast_in_dim3A_237 = vector.broadcast %broadcast_in_dim3A : f32 to vector<16xf32>
      %swap3A = arith.constant 0 : i32
      %swap3A_238 = arith.index_cast %swap3A : i32 to index
      %swap3A_239 = arith.index_cast %scan3A_236 : i32 to index
      %swap3A_240 = arith.constant 0 : index
      %swap3A_241 = tpu.vector_load %arg8[%swap3A_238, %swap3A_239, %swap3A_240] {strides = array<i32>} : memref<4x64x128xf32, #tpu.memory_space<vmem>>, vector<1x1x16xf32>,
      %swap3A_242 = vector.shape_cast %swap3A_241 : vector<1x1x16xf32> to vector<16xf32>
      %swap3A_243 = vector.shape_cast %broadcast_in_dim3A_237 : vector<16xf32> to vector<1x1x16xf32>
      tpu.vector_store %arg8[%swap3A_238, %swap3A_239, %swap3A_240], %swap3A_243 {strides = array<i32>} : memref<4x64x128xf32, #tpu.memory_space<vmem>>, vector<1x1x16xf32>,
      %broadcast_in_dim3A_244 = arith.constant 0.000000e+00 : f32
      %broadcast_in_dim3A_245 = vector.broadcast %broadcast_in_dim3A_244 : f32 to vector<16xf32>
      %swap3A_246 = arith.constant 0 : i32
      %swap3A_247 = arith.index_cast %swap3A_246 : i32 to index
      %swap3A_248 = arith.index_cast %scan3A_236 : i32 to index
      %swap3A_249 = arith.constant 16 : index
      %swap3A_250 = tpu.vector_load %arg8[%swap3A_247, %swap3A_248, %swap3A_249] {strides = array<i32>} : memref<4x64x128xf32, #tpu.memory_space<vmem>>, vector<1x1x16xf32>,
      %swap3A_251 = vector.shape_cast %swap3A_250 : vector<1x1x16xf32> to vector<16xf32>
      %swap3A_252 = vector.shape_cast %broadcast_in_dim3A_245 : vector<16xf32> to vector<1x1x16xf32>
      tpu.vector_store %arg8[%swap3A_247, %swap3A_248, %swap3A_249], %swap3A_252 {strides = array<i32>} : memref<4x64x128xf32, #tpu.memory_space<vmem>>, vector<1x1x16xf32>,
      %broadcast_in_dim3A_253 = arith.constant 0.000000e+00 : f32
      %broadcast_in_dim3A_254 = vector.broadcast %broadcast_in_dim3A_253 : f32 to vector<16xf32>
      %swap3A_255 = arith.constant 0 : i32
      %swap3A_256 = arith.index_cast %swap3A_255 : i32 to index
      %swap3A_257 = arith.index_cast %scan3A_236 : i32 to index
      %swap3A_258 = arith.constant 32 : index
      %swap3A_259 = tpu.vector_load %arg8[%swap3A_256, %swap3A_257, %swap3A_258] {strides = array<i32>} : memref<4x64x128xf32, #tpu.memory_space<vmem>>, vector<1x1x16xf32>,
      %swap3A_260 = vector.shape_cast %swap3A_259 : vector<1x1x16xf32> to vector<16xf32>
      %swap3A_261 = vector.shape_cast %broadcast_in_dim3A_254 : vector<16xf32> to vector<1x1x16xf32>
      tpu.vector_store %arg8[%swap3A_256, %swap3A_257, %swap3A_258], %swap3A_261 {strides = array<i32>} : memref<4x64x128xf32, #tpu.memory_space<vmem>>, vector<1x1x16xf32>,
      %broadcast_in_dim3A_262 = arith.constant 0.000000e+00 : f32
      %broadcast_in_dim3A_263 = vector.broadcast %broadcast_in_dim3A_262 : f32 to vector<16xf32>
      %swap3A_264 = arith.constant 0 : i32
      %swap3A_265 = arith.index_cast %swap3A_264 : i32 to index
      %swap3A_266 = arith.index_cast %scan3A_236 : i32 to index
      %swap3A_267 = arith.constant 48 : index
      %swap3A_268 = tpu.vector_load %arg8[%swap3A_265, %swap3A_266, %swap3A_267] {strides = array<i32>} : memref<4x64x128xf32, #tpu.memory_space<vmem>>, vector<1x1x16xf32>,
      %swap3A_269 = vector.shape_cast %swap3A_268 : vector<1x1x16xf32> to vector<16xf32>
      %swap3A_270 = vector.shape_cast %broadcast_in_dim3A_263 : vector<16xf32> to vector<1x1x16xf32>
      tpu.vector_store %arg8[%swap3A_265, %swap3A_266, %swap3A_267], %swap3A_270 {strides = array<i32>} : memref<4x64x128xf32, #tpu.memory_space<vmem>>, vector<1x1x16xf32>,
      %broadcast_in_dim3A_271 = arith.constant 0.000000e+00 : f32
      %broadcast_in_dim3A_272 = vector.broadcast %broadcast_in_dim3A_271 : f32 to vector<16xf32>
      %swap3A_273 = arith.constant 0 : i32
      %swap3A_274 = arith.index_cast %swap3A_273 : i32 to index
      %swap3A_275 = arith.index_cast %scan3A_236 : i32 to index
      %swap3A_276 = arith.constant 64 : index
      %swap3A_277 = tpu.vector_load %arg8[%swap3A_274, %swap3A_275, %swap3A_276] {strides = array<i32>} : memref<4x64x128xf32, #tpu.memory_space<vmem>>, vector<1x1x16xf32>,
      %swap3A_278 = vector.shape_cast %swap3A_277 : vector<1x1x16xf32> to vector<16xf32>
      %swap3A_279 = vector.shape_cast %broadcast_in_dim3A_272 : vector<16xf32> to vector<1x1x16xf32>
      tpu.vector_store %arg8[%swap3A_274, %swap3A_275, %swap3A_276], %swap3A_279 {strides = array<i32>} : memref<4x64x128xf32, #tpu.memory_space<vmem>>, vector<1x1x16xf32>,
      %broadcast_in_dim3A_280 = arith.constant 0.000000e+00 : f32
      %broadcast_in_dim3A_281 = vector.broadcast %broadcast_in_dim3A_280 : f32 to vector<16xf32>
      %swap3A_282 = arith.constant 0 : i32
      %swap3A_283 = arith.index_cast %swap3A_282 : i32 to index
      %swap3A_284 = arith.index_cast %scan3A_236 : i32 to index
      %swap3A_285 = arith.constant 80 : index
      %swap3A_286 = tpu.vector_load %arg8[%swap3A_283, %swap3A_284, %swap3A_285] {strides = array<i32>} : memref<4x64x128xf32, #tpu.memory_space<vmem>>, vector<1x1x16xf32>,
      %swap3A_287 = vector.shape_cast %swap3A_286 : vector<1x1x16xf32> to vector<16xf32>
      %swap3A_288 = vector.shape_cast %broadcast_in_dim3A_281 : vector<16xf32> to vector<1x1x16xf32>
      tpu.vector_store %arg8[%swap3A_283, %swap3A_284, %swap3A_285], %swap3A_288 {strides = array<i32>} : memref<4x64x128xf32, #tpu.memory_space<vmem>>, vector<1x1x16xf32>,
      %broadcast_in_dim3A_289 = arith.constant 0.000000e+00 : f32
      %broadcast_in_dim3A_290 = vector.broadcast %broadcast_in_dim3A_289 : f32 to vector<16xf32>
      %swap3A_291 = arith.constant 0 : i32
      %swap3A_292 = arith.index_cast %swap3A_291 : i32 to index
      %swap3A_293 = arith.index_cast %scan3A_236 : i32 to index
      %swap3A_294 = arith.constant 96 : index
      %swap3A_295 = tpu.vector_load %arg8[%swap3A_292, %swap3A_293, %swap3A_294] {strides = array<i32>} : memref<4x64x128xf32, #tpu.memory_space<vmem>>, vector<1x1x16xf32>,
      %swap3A_296 = vector.shape_cast %swap3A_295 : vector<1x1x16xf32> to vector<16xf32>
      %swap3A_297 = vector.shape_cast %broadcast_in_dim3A_290 : vector<16xf32> to vector<1x1x16xf32>
      tpu.vector_store %arg8[%swap3A_292, %swap3A_293, %swap3A_294], %swap3A_297 {strides = array<i32>} : memref<4x64x128xf32, #tpu.memory_space<vmem>>, vector<1x1x16xf32>,
      %broadcast_in_dim3A_298 = arith.constant 0.000000e+00 : f32
      %broadcast_in_dim3A_299 = vector.broadcast %broadcast_in_dim3A_298 : f32 to vector<16xf32>
      %swap3A_300 = arith.constant 0 : i32
      %swap3A_301 = arith.index_cast %swap3A_300 : i32 to index
      %swap3A_302 = arith.index_cast %scan3A_236 : i32 to index
      %swap3A_303 = arith.constant 112 : index
      %swap3A_304 = tpu.vector_load %arg8[%swap3A_301, %swap3A_302, %swap3A_303] {strides = array<i32>} : memref<4x64x128xf32, #tpu.memory_space<vmem>>, vector<1x1x16xf32>,
      %swap3A_305 = vector.shape_cast %swap3A_304 : vector<1x1x16xf32> to vector<16xf32>
      %swap3A_306 = vector.shape_cast %broadcast_in_dim3A_299 : vector<16xf32> to vector<1x1x16xf32>
      tpu.vector_store %arg8[%swap3A_301, %swap3A_302, %swap3A_303], %swap3A_306 {strides = array<i32>} : memref<4x64x128xf32, #tpu.memory_space<vmem>>, vector<1x1x16xf32>,
    }
    %scan3A_5 = arith.constant 64 : i32
    %mul3A_6 = arith.constant 640 : i32
    %mul3A_7 = arith.muli %arg1, %mul3A_6 : i32
    %add3A_8 = arith.constant 0 : i32
    %add3A_9 = arith.addi %mul3A_7, %add3A_8 : i32
    %run_scoped3A = arith.constant 0 : i32
    "tpu.region"() ({
      %run_scoped3A_236 = tpu.sem_alloc : memref<!tpu.dma_semaphore, #tpu.memory_space<semaphore_mem>>
      %dma_start3A_237 = arith.constant 0 : i32
      %dma_start3A_238 = arith.constant 0 : i32
      %dma_start3A_239 = tpu.memref_slice %arg8[%run_scoped3A, %dma_start3A_237, %dma_start3A_238] : memref<4x64x128xf32, #tpu.memory_space<vmem>> -> memref<1x64x128xf32, #tpu.memory_space<vmem>>
      %dma_start3A_240 = tpu.memref_squeeze %dma_start3A_239 : memref<1x64x128xf32, #tpu.memory_space<vmem>> -> memref<64x128xf32, #tpu.memory_space<vmem>>
      %dma_start3A_241 = arith.constant 0 : i32
      %dma_start3A_242 = tpu.memref_slice %arg9[%add3A_9, %dma_start3A_241] : memref<10240x128xf32, #tpu.memory_space<vmem_shared>> -> memref<64x128xf32, #tpu.memory_space<vmem_shared>>
      %dma_start3A_243 = arith.constant 0 : i32
      %dma_start3A_244 = tpu.memref_slice %arg9[%add3A_9, %dma_start3A_243] : memref<10240x128xf32, #tpu.memory_space<vmem_shared>> -> memref<64x128xf32, #tpu.memory_space<vmem_shared>>
      %dma_start3A_245 = arith.constant 0 : i32
      %dma_start3A_246 = arith.constant 0 : i32
      %dma_start3A_247 = tpu.memref_slice %arg8[%run_scoped3A, %dma_start3A_245, %dma_start3A_246] : memref<4x64x128xf32, #tpu.memory_space<vmem>> -> memref<1x64x128xf32, #tpu.memory_space<vmem>>
      %dma_start3A_248 = tpu.memref_squeeze %dma_start3A_247 : memref<1x64x128xf32, #tpu.memory_space<vmem>> -> memref<64x128xf32, #tpu.memory_space<vmem>>
      tpu.enqueue_dma source(%dma_start3A_248 : memref<64x128xf32, #tpu.memory_space<vmem>>) target(%dma_start3A_244 : memref<64x128xf32, #tpu.memory_space<vmem_shared>>) target_semaphore(%run_scoped3A_236 : memref<!tpu.dma_semaphore, #tpu.memory_space<semaphore_mem>>)
      %dma_wait3A_249 = arith.constant 0 : i32
      %dma_wait3A_250 = arith.constant 0 : i32
      %dma_wait3A_251 = tpu.memref_slice %arg8[%run_scoped3A, %dma_wait3A_249, %dma_wait3A_250] : memref<4x64x128xf32, #tpu.memory_space<vmem>> -> memref<1x64x128xf32, #tpu.memory_space<vmem>>
      %dma_wait3A_252 = tpu.memref_squeeze %dma_wait3A_251 : memref<1x64x128xf32, #tpu.memory_space<vmem>> -> memref<64x128xf32, #tpu.memory_space<vmem>>
      %dma_wait3A_253 = arith.constant 0 : i32
      %dma_wait3A_254 = tpu.memref_slice %arg9[%add3A_9, %dma_wait3A_253] : memref<10240x128xf32, #tpu.memory_space<vmem_shared>> -> memref<64x128xf32, #tpu.memory_space<vmem_shared>>
      %dma_wait3A_255 = arith.constant 0 : i32
      %dma_wait3A_256 = tpu.memref_slice %arg9[%add3A_9, %dma_wait3A_255] : memref<10240x128xf32, #tpu.memory_space<vmem_shared>> -> memref<64x128xf32, #tpu.memory_space<vmem_shared>>
      %dma_wait3A_257 = arith.constant 0 : i32
      %dma_wait3A_258 = arith.constant 0 : i32
      %dma_wait3A_259 = tpu.memref_slice %arg8[%run_scoped3A, %dma_wait3A_257, %dma_wait3A_258] : memref<4x64x128xf32, #tpu.memory_space<vmem>> -> memref<1x64x128xf32, #tpu.memory_space<vmem>>
      %dma_wait3A_260 = tpu.memref_squeeze %dma_wait3A_259 : memref<1x64x128xf32, #tpu.memory_space<vmem>> -> memref<64x128xf32, #tpu.memory_space<vmem>>
      tpu.wait_dma2 semaphore(%run_scoped3A_236 : memref<!tpu.dma_semaphore, #tpu.memory_space<semaphore_mem>>) src(%dma_wait3A_260 : memref<64x128xf32, #tpu.memory_space<vmem>>) dst(%dma_wait3A_256 : memref<64x128xf32, #tpu.memory_space<vmem_shared>>)
      tpu.yield
    }) : () -> ()
    %add3A_10 = arith.constant 64 : i32
    %add3A_11 = arith.addi %mul3A_7, %add3A_10 : i32
    %run_scoped3A_12 = arith.constant 0 : i32
    "tpu.region"() ({
      %run_scoped3A_236 = tpu.sem_alloc : memref<!tpu.dma_semaphore, #tpu.memory_space<semaphore_mem>>
      %dma_start3A_237 = arith.constant 0 : i32
      %dma_start3A_238 = arith.constant 0 : i32
      %dma_start3A_239 = tpu.memref_slice %arg8[%run_scoped3A_12, %dma_start3A_237, %dma_start3A_238] : memref<4x64x128xf32, #tpu.memory_space<vmem>> -> memref<1x64x128xf32, #tpu.memory_space<vmem>>
      %dma_start3A_240 = tpu.memref_squeeze %dma_start3A_239 : memref<1x64x128xf32, #tpu.memory_space<vmem>> -> memref<64x128xf32, #tpu.memory_space<vmem>>
      %dma_start3A_241 = arith.constant 0 : i32
      %dma_start3A_242 = tpu.memref_slice %arg9[%add3A_11, %dma_start3A_241] : memref<10240x128xf32, #tpu.memory_space<vmem_shared>> -> memref<64x128xf32, #tpu.memory_space<vmem_shared>>
      %dma_start3A_243 = arith.constant 0 : i32
      %dma_start3A_244 = tpu.memref_slice %arg9[%add3A_11, %dma_start3A_243] : memref<10240x128xf32, #tpu.memory_space<vmem_shared>> -> memref<64x128xf32, #tpu.memory_space<vmem_shared>>
      %dma_start3A_245 = arith.constant 0 : i32
      %dma_start3A_246 = arith.constant 0 : i32
      %dma_start3A_247 = tpu.memref_slice %arg8[%run_scoped3A_12, %dma_start3A_245, %dma_start3A_246] : memref<4x64x128xf32, #tpu.memory_space<vmem>> -> memref<1x64x128xf32, #tpu.memory_space<vmem>>
      %dma_start3A_248 = tpu.memref_squeeze %dma_start3A_247 : memref<1x64x128xf32, #tpu.memory_space<vmem>> -> memref<64x128xf32, #tpu.memory_space<vmem>>
      tpu.enqueue_dma source(%dma_start3A_248 : memref<64x128xf32, #tpu.memory_space<vmem>>) target(%dma_start3A_244 : memref<64x128xf32, #tpu.memory_space<vmem_shared>>) target_semaphore(%run_scoped3A_236 : memref<!tpu.dma_semaphore, #tpu.memory_space<semaphore_mem>>)
      %dma_wait3A_249 = arith.constant 0 : i32
      %dma_wait3A_250 = arith.constant 0 : i32
      %dma_wait3A_251 = tpu.memref_slice %arg8[%run_scoped3A_12, %dma_wait3A_249, %dma_wait3A_250] : memref<4x64x128xf32, #tpu.memory_space<vmem>> -> memref<1x64x128xf32, #tpu.memory_space<vmem>>
      %dma_wait3A_252 = tpu.memref_squeeze %dma_wait3A_251 : memref<1x64x128xf32, #tpu.memory_space<vmem>> -> memref<64x128xf32, #tpu.memory_space<vmem>>
      %dma_wait3A_253 = arith.constant 0 : i32
      %dma_wait3A_254 = tpu.memref_slice %arg9[%add3A_11, %dma_wait3A_253] : memref<10240x128xf32, #tpu.memory_space<vmem_shared>> -> memref<64x128xf32, #tpu.memory_space<vmem_shared>>
      %dma_wait3A_255 = arith.constant 0 : i32
      %dma_wait3A_256 = tpu.memref_slice %arg9[%add3A_11, %dma_wait3A_255] : memref<10240x128xf32, #tpu.memory_space<vmem_shared>> -> memref<64x128xf32, #tpu.memory_space<vmem_shared>>
      %dma_wait3A_257 = arith.constant 0 : i32
      %dma_wait3A_258 = arith.constant 0 : i32
      %dma_wait3A_259 = tpu.memref_slice %arg8[%run_scoped3A_12, %dma_wait3A_257, %dma_wait3A_258] : memref<4x64x128xf32, #tpu.memory_space<vmem>> -> memref<1x64x128xf32, #tpu.memory_space<vmem>>
      %dma_wait3A_260 = tpu.memref_squeeze %dma_wait3A_259 : memref<1x64x128xf32, #tpu.memory_space<vmem>> -> memref<64x128xf32, #tpu.memory_space<vmem>>
      tpu.wait_dma2 semaphore(%run_scoped3A_236 : memref<!tpu.dma_semaphore, #tpu.memory_space<semaphore_mem>>) src(%dma_wait3A_260 : memref<64x128xf32, #tpu.memory_space<vmem>>) dst(%dma_wait3A_256 : memref<64x128xf32, #tpu.memory_space<vmem_shared>>)
      tpu.yield
    }) : () -> ()
    %add3A_13 = arith.constant 128 : i32
    %add3A_14 = arith.addi %mul3A_7, %add3A_13 : i32
    %run_scoped3A_15 = arith.constant 0 : i32
    "tpu.region"() ({
      %run_scoped3A_236 = tpu.sem_alloc : memref<!tpu.dma_semaphore, #tpu.memory_space<semaphore_mem>>
      %dma_start3A_237 = arith.constant 0 : i32
      %dma_start3A_238 = arith.constant 0 : i32
      %dma_start3A_239 = tpu.memref_slice %arg8[%run_scoped3A_15, %dma_start3A_237, %dma_start3A_238] : memref<4x64x128xf32, #tpu.memory_space<vmem>> -> memref<1x64x128xf32, #tpu.memory_space<vmem>>
      %dma_start3A_240 = tpu.memref_squeeze %dma_start3A_239 : memref<1x64x128xf32, #tpu.memory_space<vmem>> -> memref<64x128xf32, #tpu.memory_space<vmem>>
      %dma_start3A_241 = arith.constant 0 : i32
      %dma_start3A_242 = tpu.memref_slice %arg9[%add3A_14, %dma_start3A_241] : memref<10240x128xf32, #tpu.memory_space<vmem_shared>> -> memref<64x128xf32, #tpu.memory_space<vmem_shared>>
      %dma_start3A_243 = arith.constant 0 : i32
      %dma_start3A_244 = tpu.memref_slice %arg9[%add3A_14, %dma_start3A_243] : memref<10240x128xf32, #tpu.memory_space<vmem_shared>> -> memref<64x128xf32, #tpu.memory_space<vmem_shared>>
      %dma_start3A_245 = arith.constant 0 : i32
      %dma_start3A_246 = arith.constant 0 : i32
      %dma_start3A_247 = tpu.memref_slice %arg8[%run_scoped3A_15, %dma_start3A_245, %dma_start3A_246] : memref<4x64x128xf32, #tpu.memory_space<vmem>> -> memref<1x64x128xf32, #tpu.memory_space<vmem>>
      %dma_start3A_248 = tpu.memref_squeeze %dma_start3A_247 : memref<1x64x128xf32, #tpu.memory_space<vmem>> -> memref<64x128xf32, #tpu.memory_space<vmem>>
      tpu.enqueue_dma source(%dma_start3A_248 : memref<64x128xf32, #tpu.memory_space<vmem>>) target(%dma_start3A_244 : memref<64x128xf32, #tpu.memory_space<vmem_shared>>) target_semaphore(%run_scoped3A_236 : memref<!tpu.dma_semaphore, #tpu.memory_space<semaphore_mem>>)
      %dma_wait3A_249 = arith.constant 0 : i32
      %dma_wait3A_250 = arith.constant 0 : i32
      %dma_wait3A_251 = tpu.memref_slice %arg8[%run_scoped3A_15, %dma_wait3A_249, %dma_wait3A_250] : memref<4x64x128xf32, #tpu.memory_space<vmem>> -> memref<1x64x128xf32, #tpu.memory_space<vmem>>
      %dma_wait3A_252 = tpu.memref_squeeze %dma_wait3A_251 : memref<1x64x128xf32, #tpu.memory_space<vmem>> -> memref<64x128xf32, #tpu.memory_space<vmem>>
      %dma_wait3A_253 = arith.constant 0 : i32
      %dma_wait3A_254 = tpu.memref_slice %arg9[%add3A_14, %dma_wait3A_253] : memref<10240x128xf32, #tpu.memory_space<vmem_shared>> -> memref<64x128xf32, #tpu.memory_space<vmem_shared>>
      %dma_wait3A_255 = arith.constant 0 : i32
      %dma_wait3A_256 = tpu.memref_slice %arg9[%add3A_14, %dma_wait3A_255] : memref<10240x128xf32, #tpu.memory_space<vmem_shared>> -> memref<64x128xf32, #tpu.memory_space<vmem_shared>>
      %dma_wait3A_257 = arith.constant 0 : i32
      %dma_wait3A_258 = arith.constant 0 : i32
      %dma_wait3A_259 = tpu.memref_slice %arg8[%run_scoped3A_15, %dma_wait3A_257, %dma_wait3A_258] : memref<4x64x128xf32, #tpu.memory_space<vmem>> -> memref<1x64x128xf32, #tpu.memory_space<vmem>>
      %dma_wait3A_260 = tpu.memref_squeeze %dma_wait3A_259 : memref<1x64x128xf32, #tpu.memory_space<vmem>> -> memref<64x128xf32, #tpu.memory_space<vmem>>
      tpu.wait_dma2 semaphore(%run_scoped3A_236 : memref<!tpu.dma_semaphore, #tpu.memory_space<semaphore_mem>>) src(%dma_wait3A_260 : memref<64x128xf32, #tpu.memory_space<vmem>>) dst(%dma_wait3A_256 : memref<64x128xf32, #tpu.memory_space<vmem_shared>>)
      tpu.yield
    }) : () -> ()
    %add3A_16 = arith.constant 192 : i32
    %add3A_17 = arith.addi %mul3A_7, %add3A_16 : i32
    %run_scoped3A_18 = arith.constant 0 : i32
    "tpu.region"() ({
      %run_scoped3A_236 = tpu.sem_alloc : memref<!tpu.dma_semaphore, #tpu.memory_space<semaphore_mem>>
      %dma_start3A_237 = arith.constant 0 : i32
      %dma_start3A_238 = arith.constant 0 : i32
      %dma_start3A_239 = tpu.memref_slice %arg8[%run_scoped3A_18, %dma_start3A_237, %dma_start3A_238] : memref<4x64x128xf32, #tpu.memory_space<vmem>> -> memref<1x64x128xf32, #tpu.memory_space<vmem>>
      %dma_start3A_240 = tpu.memref_squeeze %dma_start3A_239 : memref<1x64x128xf32, #tpu.memory_space<vmem>> -> memref<64x128xf32, #tpu.memory_space<vmem>>
      %dma_start3A_241 = arith.constant 0 : i32
      %dma_start3A_242 = tpu.memref_slice %arg9[%add3A_17, %dma_start3A_241] : memref<10240x128xf32, #tpu.memory_space<vmem_shared>> -> memref<64x128xf32, #tpu.memory_space<vmem_shared>>
      %dma_start3A_243 = arith.constant 0 : i32
      %dma_start3A_244 = tpu.memref_slice %arg9[%add3A_17, %dma_start3A_243] : memref<10240x128xf32, #tpu.memory_space<vmem_shared>> -> memref<64x128xf32, #tpu.memory_space<vmem_shared>>
      %dma_start3A_245 = arith.constant 0 : i32
      %dma_start3A_246 = arith.constant 0 : i32
      %dma_start3A_247 = tpu.memref_slice %arg8[%run_scoped3A_18, %dma_start3A_245, %dma_start3A_246] : memref<4x64x128xf32, #tpu.memory_space<vmem>> -> memref<1x64x128xf32, #tpu.memory_space<vmem>>
      %dma_start3A_248 = tpu.memref_squeeze %dma_start3A_247 : memref<1x64x128xf32, #tpu.memory_space<vmem>> -> memref<64x128xf32, #tpu.memory_space<vmem>>
      tpu.enqueue_dma source(%dma_start3A_248 : memref<64x128xf32, #tpu.memory_space<vmem>>) target(%dma_start3A_244 : memref<64x128xf32, #tpu.memory_space<vmem_shared>>) target_semaphore(%run_scoped3A_236 : memref<!tpu.dma_semaphore, #tpu.memory_space<semaphore_mem>>)
      %dma_wait3A_249 = arith.constant 0 : i32
      %dma_wait3A_250 = arith.constant 0 : i32
      %dma_wait3A_251 = tpu.memref_slice %arg8[%run_scoped3A_18, %dma_wait3A_249, %dma_wait3A_250] : memref<4x64x128xf32, #tpu.memory_space<vmem>> -> memref<1x64x128xf32, #tpu.memory_space<vmem>>
      %dma_wait3A_252 = tpu.memref_squeeze %dma_wait3A_251 : memref<1x64x128xf32, #tpu.memory_space<vmem>> -> memref<64x128xf32, #tpu.memory_space<vmem>>
      %dma_wait3A_253 = arith.constant 0 : i32
      %dma_wait3A_254 = tpu.memref_slice %arg9[%add3A_17, %dma_wait3A_253] : memref<10240x128xf32, #tpu.memory_space<vmem_shared>> -> memref<64x128xf32, #tpu.memory_space<vmem_shared>>
      %dma_wait3A_255 = arith.constant 0 : i32
      %dma_wait3A_256 = tpu.memref_slice %arg9[%add3A_17, %dma_wait3A_255] : memref<10240x128xf32, #tpu.memory_space<vmem_shared>> -> memref<64x128xf32, #tpu.memory_space<vmem_shared>>
      %dma_wait3A_257 = arith.constant 0 : i32
      %dma_wait3A_258 = arith.constant 0 : i32
      %dma_wait3A_259 = tpu.memref_slice %arg8[%run_scoped3A_18, %dma_wait3A_257, %dma_wait3A_258] : memref<4x64x128xf32, #tpu.memory_space<vmem>> -> memref<1x64x128xf32, #tpu.memory_space<vmem>>
      %dma_wait3A_260 = tpu.memref_squeeze %dma_wait3A_259 : memref<1x64x128xf32, #tpu.memory_space<vmem>> -> memref<64x128xf32, #tpu.memory_space<vmem>>
      tpu.wait_dma2 semaphore(%run_scoped3A_236 : memref<!tpu.dma_semaphore, #tpu.memory_space<semaphore_mem>>) src(%dma_wait3A_260 : memref<64x128xf32, #tpu.memory_space<vmem>>) dst(%dma_wait3A_256 : memref<64x128xf32, #tpu.memory_space<vmem_shared>>)
      tpu.yield
    }) : () -> ()
    %add3A_19 = arith.constant 256 : i32
    %add3A_20 = arith.addi %mul3A_7, %add3A_19 : i32
    %run_scoped3A_21 = arith.constant 0 : i32
    "tpu.region"() ({
      %run_scoped3A_236 = tpu.sem_alloc : memref<!tpu.dma_semaphore, #tpu.memory_space<semaphore_mem>>
      %dma_start3A_237 = arith.constant 0 : i32
      %dma_start3A_238 = arith.constant 0 : i32
      %dma_start3A_239 = tpu.memref_slice %arg8[%run_scoped3A_21, %dma_start3A_237, %dma_start3A_238] : memref<4x64x128xf32, #tpu.memory_space<vmem>> -> memref<1x64x128xf32, #tpu.memory_space<vmem>>
      %dma_start3A_240 = tpu.memref_squeeze %dma_start3A_239 : memref<1x64x128xf32, #tpu.memory_space<vmem>> -> memref<64x128xf32, #tpu.memory_space<vmem>>
      %dma_start3A_241 = arith.constant 0 : i32
      %dma_start3A_242 = tpu.memref_slice %arg9[%add3A_20, %dma_start3A_241] : memref<10240x128xf32, #tpu.memory_space<vmem_shared>> -> memref<64x128xf32, #tpu.memory_space<vmem_shared>>
      %dma_start3A_243 = arith.constant 0 : i32
      %dma_start3A_244 = tpu.memref_slice %arg9[%add3A_20, %dma_start3A_243] : memref<10240x128xf32, #tpu.memory_space<vmem_shared>> -> memref<64x128xf32, #tpu.memory_space<vmem_shared>>
      %dma_start3A_245 = arith.constant 0 : i32
      %dma_start3A_246 = arith.constant 0 : i32
      %dma_start3A_247 = tpu.memref_slice %arg8[%run_scoped3A_21, %dma_start3A_245, %dma_start3A_246] : memref<4x64x128xf32, #tpu.memory_space<vmem>> -> memref<1x64x128xf32, #tpu.memory_space<vmem>>
      %dma_start3A_248 = tpu.memref_squeeze %dma_start3A_247 : memref<1x64x128xf32, #tpu.memory_space<vmem>> -> memref<64x128xf32, #tpu.memory_space<vmem>>
      tpu.enqueue_dma source(%dma_start3A_248 : memref<64x128xf32, #tpu.memory_space<vmem>>) target(%dma_start3A_244 : memref<64x128xf32, #tpu.memory_space<vmem_shared>>) target_semaphore(%run_scoped3A_236 : memref<!tpu.dma_semaphore, #tpu.memory_space<semaphore_mem>>)
      %dma_wait3A_249 = arith.constant 0 : i32
      %dma_wait3A_250 = arith.constant 0 : i32
      %dma_wait3A_251 = tpu.memref_slice %arg8[%run_scoped3A_21, %dma_wait3A_249, %dma_wait3A_250] : memref<4x64x128xf32, #tpu.memory_space<vmem>> -> memref<1x64x128xf32, #tpu.memory_space<vmem>>
      %dma_wait3A_252 = tpu.memref_squeeze %dma_wait3A_251 : memref<1x64x128xf32, #tpu.memory_space<vmem>> -> memref<64x128xf32, #tpu.memory_space<vmem>>
      %dma_wait3A_253 = arith.constant 0 : i32
      %dma_wait3A_254 = tpu.memref_slice %arg9[%add3A_20, %dma_wait3A_253] : memref<10240x128xf32, #tpu.memory_space<vmem_shared>> -> memref<64x128xf32, #tpu.memory_space<vmem_shared>>
      %dma_wait3A_255 = arith.constant 0 : i32
      %dma_wait3A_256 = tpu.memref_slice %arg9[%add3A_20, %dma_wait3A_255] : memref<10240x128xf32, #tpu.memory_space<vmem_shared>> -> memref<64x128xf32, #tpu.memory_space<vmem_shared>>
      %dma_wait3A_257 = arith.constant 0 : i32
      %dma_wait3A_258 = arith.constant 0 : i32
      %dma_wait3A_259 = tpu.memref_slice %arg8[%run_scoped3A_21, %dma_wait3A_257, %dma_wait3A_258] : memref<4x64x128xf32, #tpu.memory_space<vmem>> -> memref<1x64x128xf32, #tpu.memory_space<vmem>>
      %dma_wait3A_260 = tpu.memref_squeeze %dma_wait3A_259 : memref<1x64x128xf32, #tpu.memory_space<vmem>> -> memref<64x128xf32, #tpu.memory_space<vmem>>
      tpu.wait_dma2 semaphore(%run_scoped3A_236 : memref<!tpu.dma_semaphore, #tpu.memory_space<semaphore_mem>>) src(%dma_wait3A_260 : memref<64x128xf32, #tpu.memory_space<vmem>>) dst(%dma_wait3A_256 : memref<64x128xf32, #tpu.memory_space<vmem_shared>>)
      tpu.yield
    }) : () -> ()
    %add3A_22 = arith.constant 320 : i32
    %add3A_23 = arith.addi %mul3A_7, %add3A_22 : i32
    %run_scoped3A_24 = arith.constant 0 : i32
    "tpu.region"() ({
      %run_scoped3A_236 = tpu.sem_alloc : memref<!tpu.dma_semaphore, #tpu.memory_space<semaphore_mem>>
      %dma_start3A_237 = arith.constant 0 : i32
      %dma_start3A_238 = arith.constant 0 : i32
      %dma_start3A_239 = tpu.memref_slice %arg8[%run_scoped3A_24, %dma_start3A_237, %dma_start3A_238] : memref<4x64x128xf32, #tpu.memory_space<vmem>> -> memref<1x64x128xf32, #tpu.memory_space<vmem>>
      %dma_start3A_240 = tpu.memref_squeeze %dma_start3A_239 : memref<1x64x128xf32, #tpu.memory_space<vmem>> -> memref<64x128xf32, #tpu.memory_space<vmem>>
      %dma_start3A_241 = arith.constant 0 : i32
      %dma_start3A_242 = tpu.memref_slice %arg9[%add3A_23, %dma_start3A_241] : memref<10240x128xf32, #tpu.memory_space<vmem_shared>> -> memref<64x128xf32, #tpu.memory_space<vmem_shared>>
      %dma_start3A_243 = arith.constant 0 : i32
      %dma_start3A_244 = tpu.memref_slice %arg9[%add3A_23, %dma_start3A_243] : memref<10240x128xf32, #tpu.memory_space<vmem_shared>> -> memref<64x128xf32, #tpu.memory_space<vmem_shared>>
      %dma_start3A_245 = arith.constant 0 : i32
      %dma_start3A_246 = arith.constant 0 : i32
      %dma_start3A_247 = tpu.memref_slice %arg8[%run_scoped3A_24, %dma_start3A_245, %dma_start3A_246] : memref<4x64x128xf32, #tpu.memory_space<vmem>> -> memref<1x64x128xf32, #tpu.memory_space<vmem>>
      %dma_start3A_248 = tpu.memref_squeeze %dma_start3A_247 : memref<1x64x128xf32, #tpu.memory_space<vmem>> -> memref<64x128xf32, #tpu.memory_space<vmem>>
      tpu.enqueue_dma source(%dma_start3A_248 : memref<64x128xf32, #tpu.memory_space<vmem>>) target(%dma_start3A_244 : memref<64x128xf32, #tpu.memory_space<vmem_shared>>) target_semaphore(%run_scoped3A_236 : memref<!tpu.dma_semaphore, #tpu.memory_space<semaphore_mem>>)
      %dma_wait3A_249 = arith.constant 0 : i32
      %dma_wait3A_250 = arith.constant 0 : i32
      %dma_wait3A_251 = tpu.memref_slice %arg8[%run_scoped3A_24, %dma_wait3A_249, %dma_wait3A_250] : memref<4x64x128xf32, #tpu.memory_space<vmem>> -> memref<1x64x128xf32, #tpu.memory_space<vmem>>
      %dma_wait3A_252 = tpu.memref_squeeze %dma_wait3A_251 : memref<1x64x128xf32, #tpu.memory_space<vmem>> -> memref<64x128xf32, #tpu.memory_space<vmem>>
      %dma_wait3A_253 = arith.constant 0 : i32
      %dma_wait3A_254 = tpu.memref_slice %arg9[%add3A_23, %dma_wait3A_253] : memref<10240x128xf32, #tpu.memory_space<vmem_shared>> -> memref<64x128xf32, #tpu.memory_space<vmem_shared>>
      %dma_wait3A_255 = arith.constant 0 : i32
      %dma_wait3A_256 = tpu.memref_slice %arg9[%add3A_23, %dma_wait3A_255] : memref<10240x128xf32, #tpu.memory_space<vmem_shared>> -> memref<64x128xf32, #tpu.memory_space<vmem_shared>>
      %dma_wait3A_257 = arith.constant 0 : i32
      %dma_wait3A_258 = arith.constant 0 : i32
      %dma_wait3A_259 = tpu.memref_slice %arg8[%run_scoped3A_24, %dma_wait3A_257, %dma_wait3A_258] : memref<4x64x128xf32, #tpu.memory_space<vmem>> -> memref<1x64x128xf32, #tpu.memory_space<vmem>>
      %dma_wait3A_260 = tpu.memref_squeeze %dma_wait3A_259 : memref<1x64x128xf32, #tpu.memory_space<vmem>> -> memref<64x128xf32, #tpu.memory_space<vmem>>
      tpu.wait_dma2 semaphore(%run_scoped3A_236 : memref<!tpu.dma_semaphore, #tpu.memory_space<semaphore_mem>>) src(%dma_wait3A_260 : memref<64x128xf32, #tpu.memory_space<vmem>>) dst(%dma_wait3A_256 : memref<64x128xf32, #tpu.memory_space<vmem_shared>>)
      tpu.yield
    }) : () -> ()
    %add3A_25 = arith.constant 384 : i32
    %add3A_26 = arith.addi %mul3A_7, %add3A_25 : i32
    %run_scoped3A_27 = arith.constant 0 : i32
    "tpu.region"() ({
      %run_scoped3A_236 = tpu.sem_alloc : memref<!tpu.dma_semaphore, #tpu.memory_space<semaphore_mem>>
      %dma_start3A_237 = arith.constant 0 : i32
      %dma_start3A_238 = arith.constant 0 : i32
      %dma_start3A_239 = tpu.memref_slice %arg8[%run_scoped3A_27, %dma_start3A_237, %dma_start3A_238] : memref<4x64x128xf32, #tpu.memory_space<vmem>> -> memref<1x64x128xf32, #tpu.memory_space<vmem>>
      %dma_start3A_240 = tpu.memref_squeeze %dma_start3A_239 : memref<1x64x128xf32, #tpu.memory_space<vmem>> -> memref<64x128xf32, #tpu.memory_space<vmem>>
      %dma_start3A_241 = arith.constant 0 : i32
      %dma_start3A_242 = tpu.memref_slice %arg9[%add3A_26, %dma_start3A_241] : memref<10240x128xf32, #tpu.memory_space<vmem_shared>> -> memref<64x128xf32, #tpu.memory_space<vmem_shared>>
      %dma_start3A_243 = arith.constant 0 : i32
      %dma_start3A_244 = tpu.memref_slice %arg9[%add3A_26, %dma_start3A_243] : memref<10240x128xf32, #tpu.memory_space<vmem_shared>> -> memref<64x128xf32, #tpu.memory_space<vmem_shared>>
      %dma_start3A_245 = arith.constant 0 : i32
      %dma_start3A_246 = arith.constant 0 : i32
      %dma_start3A_247 = tpu.memref_slice %arg8[%run_scoped3A_27, %dma_start3A_245, %dma_start3A_246] : memref<4x64x128xf32, #tpu.memory_space<vmem>> -> memref<1x64x128xf32, #tpu.memory_space<vmem>>
      %dma_start3A_248 = tpu.memref_squeeze %dma_start3A_247 : memref<1x64x128xf32, #tpu.memory_space<vmem>> -> memref<64x128xf32, #tpu.memory_space<vmem>>
      tpu.enqueue_dma source(%dma_start3A_248 : memref<64x128xf32, #tpu.memory_space<vmem>>) target(%dma_start3A_244 : memref<64x128xf32, #tpu.memory_space<vmem_shared>>) target_semaphore(%run_scoped3A_236 : memref<!tpu.dma_semaphore, #tpu.memory_space<semaphore_mem>>)
      %dma_wait3A_249 = arith.constant 0 : i32
      %dma_wait3A_250 = arith.constant 0 : i32
      %dma_wait3A_251 = tpu.memref_slice %arg8[%run_scoped3A_27, %dma_wait3A_249, %dma_wait3A_250] : memref<4x64x128xf32, #tpu.memory_space<vmem>> -> memref<1x64x128xf32, #tpu.memory_space<vmem>>
      %dma_wait3A_252 = tpu.memref_squeeze %dma_wait3A_251 : memref<1x64x128xf32, #tpu.memory_space<vmem>> -> memref<64x128xf32, #tpu.memory_space<vmem>>
      %dma_wait3A_253 = arith.constant 0 : i32
      %dma_wait3A_254 = tpu.memref_slice %arg9[%add3A_26, %dma_wait3A_253] : memref<10240x128xf32, #tpu.memory_space<vmem_shared>> -> memref<64x128xf32, #tpu.memory_space<vmem_shared>>
      %dma_wait3A_255 = arith.constant 0 : i32
      %dma_wait3A_256 = tpu.memref_slice %arg9[%add3A_26, %dma_wait3A_255] : memref<10240x128xf32, #tpu.memory_space<vmem_shared>> -> memref<64x128xf32, #tpu.memory_space<vmem_shared>>
      %dma_wait3A_257 = arith.constant 0 : i32
      %dma_wait3A_258 = arith.constant 0 : i32
      %dma_wait3A_259 = tpu.memref_slice %arg8[%run_scoped3A_27, %dma_wait3A_257, %dma_wait3A_258] : memref<4x64x128xf32, #tpu.memory_space<vmem>> -> memref<1x64x128xf32, #tpu.memory_space<vmem>>
      %dma_wait3A_260 = tpu.memref_squeeze %dma_wait3A_259 : memref<1x64x128xf32, #tpu.memory_space<vmem>> -> memref<64x128xf32, #tpu.memory_space<vmem>>
      tpu.wait_dma2 semaphore(%run_scoped3A_236 : memref<!tpu.dma_semaphore, #tpu.memory_space<semaphore_mem>>) src(%dma_wait3A_260 : memref<64x128xf32, #tpu.memory_space<vmem>>) dst(%dma_wait3A_256 : memref<64x128xf32, #tpu.memory_space<vmem_shared>>)
      tpu.yield
    }) : () -> ()
    %add3A_28 = arith.constant 448 : i32
    %add3A_29 = arith.addi %mul3A_7, %add3A_28 : i32
    %run_scoped3A_30 = arith.constant 0 : i32
    "tpu.region"() ({
      %run_scoped3A_236 = tpu.sem_alloc : memref<!tpu.dma_semaphore, #tpu.memory_space<semaphore_mem>>
      %dma_start3A_237 = arith.constant 0 : i32
      %dma_start3A_238 = arith.constant 0 : i32
      %dma_start3A_239 = tpu.memref_slice %arg8[%run_scoped3A_30, %dma_start3A_237, %dma_start3A_238] : memref<4x64x128xf32, #tpu.memory_space<vmem>> -> memref<1x64x128xf32, #tpu.memory_space<vmem>>
      %dma_start3A_240 = tpu.memref_squeeze %dma_start3A_239 : memref<1x64x128xf32, #tpu.memory_space<vmem>> -> memref<64x128xf32, #tpu.memory_space<vmem>>
      %dma_start3A_241 = arith.constant 0 : i32
      %dma_start3A_242 = tpu.memref_slice %arg9[%add3A_29, %dma_start3A_241] : memref<10240x128xf32, #tpu.memory_space<vmem_shared>> -> memref<64x128xf32, #tpu.memory_space<vmem_shared>>
      %dma_start3A_243 = arith.constant 0 : i32
      %dma_start3A_244 = tpu.memref_slice %arg9[%add3A_29, %dma_start3A_243] : memref<10240x128xf32, #tpu.memory_space<vmem_shared>> -> memref<64x128xf32, #tpu.memory_space<vmem_shared>>
      %dma_start3A_245 = arith.constant 0 : i32
      %dma_start3A_246 = arith.constant 0 : i32
      %dma_start3A_247 = tpu.memref_slice %arg8[%run_scoped3A_30, %dma_start3A_245, %dma_start3A_246] : memref<4x64x128xf32, #tpu.memory_space<vmem>> -> memref<1x64x128xf32, #tpu.memory_space<vmem>>
      %dma_start3A_248 = tpu.memref_squeeze %dma_start3A_247 : memref<1x64x128xf32, #tpu.memory_space<vmem>> -> memref<64x128xf32, #tpu.memory_space<vmem>>
      tpu.enqueue_dma source(%dma_start3A_248 : memref<64x128xf32, #tpu.memory_space<vmem>>) target(%dma_start3A_244 : memref<64x128xf32, #tpu.memory_space<vmem_shared>>) target_semaphore(%run_scoped3A_236 : memref<!tpu.dma_semaphore, #tpu.memory_space<semaphore_mem>>)
      %dma_wait3A_249 = arith.constant 0 : i32
      %dma_wait3A_250 = arith.constant 0 : i32
      %dma_wait3A_251 = tpu.memref_slice %arg8[%run_scoped3A_30, %dma_wait3A_249, %dma_wait3A_250] : memref<4x64x128xf32, #tpu.memory_space<vmem>> -> memref<1x64x128xf32, #tpu.memory_space<vmem>>
      %dma_wait3A_252 = tpu.memref_squeeze %dma_wait3A_251 : memref<1x64x128xf32, #tpu.memory_space<vmem>> -> memref<64x128xf32, #tpu.memory_space<vmem>>
      %dma_wait3A_253 = arith.constant 0 : i32
      %dma_wait3A_254 = tpu.memref_slice %arg9[%add3A_29, %dma_wait3A_253] : memref<10240x128xf32, #tpu.memory_space<vmem_shared>> -> memref<64x128xf32, #tpu.memory_space<vmem_shared>>
      %dma_wait3A_255 = arith.constant 0 : i32
      %dma_wait3A_256 = tpu.memref_slice %arg9[%add3A_29, %dma_wait3A_255] : memref<10240x128xf32, #tpu.memory_space<vmem_shared>> -> memref<64x128xf32, #tpu.memory_space<vmem_shared>>
      %dma_wait3A_257 = arith.constant 0 : i32
      %dma_wait3A_258 = arith.constant 0 : i32
      %dma_wait3A_259 = tpu.memref_slice %arg8[%run_scoped3A_30, %dma_wait3A_257, %dma_wait3A_258] : memref<4x64x128xf32, #tpu.memory_space<vmem>> -> memref<1x64x128xf32, #tpu.memory_space<vmem>>
      %dma_wait3A_260 = tpu.memref_squeeze %dma_wait3A_259 : memref<1x64x128xf32, #tpu.memory_space<vmem>> -> memref<64x128xf32, #tpu.memory_space<vmem>>
      tpu.wait_dma2 semaphore(%run_scoped3A_236 : memref<!tpu.dma_semaphore, #tpu.memory_space<semaphore_mem>>) src(%dma_wait3A_260 : memref<64x128xf32, #tpu.memory_space<vmem>>) dst(%dma_wait3A_256 : memref<64x128xf32, #tpu.memory_space<vmem_shared>>)
      tpu.yield
    }) : () -> ()
    %add3A_31 = arith.constant 512 : i32
    %add3A_32 = arith.addi %mul3A_7, %add3A_31 : i32
    %run_scoped3A_33 = arith.constant 0 : i32
    "tpu.region"() ({
      %run_scoped3A_236 = tpu.sem_alloc : memref<!tpu.dma_semaphore, #tpu.memory_space<semaphore_mem>>
      %dma_start3A_237 = arith.constant 0 : i32
      %dma_start3A_238 = arith.constant 0 : i32
      %dma_start3A_239 = tpu.memref_slice %arg8[%run_scoped3A_33, %dma_start3A_237, %dma_start3A_238] : memref<4x64x128xf32, #tpu.memory_space<vmem>> -> memref<1x64x128xf32, #tpu.memory_space<vmem>>
      %dma_start3A_240 = tpu.memref_squeeze %dma_start3A_239 : memref<1x64x128xf32, #tpu.memory_space<vmem>> -> memref<64x128xf32, #tpu.memory_space<vmem>>
      %dma_start3A_241 = arith.constant 0 : i32
      %dma_start3A_242 = tpu.memref_slice %arg9[%add3A_32, %dma_start3A_241] : memref<10240x128xf32, #tpu.memory_space<vmem_shared>> -> memref<64x128xf32, #tpu.memory_space<vmem_shared>>
      %dma_start3A_243 = arith.constant 0 : i32
      %dma_start3A_244 = tpu.memref_slice %arg9[%add3A_32, %dma_start3A_243] : memref<10240x128xf32, #tpu.memory_space<vmem_shared>> -> memref<64x128xf32, #tpu.memory_space<vmem_shared>>
      %dma_start3A_245 = arith.constant 0 : i32
      %dma_start3A_246 = arith.constant 0 : i32
      %dma_start3A_247 = tpu.memref_slice %arg8[%run_scoped3A_33, %dma_start3A_245, %dma_start3A_246] : memref<4x64x128xf32, #tpu.memory_space<vmem>> -> memref<1x64x128xf32, #tpu.memory_space<vmem>>
      %dma_start3A_248 = tpu.memref_squeeze %dma_start3A_247 : memref<1x64x128xf32, #tpu.memory_space<vmem>> -> memref<64x128xf32, #tpu.memory_space<vmem>>
      tpu.enqueue_dma source(%dma_start3A_248 : memref<64x128xf32, #tpu.memory_space<vmem>>) target(%dma_start3A_244 : memref<64x128xf32, #tpu.memory_space<vmem_shared>>) target_semaphore(%run_scoped3A_236 : memref<!tpu.dma_semaphore, #tpu.memory_space<semaphore_mem>>)
      %dma_wait3A_249 = arith.constant 0 : i32
      %dma_wait3A_250 = arith.constant 0 : i32
      %dma_wait3A_251 = tpu.memref_slice %arg8[%run_scoped3A_33, %dma_wait3A_249, %dma_wait3A_250] : memref<4x64x128xf32, #tpu.memory_space<vmem>> -> memref<1x64x128xf32, #tpu.memory_space<vmem>>
      %dma_wait3A_252 = tpu.memref_squeeze %dma_wait3A_251 : memref<1x64x128xf32, #tpu.memory_space<vmem>> -> memref<64x128xf32, #tpu.memory_space<vmem>>
      %dma_wait3A_253 = arith.constant 0 : i32
      %dma_wait3A_254 = tpu.memref_slice %arg9[%add3A_32, %dma_wait3A_253] : memref<10240x128xf32, #tpu.memory_space<vmem_shared>> -> memref<64x128xf32, #tpu.memory_space<vmem_shared>>
      %dma_wait3A_255 = arith.constant 0 : i32
      %dma_wait3A_256 = tpu.memref_slice %arg9[%add3A_32, %dma_wait3A_255] : memref<10240x128xf32, #tpu.memory_space<vmem_shared>> -> memref<64x128xf32, #tpu.memory_space<vmem_shared>>
      %dma_wait3A_257 = arith.constant 0 : i32
      %dma_wait3A_258 = arith.constant 0 : i32
      %dma_wait3A_259 = tpu.memref_slice %arg8[%run_scoped3A_33, %dma_wait3A_257, %dma_wait3A_258] : memref<4x64x128xf32, #tpu.memory_space<vmem>> -> memref<1x64x128xf32, #tpu.memory_space<vmem>>
      %dma_wait3A_260 = tpu.memref_squeeze %dma_wait3A_259 : memref<1x64x128xf32, #tpu.memory_space<vmem>> -> memref<64x128xf32, #tpu.memory_space<vmem>>
      tpu.wait_dma2 semaphore(%run_scoped3A_236 : memref<!tpu.dma_semaphore, #tpu.memory_space<semaphore_mem>>) src(%dma_wait3A_260 : memref<64x128xf32, #tpu.memory_space<vmem>>) dst(%dma_wait3A_256 : memref<64x128xf32, #tpu.memory_space<vmem_shared>>)
      tpu.yield
    }) : () -> ()
    %add3A_34 = arith.constant 576 : i32
    %add3A_35 = arith.addi %mul3A_7, %add3A_34 : i32
    %run_scoped3A_36 = arith.constant 0 : i32
    "tpu.region"() ({
      %run_scoped3A_236 = tpu.sem_alloc : memref<!tpu.dma_semaphore, #tpu.memory_space<semaphore_mem>>
      %dma_start3A_237 = arith.constant 0 : i32
      %dma_start3A_238 = arith.constant 0 : i32
      %dma_start3A_239 = tpu.memref_slice %arg8[%run_scoped3A_36, %dma_start3A_237, %dma_start3A_238] : memref<4x64x128xf32, #tpu.memory_space<vmem>> -> memref<1x64x128xf32, #tpu.memory_space<vmem>>
      %dma_start3A_240 = tpu.memref_squeeze %dma_start3A_239 : memref<1x64x128xf32, #tpu.memory_space<vmem>> -> memref<64x128xf32, #tpu.memory_space<vmem>>
      %dma_start3A_241 = arith.constant 0 : i32
      %dma_start3A_242 = tpu.memref_slice %arg9[%add3A_35, %dma_start3A_241] : memref<10240x128xf32, #tpu.memory_space<vmem_shared>> -> memref<64x128xf32, #tpu.memory_space<vmem_shared>>
      %dma_start3A_243 = arith.constant 0 : i32
      %dma_start3A_244 = tpu.memref_slice %arg9[%add3A_35, %dma_start3A_243] : memref<10240x128xf32, #tpu.memory_space<vmem_shared>> -> memref<64x128xf32, #tpu.memory_space<vmem_shared>>
      %dma_start3A_245 = arith.constant 0 : i32
      %dma_start3A_246 = arith.constant 0 : i32
      %dma_start3A_247 = tpu.memref_slice %arg8[%run_scoped3A_36, %dma_start3A_245, %dma_start3A_246] : memref<4x64x128xf32, #tpu.memory_space<vmem>> -> memref<1x64x128xf32, #tpu.memory_space<vmem>>
      %dma_start3A_248 = tpu.memref_squeeze %dma_start3A_247 : memref<1x64x128xf32, #tpu.memory_space<vmem>> -> memref<64x128xf32, #tpu.memory_space<vmem>>
      tpu.enqueue_dma source(%dma_start3A_248 : memref<64x128xf32, #tpu.memory_space<vmem>>) target(%dma_start3A_244 : memref<64x128xf32, #tpu.memory_space<vmem_shared>>) target_semaphore(%run_scoped3A_236 : memref<!tpu.dma_semaphore, #tpu.memory_space<semaphore_mem>>)
      %dma_wait3A_249 = arith.constant 0 : i32
      %dma_wait3A_250 = arith.constant 0 : i32
      %dma_wait3A_251 = tpu.memref_slice %arg8[%run_scoped3A_36, %dma_wait3A_249, %dma_wait3A_250] : memref<4x64x128xf32, #tpu.memory_space<vmem>> -> memref<1x64x128xf32, #tpu.memory_space<vmem>>
      %dma_wait3A_252 = tpu.memref_squeeze %dma_wait3A_251 : memref<1x64x128xf32, #tpu.memory_space<vmem>> -> memref<64x128xf32, #tpu.memory_space<vmem>>
      %dma_wait3A_253 = arith.constant 0 : i32
      %dma_wait3A_254 = tpu.memref_slice %arg9[%add3A_35, %dma_wait3A_253] : memref<10240x128xf32, #tpu.memory_space<vmem_shared>> -> memref<64x128xf32, #tpu.memory_space<vmem_shared>>
      %dma_wait3A_255 = arith.constant 0 : i32
      %dma_wait3A_256 = tpu.memref_slice %arg9[%add3A_35, %dma_wait3A_255] : memref<10240x128xf32, #tpu.memory_space<vmem_shared>> -> memref<64x128xf32, #tpu.memory_space<vmem_shared>>
      %dma_wait3A_257 = arith.constant 0 : i32
      %dma_wait3A_258 = arith.constant 0 : i32
      %dma_wait3A_259 = tpu.memref_slice %arg8[%run_scoped3A_36, %dma_wait3A_257, %dma_wait3A_258] : memref<4x64x128xf32, #tpu.memory_space<vmem>> -> memref<1x64x128xf32, #tpu.memory_space<vmem>>
      %dma_wait3A_260 = tpu.memref_squeeze %dma_wait3A_259 : memref<1x64x128xf32, #tpu.memory_space<vmem>> -> memref<64x128xf32, #tpu.memory_space<vmem>>
      tpu.wait_dma2 semaphore(%run_scoped3A_236 : memref<!tpu.dma_semaphore, #tpu.memory_space<semaphore_mem>>) src(%dma_wait3A_260 : memref<64x128xf32, #tpu.memory_space<vmem>>) dst(%dma_wait3A_256 : memref<64x128xf32, #tpu.memory_space<vmem_shared>>)
      tpu.yield
    }) : () -> ()
    %dma_start3A = arith.constant 0 : i32
    %dma_start3A_37 = arith.constant 0 : i32
    %dma_start3A_38 = arith.constant 0 : i32
    %dma_start3A_39 = arith.constant 0 : i32
    %dma_start3A_40 = tpu.memref_slice %arg6[%dma_start3A, %dma_start3A_38, %dma_start3A_39] : memref<4x4x64xi32, #tpu.memory_space<vmem>> -> memref<1x4x64xi32, #tpu.memory_space<vmem>>
    %dma_start3A_41 = tpu.memref_squeeze %dma_start3A_40 : memref<1x4x64xi32, #tpu.memory_space<vmem>> -> memref<4x64xi32, #tpu.memory_space<vmem>>
    %dma_start3A_42 = arith.constant 0 : i32
    %dma_start3A_43 = arith.constant 0 : i32
    %dma_start3A_44 = tpu.memref_slice %arg2[%add3A, %dma_start3A_42, %dma_start3A_43] : memref<32x160x64xi32, #tpu.memory_space<hbm>> -> memref<1x4x64xi32, #tpu.memory_space<hbm>>
    %dma_start3A_45 = tpu.memref_squeeze %dma_start3A_44 : memref<1x4x64xi32, #tpu.memory_space<hbm>> -> memref<4x64xi32, #tpu.memory_space<hbm>>
    %dma_start3A_46 = tpu.memref_slice %arg11[%dma_start3A_37] : memref<4x!tpu.dma_semaphore, #tpu.memory_space<semaphore_mem>> -> memref<1x!tpu.dma_semaphore, #tpu.memory_space<semaphore_mem>>
    %dma_start3A_47 = tpu.memref_squeeze %dma_start3A_46 : memref<1x!tpu.dma_semaphore, #tpu.memory_space<semaphore_mem>> -> memref<!tpu.dma_semaphore, #tpu.memory_space<semaphore_mem>>
    %dma_start3A_48 = arith.constant 0 : i32
    %dma_start3A_49 = arith.constant 0 : i32
    %dma_start3A_50 = tpu.memref_slice %arg6[%dma_start3A, %dma_start3A_48, %dma_start3A_49] : memref<4x4x64xi32, #tpu.memory_space<vmem>> -> memref<1x4x64xi32, #tpu.memory_space<vmem>>
    %dma_start3A_51 = tpu.memref_squeeze %dma_start3A_50 : memref<1x4x64xi32, #tpu.memory_space<vmem>> -> memref<4x64xi32, #tpu.memory_space<vmem>>
    %dma_start3A_52 = arith.constant 0 : i32
    %dma_start3A_53 = arith.constant 0 : i32
    %dma_start3A_54 = tpu.memref_slice %arg2[%add3A, %dma_start3A_52, %dma_start3A_53] : memref<32x160x64xi32, #tpu.memory_space<hbm>> -> memref<1x4x64xi32, #tpu.memory_space<hbm>>
    %dma_start3A_55 = tpu.memref_squeeze %dma_start3A_54 : memref<1x4x64xi32, #tpu.memory_space<hbm>> -> memref<4x64xi32, #tpu.memory_space<hbm>>
    tpu.enqueue_dma source(%dma_start3A_55 : memref<4x64xi32, #tpu.memory_space<hbm>>) target(%dma_start3A_51 : memref<4x64xi32, #tpu.memory_space<vmem>>) target_semaphore(%dma_start3A_47 : memref<!tpu.dma_semaphore, #tpu.memory_space<semaphore_mem>>)
    %dma_start3A_56 = arith.constant 0 : i32
    %dma_start3A_57 = arith.constant 0 : i32
    %dma_start3A_58 = arith.constant 0 : i32
    %dma_start3A_59 = arith.constant 0 : i32
    %dma_start3A_60 = tpu.memref_slice %arg7[%dma_start3A_56, %dma_start3A_58, %dma_start3A_59] : memref<4x4x64xi32, #tpu.memory_space<vmem>> -> memref<1x4x64xi32, #tpu.memory_space<vmem>>
    %dma_start3A_61 = tpu.memref_squeeze %dma_start3A_60 : memref<1x4x64xi32, #tpu.memory_space<vmem>> -> memref<4x64xi32, #tpu.memory_space<vmem>>
    %dma_start3A_62 = arith.constant 0 : i32
    %dma_start3A_63 = arith.constant 0 : i32
    %dma_start3A_64 = tpu.memref_slice %arg3[%add3A, %dma_start3A_62, %dma_start3A_63] : memref<32x160x64xi32, #tpu.memory_space<hbm>> -> memref<1x4x64xi32, #tpu.memory_space<hbm>>
    %dma_start3A_65 = tpu.memref_squeeze %dma_start3A_64 : memref<1x4x64xi32, #tpu.memory_space<hbm>> -> memref<4x64xi32, #tpu.memory_space<hbm>>
    %dma_start3A_66 = tpu.memref_slice %arg11[%dma_start3A_57] : memref<4x!tpu.dma_semaphore, #tpu.memory_space<semaphore_mem>> -> memref<1x!tpu.dma_semaphore, #tpu.memory_space<semaphore_mem>>
    %dma_start3A_67 = tpu.memref_squeeze %dma_start3A_66 : memref<1x!tpu.dma_semaphore, #tpu.memory_space<semaphore_mem>> -> memref<!tpu.dma_semaphore, #tpu.memory_space<semaphore_mem>>
    %dma_start3A_68 = arith.constant 0 : i32
    %dma_start3A_69 = arith.constant 0 : i32
    %dma_start3A_70 = tpu.memref_slice %arg7[%dma_start3A_56, %dma_start3A_68, %dma_start3A_69] : memref<4x4x64xi32, #tpu.memory_space<vmem>> -> memref<1x4x64xi32, #tpu.memory_space<vmem>>
    %dma_start3A_71 = tpu.memref_squeeze %dma_start3A_70 : memref<1x4x64xi32, #tpu.memory_space<vmem>> -> memref<4x64xi32, #tpu.memory_space<vmem>>
    %dma_start3A_72 = arith.constant 0 : i32
    %dma_start3A_73 = arith.constant 0 : i32
    %dma_start3A_74 = tpu.memref_slice %arg3[%add3A, %dma_start3A_72, %dma_start3A_73] : memref<32x160x64xi32, #tpu.memory_space<hbm>> -> memref<1x4x64xi32, #tpu.memory_space<hbm>>
    %dma_start3A_75 = tpu.memref_squeeze %dma_start3A_74 : memref<1x4x64xi32, #tpu.memory_space<hbm>> -> memref<4x64xi32, #tpu.memory_space<hbm>>
    tpu.enqueue_dma source(%dma_start3A_75 : memref<4x64xi32, #tpu.memory_space<hbm>>) target(%dma_start3A_71 : memref<4x64xi32, #tpu.memory_space<vmem>>) target_semaphore(%dma_start3A_67 : memref<!tpu.dma_semaphore, #tpu.memory_space<semaphore_mem>>)
    %dma_start3A_76 = arith.constant 1 : i32
    %dma_start3A_77 = arith.constant 1 : i32
    %dma_start3A_78 = arith.constant 0 : i32
    %dma_start3A_79 = arith.constant 0 : i32
    %dma_start3A_80 = tpu.memref_slice %arg6[%dma_start3A_76, %dma_start3A_78, %dma_start3A_79] : memref<4x4x64xi32, #tpu.memory_space<vmem>> -> memref<1x4x64xi32, #tpu.memory_space<vmem>>
    %dma_start3A_81 = tpu.memref_squeeze %dma_start3A_80 : memref<1x4x64xi32, #tpu.memory_space<vmem>> -> memref<4x64xi32, #tpu.memory_space<vmem>>
    %dma_start3A_82 = arith.constant 4 : i32
    %dma_start3A_83 = arith.constant 0 : i32
    %dma_start3A_84 = tpu.memref_slice %arg2[%add3A, %dma_start3A_82, %dma_start3A_83] : memref<32x160x64xi32, #tpu.memory_space<hbm>> -> memref<1x4x64xi32, #tpu.memory_space<hbm>>
    %dma_start3A_85 = tpu.memref_squeeze %dma_start3A_84 : memref<1x4x64xi32, #tpu.memory_space<hbm>> -> memref<4x64xi32, #tpu.memory_space<hbm>>
    %dma_start3A_86 = tpu.memref_slice %arg11[%dma_start3A_77] : memref<4x!tpu.dma_semaphore, #tpu.memory_space<semaphore_mem>> -> memref<1x!tpu.dma_semaphore, #tpu.memory_space<semaphore_mem>>
    %dma_start3A_87 = tpu.memref_squeeze %dma_start3A_86 : memref<1x!tpu.dma_semaphore, #tpu.memory_space<semaphore_mem>> -> memref<!tpu.dma_semaphore, #tpu.memory_space<semaphore_mem>>
    %dma_start3A_88 = arith.constant 0 : i32
    %dma_start3A_89 = arith.constant 0 : i32
    %dma_start3A_90 = tpu.memref_slice %arg6[%dma_start3A_76, %dma_start3A_88, %dma_start3A_89] : memref<4x4x64xi32, #tpu.memory_space<vmem>> -> memref<1x4x64xi32, #tpu.memory_space<vmem>>
    %dma_start3A_91 = tpu.memref_squeeze %dma_start3A_90 : memref<1x4x64xi32, #tpu.memory_space<vmem>> -> memref<4x64xi32, #tpu.memory_space<vmem>>
    %dma_start3A_92 = arith.constant 4 : i32
    %dma_start3A_93 = arith.constant 0 : i32
    %dma_start3A_94 = tpu.memref_slice %arg2[%add3A, %dma_start3A_92, %dma_start3A_93] : memref<32x160x64xi32, #tpu.memory_space<hbm>> -> memref<1x4x64xi32, #tpu.memory_space<hbm>>
    %dma_start3A_95 = tpu.memref_squeeze %dma_start3A_94 : memref<1x4x64xi32, #tpu.memory_space<hbm>> -> memref<4x64xi32, #tpu.memory_space<hbm>>
    tpu.enqueue_dma source(%dma_start3A_95 : memref<4x64xi32, #tpu.memory_space<hbm>>) target(%dma_start3A_91 : memref<4x64xi32, #tpu.memory_space<vmem>>) target_semaphore(%dma_start3A_87 : memref<!tpu.dma_semaphore, #tpu.memory_space<semaphore_mem>>)
    %dma_start3A_96 = arith.constant 1 : i32
    %dma_start3A_97 = arith.constant 1 : i32
    %dma_start3A_98 = arith.constant 0 : i32
    %dma_start3A_99 = arith.constant 0 : i32
    %dma_start3A_100 = tpu.memref_slice %arg7[%dma_start3A_96, %dma_start3A_98, %dma_start3A_99] : memref<4x4x64xi32, #tpu.memory_space<vmem>> -> memref<1x4x64xi32, #tpu.memory_space<vmem>>
    %dma_start3A_101 = tpu.memref_squeeze %dma_start3A_100 : memref<1x4x64xi32, #tpu.memory_space<vmem>> -> memref<4x64xi32, #tpu.memory_space<vmem>>
    %dma_start3A_102 = arith.constant 4 : i32
    %dma_start3A_103 = arith.constant 0 : i32
    %dma_start3A_104 = tpu.memref_slice %arg3[%add3A, %dma_start3A_102, %dma_start3A_103] : memref<32x160x64xi32, #tpu.memory_space<hbm>> -> memref<1x4x64xi32, #tpu.memory_space<hbm>>
    %dma_start3A_105 = tpu.memref_squeeze %dma_start3A_104 : memref<1x4x64xi32, #tpu.memory_space<hbm>> -> memref<4x64xi32, #tpu.memory_space<hbm>>
    %dma_start3A_106 = tpu.memref_slice %arg11[%dma_start3A_97] : memref<4x!tpu.dma_semaphore, #tpu.memory_space<semaphore_mem>> -> memref<1x!tpu.dma_semaphore, #tpu.memory_space<semaphore_mem>>
    %dma_start3A_107 = tpu.memref_squeeze %dma_start3A_106 : memref<1x!tpu.dma_semaphore, #tpu.memory_space<semaphore_mem>> -> memref<!tpu.dma_semaphore, #tpu.memory_space<semaphore_mem>>
    %dma_start3A_108 = arith.constant 0 : i32
    %dma_start3A_109 = arith.constant 0 : i32
    %dma_start3A_110 = tpu.memref_slice %arg7[%dma_start3A_96, %dma_start3A_108, %dma_start3A_109] : memref<4x4x64xi32, #tpu.memory_space<vmem>> -> memref<1x4x64xi32, #tpu.memory_space<vmem>>
    %dma_start3A_111 = tpu.memref_squeeze %dma_start3A_110 : memref<1x4x64xi32, #tpu.memory_space<vmem>> -> memref<4x64xi32, #tpu.memory_space<vmem>>
    %dma_start3A_112 = arith.constant 4 : i32
    %dma_start3A_113 = arith.constant 0 : i32
    %dma_start3A_114 = tpu.memref_slice %arg3[%add3A, %dma_start3A_112, %dma_start3A_113] : memref<32x160x64xi32, #tpu.memory_space<hbm>> -> memref<1x4x64xi32, #tpu.memory_space<hbm>>
    %dma_start3A_115 = tpu.memref_squeeze %dma_start3A_114 : memref<1x4x64xi32, #tpu.memory_space<hbm>> -> memref<4x64xi32, #tpu.memory_space<hbm>>
    tpu.enqueue_dma source(%dma_start3A_115 : memref<4x64xi32, #tpu.memory_space<hbm>>) target(%dma_start3A_111 : memref<4x64xi32, #tpu.memory_space<vmem>>) target_semaphore(%dma_start3A_107 : memref<!tpu.dma_semaphore, #tpu.memory_space<semaphore_mem>>)
    %barrier3A = arith.constant 0 : index
    tpu.barrier barrier_id(%barrier3A)
    %dma_wait3A = arith.constant 0 : i32
    %dma_wait3A_116 = arith.constant 0 : i32
    %dma_wait3A_117 = arith.constant 0 : i32
    %dma_wait3A_118 = arith.constant 0 : i32
    %dma_wait3A_119 = tpu.memref_slice %arg6[%dma_wait3A, %dma_wait3A_117, %dma_wait3A_118] : memref<4x4x64xi32, #tpu.memory_space<vmem>> -> memref<1x4x64xi32, #tpu.memory_space<vmem>>
    %dma_wait3A_120 = tpu.memref_squeeze %dma_wait3A_119 : memref<1x4x64xi32, #tpu.memory_space<vmem>> -> memref<4x64xi32, #tpu.memory_space<vmem>>
    %dma_wait3A_121 = arith.constant 0 : i32
    %dma_wait3A_122 = arith.constant 0 : i32
    %dma_wait3A_123 = tpu.memref_slice %arg2[%add3A, %dma_wait3A_121, %dma_wait3A_122] : memref<32x160x64xi32, #tpu.memory_space<hbm>> -> memref<1x4x64xi32, #tpu.memory_space<hbm>>
    %dma_wait3A_124 = tpu.memref_squeeze %dma_wait3A_123 : memref<1x4x64xi32, #tpu.memory_space<hbm>> -> memref<4x64xi32, #tpu.memory_space<hbm>>
    %dma_wait3A_125 = tpu.memref_slice %arg11[%dma_wait3A_116] : memref<4x!tpu.dma_semaphore, #tpu.memory_space<semaphore_mem>> -> memref<1x!tpu.dma_semaphore, #tpu.memory_space<semaphore_mem>>
    %dma_wait3A_126 = tpu.memref_squeeze %dma_wait3A_125 : memref<1x!tpu.dma_semaphore, #tpu.memory_space<semaphore_mem>> -> memref<!tpu.dma_semaphore, #tpu.memory_space<semaphore_mem>>
    %dma_wait3A_127 = arith.constant 0 : i32
    %dma_wait3A_128 = arith.constant 0 : i32
    %dma_wait3A_129 = tpu.memref_slice %arg6[%dma_wait3A, %dma_wait3A_127, %dma_wait3A_128] : memref<4x4x64xi32, #tpu.memory_space<vmem>> -> memref<1x4x64xi32, #tpu.memory_space<vmem>>
    %dma_wait3A_130 = tpu.memref_squeeze %dma_wait3A_129 : memref<1x4x64xi32, #tpu.memory_space<vmem>> -> memref<4x64xi32, #tpu.memory_space<vmem>>
    %dma_wait3A_131 = arith.constant 0 : i32
    %dma_wait3A_132 = arith.constant 0 : i32
    %dma_wait3A_133 = tpu.memref_slice %arg2[%add3A, %dma_wait3A_131, %dma_wait3A_132] : memref<32x160x64xi32, #tpu.memory_space<hbm>> -> memref<1x4x64xi32, #tpu.memory_space<hbm>>
    %dma_wait3A_134 = tpu.memref_squeeze %dma_wait3A_133 : memref<1x4x64xi32, #tpu.memory_space<hbm>> -> memref<4x64xi32, #tpu.memory_space<hbm>>
    tpu.wait_dma2 semaphore(%dma_wait3A_126 : memref<!tpu.dma_semaphore, #tpu.memory_space<semaphore_mem>>) src(%dma_wait3A_134 : memref<4x64xi32, #tpu.memory_space<hbm>>) dst(%dma_wait3A_130 : memref<4x64xi32, #tpu.memory_space<vmem>>)
    %dma_wait3A_135 = arith.constant 0 : i32
    %dma_wait3A_136 = arith.constant 0 : i32
    %dma_wait3A_137 = arith.constant 0 : i32
    %dma_wait3A_138 = arith.constant 0 : i32
    %dma_wait3A_139 = tpu.memref_slice %arg7[%dma_wait3A_135, %dma_wait3A_137, %dma_wait3A_138] : memref<4x4x64xi32, #tpu.memory_space<vmem>> -> memref<1x4x64xi32, #tpu.memory_space<vmem>>
    %dma_wait3A_140 = tpu.memref_squeeze %dma_wait3A_139 : memref<1x4x64xi32, #tpu.memory_space<vmem>> -> memref<4x64xi32, #tpu.memory_space<vmem>>
    %dma_wait3A_141 = arith.constant 0 : i32
    %dma_wait3A_142 = arith.constant 0 : i32
    %dma_wait3A_143 = tpu.memref_slice %arg3[%add3A, %dma_wait3A_141, %dma_wait3A_142] : memref<32x160x64xi32, #tpu.memory_space<hbm>> -> memref<1x4x64xi32, #tpu.memory_space<hbm>>
    %dma_wait3A_144 = tpu.memref_squeeze %dma_wait3A_143 : memref<1x4x64xi32, #tpu.memory_space<hbm>> -> memref<4x64xi32, #tpu.memory_space<hbm>>
    %dma_wait3A_145 = tpu.memref_slice %arg11[%dma_wait3A_136] : memref<4x!tpu.dma_semaphore, #tpu.memory_space<semaphore_mem>> -> memref<1x!tpu.dma_semaphore, #tpu.memory_space<semaphore_mem>>
    %dma_wait3A_146 = tpu.memref_squeeze %dma_wait3A_145 : memref<1x!tpu.dma_semaphore, #tpu.memory_space<semaphore_mem>> -> memref<!tpu.dma_semaphore, #tpu.memory_space<semaphore_mem>>
    %dma_wait3A_147 = arith.constant 0 : i32
    %dma_wait3A_148 = arith.constant 0 : i32
    %dma_wait3A_149 = tpu.memref_slice %arg7[%dma_wait3A_135, %dma_wait3A_147, %dma_wait3A_148] : memref<4x4x64xi32, #tpu.memory_space<vmem>> -> memref<1x4x64xi32, #tpu.memory_space<vmem>>
    %dma_wait3A_150 = tpu.memref_squeeze %dma_wait3A_149 : memref<1x4x64xi32, #tpu.memory_space<vmem>> -> memref<4x64xi32, #tpu.memory_space<vmem>>
    %dma_wait3A_151 = arith.constant 0 : i32
    %dma_wait3A_152 = arith.constant 0 : i32
    %dma_wait3A_153 = tpu.memref_slice %arg3[%add3A, %dma_wait3A_151, %dma_wait3A_152] : memref<32x160x64xi32, #tpu.memory_space<hbm>> -> memref<1x4x64xi32, #tpu.memory_space<hbm>>
    %dma_wait3A_154 = tpu.memref_squeeze %dma_wait3A_153 : memref<1x4x64xi32, #tpu.memory_space<hbm>> -> memref<4x64xi32, #tpu.memory_space<hbm>>
    tpu.wait_dma2 semaphore(%dma_wait3A_146 : memref<!tpu.dma_semaphore, #tpu.memory_space<semaphore_mem>>) src(%dma_wait3A_154 : memref<4x64xi32, #tpu.memory_space<hbm>>) dst(%dma_wait3A_150 : memref<4x64xi32, #tpu.memory_space<vmem>>)
    %dma_start3A_155 = arith.constant 0 : i32
    %dma_start3A_156 = arith.constant 0 : i32
    %dma_start3A_157 = arith.constant 0 : i32
    %dma_start3A_158 = arith.constant 0 : i32
    %dma_start3A_159 = arith.constant 0 : i32
    %dma_start3A_160 = arith.constant 0 : i32
    %dma_start3A_161 = tpu.memref_slice %arg8[%dma_start3A_157, %dma_start3A_159, %dma_start3A_160] : memref<4x64x128xf32, #tpu.memory_space<vmem>> -> memref<1x64x128xf32, #tpu.memory_space<vmem>>
    %dma_start3A_162 = tpu.memref_squeeze %dma_start3A_161 : memref<1x64x128xf32, #tpu.memory_space<vmem>> -> memref<64x128xf32, #tpu.memory_space<vmem>>
    %dma_start3A_163 = arith.constant 0 : i32
    %dma_start3A_164 = tpu.memref_slice %arg6[%dma_start3A_155, %dma_start3A_156, %dma_start3A_163] : memref<4x4x64xi32, #tpu.memory_space<vmem>> -> memref<1x1x64xi32, #tpu.memory_space<vmem>>
    %dma_start3A_165 = tpu.memref_squeeze %dma_start3A_164 : memref<1x1x64xi32, #tpu.memory_space<vmem>> -> memref<64xi32, #tpu.memory_space<vmem>>
    %dma_start3A_166 = arith.constant 0 : i32
    %dma_start3A_167 = arith.constant 0 : i32
    %dma_start3A_168 = tpu.memref_slice %arg4[%dma_start3A_166, %dma_start3A_167] : memref<10240x128xf32, #tpu.memory_space<hbm>> -> memref<10240x128xf32, #tpu.memory_space<hbm>>
    %dma_start3A_169 = tpu.memref_slice %arg10[%dma_start3A_158] : memref<4x!tpu.dma_semaphore, #tpu.memory_space<semaphore_mem>> -> memref<1x!tpu.dma_semaphore, #tpu.memory_space<semaphore_mem>>
    %dma_start3A_170 = tpu.memref_squeeze %dma_start3A_169 : memref<1x!tpu.dma_semaphore, #tpu.memory_space<semaphore_mem>> -> memref<!tpu.dma_semaphore, #tpu.memory_space<semaphore_mem>>
    tpu.enqueue_indirect_dma source(%dma_start3A_168 : memref<10240x128xf32, #tpu.memory_space<hbm>>) target(%dma_start3A_162 : memref<64x128xf32, #tpu.memory_space<vmem>>) offsets(%dma_start3A_165 : memref<64xi32, #tpu.memory_space<vmem>>) semaphore(%dma_start3A_170 : memref<!tpu.dma_semaphore, #tpu.memory_space<semaphore_mem>>)
    %dma_start3A_171 = arith.constant 0 : i32
    %dma_start3A_172 = arith.constant 1 : i32
    %dma_start3A_173 = arith.constant 1 : i32
    %dma_start3A_174 = arith.constant 1 : i32
    %dma_start3A_175 = arith.constant 0 : i32
    %dma_start3A_176 = arith.constant 0 : i32
    %dma_start3A_177 = tpu.memref_slice %arg8[%dma_start3A_173, %dma_start3A_175, %dma_start3A_176] : memref<4x64x128xf32, #tpu.memory_space<vmem>> -> memref<1x64x128xf32, #tpu.memory_space<vmem>>
    %dma_start3A_178 = tpu.memref_squeeze %dma_start3A_177 : memref<1x64x128xf32, #tpu.memory_space<vmem>> -> memref<64x128xf32, #tpu.memory_space<vmem>>
    %dma_start3A_179 = arith.constant 0 : i32
    %dma_start3A_180 = tpu.memref_slice %arg6[%dma_start3A_171, %dma_start3A_172, %dma_start3A_179] : memref<4x4x64xi32, #tpu.memory_space<vmem>> -> memref<1x1x64xi32, #tpu.memory_space<vmem>>
    %dma_start3A_181 = tpu.memref_squeeze %dma_start3A_180 : memref<1x1x64xi32, #tpu.memory_space<vmem>> -> memref<64xi32, #tpu.memory_space<vmem>>
    %dma_start3A_182 = arith.constant 0 : i32
    %dma_start3A_183 = arith.constant 0 : i32
    %dma_start3A_184 = tpu.memref_slice %arg4[%dma_start3A_182, %dma_start3A_183] : memref<10240x128xf32, #tpu.memory_space<hbm>> -> memref<10240x128xf32, #tpu.memory_space<hbm>>
    %dma_start3A_185 = tpu.memref_slice %arg10[%dma_start3A_174] : memref<4x!tpu.dma_semaphore, #tpu.memory_space<semaphore_mem>> -> memref<1x!tpu.dma_semaphore, #tpu.memory_space<semaphore_mem>>
    %dma_start3A_186 = tpu.memref_squeeze %dma_start3A_185 : memref<1x!tpu.dma_semaphore, #tpu.memory_space<semaphore_mem>> -> memref<!tpu.dma_semaphore, #tpu.memory_space<semaphore_mem>>
    tpu.enqueue_indirect_dma source(%dma_start3A_184 : memref<10240x128xf32, #tpu.memory_space<hbm>>) target(%dma_start3A_178 : memref<64x128xf32, #tpu.memory_space<vmem>>) offsets(%dma_start3A_181 : memref<64xi32, #tpu.memory_space<vmem>>) semaphore(%dma_start3A_186 : memref<!tpu.dma_semaphore, #tpu.memory_space<semaphore_mem>>)
    %dma_start3A_187 = arith.constant 0 : i32
    %dma_start3A_188 = arith.constant 2 : i32
    %dma_start3A_189 = arith.constant 2 : i32
    %dma_start3A_190 = arith.constant 2 : i32
    %dma_start3A_191 = arith.constant 0 : i32
    %dma_start3A_192 = arith.constant 0 : i32
    %dma_start3A_193 = tpu.memref_slice %arg8[%dma_start3A_189, %dma_start3A_191, %dma_start3A_192] : memref<4x64x128xf32, #tpu.memory_space<vmem>> -> memref<1x64x128xf32, #tpu.memory_space<vmem>>
    %dma_start3A_194 = tpu.memref_squeeze %dma_start3A_193 : memref<1x64x128xf32, #tpu.memory_space<vmem>> -> memref<64x128xf32, #tpu.memory_space<vmem>>
    %dma_start3A_195 = arith.constant 0 : i32
    %dma_start3A_196 = tpu.memref_slice %arg6[%dma_start3A_187, %dma_start3A_188, %dma_start3A_195] : memref<4x4x64xi32, #tpu.memory_space<vmem>> -> memref<1x1x64xi32, #tpu.memory_space<vmem>>
    %dma_start3A_197 = tpu.memref_squeeze %dma_start3A_196 : memref<1x1x64xi32, #tpu.memory_space<vmem>> -> memref<64xi32, #tpu.memory_space<vmem>>
    %dma_start3A_198 = arith.constant 0 : i32
    %dma_start3A_199 = arith.constant 0 : i32
    %dma_start3A_200 = tpu.memref_slice %arg4[%dma_start3A_198, %dma_start3A_199] : memref<10240x128xf32, #tpu.memory_space<hbm>> -> memref<10240x128xf32, #tpu.memory_space<hbm>>
    %dma_start3A_201 = tpu.memref_slice %arg10[%dma_start3A_190] : memref<4x!tpu.dma_semaphore, #tpu.memory_space<semaphore_mem>> -> memref<1x!tpu.dma_semaphore, #tpu.memory_space<semaphore_mem>>
    %dma_start3A_202 = tpu.memref_squeeze %dma_start3A_201 : memref<1x!tpu.dma_semaphore, #tpu.memory_space<semaphore_mem>> -> memref<!tpu.dma_semaphore, #tpu.memory_space<semaphore_mem>>
    tpu.enqueue_indirect_dma source(%dma_start3A_200 : memref<10240x128xf32, #tpu.memory_space<hbm>>) target(%dma_start3A_194 : memref<64x128xf32, #tpu.memory_space<vmem>>) offsets(%dma_start3A_197 : memref<64xi32, #tpu.memory_space<vmem>>) semaphore(%dma_start3A_202 : memref<!tpu.dma_semaphore, #tpu.memory_space<semaphore_mem>>)
    %dma_start3A_203 = arith.constant 0 : i32
    %dma_start3A_204 = arith.constant 3 : i32
    %dma_start3A_205 = arith.constant 3 : i32
    %dma_start3A_206 = arith.constant 3 : i32
    %dma_start3A_207 = arith.constant 0 : i32
    %dma_start3A_208 = arith.constant 0 : i32
    %dma_start3A_209 = tpu.memref_slice %arg8[%dma_start3A_205, %dma_start3A_207, %dma_start3A_208] : memref<4x64x128xf32, #tpu.memory_space<vmem>> -> memref<1x64x128xf32, #tpu.memory_space<vmem>>
    %dma_start3A_210 = tpu.memref_squeeze %dma_start3A_209 : memref<1x64x128xf32, #tpu.memory_space<vmem>> -> memref<64x128xf32, #tpu.memory_space<vmem>>
    %dma_start3A_211 = arith.constant 0 : i32
    %dma_start3A_212 = tpu.memref_slice %arg6[%dma_start3A_203, %dma_start3A_204, %dma_start3A_211] : memref<4x4x64xi32, #tpu.memory_space<vmem>> -> memref<1x1x64xi32, #tpu.memory_space<vmem>>
    %dma_start3A_213 = tpu.memref_squeeze %dma_start3A_212 : memref<1x1x64xi32, #tpu.memory_space<vmem>> -> memref<64xi32, #tpu.memory_space<vmem>>
    %dma_start3A_214 = arith.constant 0 : i32
    %dma_start3A_215 = arith.constant 0 : i32
    %dma_start3A_216 = tpu.memref_slice %arg4[%dma_start3A_214, %dma_start3A_215] : memref<10240x128xf32, #tpu.memory_space<hbm>> -> memref<10240x128xf32, #tpu.memory_space<hbm>>
    %dma_start3A_217 = tpu.memref_slice %arg10[%dma_start3A_206] : memref<4x!tpu.dma_semaphore, #tpu.memory_space<semaphore_mem>> -> memref<1x!tpu.dma_semaphore, #tpu.memory_space<semaphore_mem>>
    %dma_start3A_218 = tpu.memref_squeeze %dma_start3A_217 : memref<1x!tpu.dma_semaphore, #tpu.memory_space<semaphore_mem>> -> memref<!tpu.dma_semaphore, #tpu.memory_space<semaphore_mem>>
    tpu.enqueue_indirect_dma source(%dma_start3A_216 : memref<10240x128xf32, #tpu.memory_space<hbm>>) target(%dma_start3A_210 : memref<64x128xf32, #tpu.memory_space<vmem>>) offsets(%dma_start3A_213 : memref<64xi32, #tpu.memory_space<vmem>>) semaphore(%dma_start3A_218 : memref<!tpu.dma_semaphore, #tpu.memory_space<semaphore_mem>>)
    %scan3A_219 = arith.constant 0 : i32
    %scan3A_220 = arith.constant 0 : i32
    %scan3A_221 = arith.constant 40 : i32
    %scan3A_222 = arith.addi %scan3A_220, %scan3A_221 : i32
    %scan3A_223 = arith.constant 1 : i32
    scf.for %scan3A_236 = %scan3A_220 to %scan3A_222 step %scan3A_223  : i32 {
      %and3A = arith.constant 3 : i32
      %and3A_237 = arith.andi %scan3A_236, %and3A : i32
      %add3A_238 = arith.constant 1 : i32
      %add3A_239 = arith.addi %scan3A_236, %add3A_238 : i32
      %and3A_240 = arith.constant 3 : i32
      %and3A_241 = arith.andi %add3A_239, %and3A_240 : i32
      %add3A_242 = arith.constant 2 : i32
      %add3A_243 = arith.addi %scan3A_236, %add3A_242 : i32
      %lt3A = arith.constant 40 : i32
      %lt3A_244 = arith.cmpi slt, %add3A_243, %lt3A : i32
      %convert_element_type3A = arith.extui %lt3A_244 : i1 to i32
      %cond3A = arith.constant 0 : i32
      %cond3A_245 = arith.cmpi ne, %convert_element_type3A, %cond3A : i32
      scf.if %cond3A_245 {
        %add3A_349 = arith.constant 2 : i32
        %add3A_350 = arith.addi %scan3A_236, %add3A_349 : i32
        %add3A_351 = arith.constant 2 : i32
        %add3A_352 = arith.addi %scan3A_236, %add3A_351 : i32
        %and3A_353 = arith.constant 3 : i32
        %and3A_354 = arith.andi %add3A_352, %and3A_353 : i32
        %mul3A_355 = arith.constant 4 : i32
        %mul3A_356 = arith.muli %add3A_350, %mul3A_355 : i32
        %dma_start3A_357 = arith.constant 0 : i32
        %dma_start3A_358 = arith.constant 0 : i32
        %dma_start3A_359 = tpu.memref_slice %arg6[%and3A_354, %dma_start3A_357, %dma_start3A_358] : memref<4x4x64xi32, #tpu.memory_space<vmem>> -> memref<1x4x64xi32, #tpu.memory_space<vmem>>
        %dma_start3A_360 = tpu.memref_squeeze %dma_start3A_359 : memref<1x4x64xi32, #tpu.memory_space<vmem>> -> memref<4x64xi32, #tpu.memory_space<vmem>>
        %dma_start3A_361 = arith.constant 0 : i32
        %dma_start3A_362 = tpu.memref_slice %arg2[%add3A, %mul3A_356, %dma_start3A_361] : memref<32x160x64xi32, #tpu.memory_space<hbm>> -> memref<1x4x64xi32, #tpu.memory_space<hbm>>
        %dma_start3A_363 = tpu.memref_squeeze %dma_start3A_362 : memref<1x4x64xi32, #tpu.memory_space<hbm>> -> memref<4x64xi32, #tpu.memory_space<hbm>>
        %dma_start3A_364 = tpu.memref_slice %arg11[%and3A_354] : memref<4x!tpu.dma_semaphore, #tpu.memory_space<semaphore_mem>> -> memref<1x!tpu.dma_semaphore, #tpu.memory_space<semaphore_mem>>
        %dma_start3A_365 = tpu.memref_squeeze %dma_start3A_364 : memref<1x!tpu.dma_semaphore, #tpu.memory_space<semaphore_mem>> -> memref<!tpu.dma_semaphore, #tpu.memory_space<semaphore_mem>>
        %dma_start3A_366 = arith.constant 0 : i32
        %dma_start3A_367 = arith.constant 0 : i32
        %dma_start3A_368 = tpu.memref_slice %arg6[%and3A_354, %dma_start3A_366, %dma_start3A_367] : memref<4x4x64xi32, #tpu.memory_space<vmem>> -> memref<1x4x64xi32, #tpu.memory_space<vmem>>
        %dma_start3A_369 = tpu.memref_squeeze %dma_start3A_368 : memref<1x4x64xi32, #tpu.memory_space<vmem>> -> memref<4x64xi32, #tpu.memory_space<vmem>>
        %dma_start3A_370 = arith.constant 0 : i32
        %dma_start3A_371 = tpu.memref_slice %arg2[%add3A, %mul3A_356, %dma_start3A_370] : memref<32x160x64xi32, #tpu.memory_space<hbm>> -> memref<1x4x64xi32, #tpu.memory_space<hbm>>
        %dma_start3A_372 = tpu.memref_squeeze %dma_start3A_371 : memref<1x4x64xi32, #tpu.memory_space<hbm>> -> memref<4x64xi32, #tpu.memory_space<hbm>>
        tpu.enqueue_dma source(%dma_start3A_372 : memref<4x64xi32, #tpu.memory_space<hbm>>) target(%dma_start3A_369 : memref<4x64xi32, #tpu.memory_space<vmem>>) target_semaphore(%dma_start3A_365 : memref<!tpu.dma_semaphore, #tpu.memory_space<semaphore_mem>>)
        %dma_start3A_373 = arith.constant 0 : i32
        %dma_start3A_374 = arith.constant 0 : i32
        %dma_start3A_375 = tpu.memref_slice %arg7[%and3A_354, %dma_start3A_373, %dma_start3A_374] : memref<4x4x64xi32, #tpu.memory_space<vmem>> -> memref<1x4x64xi32, #tpu.memory_space<vmem>>
        %dma_start3A_376 = tpu.memref_squeeze %dma_start3A_375 : memref<1x4x64xi32, #tpu.memory_space<vmem>> -> memref<4x64xi32, #tpu.memory_space<vmem>>
        %dma_start3A_377 = arith.constant 0 : i32
        %dma_start3A_378 = tpu.memref_slice %arg3[%add3A, %mul3A_356, %dma_start3A_377] : memref<32x160x64xi32, #tpu.memory_space<hbm>> -> memref<1x4x64xi32, #tpu.memory_space<hbm>>
        %dma_start3A_379 = tpu.memref_squeeze %dma_start3A_378 : memref<1x4x64xi32, #tpu.memory_space<hbm>> -> memref<4x64xi32, #tpu.memory_space<hbm>>
        %dma_start3A_380 = tpu.memref_slice %arg11[%and3A_354] : memref<4x!tpu.dma_semaphore, #tpu.memory_space<semaphore_mem>> -> memref<1x!tpu.dma_semaphore, #tpu.memory_space<semaphore_mem>>
        %dma_start3A_381 = tpu.memref_squeeze %dma_start3A_380 : memref<1x!tpu.dma_semaphore, #tpu.memory_space<semaphore_mem>> -> memref<!tpu.dma_semaphore, #tpu.memory_space<semaphore_mem>>
        %dma_start3A_382 = arith.constant 0 : i32
        %dma_start3A_383 = arith.constant 0 : i32
        %dma_start3A_384 = tpu.memref_slice %arg7[%and3A_354, %dma_start3A_382, %dma_start3A_383] : memref<4x4x64xi32, #tpu.memory_space<vmem>> -> memref<1x4x64xi32, #tpu.memory_space<vmem>>
        %dma_start3A_385 = tpu.memref_squeeze %dma_start3A_384 : memref<1x4x64xi32, #tpu.memory_space<vmem>> -> memref<4x64xi32, #tpu.memory_space<vmem>>
        %dma_start3A_386 = arith.constant 0 : i32
        %dma_start3A_387 = tpu.memref_slice %arg3[%add3A, %mul3A_356, %dma_start3A_386] : memref<32x160x64xi32, #tpu.memory_space<hbm>> -> memref<1x4x64xi32, #tpu.memory_space<hbm>>
        %dma_start3A_388 = tpu.memref_squeeze %dma_start3A_387 : memref<1x4x64xi32, #tpu.memory_space<hbm>> -> memref<4x64xi32, #tpu.memory_space<hbm>>
        tpu.enqueue_dma source(%dma_start3A_388 : memref<4x64xi32, #tpu.memory_space<hbm>>) target(%dma_start3A_385 : memref<4x64xi32, #tpu.memory_space<vmem>>) target_semaphore(%dma_start3A_381 : memref<!tpu.dma_semaphore, #tpu.memory_space<semaphore_mem>>)
      } else {
      }
      %add3A_246 = arith.constant 1 : i32
      %add3A_247 = arith.addi %scan3A_236, %add3A_246 : i32
      %lt3A_248 = arith.constant 40 : i32
      %lt3A_249 = arith.cmpi slt, %add3A_247, %lt3A_248 : i32
      %convert_element_type3A_250 = arith.extui %lt3A_249 : i1 to i32
      %cond3A_251 = arith.constant 0 : i32
      %cond3A_252 = arith.cmpi ne, %convert_element_type3A_250, %cond3A_251 : i32
      scf.if %cond3A_252 {
        %dma_wait3A_349 = arith.constant 0 : i32
        %dma_wait3A_350 = arith.constant 0 : i32
        %dma_wait3A_351 = tpu.memref_slice %arg6[%and3A_241, %dma_wait3A_349, %dma_wait3A_350] : memref<4x4x64xi32, #tpu.memory_space<vmem>> -> memref<1x4x64xi32, #tpu.memory_space<vmem>>
        %dma_wait3A_352 = tpu.memref_squeeze %dma_wait3A_351 : memref<1x4x64xi32, #tpu.memory_space<vmem>> -> memref<4x64xi32, #tpu.memory_space<vmem>>
        %dma_wait3A_353 = arith.constant 0 : i32
        %dma_wait3A_354 = arith.constant 0 : i32
        %dma_wait3A_355 = tpu.memref_slice %arg2[%add3A, %dma_wait3A_353, %dma_wait3A_354] : memref<32x160x64xi32, #tpu.memory_space<hbm>> -> memref<1x4x64xi32, #tpu.memory_space<hbm>>
        %dma_wait3A_356 = tpu.memref_squeeze %dma_wait3A_355 : memref<1x4x64xi32, #tpu.memory_space<hbm>> -> memref<4x64xi32, #tpu.memory_space<hbm>>
        %dma_wait3A_357 = tpu.memref_slice %arg11[%and3A_241] : memref<4x!tpu.dma_semaphore, #tpu.memory_space<semaphore_mem>> -> memref<1x!tpu.dma_semaphore, #tpu.memory_space<semaphore_mem>>
        %dma_wait3A_358 = tpu.memref_squeeze %dma_wait3A_357 : memref<1x!tpu.dma_semaphore, #tpu.memory_space<semaphore_mem>> -> memref<!tpu.dma_semaphore, #tpu.memory_space<semaphore_mem>>
        %dma_wait3A_359 = arith.constant 0 : i32
        %dma_wait3A_360 = arith.constant 0 : i32
        %dma_wait3A_361 = tpu.memref_slice %arg6[%and3A_241, %dma_wait3A_359, %dma_wait3A_360] : memref<4x4x64xi32, #tpu.memory_space<vmem>> -> memref<1x4x64xi32, #tpu.memory_space<vmem>>
        %dma_wait3A_362 = tpu.memref_squeeze %dma_wait3A_361 : memref<1x4x64xi32, #tpu.memory_space<vmem>> -> memref<4x64xi32, #tpu.memory_space<vmem>>
        %dma_wait3A_363 = arith.constant 0 : i32
        %dma_wait3A_364 = arith.constant 0 : i32
        %dma_wait3A_365 = tpu.memref_slice %arg2[%add3A, %dma_wait3A_363, %dma_wait3A_364] : memref<32x160x64xi32, #tpu.memory_space<hbm>> -> memref<1x4x64xi32, #tpu.memory_space<hbm>>
        %dma_wait3A_366 = tpu.memref_squeeze %dma_wait3A_365 : memref<1x4x64xi32, #tpu.memory_space<hbm>> -> memref<4x64xi32, #tpu.memory_space<hbm>>
        tpu.wait_dma2 semaphore(%dma_wait3A_358 : memref<!tpu.dma_semaphore, #tpu.memory_space<semaphore_mem>>) src(%dma_wait3A_366 : memref<4x64xi32, #tpu.memory_space<hbm>>) dst(%dma_wait3A_362 : memref<4x64xi32, #tpu.memory_space<vmem>>)
        %dma_wait3A_367 = arith.constant 0 : i32
        %dma_wait3A_368 = arith.constant 0 : i32
        %dma_wait3A_369 = tpu.memref_slice %arg7[%and3A_241, %dma_wait3A_367, %dma_wait3A_368] : memref<4x4x64xi32, #tpu.memory_space<vmem>> -> memref<1x4x64xi32, #tpu.memory_space<vmem>>
        %dma_wait3A_370 = tpu.memref_squeeze %dma_wait3A_369 : memref<1x4x64xi32, #tpu.memory_space<vmem>> -> memref<4x64xi32, #tpu.memory_space<vmem>>
        %dma_wait3A_371 = arith.constant 0 : i32
        %dma_wait3A_372 = arith.constant 0 : i32
        %dma_wait3A_373 = tpu.memref_slice %arg3[%add3A, %dma_wait3A_371, %dma_wait3A_372] : memref<32x160x64xi32, #tpu.memory_space<hbm>> -> memref<1x4x64xi32, #tpu.memory_space<hbm>>
        %dma_wait3A_374 = tpu.memref_squeeze %dma_wait3A_373 : memref<1x4x64xi32, #tpu.memory_space<hbm>> -> memref<4x64xi32, #tpu.memory_space<hbm>>
        %dma_wait3A_375 = tpu.memref_slice %arg11[%and3A_241] : memref<4x!tpu.dma_semaphore, #tpu.memory_space<semaphore_mem>> -> memref<1x!tpu.dma_semaphore, #tpu.memory_space<semaphore_mem>>
        %dma_wait3A_376 = tpu.memref_squeeze %dma_wait3A_375 : memref<1x!tpu.dma_semaphore, #tpu.memory_space<semaphore_mem>> -> memref<!tpu.dma_semaphore, #tpu.memory_space<semaphore_mem>>
        %dma_wait3A_377 = arith.constant 0 : i32
        %dma_wait3A_378 = arith.constant 0 : i32
        %dma_wait3A_379 = tpu.memref_slice %arg7[%and3A_241, %dma_wait3A_377, %dma_wait3A_378] : memref<4x4x64xi32, #tpu.memory_space<vmem>> -> memref<1x4x64xi32, #tpu.memory_space<vmem>>
        %dma_wait3A_380 = tpu.memref_squeeze %dma_wait3A_379 : memref<1x4x64xi32, #tpu.memory_space<vmem>> -> memref<4x64xi32, #tpu.memory_space<vmem>>
        %dma_wait3A_381 = arith.constant 0 : i32
        %dma_wait3A_382 = arith.constant 0 : i32
        %dma_wait3A_383 = tpu.memref_slice %arg3[%add3A, %dma_wait3A_381, %dma_wait3A_382] : memref<32x160x64xi32, #tpu.memory_space<hbm>> -> memref<1x4x64xi32, #tpu.memory_space<hbm>>
        %dma_wait3A_384 = tpu.memref_squeeze %dma_wait3A_383 : memref<1x4x64xi32, #tpu.memory_space<hbm>> -> memref<4x64xi32, #tpu.memory_space<hbm>>
        tpu.wait_dma2 semaphore(%dma_wait3A_376 : memref<!tpu.dma_semaphore, #tpu.memory_space<semaphore_mem>>) src(%dma_wait3A_384 : memref<4x64xi32, #tpu.memory_space<hbm>>) dst(%dma_wait3A_380 : memref<4x64xi32, #tpu.memory_space<vmem>>)
      } else {
      }
      %dma_wait3A_253 = arith.constant 0 : i32
      %dma_wait3A_254 = arith.constant 0 : i32
      %dma_wait3A_255 = arith.constant 0 : i32
      %dma_wait3A_256 = arith.constant 0 : i32
      %dma_wait3A_257 = arith.constant 0 : i32
      %dma_wait3A_258 = tpu.memref_slice %arg8[%dma_wait3A_254, %dma_wait3A_256, %dma_wait3A_257] : memref<4x64x128xf32, #tpu.memory_space<vmem>> -> memref<1x64x128xf32, #tpu.memory_space<vmem>>
      %dma_wait3A_259 = tpu.memref_squeeze %dma_wait3A_258 : memref<1x64x128xf32, #tpu.memory_space<vmem>> -> memref<64x128xf32, #tpu.memory_space<vmem>>
      %dma_wait3A_260 = arith.constant 0 : i32
      %dma_wait3A_261 = tpu.memref_slice %arg6[%and3A_237, %dma_wait3A_253, %dma_wait3A_260] : memref<4x4x64xi32, #tpu.memory_space<vmem>> -> memref<1x1x64xi32, #tpu.memory_space<vmem>>
      %dma_wait3A_262 = tpu.memref_squeeze %dma_wait3A_261 : memref<1x1x64xi32, #tpu.memory_space<vmem>> -> memref<64xi32, #tpu.memory_space<vmem>>
      %dma_wait3A_263 = arith.constant 0 : i32
      %dma_wait3A_264 = arith.constant 0 : i32
      %dma_wait3A_265 = tpu.memref_slice %arg4[%dma_wait3A_263, %dma_wait3A_264] : memref<10240x128xf32, #tpu.memory_space<hbm>> -> memref<10240x128xf32, #tpu.memory_space<hbm>>
      %dma_wait3A_266 = tpu.memref_slice %arg10[%dma_wait3A_255] : memref<4x!tpu.dma_semaphore, #tpu.memory_space<semaphore_mem>> -> memref<1x!tpu.dma_semaphore, #tpu.memory_space<semaphore_mem>>
      %dma_wait3A_267 = tpu.memref_squeeze %dma_wait3A_266 : memref<1x!tpu.dma_semaphore, #tpu.memory_space<semaphore_mem>> -> memref<!tpu.dma_semaphore, #tpu.memory_space<semaphore_mem>>
      tpu.wait_indirect_dma semaphore(%dma_wait3A_267 : memref<!tpu.dma_semaphore, #tpu.memory_space<semaphore_mem>>) src(%dma_wait3A_265 : memref<10240x128xf32, #tpu.memory_space<hbm>>) dst(%dma_wait3A_259 : memref<64x128xf32, #tpu.memory_space<vmem>>)
      %run_scoped3A_268 = arith.constant 0 : i32
      %run_scoped3A_269 = arith.constant 0 : i32
      "tpu.region"() ({
        %run_scoped3A_349 = tpu.sem_alloc : memref<!tpu.dma_semaphore, #tpu.memory_space<semaphore_mem>>
        %dma_start3A_350 = arith.constant 0 : i32
        %dma_start3A_351 = arith.constant 0 : i32
        %dma_start3A_352 = tpu.memref_slice %arg8[%run_scoped3A_268, %dma_start3A_350, %dma_start3A_351] : memref<4x64x128xf32, #tpu.memory_space<vmem>> -> memref<1x64x128xf32, #tpu.memory_space<vmem>>
        %dma_start3A_353 = tpu.memref_squeeze %dma_start3A_352 : memref<1x64x128xf32, #tpu.memory_space<vmem>> -> memref<64x128xf32, #tpu.memory_space<vmem>>
        %dma_start3A_354 = arith.constant 0 : i32
        %dma_start3A_355 = tpu.memref_slice %arg7[%and3A_237, %run_scoped3A_269, %dma_start3A_354] : memref<4x4x64xi32, #tpu.memory_space<vmem>> -> memref<1x1x64xi32, #tpu.memory_space<vmem>>
        %dma_start3A_356 = tpu.memref_squeeze %dma_start3A_355 : memref<1x1x64xi32, #tpu.memory_space<vmem>> -> memref<64xi32, #tpu.memory_space<vmem>>
        %dma_start3A_357 = arith.constant 0 : i32
        %dma_start3A_358 = arith.constant 0 : i32
        %dma_start3A_359 = tpu.memref_slice %arg9[%dma_start3A_357, %dma_start3A_358] : memref<10240x128xf32, #tpu.memory_space<vmem_shared>> -> memref<10240x128xf32, #tpu.memory_space<vmem_shared>>
        tpu.enqueue_indirect_dma source(%dma_start3A_353 : memref<64x128xf32, #tpu.memory_space<vmem>>) target(%dma_start3A_359 : memref<10240x128xf32, #tpu.memory_space<vmem_shared>>) offsets(%dma_start3A_356 : memref<64xi32, #tpu.memory_space<vmem>>) semaphore(%run_scoped3A_349 : memref<!tpu.dma_semaphore, #tpu.memory_space<semaphore_mem>>) {add = true}
        %dma_wait3A_360 = arith.constant 0 : i32
        %dma_wait3A_361 = arith.constant 0 : i32
        %dma_wait3A_362 = tpu.memref_slice %arg8[%run_scoped3A_268, %dma_wait3A_360, %dma_wait3A_361] : memref<4x64x128xf32, #tpu.memory_space<vmem>> -> memref<1x64x128xf32, #tpu.memory_space<vmem>>
        %dma_wait3A_363 = tpu.memref_squeeze %dma_wait3A_362 : memref<1x64x128xf32, #tpu.memory_space<vmem>> -> memref<64x128xf32, #tpu.memory_space<vmem>>
        %dma_wait3A_364 = arith.constant 0 : i32
        %dma_wait3A_365 = tpu.memref_slice %arg7[%and3A_237, %run_scoped3A_269, %dma_wait3A_364] : memref<4x4x64xi32, #tpu.memory_space<vmem>> -> memref<1x1x64xi32, #tpu.memory_space<vmem>>
        %dma_wait3A_366 = tpu.memref_squeeze %dma_wait3A_365 : memref<1x1x64xi32, #tpu.memory_space<vmem>> -> memref<64xi32, #tpu.memory_space<vmem>>
        %dma_wait3A_367 = arith.constant 0 : i32
        %dma_wait3A_368 = arith.constant 0 : i32
        %dma_wait3A_369 = tpu.memref_slice %arg9[%dma_wait3A_367, %dma_wait3A_368] : memref<10240x128xf32, #tpu.memory_space<vmem_shared>> -> memref<10240x128xf32, #tpu.memory_space<vmem_shared>>
        tpu.wait_indirect_dma semaphore(%run_scoped3A_349 : memref<!tpu.dma_semaphore, #tpu.memory_space<semaphore_mem>>) src(%dma_wait3A_363 : memref<64x128xf32, #tpu.memory_space<vmem>>) dst(%dma_wait3A_369 : memref<10240x128xf32, #tpu.memory_space<vmem_shared>>)
        tpu.yield
      }) : () -> ()
      %add3A_270 = arith.constant 1 : i32
      %add3A_271 = arith.addi %scan3A_236, %add3A_270 : i32
      %lt3A_272 = arith.constant 40 : i32
      %lt3A_273 = arith.cmpi slt, %add3A_271, %lt3A_272 : i32
      %convert_element_type3A_274 = arith.extui %lt3A_273 : i1 to i32
      %cond3A_275 = arith.constant 0 : i32
      %cond3A_276 = arith.cmpi ne, %convert_element_type3A_274, %cond3A_275 : i32
      scf.if %cond3A_276 {
        %dma_start3A_349 = arith.constant 0 : i32
        %dma_start3A_350 = arith.constant 0 : i32
        %dma_start3A_351 = arith.constant 0 : i32
        %dma_start3A_352 = arith.constant 0 : i32
        %dma_start3A_353 = arith.constant 0 : i32
        %dma_start3A_354 = tpu.memref_slice %arg8[%dma_start3A_350, %dma_start3A_352, %dma_start3A_353] : memref<4x64x128xf32, #tpu.memory_space<vmem>> -> memref<1x64x128xf32, #tpu.memory_space<vmem>>
        %dma_start3A_355 = tpu.memref_squeeze %dma_start3A_354 : memref<1x64x128xf32, #tpu.memory_space<vmem>> -> memref<64x128xf32, #tpu.memory_space<vmem>>
        %dma_start3A_356 = arith.constant 0 : i32
        %dma_start3A_357 = tpu.memref_slice %arg6[%and3A_241, %dma_start3A_349, %dma_start3A_356] : memref<4x4x64xi32, #tpu.memory_space<vmem>> -> memref<1x1x64xi32, #tpu.memory_space<vmem>>
        %dma_start3A_358 = tpu.memref_squeeze %dma_start3A_357 : memref<1x1x64xi32, #tpu.memory_space<vmem>> -> memref<64xi32, #tpu.memory_space<vmem>>
        %dma_start3A_359 = arith.constant 0 : i32
        %dma_start3A_360 = arith.constant 0 : i32
        %dma_start3A_361 = tpu.memref_slice %arg4[%dma_start3A_359, %dma_start3A_360] : memref<10240x128xf32, #tpu.memory_space<hbm>> -> memref<10240x128xf32, #tpu.memory_space<hbm>>
        %dma_start3A_362 = tpu.memref_slice %arg10[%dma_start3A_351] : memref<4x!tpu.dma_semaphore, #tpu.memory_space<semaphore_mem>> -> memref<1x!tpu.dma_semaphore, #tpu.memory_space<semaphore_mem>>
        %dma_start3A_363 = tpu.memref_squeeze %dma_start3A_362 : memref<1x!tpu.dma_semaphore, #tpu.memory_space<semaphore_mem>> -> memref<!tpu.dma_semaphore, #tpu.memory_space<semaphore_mem>>
        tpu.enqueue_indirect_dma source(%dma_start3A_361 : memref<10240x128xf32, #tpu.memory_space<hbm>>) target(%dma_start3A_355 : memref<64x128xf32, #tpu.memory_space<vmem>>) offsets(%dma_start3A_358 : memref<64xi32, #tpu.memory_space<vmem>>) semaphore(%dma_start3A_363 : memref<!tpu.dma_semaphore, #tpu.memory_space<semaphore_mem>>)
      } else {
      }
      %dma_wait3A_277 = arith.constant 1 : i32
      %dma_wait3A_278 = arith.constant 1 : i32
      %dma_wait3A_279 = arith.constant 1 : i32
      %dma_wait3A_280 = arith.constant 0 : i32
      %dma_wait3A_281 = arith.constant 0 : i32
      %dma_wait3A_282 = tpu.memref_slice %arg8[%dma_wait3A_278, %dma_wait3A_280, %dma_wait3A_281] : memref<4x64x128xf32, #tpu.memory_space<vmem>> -> memref<1x64x128xf32, #tpu.memory_space<vmem>>
      %dma_wait3A_283 = tpu.memref_squeeze %dma_wait3A_282 : memref<1x64x128xf32, #tpu.memory_space<vmem>> -> memref<64x128xf32, #tpu.memory_space<vmem>>
      %dma_wait3A_284 = arith.constant 0 : i32
      %dma_wait3A_285 = tpu.memref_slice %arg6[%and3A_237, %dma_wait3A_277, %dma_wait3A_284] : memref<4x4x64xi32, #tpu.memory_space<vmem>> -> memref<1x1x64xi32, #tpu.memory_space<vmem>>
      %dma_wait3A_286 = tpu.memref_squeeze %dma_wait3A_285 : memref<1x1x64xi32, #tpu.memory_space<vmem>> -> memref<64xi32, #tpu.memory_space<vmem>>
      %dma_wait3A_287 = arith.constant 0 : i32
      %dma_wait3A_288 = arith.constant 0 : i32
      %dma_wait3A_289 = tpu.memref_slice %arg4[%dma_wait3A_287, %dma_wait3A_288] : memref<10240x128xf32, #tpu.memory_space<hbm>> -> memref<10240x128xf32, #tpu.memory_space<hbm>>
      %dma_wait3A_290 = tpu.memref_slice %arg10[%dma_wait3A_279] : memref<4x!tpu.dma_semaphore, #tpu.memory_space<semaphore_mem>> -> memref<1x!tpu.dma_semaphore, #tpu.memory_space<semaphore_mem>>
      %dma_wait3A_291 = tpu.memref_squeeze %dma_wait3A_290 : memref<1x!tpu.dma_semaphore, #tpu.memory_space<semaphore_mem>> -> memref<!tpu.dma_semaphore, #tpu.memory_space<semaphore_mem>>
      tpu.wait_indirect_dma semaphore(%dma_wait3A_291 : memref<!tpu.dma_semaphore, #tpu.memory_space<semaphore_mem>>) src(%dma_wait3A_289 : memref<10240x128xf32, #tpu.memory_space<hbm>>) dst(%dma_wait3A_283 : memref<64x128xf32, #tpu.memory_space<vmem>>)
      %run_scoped3A_292 = arith.constant 1 : i32
      %run_scoped3A_293 = arith.constant 1 : i32
      "tpu.region"() ({
        %run_scoped3A_349 = tpu.sem_alloc : memref<!tpu.dma_semaphore, #tpu.memory_space<semaphore_mem>>
        %dma_start3A_350 = arith.constant 0 : i32
        %dma_start3A_351 = arith.constant 0 : i32
        %dma_start3A_352 = tpu.memref_slice %arg8[%run_scoped3A_292, %dma_start3A_350, %dma_start3A_351] : memref<4x64x128xf32, #tpu.memory_space<vmem>> -> memref<1x64x128xf32, #tpu.memory_space<vmem>>
        %dma_start3A_353 = tpu.memref_squeeze %dma_start3A_352 : memref<1x64x128xf32, #tpu.memory_space<vmem>> -> memref<64x128xf32, #tpu.memory_space<vmem>>
        %dma_start3A_354 = arith.constant 0 : i32
        %dma_start3A_355 = tpu.memref_slice %arg7[%and3A_237, %run_scoped3A_293, %dma_start3A_354] : memref<4x4x64xi32, #tpu.memory_space<vmem>> -> memref<1x1x64xi32, #tpu.memory_space<vmem>>
        %dma_start3A_356 = tpu.memref_squeeze %dma_start3A_355 : memref<1x1x64xi32, #tpu.memory_space<vmem>> -> memref<64xi32, #tpu.memory_space<vmem>>
        %dma_start3A_357 = arith.constant 0 : i32
        %dma_start3A_358 = arith.constant 0 : i32
        %dma_start3A_359 = tpu.memref_slice %arg9[%dma_start3A_357, %dma_start3A_358] : memref<10240x128xf32, #tpu.memory_space<vmem_shared>> -> memref<10240x128xf32, #tpu.memory_space<vmem_shared>>
        tpu.enqueue_indirect_dma source(%dma_start3A_353 : memref<64x128xf32, #tpu.memory_space<vmem>>) target(%dma_start3A_359 : memref<10240x128xf32, #tpu.memory_space<vmem_shared>>) offsets(%dma_start3A_356 : memref<64xi32, #tpu.memory_space<vmem>>) semaphore(%run_scoped3A_349 : memref<!tpu.dma_semaphore, #tpu.memory_space<semaphore_mem>>) {add = true}
        %dma_wait3A_360 = arith.constant 0 : i32
        %dma_wait3A_361 = arith.constant 0 : i32
        %dma_wait3A_362 = tpu.memref_slice %arg8[%run_scoped3A_292, %dma_wait3A_360, %dma_wait3A_361] : memref<4x64x128xf32, #tpu.memory_space<vmem>> -> memref<1x64x128xf32, #tpu.memory_space<vmem>>
        %dma_wait3A_363 = tpu.memref_squeeze %dma_wait3A_362 : memref<1x64x128xf32, #tpu.memory_space<vmem>> -> memref<64x128xf32, #tpu.memory_space<vmem>>
        %dma_wait3A_364 = arith.constant 0 : i32
        %dma_wait3A_365 = tpu.memref_slice %arg7[%and3A_237, %run_scoped3A_293, %dma_wait3A_364] : memref<4x4x64xi32, #tpu.memory_space<vmem>> -> memref<1x1x64xi32, #tpu.memory_space<vmem>>
        %dma_wait3A_366 = tpu.memref_squeeze %dma_wait3A_365 : memref<1x1x64xi32, #tpu.memory_space<vmem>> -> memref<64xi32, #tpu.memory_space<vmem>>
        %dma_wait3A_367 = arith.constant 0 : i32
        %dma_wait3A_368 = arith.constant 0 : i32
        %dma_wait3A_369 = tpu.memref_slice %arg9[%dma_wait3A_367, %dma_wait3A_368] : memref<10240x128xf32, #tpu.memory_space<vmem_shared>> -> memref<10240x128xf32, #tpu.memory_space<vmem_shared>>
        tpu.wait_indirect_dma semaphore(%run_scoped3A_349 : memref<!tpu.dma_semaphore, #tpu.memory_space<semaphore_mem>>) src(%dma_wait3A_363 : memref<64x128xf32, #tpu.memory_space<vmem>>) dst(%dma_wait3A_369 : memref<10240x128xf32, #tpu.memory_space<vmem_shared>>)
        tpu.yield
      }) : () -> ()
      %add3A_294 = arith.constant 1 : i32
      %add3A_295 = arith.addi %scan3A_236, %add3A_294 : i32
      %lt3A_296 = arith.constant 40 : i32
      %lt3A_297 = arith.cmpi slt, %add3A_295, %lt3A_296 : i32
      %convert_element_type3A_298 = arith.extui %lt3A_297 : i1 to i32
      %cond3A_299 = arith.constant 0 : i32
      %cond3A_300 = arith.cmpi ne, %convert_element_type3A_298, %cond3A_299 : i32
      scf.if %cond3A_300 {
        %dma_start3A_349 = arith.constant 1 : i32
        %dma_start3A_350 = arith.constant 1 : i32
        %dma_start3A_351 = arith.constant 1 : i32
        %dma_start3A_352 = arith.constant 0 : i32
        %dma_start3A_353 = arith.constant 0 : i32
        %dma_start3A_354 = tpu.memref_slice %arg8[%dma_start3A_350, %dma_start3A_352, %dma_start3A_353] : memref<4x64x128xf32, #tpu.memory_space<vmem>> -> memref<1x64x128xf32, #tpu.memory_space<vmem>>
        %dma_start3A_355 = tpu.memref_squeeze %dma_start3A_354 : memref<1x64x128xf32, #tpu.memory_space<vmem>> -> memref<64x128xf32, #tpu.memory_space<vmem>>
        %dma_start3A_356 = arith.constant 0 : i32
        %dma_start3A_357 = tpu.memref_slice %arg6[%and3A_241, %dma_start3A_349, %dma_start3A_356] : memref<4x4x64xi32, #tpu.memory_space<vmem>> -> memref<1x1x64xi32, #tpu.memory_space<vmem>>
        %dma_start3A_358 = tpu.memref_squeeze %dma_start3A_357 : memref<1x1x64xi32, #tpu.memory_space<vmem>> -> memref<64xi32, #tpu.memory_space<vmem>>
        %dma_start3A_359 = arith.constant 0 : i32
        %dma_start3A_360 = arith.constant 0 : i32
        %dma_start3A_361 = tpu.memref_slice %arg4[%dma_start3A_359, %dma_start3A_360] : memref<10240x128xf32, #tpu.memory_space<hbm>> -> memref<10240x128xf32, #tpu.memory_space<hbm>>
        %dma_start3A_362 = tpu.memref_slice %arg10[%dma_start3A_351] : memref<4x!tpu.dma_semaphore, #tpu.memory_space<semaphore_mem>> -> memref<1x!tpu.dma_semaphore, #tpu.memory_space<semaphore_mem>>
        %dma_start3A_363 = tpu.memref_squeeze %dma_start3A_362 : memref<1x!tpu.dma_semaphore, #tpu.memory_space<semaphore_mem>> -> memref<!tpu.dma_semaphore, #tpu.memory_space<semaphore_mem>>
        tpu.enqueue_indirect_dma source(%dma_start3A_361 : memref<10240x128xf32, #tpu.memory_space<hbm>>) target(%dma_start3A_355 : memref<64x128xf32, #tpu.memory_space<vmem>>) offsets(%dma_start3A_358 : memref<64xi32, #tpu.memory_space<vmem>>) semaphore(%dma_start3A_363 : memref<!tpu.dma_semaphore, #tpu.memory_space<semaphore_mem>>)
      } else {
      }
      %dma_wait3A_301 = arith.constant 2 : i32
      %dma_wait3A_302 = arith.constant 2 : i32
      %dma_wait3A_303 = arith.constant 2 : i32
      %dma_wait3A_304 = arith.constant 0 : i32
      %dma_wait3A_305 = arith.constant 0 : i32
      %dma_wait3A_306 = tpu.memref_slice %arg8[%dma_wait3A_302, %dma_wait3A_304, %dma_wait3A_305] : memref<4x64x128xf32, #tpu.memory_space<vmem>> -> memref<1x64x128xf32, #tpu.memory_space<vmem>>
      %dma_wait3A_307 = tpu.memref_squeeze %dma_wait3A_306 : memref<1x64x128xf32, #tpu.memory_space<vmem>> -> memref<64x128xf32, #tpu.memory_space<vmem>>
      %dma_wait3A_308 = arith.constant 0 : i32
      %dma_wait3A_309 = tpu.memref_slice %arg6[%and3A_237, %dma_wait3A_301, %dma_wait3A_308] : memref<4x4x64xi32, #tpu.memory_space<vmem>> -> memref<1x1x64xi32, #tpu.memory_space<vmem>>
      %dma_wait3A_310 = tpu.memref_squeeze %dma_wait3A_309 : memref<1x1x64xi32, #tpu.memory_space<vmem>> -> memref<64xi32, #tpu.memory_space<vmem>>
      %dma_wait3A_311 = arith.constant 0 : i32
      %dma_wait3A_312 = arith.constant 0 : i32
      %dma_wait3A_313 = tpu.memref_slice %arg4[%dma_wait3A_311, %dma_wait3A_312] : memref<10240x128xf32, #tpu.memory_space<hbm>> -> memref<10240x128xf32, #tpu.memory_space<hbm>>
      %dma_wait3A_314 = tpu.memref_slice %arg10[%dma_wait3A_303] : memref<4x!tpu.dma_semaphore, #tpu.memory_space<semaphore_mem>> -> memref<1x!tpu.dma_semaphore, #tpu.memory_space<semaphore_mem>>
      %dma_wait3A_315 = tpu.memref_squeeze %dma_wait3A_314 : memref<1x!tpu.dma_semaphore, #tpu.memory_space<semaphore_mem>> -> memref<!tpu.dma_semaphore, #tpu.memory_space<semaphore_mem>>
      tpu.wait_indirect_dma semaphore(%dma_wait3A_315 : memref<!tpu.dma_semaphore, #tpu.memory_space<semaphore_mem>>) src(%dma_wait3A_313 : memref<10240x128xf32, #tpu.memory_space<hbm>>) dst(%dma_wait3A_307 : memref<64x128xf32, #tpu.memory_space<vmem>>)
      %run_scoped3A_316 = arith.constant 2 : i32
      %run_scoped3A_317 = arith.constant 2 : i32
      "tpu.region"() ({
        %run_scoped3A_349 = tpu.sem_alloc : memref<!tpu.dma_semaphore, #tpu.memory_space<semaphore_mem>>
        %dma_start3A_350 = arith.constant 0 : i32
        %dma_start3A_351 = arith.constant 0 : i32
        %dma_start3A_352 = tpu.memref_slice %arg8[%run_scoped3A_316, %dma_start3A_350, %dma_start3A_351] : memref<4x64x128xf32, #tpu.memory_space<vmem>> -> memref<1x64x128xf32, #tpu.memory_space<vmem>>
        %dma_start3A_353 = tpu.memref_squeeze %dma_start3A_352 : memref<1x64x128xf32, #tpu.memory_space<vmem>> -> memref<64x128xf32, #tpu.memory_space<vmem>>
        %dma_start3A_354 = arith.constant 0 : i32
        %dma_start3A_355 = tpu.memref_slice %arg7[%and3A_237, %run_scoped3A_317, %dma_start3A_354] : memref<4x4x64xi32, #tpu.memory_space<vmem>> -> memref<1x1x64xi32, #tpu.memory_space<vmem>>
        %dma_start3A_356 = tpu.memref_squeeze %dma_start3A_355 : memref<1x1x64xi32, #tpu.memory_space<vmem>> -> memref<64xi32, #tpu.memory_space<vmem>>
        %dma_start3A_357 = arith.constant 0 : i32
        %dma_start3A_358 = arith.constant 0 : i32
        %dma_start3A_359 = tpu.memref_slice %arg9[%dma_start3A_357, %dma_start3A_358] : memref<10240x128xf32, #tpu.memory_space<vmem_shared>> -> memref<10240x128xf32, #tpu.memory_space<vmem_shared>>
        tpu.enqueue_indirect_dma source(%dma_start3A_353 : memref<64x128xf32, #tpu.memory_space<vmem>>) target(%dma_start3A_359 : memref<10240x128xf32, #tpu.memory_space<vmem_shared>>) offsets(%dma_start3A_356 : memref<64xi32, #tpu.memory_space<vmem>>) semaphore(%run_scoped3A_349 : memref<!tpu.dma_semaphore, #tpu.memory_space<semaphore_mem>>) {add = true}
        %dma_wait3A_360 = arith.constant 0 : i32
        %dma_wait3A_361 = arith.constant 0 : i32
        %dma_wait3A_362 = tpu.memref_slice %arg8[%run_scoped3A_316, %dma_wait3A_360, %dma_wait3A_361] : memref<4x64x128xf32, #tpu.memory_space<vmem>> -> memref<1x64x128xf32, #tpu.memory_space<vmem>>
        %dma_wait3A_363 = tpu.memref_squeeze %dma_wait3A_362 : memref<1x64x128xf32, #tpu.memory_space<vmem>> -> memref<64x128xf32, #tpu.memory_space<vmem>>
        %dma_wait3A_364 = arith.constant 0 : i32
        %dma_wait3A_365 = tpu.memref_slice %arg7[%and3A_237, %run_scoped3A_317, %dma_wait3A_364] : memref<4x4x64xi32, #tpu.memory_space<vmem>> -> memref<1x1x64xi32, #tpu.memory_space<vmem>>
        %dma_wait3A_366 = tpu.memref_squeeze %dma_wait3A_365 : memref<1x1x64xi32, #tpu.memory_space<vmem>> -> memref<64xi32, #tpu.memory_space<vmem>>
        %dma_wait3A_367 = arith.constant 0 : i32
        %dma_wait3A_368 = arith.constant 0 : i32
        %dma_wait3A_369 = tpu.memref_slice %arg9[%dma_wait3A_367, %dma_wait3A_368] : memref<10240x128xf32, #tpu.memory_space<vmem_shared>> -> memref<10240x128xf32, #tpu.memory_space<vmem_shared>>
        tpu.wait_indirect_dma semaphore(%run_scoped3A_349 : memref<!tpu.dma_semaphore, #tpu.memory_space<semaphore_mem>>) src(%dma_wait3A_363 : memref<64x128xf32, #tpu.memory_space<vmem>>) dst(%dma_wait3A_369 : memref<10240x128xf32, #tpu.memory_space<vmem_shared>>)
        tpu.yield
      }) : () -> ()
      %add3A_318 = arith.constant 1 : i32
      %add3A_319 = arith.addi %scan3A_236, %add3A_318 : i32
      %lt3A_320 = arith.constant 40 : i32
      %lt3A_321 = arith.cmpi slt, %add3A_319, %lt3A_320 : i32
      %convert_element_type3A_322 = arith.extui %lt3A_321 : i1 to i32
      %cond3A_323 = arith.constant 0 : i32
      %cond3A_324 = arith.cmpi ne, %convert_element_type3A_322, %cond3A_323 : i32
      scf.if %cond3A_324 {
        %dma_start3A_349 = arith.constant 2 : i32
        %dma_start3A_350 = arith.constant 2 : i32
        %dma_start3A_351 = arith.constant 2 : i32
        %dma_start3A_352 = arith.constant 0 : i32
        %dma_start3A_353 = arith.constant 0 : i32
        %dma_start3A_354 = tpu.memref_slice %arg8[%dma_start3A_350, %dma_start3A_352, %dma_start3A_353] : memref<4x64x128xf32, #tpu.memory_space<vmem>> -> memref<1x64x128xf32, #tpu.memory_space<vmem>>
        %dma_start3A_355 = tpu.memref_squeeze %dma_start3A_354 : memref<1x64x128xf32, #tpu.memory_space<vmem>> -> memref<64x128xf32, #tpu.memory_space<vmem>>
        %dma_start3A_356 = arith.constant 0 : i32
        %dma_start3A_357 = tpu.memref_slice %arg6[%and3A_241, %dma_start3A_349, %dma_start3A_356] : memref<4x4x64xi32, #tpu.memory_space<vmem>> -> memref<1x1x64xi32, #tpu.memory_space<vmem>>
        %dma_start3A_358 = tpu.memref_squeeze %dma_start3A_357 : memref<1x1x64xi32, #tpu.memory_space<vmem>> -> memref<64xi32, #tpu.memory_space<vmem>>
        %dma_start3A_359 = arith.constant 0 : i32
        %dma_start3A_360 = arith.constant 0 : i32
        %dma_start3A_361 = tpu.memref_slice %arg4[%dma_start3A_359, %dma_start3A_360] : memref<10240x128xf32, #tpu.memory_space<hbm>> -> memref<10240x128xf32, #tpu.memory_space<hbm>>
        %dma_start3A_362 = tpu.memref_slice %arg10[%dma_start3A_351] : memref<4x!tpu.dma_semaphore, #tpu.memory_space<semaphore_mem>> -> memref<1x!tpu.dma_semaphore, #tpu.memory_space<semaphore_mem>>
        %dma_start3A_363 = tpu.memref_squeeze %dma_start3A_362 : memref<1x!tpu.dma_semaphore, #tpu.memory_space<semaphore_mem>> -> memref<!tpu.dma_semaphore, #tpu.memory_space<semaphore_mem>>
        tpu.enqueue_indirect_dma source(%dma_start3A_361 : memref<10240x128xf32, #tpu.memory_space<hbm>>) target(%dma_start3A_355 : memref<64x128xf32, #tpu.memory_space<vmem>>) offsets(%dma_start3A_358 : memref<64xi32, #tpu.memory_space<vmem>>) semaphore(%dma_start3A_363 : memref<!tpu.dma_semaphore, #tpu.memory_space<semaphore_mem>>)
      } else {
      }
      %dma_wait3A_325 = arith.constant 3 : i32
      %dma_wait3A_326 = arith.constant 3 : i32
      %dma_wait3A_327 = arith.constant 3 : i32
      %dma_wait3A_328 = arith.constant 0 : i32
      %dma_wait3A_329 = arith.constant 0 : i32
      %dma_wait3A_330 = tpu.memref_slice %arg8[%dma_wait3A_326, %dma_wait3A_328, %dma_wait3A_329] : memref<4x64x128xf32, #tpu.memory_space<vmem>> -> memref<1x64x128xf32, #tpu.memory_space<vmem>>
      %dma_wait3A_331 = tpu.memref_squeeze %dma_wait3A_330 : memref<1x64x128xf32, #tpu.memory_space<vmem>> -> memref<64x128xf32, #tpu.memory_space<vmem>>
      %dma_wait3A_332 = arith.constant 0 : i32
      %dma_wait3A_333 = tpu.memref_slice %arg6[%and3A_237, %dma_wait3A_325, %dma_wait3A_332] : memref<4x4x64xi32, #tpu.memory_space<vmem>> -> memref<1x1x64xi32, #tpu.memory_space<vmem>>
      %dma_wait3A_334 = tpu.memref_squeeze %dma_wait3A_333 : memref<1x1x64xi32, #tpu.memory_space<vmem>> -> memref<64xi32, #tpu.memory_space<vmem>>
      %dma_wait3A_335 = arith.constant 0 : i32
      %dma_wait3A_336 = arith.constant 0 : i32
      %dma_wait3A_337 = tpu.memref_slice %arg4[%dma_wait3A_335, %dma_wait3A_336] : memref<10240x128xf32, #tpu.memory_space<hbm>> -> memref<10240x128xf32, #tpu.memory_space<hbm>>
      %dma_wait3A_338 = tpu.memref_slice %arg10[%dma_wait3A_327] : memref<4x!tpu.dma_semaphore, #tpu.memory_space<semaphore_mem>> -> memref<1x!tpu.dma_semaphore, #tpu.memory_space<semaphore_mem>>
      %dma_wait3A_339 = tpu.memref_squeeze %dma_wait3A_338 : memref<1x!tpu.dma_semaphore, #tpu.memory_space<semaphore_mem>> -> memref<!tpu.dma_semaphore, #tpu.memory_space<semaphore_mem>>
      tpu.wait_indirect_dma semaphore(%dma_wait3A_339 : memref<!tpu.dma_semaphore, #tpu.memory_space<semaphore_mem>>) src(%dma_wait3A_337 : memref<10240x128xf32, #tpu.memory_space<hbm>>) dst(%dma_wait3A_331 : memref<64x128xf32, #tpu.memory_space<vmem>>)
      %run_scoped3A_340 = arith.constant 3 : i32
      %run_scoped3A_341 = arith.constant 3 : i32
      "tpu.region"() ({
        %run_scoped3A_349 = tpu.sem_alloc : memref<!tpu.dma_semaphore, #tpu.memory_space<semaphore_mem>>
        %dma_start3A_350 = arith.constant 0 : i32
        %dma_start3A_351 = arith.constant 0 : i32
        %dma_start3A_352 = tpu.memref_slice %arg8[%run_scoped3A_340, %dma_start3A_350, %dma_start3A_351] : memref<4x64x128xf32, #tpu.memory_space<vmem>> -> memref<1x64x128xf32, #tpu.memory_space<vmem>>
        %dma_start3A_353 = tpu.memref_squeeze %dma_start3A_352 : memref<1x64x128xf32, #tpu.memory_space<vmem>> -> memref<64x128xf32, #tpu.memory_space<vmem>>
        %dma_start3A_354 = arith.constant 0 : i32
        %dma_start3A_355 = tpu.memref_slice %arg7[%and3A_237, %run_scoped3A_341, %dma_start3A_354] : memref<4x4x64xi32, #tpu.memory_space<vmem>> -> memref<1x1x64xi32, #tpu.memory_space<vmem>>
        %dma_start3A_356 = tpu.memref_squeeze %dma_start3A_355 : memref<1x1x64xi32, #tpu.memory_space<vmem>> -> memref<64xi32, #tpu.memory_space<vmem>>
        %dma_start3A_357 = arith.constant 0 : i32
        %dma_start3A_358 = arith.constant 0 : i32
        %dma_start3A_359 = tpu.memref_slice %arg9[%dma_start3A_357, %dma_start3A_358] : memref<10240x128xf32, #tpu.memory_space<vmem_shared>> -> memref<10240x128xf32, #tpu.memory_space<vmem_shared>>
        tpu.enqueue_indirect_dma source(%dma_start3A_353 : memref<64x128xf32, #tpu.memory_space<vmem>>) target(%dma_start3A_359 : memref<10240x128xf32, #tpu.memory_space<vmem_shared>>) offsets(%dma_start3A_356 : memref<64xi32, #tpu.memory_space<vmem>>) semaphore(%run_scoped3A_349 : memref<!tpu.dma_semaphore, #tpu.memory_space<semaphore_mem>>) {add = true}
        %dma_wait3A_360 = arith.constant 0 : i32
        %dma_wait3A_361 = arith.constant 0 : i32
        %dma_wait3A_362 = tpu.memref_slice %arg8[%run_scoped3A_340, %dma_wait3A_360, %dma_wait3A_361] : memref<4x64x128xf32, #tpu.memory_space<vmem>> -> memref<1x64x128xf32, #tpu.memory_space<vmem>>
        %dma_wait3A_363 = tpu.memref_squeeze %dma_wait3A_362 : memref<1x64x128xf32, #tpu.memory_space<vmem>> -> memref<64x128xf32, #tpu.memory_space<vmem>>
        %dma_wait3A_364 = arith.constant 0 : i32
        %dma_wait3A_365 = tpu.memref_slice %arg7[%and3A_237, %run_scoped3A_341, %dma_wait3A_364] : memref<4x4x64xi32, #tpu.memory_space<vmem>> -> memref<1x1x64xi32, #tpu.memory_space<vmem>>
        %dma_wait3A_366 = tpu.memref_squeeze %dma_wait3A_365 : memref<1x1x64xi32, #tpu.memory_space<vmem>> -> memref<64xi32, #tpu.memory_space<vmem>>
        %dma_wait3A_367 = arith.constant 0 : i32
        %dma_wait3A_368 = arith.constant 0 : i32
        %dma_wait3A_369 = tpu.memref_slice %arg9[%dma_wait3A_367, %dma_wait3A_368] : memref<10240x128xf32, #tpu.memory_space<vmem_shared>> -> memref<10240x128xf32, #tpu.memory_space<vmem_shared>>
        tpu.wait_indirect_dma semaphore(%run_scoped3A_349 : memref<!tpu.dma_semaphore, #tpu.memory_space<semaphore_mem>>) src(%dma_wait3A_363 : memref<64x128xf32, #tpu.memory_space<vmem>>) dst(%dma_wait3A_369 : memref<10240x128xf32, #tpu.memory_space<vmem_shared>>)
        tpu.yield
      }) : () -> ()
      %add3A_342 = arith.constant 1 : i32
      %add3A_343 = arith.addi %scan3A_236, %add3A_342 : i32
      %lt3A_344 = arith.constant 40 : i32
      %lt3A_345 = arith.cmpi slt, %add3A_343, %lt3A_344 : i32
      %convert_element_type3A_346 = arith.extui %lt3A_345 : i1 to i32
      %cond3A_347 = arith.constant 0 : i32
      %cond3A_348 = arith.cmpi ne, %convert_element_type3A_346, %cond3A_347 : i32
      scf.if %cond3A_348 {
        %dma_start3A_349 = arith.constant 3 : i32
        %dma_start3A_350 = arith.constant 3 : i32
        %dma_start3A_351 = arith.constant 3 : i32
        %dma_start3A_352 = arith.constant 0 : i32
        %dma_start3A_353 = arith.constant 0 : i32
        %dma_start3A_354 = tpu.memref_slice %arg8[%dma_start3A_350, %dma_start3A_352, %dma_start3A_353] : memref<4x64x128xf32, #tpu.memory_space<vmem>> -> memref<1x64x128xf32, #tpu.memory_space<vmem>>
        %dma_start3A_355 = tpu.memref_squeeze %dma_start3A_354 : memref<1x64x128xf32, #tpu.memory_space<vmem>> -> memref<64x128xf32, #tpu.memory_space<vmem>>
        %dma_start3A_356 = arith.constant 0 : i32
        %dma_start3A_357 = tpu.memref_slice %arg6[%and3A_241, %dma_start3A_349, %dma_start3A_356] : memref<4x4x64xi32, #tpu.memory_space<vmem>> -> memref<1x1x64xi32, #tpu.memory_space<vmem>>
        %dma_start3A_358 = tpu.memref_squeeze %dma_start3A_357 : memref<1x1x64xi32, #tpu.memory_space<vmem>> -> memref<64xi32, #tpu.memory_space<vmem>>
        %dma_start3A_359 = arith.constant 0 : i32
        %dma_start3A_360 = arith.constant 0 : i32
        %dma_start3A_361 = tpu.memref_slice %arg4[%dma_start3A_359, %dma_start3A_360] : memref<10240x128xf32, #tpu.memory_space<hbm>> -> memref<10240x128xf32, #tpu.memory_space<hbm>>
        %dma_start3A_362 = tpu.memref_slice %arg10[%dma_start3A_351] : memref<4x!tpu.dma_semaphore, #tpu.memory_space<semaphore_mem>> -> memref<1x!tpu.dma_semaphore, #tpu.memory_space<semaphore_mem>>
        %dma_start3A_363 = tpu.memref_squeeze %dma_start3A_362 : memref<1x!tpu.dma_semaphore, #tpu.memory_space<semaphore_mem>> -> memref<!tpu.dma_semaphore, #tpu.memory_space<semaphore_mem>>
        tpu.enqueue_indirect_dma source(%dma_start3A_361 : memref<10240x128xf32, #tpu.memory_space<hbm>>) target(%dma_start3A_355 : memref<64x128xf32, #tpu.memory_space<vmem>>) offsets(%dma_start3A_358 : memref<64xi32, #tpu.memory_space<vmem>>) semaphore(%dma_start3A_363 : memref<!tpu.dma_semaphore, #tpu.memory_space<semaphore_mem>>)
      } else {
      }
    }
    %scan3A_224 = arith.constant 40 : i32
    %barrier3A_225 = arith.constant 0 : index
    tpu.barrier barrier_id(%barrier3A_225)
    %add3A_226 = arith.constant 0 : i32
    %add3A_227 = arith.addi %mul3A_7, %add3A_226 : i32
    "tpu.region"() ({
      %run_scoped3A_236 = tpu.sem_alloc : memref<!tpu.dma_semaphore, #tpu.memory_space<semaphore_mem>>
      %dma_start3A_237 = arith.constant 0 : i32
      %dma_start3A_238 = tpu.memref_slice %arg5[%arg0, %add3A_227, %dma_start3A_237] : memref<2x10240x128xf32, #tpu.memory_space<hbm>> -> memref<1x128x128xf32, #tpu.memory_space<hbm>>
      %dma_start3A_239 = tpu.memref_squeeze %dma_start3A_238 : memref<1x128x128xf32, #tpu.memory_space<hbm>> -> memref<128x128xf32, #tpu.memory_space<hbm>>
      %dma_start3A_240 = arith.constant 0 : i32
      %dma_start3A_241 = tpu.memref_slice %arg9[%add3A_227, %dma_start3A_240] : memref<10240x128xf32, #tpu.memory_space<vmem_shared>> -> memref<128x128xf32, #tpu.memory_space<vmem_shared>>
      tpu.enqueue_dma source(%dma_start3A_241 : memref<128x128xf32, #tpu.memory_space<vmem_shared>>) target(%dma_start3A_239 : memref<128x128xf32, #tpu.memory_space<hbm>>) target_semaphore(%run_scoped3A_236 : memref<!tpu.dma_semaphore, #tpu.memory_space<semaphore_mem>>)
      %dma_wait3A_242 = arith.constant 0 : i32
      %dma_wait3A_243 = tpu.memref_slice %arg5[%arg0, %add3A_227, %dma_wait3A_242] : memref<2x10240x128xf32, #tpu.memory_space<hbm>> -> memref<1x128x128xf32, #tpu.memory_space<hbm>>
      %dma_wait3A_244 = tpu.memref_squeeze %dma_wait3A_243 : memref<1x128x128xf32, #tpu.memory_space<hbm>> -> memref<128x128xf32, #tpu.memory_space<hbm>>
      %dma_wait3A_245 = arith.constant 0 : i32
      %dma_wait3A_246 = tpu.memref_slice %arg9[%add3A_227, %dma_wait3A_245] : memref<10240x128xf32, #tpu.memory_space<vmem_shared>> -> memref<128x128xf32, #tpu.memory_space<vmem_shared>>
      tpu.wait_dma2 semaphore(%run_scoped3A_236 : memref<!tpu.dma_semaphore, #tpu.memory_space<semaphore_mem>>) src(%dma_wait3A_246 : memref<128x128xf32, #tpu.memory_space<vmem_shared>>) dst(%dma_wait3A_244 : memref<128x128xf32, #tpu.memory_space<hbm>>)
      tpu.yield
    }) : () -> ()
    %add3A_228 = arith.constant 128 : i32
    %add3A_229 = arith.addi %mul3A_7, %add3A_228 : i32
    "tpu.region"() ({
      %run_scoped3A_236 = tpu.sem_alloc : memref<!tpu.dma_semaphore, #tpu.memory_space<semaphore_mem>>
      %dma_start3A_237 = arith.constant 0 : i32
      %dma_start3A_238 = tpu.memref_slice %arg5[%arg0, %add3A_229, %dma_start3A_237] : memref<2x10240x128xf32, #tpu.memory_space<hbm>> -> memref<1x128x128xf32, #tpu.memory_space<hbm>>
      %dma_start3A_239 = tpu.memref_squeeze %dma_start3A_238 : memref<1x128x128xf32, #tpu.memory_space<hbm>> -> memref<128x128xf32, #tpu.memory_space<hbm>>
      %dma_start3A_240 = arith.constant 0 : i32
      %dma_start3A_241 = tpu.memref_slice %arg9[%add3A_229, %dma_start3A_240] : memref<10240x128xf32, #tpu.memory_space<vmem_shared>> -> memref<128x128xf32, #tpu.memory_space<vmem_shared>>
      tpu.enqueue_dma source(%dma_start3A_241 : memref<128x128xf32, #tpu.memory_space<vmem_shared>>) target(%dma_start3A_239 : memref<128x128xf32, #tpu.memory_space<hbm>>) target_semaphore(%run_scoped3A_236 : memref<!tpu.dma_semaphore, #tpu.memory_space<semaphore_mem>>)
      %dma_wait3A_242 = arith.constant 0 : i32
      %dma_wait3A_243 = tpu.memref_slice %arg5[%arg0, %add3A_229, %dma_wait3A_242] : memref<2x10240x128xf32, #tpu.memory_space<hbm>> -> memref<1x128x128xf32, #tpu.memory_space<hbm>>
      %dma_wait3A_244 = tpu.memref_squeeze %dma_wait3A_243 : memref<1x128x128xf32, #tpu.memory_space<hbm>> -> memref<128x128xf32, #tpu.memory_space<hbm>>
      %dma_wait3A_245 = arith.constant 0 : i32
      %dma_wait3A_246 = tpu.memref_slice %arg9[%add3A_229, %dma_wait3A_245] : memref<10240x128xf32, #tpu.memory_space<vmem_shared>> -> memref<128x128xf32, #tpu.memory_space<vmem_shared>>
      tpu.wait_dma2 semaphore(%run_scoped3A_236 : memref<!tpu.dma_semaphore, #tpu.memory_space<semaphore_mem>>) src(%dma_wait3A_246 : memref<128x128xf32, #tpu.memory_space<vmem_shared>>) dst(%dma_wait3A_244 : memref<128x128xf32, #tpu.memory_space<hbm>>)
      tpu.yield
    }) : () -> ()
    %add3A_230 = arith.constant 256 : i32
    %add3A_231 = arith.addi %mul3A_7, %add3A_230 : i32
    "tpu.region"() ({
      %run_scoped3A_236 = tpu.sem_alloc : memref<!tpu.dma_semaphore, #tpu.memory_space<semaphore_mem>>
      %dma_start3A_237 = arith.constant 0 : i32
      %dma_start3A_238 = tpu.memref_slice %arg5[%arg0, %add3A_231, %dma_start3A_237] : memref<2x10240x128xf32, #tpu.memory_space<hbm>> -> memref<1x128x128xf32, #tpu.memory_space<hbm>>
      %dma_start3A_239 = tpu.memref_squeeze %dma_start3A_238 : memref<1x128x128xf32, #tpu.memory_space<hbm>> -> memref<128x128xf32, #tpu.memory_space<hbm>>
      %dma_start3A_240 = arith.constant 0 : i32
      %dma_start3A_241 = tpu.memref_slice %arg9[%add3A_231, %dma_start3A_240] : memref<10240x128xf32, #tpu.memory_space<vmem_shared>> -> memref<128x128xf32, #tpu.memory_space<vmem_shared>>
      tpu.enqueue_dma source(%dma_start3A_241 : memref<128x128xf32, #tpu.memory_space<vmem_shared>>) target(%dma_start3A_239 : memref<128x128xf32, #tpu.memory_space<hbm>>) target_semaphore(%run_scoped3A_236 : memref<!tpu.dma_semaphore, #tpu.memory_space<semaphore_mem>>)
      %dma_wait3A_242 = arith.constant 0 : i32
      %dma_wait3A_243 = tpu.memref_slice %arg5[%arg0, %add3A_231, %dma_wait3A_242] : memref<2x10240x128xf32, #tpu.memory_space<hbm>> -> memref<1x128x128xf32, #tpu.memory_space<hbm>>
      %dma_wait3A_244 = tpu.memref_squeeze %dma_wait3A_243 : memref<1x128x128xf32, #tpu.memory_space<hbm>> -> memref<128x128xf32, #tpu.memory_space<hbm>>
      %dma_wait3A_245 = arith.constant 0 : i32
      %dma_wait3A_246 = tpu.memref_slice %arg9[%add3A_231, %dma_wait3A_245] : memref<10240x128xf32, #tpu.memory_space<vmem_shared>> -> memref<128x128xf32, #tpu.memory_space<vmem_shared>>
      tpu.wait_dma2 semaphore(%run_scoped3A_236 : memref<!tpu.dma_semaphore, #tpu.memory_space<semaphore_mem>>) src(%dma_wait3A_246 : memref<128x128xf32, #tpu.memory_space<vmem_shared>>) dst(%dma_wait3A_244 : memref<128x128xf32, #tpu.memory_space<hbm>>)
      tpu.yield
    }) : () -> ()
    %add3A_232 = arith.constant 384 : i32
    %add3A_233 = arith.addi %mul3A_7, %add3A_232 : i32
    "tpu.region"() ({
      %run_scoped3A_236 = tpu.sem_alloc : memref<!tpu.dma_semaphore, #tpu.memory_space<semaphore_mem>>
      %dma_start3A_237 = arith.constant 0 : i32
      %dma_start3A_238 = tpu.memref_slice %arg5[%arg0, %add3A_233, %dma_start3A_237] : memref<2x10240x128xf32, #tpu.memory_space<hbm>> -> memref<1x128x128xf32, #tpu.memory_space<hbm>>
      %dma_start3A_239 = tpu.memref_squeeze %dma_start3A_238 : memref<1x128x128xf32, #tpu.memory_space<hbm>> -> memref<128x128xf32, #tpu.memory_space<hbm>>
      %dma_start3A_240 = arith.constant 0 : i32
      %dma_start3A_241 = tpu.memref_slice %arg9[%add3A_233, %dma_start3A_240] : memref<10240x128xf32, #tpu.memory_space<vmem_shared>> -> memref<128x128xf32, #tpu.memory_space<vmem_shared>>
      tpu.enqueue_dma source(%dma_start3A_241 : memref<128x128xf32, #tpu.memory_space<vmem_shared>>) target(%dma_start3A_239 : memref<128x128xf32, #tpu.memory_space<hbm>>) target_semaphore(%run_scoped3A_236 : memref<!tpu.dma_semaphore, #tpu.memory_space<semaphore_mem>>)
      %dma_wait3A_242 = arith.constant 0 : i32
      %dma_wait3A_243 = tpu.memref_slice %arg5[%arg0, %add3A_233, %dma_wait3A_242] : memref<2x10240x128xf32, #tpu.memory_space<hbm>> -> memref<1x128x128xf32, #tpu.memory_space<hbm>>
      %dma_wait3A_244 = tpu.memref_squeeze %dma_wait3A_243 : memref<1x128x128xf32, #tpu.memory_space<hbm>> -> memref<128x128xf32, #tpu.memory_space<hbm>>
      %dma_wait3A_245 = arith.constant 0 : i32
      %dma_wait3A_246 = tpu.memref_slice %arg9[%add3A_233, %dma_wait3A_245] : memref<10240x128xf32, #tpu.memory_space<vmem_shared>> -> memref<128x128xf32, #tpu.memory_space<vmem_shared>>
      tpu.wait_dma2 semaphore(%run_scoped3A_236 : memref<!tpu.dma_semaphore, #tpu.memory_space<semaphore_mem>>) src(%dma_wait3A_246 : memref<128x128xf32, #tpu.memory_space<vmem_shared>>) dst(%dma_wait3A_244 : memref<128x128xf32, #tpu.memory_space<hbm>>)
      tpu.yield
    }) : () -> ()
    %add3A_234 = arith.constant 512 : i32
    %add3A_235 = arith.addi %mul3A_7, %add3A_234 : i32
    "tpu.region"() ({
      %run_scoped3A_236 = tpu.sem_alloc : memref<!tpu.dma_semaphore, #tpu.memory_space<semaphore_mem>>
      %dma_start3A_237 = arith.constant 0 : i32
      %dma_start3A_238 = tpu.memref_slice %arg5[%arg0, %add3A_235, %dma_start3A_237] : memref<2x10240x128xf32, #tpu.memory_space<hbm>> -> memref<1x128x128xf32, #tpu.memory_space<hbm>>
      %dma_start3A_239 = tpu.memref_squeeze %dma_start3A_238 : memref<1x128x128xf32, #tpu.memory_space<hbm>> -> memref<128x128xf32, #tpu.memory_space<hbm>>
      %dma_start3A_240 = arith.constant 0 : i32
      %dma_start3A_241 = tpu.memref_slice %arg9[%add3A_235, %dma_start3A_240] : memref<10240x128xf32, #tpu.memory_space<vmem_shared>> -> memref<128x128xf32, #tpu.memory_space<vmem_shared>>
      tpu.enqueue_dma source(%dma_start3A_241 : memref<128x128xf32, #tpu.memory_space<vmem_shared>>) target(%dma_start3A_239 : memref<128x128xf32, #tpu.memory_space<hbm>>) target_semaphore(%run_scoped3A_236 : memref<!tpu.dma_semaphore, #tpu.memory_space<semaphore_mem>>)
      %dma_wait3A_242 = arith.constant 0 : i32
      %dma_wait3A_243 = tpu.memref_slice %arg5[%arg0, %add3A_235, %dma_wait3A_242] : memref<2x10240x128xf32, #tpu.memory_space<hbm>> -> memref<1x128x128xf32, #tpu.memory_space<hbm>>
      %dma_wait3A_244 = tpu.memref_squeeze %dma_wait3A_243 : memref<1x128x128xf32, #tpu.memory_space<hbm>> -> memref<128x128xf32, #tpu.memory_space<hbm>>
      %dma_wait3A_245 = arith.constant 0 : i32
      %dma_wait3A_246 = tpu.memref_slice %arg9[%add3A_235, %dma_wait3A_245] : memref<10240x128xf32, #tpu.memory_space<vmem_shared>> -> memref<128x128xf32, #tpu.memory_space<vmem_shared>>
      tpu.wait_dma2 semaphore(%run_scoped3A_236 : memref<!tpu.dma_semaphore, #tpu.memory_space<semaphore_mem>>) src(%dma_wait3A_246 : memref<128x128xf32, #tpu.memory_space<vmem_shared>>) dst(%dma_wait3A_244 : memref<128x128xf32, #tpu.memory_space<hbm>>)
      tpu.yield
    }) : () -> ()
    return
  }
}

module attributes {stable_mosaic.version = 14 : i64} {
  func.func @_tc1_body(%arg0: memref<10240x128xf32, #tpu.memory_space<vmem>>, %arg1: memref<128x128xf32, #tpu.memory_space<vmem>>, %arg2: memref<1x128xf32, #tpu.memory_space<vmem>>, %arg3: memref<32x10240xf32, #tpu.memory_space<vmem>>, %arg4: memref<10240x128xf32, #tpu.memory_space<vmem>>) attributes {dimension_semantics = [], scalar_prefetch = 0 : i64, scratch_operands = 0 : i64, tpu.core_type = #tpu.core_type<tc>} {
    %get3A = arith.constant 0 : index
    %get3A_0 = arith.constant 0 : index
    %get3A_1 = vector.load %arg0[%get3A, %get3A_0] : memref<10240x128xf32, #tpu.memory_space<vmem>>, vector<10240x128xf32>
    %get3A_2 = arith.constant 0 : index
    %get3A_3 = arith.constant 0 : index
    %get3A_4 = vector.load %arg1[%get3A_2, %get3A_3] : memref<128x128xf32, #tpu.memory_space<vmem>>, vector<128x128xf32>
    %dot_general3A = arith.constant dense<0.000000e+00> : vector<10240x128xf32>
    %dot_general3A_5 = tpu.matmul %get3A_1, %get3A_4, %dot_general3A {dimension_numbers = #tpu.dot_dimension_numbers<[1], [0], [0], [1], [0, 0, 1, 1], [], []>, transpose_lhs_hint = false} : vector<10240x128xf32>, vector<128x128xf32>, vector<10240x128xf32> -> vector<10240x128xf32>
    %get3A_6 = arith.constant 0 : index
    %get3A_7 = arith.constant 0 : index
    %get3A_8 = vector.load %arg2[%get3A_6, %get3A_7] : memref<1x128xf32, #tpu.memory_space<vmem>>, vector<1x128xf32>
    %add3A = vector.broadcast %get3A_8 : vector<1x128xf32> to vector<10240x128xf32>
    %add3A_9 = arith.addf %dot_general3A_5, %add3A : vector<10240x128xf32>
    %get3A_10 = arith.constant 0 : index
    %get3A_11 = arith.constant 0 : index
    %get3A_12 = vector.load %arg3[%get3A_10, %get3A_11] : memref<32x10240xf32, #tpu.memory_space<vmem>>, vector<32x10240xf32>
    %reduce_sum3A = arith.constant dense<0.000000e+00> : vector<10240xf32>
    %reduce_sum3A_13 = vector.multi_reduction <add>, %get3A_12, %reduce_sum3A [0] : vector<32x10240xf32> to vector<10240xf32>
    %add3A_14 = arith.constant 1.000000e+00 : f32
    %add3A_15 = vector.broadcast %add3A_14 : f32 to vector<10240xf32>
    %add3A_16 = arith.addf %reduce_sum3A_13, %add3A_15 : vector<10240xf32>
    %max3A = arith.constant 1.000000e+00 : f32
    %max3A_17 = vector.broadcast %max3A : f32 to vector<10240xf32>
    %max3A_18 = arith.maximumf %add3A_16, %max3A_17 : vector<10240xf32>
    %rsqrt3A = math.rsqrt %max3A_18 : vector<10240xf32>
    %broadcast_in_dim3A = vector.shape_cast %rsqrt3A : vector<10240xf32> to vector<10240x1xf32>
    %broadcast_in_dim3A_19 = vector.shape_cast %broadcast_in_dim3A : vector<10240x1xf32> to vector<10240x1xf32>
    %broadcast_in_dim3A_20 = vector.broadcast %broadcast_in_dim3A_19 : vector<10240x1xf32> to vector<10240x128xf32>
    %mul3A = arith.mulf %add3A_9, %broadcast_in_dim3A_20 : vector<10240x128xf32>
    %swap3A = arith.constant 0 : index
    %swap3A_21 = arith.constant 0 : index
    %swap3A_22 = vector.load %arg4[%swap3A, %swap3A_21] : memref<10240x128xf32, #tpu.memory_space<vmem>>, vector<10240x128xf32>
    tpu.vector_store %arg4[%swap3A, %swap3A_21], %mul3A {strides = array<i32>} : memref<10240x128xf32, #tpu.memory_space<vmem>>, vector<10240x128xf32>,
    return
  }
}

module attributes {stable_mosaic.version = 14 : i64} {
  func.func @_tc_final_body(%arg0: memref<2x10240x128xf32, #tpu.memory_space<vmem>>, %arg1: memref<10240x128xf32, #tpu.memory_space<vmem>>, %arg2: memref<32x10240xf32, #tpu.memory_space<vmem>>, %arg3: memref<1x128xf32, #tpu.memory_space<vmem>>, %arg4: memref<1x128xf32, #tpu.memory_space<vmem>>, %arg5: memref<1x128xf32, #tpu.memory_space<vmem>>, %arg6: memref<1x128xf32, #tpu.memory_space<vmem>>, %arg7: memref<1x10240xf32, #tpu.memory_space<vmem>>, %arg8: memref<64x128xf32, #tpu.memory_space<vmem>>) attributes {dimension_semantics = [], scalar_prefetch = 0 : i64, scratch_operands = 0 : i64, tpu.core_type = #tpu.core_type<tc>} {
    %get3A = arith.constant 0 : index
    %get3A_0 = arith.constant 0 : index
    %get3A_1 = arith.constant 0 : index
    %get3A_2 = vector.load %arg0[%get3A, %get3A_0, %get3A_1] : memref<2x10240x128xf32, #tpu.memory_space<vmem>>, vector<1x10240x128xf32>
    %get3A_3 = vector.shape_cast %get3A_2 : vector<1x10240x128xf32> to vector<10240x128xf32>
    %get3A_4 = arith.constant 1 : index
    %get3A_5 = arith.constant 0 : index
    %get3A_6 = arith.constant 0 : index
    %get3A_7 = vector.load %arg0[%get3A_4, %get3A_5, %get3A_6] : memref<2x10240x128xf32, #tpu.memory_space<vmem>>, vector<1x10240x128xf32>
    %get3A_8 = vector.shape_cast %get3A_7 : vector<1x10240x128xf32> to vector<10240x128xf32>
    %add3A = arith.addf %get3A_3, %get3A_8 : vector<10240x128xf32>
    %get3A_9 = arith.constant 0 : index
    %get3A_10 = arith.constant 0 : index
    %get3A_11 = vector.load %arg1[%get3A_9, %get3A_10] : memref<10240x128xf32, #tpu.memory_space<vmem>>, vector<10240x128xf32>
    %add3A_12 = arith.addf %add3A, %get3A_11 : vector<10240x128xf32>
    %get3A_13 = arith.constant 0 : index
    %get3A_14 = arith.constant 0 : index
    %get3A_15 = vector.load %arg2[%get3A_13, %get3A_14] : memref<32x10240xf32, #tpu.memory_space<vmem>>, vector<32x10240xf32>
    %reduce_sum3A = arith.constant dense<0.000000e+00> : vector<10240xf32>
    %reduce_sum3A_16 = vector.multi_reduction <add>, %get3A_15, %reduce_sum3A [0] : vector<32x10240xf32> to vector<10240xf32>
    %add3A_17 = arith.constant 1.000000e+00 : f32
    %add3A_18 = vector.broadcast %add3A_17 : f32 to vector<10240xf32>
    %add3A_19 = arith.addf %reduce_sum3A_16, %add3A_18 : vector<10240xf32>
    %max3A = arith.constant 1.000000e+00 : f32
    %max3A_20 = vector.broadcast %max3A : f32 to vector<10240xf32>
    %max3A_21 = arith.maximumf %add3A_19, %max3A_20 : vector<10240xf32>
    %rsqrt3A = math.rsqrt %max3A_21 : vector<10240xf32>
    %broadcast_in_dim3A = vector.shape_cast %rsqrt3A : vector<10240xf32> to vector<10240x1xf32>
    %broadcast_in_dim3A_22 = vector.shape_cast %broadcast_in_dim3A : vector<10240x1xf32> to vector<10240x1xf32>
    %broadcast_in_dim3A_23 = vector.broadcast %broadcast_in_dim3A_22 : vector<10240x1xf32> to vector<10240x128xf32>
    %mul3A = arith.mulf %add3A_12, %broadcast_in_dim3A_23 : vector<10240x128xf32>
    %get3A_24 = arith.constant 0 : index
    %get3A_25 = arith.constant 0 : index
    %get3A_26 = vector.load %arg3[%get3A_24, %get3A_25] : memref<1x128xf32, #tpu.memory_space<vmem>>, vector<1x128xf32>
    %get3A_27 = arith.constant 0 : index
    %get3A_28 = arith.constant 0 : index
    %get3A_29 = vector.load %arg6[%get3A_27, %get3A_28] : memref<1x128xf32, #tpu.memory_space<vmem>>, vector<1x128xf32>
    %add3A_30 = arith.constant 9.99999974E-6 : f32
    %add3A_31 = vector.broadcast %add3A_30 : f32 to vector<1x128xf32>
    %add3A_32 = arith.addf %get3A_29, %add3A_31 : vector<1x128xf32>
    %rsqrt3A_33 = math.rsqrt %add3A_32 : vector<1x128xf32>
    %mul3A_34 = arith.mulf %get3A_26, %rsqrt3A_33 : vector<1x128xf32>
    %get3A_35 = arith.constant 0 : index
    %get3A_36 = arith.constant 0 : index
    %get3A_37 = vector.load %arg4[%get3A_35, %get3A_36] : memref<1x128xf32, #tpu.memory_space<vmem>>, vector<1x128xf32>
    %get3A_38 = arith.constant 0 : index
    %get3A_39 = arith.constant 0 : index
    %get3A_40 = vector.load %arg5[%get3A_38, %get3A_39] : memref<1x128xf32, #tpu.memory_space<vmem>>, vector<1x128xf32>
    %mul3A_41 = arith.mulf %get3A_40, %mul3A_34 : vector<1x128xf32>
    %sub3A = arith.subf %get3A_37, %mul3A_41 : vector<1x128xf32>
    %mul3A_42 = vector.broadcast %mul3A_34 : vector<1x128xf32> to vector<10240x128xf32>
    %mul3A_43 = arith.mulf %mul3A, %mul3A_42 : vector<10240x128xf32>
    %add3A_44 = vector.broadcast %sub3A : vector<1x128xf32> to vector<10240x128xf32>
    %add3A_45 = arith.addf %mul3A_43, %add3A_44 : vector<10240x128xf32>
    %max3A_46 = arith.constant 0.000000e+00 : f32
    %max3A_47 = vector.broadcast %max3A_46 : f32 to vector<10240x128xf32>
    %max3A_48 = arith.maximumf %add3A_45, %max3A_47 : vector<10240x128xf32>
    %iota3A = tpu.iota {dimensions = array<i32: 0>} : vector<64x10240xi32>
    %convert_element_type3A = arith.sitofp %iota3A : vector<64x10240xi32> to vector<64x10240xf32>
    %get3A_49 = arith.constant 0 : index
    %get3A_50 = arith.constant 0 : index
    %get3A_51 = vector.load %arg7[%get3A_49, %get3A_50] : memref<1x10240xf32, #tpu.memory_space<vmem>>, vector<1x10240xf32>
    %eq3A = vector.broadcast %get3A_51 : vector<1x10240xf32> to vector<64x10240xf32>
    %eq3A_52 = arith.cmpf oeq, %eq3A, %convert_element_type3A : vector<64x10240xf32>
    %jit3A = arith.constant 1.000000e+00 : f32
    %jit3A_53 = arith.constant 0.000000e+00 : f32
    %broadcast_in_dim3A_54 = vector.broadcast %jit3A : f32 to vector<64x10240xf32>
    %broadcast_in_dim3A_55 = vector.broadcast %jit3A_53 : f32 to vector<64x10240xf32>
    %select_n3A = arith.select %eq3A_52, %broadcast_in_dim3A_54, %broadcast_in_dim3A_55 : vector<64x10240xi1>, vector<64x10240xf32>
    %dot_general3A = arith.constant dense<0.000000e+00> : vector<64x128xf32>
    %dot_general3A_56 = tpu.matmul %select_n3A, %max3A_48, %dot_general3A {dimension_numbers = #tpu.dot_dimension_numbers<[1], [0], [0], [1], [0, 0, 1, 1], [], []>, transpose_lhs_hint = false} : vector<64x10240xf32>, vector<10240x128xf32>, vector<64x128xf32> -> vector<64x128xf32>
    %reduce_sum3A_57 = arith.constant dense<0.000000e+00> : vector<64xf32>
    %reduce_sum3A_58 = vector.multi_reduction <add>, %select_n3A, %reduce_sum3A_57 [1] : vector<64x10240xf32> to vector<64xf32>
    %broadcast_in_dim3A_59 = vector.shape_cast %reduce_sum3A_58 : vector<64xf32> to vector<64x1xf32>
    %max3A_60 = arith.constant 1.000000e+00 : f32
    %max3A_61 = vector.broadcast %max3A_60 : f32 to vector<64x1xf32>
    %max3A_62 = arith.maximumf %broadcast_in_dim3A_59, %max3A_61 : vector<64x1xf32>
    %div3A = vector.broadcast %max3A_62 : vector<64x1xf32> to vector<64x128xf32>
    %div3A_63 = arith.divf %dot_general3A_56, %div3A : vector<64x128xf32>
    %swap3A = arith.constant 0 : index
    %swap3A_64 = arith.constant 0 : index
    %swap3A_65 = vector.load %arg8[%swap3A, %swap3A_64] : memref<64x128xf32, #tpu.memory_space<vmem>>, vector<64x128xf32>
    tpu.vector_store %arg8[%swap3A, %swap3A_64], %div3A_63 {strides = array<i32>} : memref<64x128xf32, #tpu.memory_space<vmem>>, vector<64x128xf32>,
    return
  }
}

module attributes {stable_mosaic.version = 14 : i64} {
  func.func @_tc_mid_body(%arg0: memref<2x10240x128xf32, #tpu.memory_space<vmem>>, %arg1: memref<10240x128xf32, #tpu.memory_space<vmem>>, %arg2: memref<32x10240xf32, #tpu.memory_space<vmem>>, %arg3: memref<1x128xf32, #tpu.memory_space<vmem>>, %arg4: memref<1x128xf32, #tpu.memory_space<vmem>>, %arg5: memref<1x128xf32, #tpu.memory_space<vmem>>, %arg6: memref<1x128xf32, #tpu.memory_space<vmem>>, %arg7: memref<128x128xf32, #tpu.memory_space<vmem>>, %arg8: memref<1x128xf32, #tpu.memory_space<vmem>>, %arg9: memref<10240x128xf32, #tpu.memory_space<vmem>>) attributes {dimension_semantics = [], scalar_prefetch = 0 : i64, scratch_operands = 0 : i64, tpu.core_type = #tpu.core_type<tc>} {
    %get3A = arith.constant 0 : index
    %get3A_0 = arith.constant 0 : index
    %get3A_1 = vector.load %arg2[%get3A, %get3A_0] : memref<32x10240xf32, #tpu.memory_space<vmem>>, vector<32x10240xf32>
    %reduce_sum3A = arith.constant dense<0.000000e+00> : vector<10240xf32>
    %reduce_sum3A_2 = vector.multi_reduction <add>, %get3A_1, %reduce_sum3A [0] : vector<32x10240xf32> to vector<10240xf32>
    %add3A = arith.constant 1.000000e+00 : f32
    %add3A_3 = vector.broadcast %add3A : f32 to vector<10240xf32>
    %add3A_4 = arith.addf %reduce_sum3A_2, %add3A_3 : vector<10240xf32>
    %max3A = arith.constant 1.000000e+00 : f32
    %max3A_5 = vector.broadcast %max3A : f32 to vector<10240xf32>
    %max3A_6 = arith.maximumf %add3A_4, %max3A_5 : vector<10240xf32>
    %rsqrt3A = math.rsqrt %max3A_6 : vector<10240xf32>
    %broadcast_in_dim3A = vector.shape_cast %rsqrt3A : vector<10240xf32> to vector<10240x1xf32>
    %broadcast_in_dim3A_7 = vector.shape_cast %broadcast_in_dim3A : vector<10240x1xf32> to vector<10240x1xf32>
    %broadcast_in_dim3A_8 = vector.broadcast %broadcast_in_dim3A_7 : vector<10240x1xf32> to vector<10240x128xf32>
    %get3A_9 = arith.constant 0 : index
    %get3A_10 = arith.constant 0 : index
    %get3A_11 = arith.constant 0 : index
    %get3A_12 = vector.load %arg0[%get3A_9, %get3A_10, %get3A_11] : memref<2x10240x128xf32, #tpu.memory_space<vmem>>, vector<1x10240x128xf32>
    %get3A_13 = vector.shape_cast %get3A_12 : vector<1x10240x128xf32> to vector<10240x128xf32>
    %get3A_14 = arith.constant 1 : index
    %get3A_15 = arith.constant 0 : index
    %get3A_16 = arith.constant 0 : index
    %get3A_17 = vector.load %arg0[%get3A_14, %get3A_15, %get3A_16] : memref<2x10240x128xf32, #tpu.memory_space<vmem>>, vector<1x10240x128xf32>
    %get3A_18 = vector.shape_cast %get3A_17 : vector<1x10240x128xf32> to vector<10240x128xf32>
    %add3A_19 = arith.addf %get3A_13, %get3A_18 : vector<10240x128xf32>
    %get3A_20 = arith.constant 0 : index
    %get3A_21 = arith.constant 0 : index
    %get3A_22 = vector.load %arg1[%get3A_20, %get3A_21] : memref<10240x128xf32, #tpu.memory_space<vmem>>, vector<10240x128xf32>
    %add3A_23 = arith.addf %add3A_19, %get3A_22 : vector<10240x128xf32>
    %mul3A = arith.mulf %add3A_23, %broadcast_in_dim3A_8 : vector<10240x128xf32>
    %get3A_24 = arith.constant 0 : index
    %get3A_25 = arith.constant 0 : index
    %get3A_26 = vector.load %arg3[%get3A_24, %get3A_25] : memref<1x128xf32, #tpu.memory_space<vmem>>, vector<1x128xf32>
    %get3A_27 = arith.constant 0 : index
    %get3A_28 = arith.constant 0 : index
    %get3A_29 = vector.load %arg6[%get3A_27, %get3A_28] : memref<1x128xf32, #tpu.memory_space<vmem>>, vector<1x128xf32>
    %add3A_30 = arith.constant 9.99999974E-6 : f32
    %add3A_31 = vector.broadcast %add3A_30 : f32 to vector<1x128xf32>
    %add3A_32 = arith.addf %get3A_29, %add3A_31 : vector<1x128xf32>
    %rsqrt3A_33 = math.rsqrt %add3A_32 : vector<1x128xf32>
    %mul3A_34 = arith.mulf %get3A_26, %rsqrt3A_33 : vector<1x128xf32>
    %get3A_35 = arith.constant 0 : index
    %get3A_36 = arith.constant 0 : index
    %get3A_37 = vector.load %arg4[%get3A_35, %get3A_36] : memref<1x128xf32, #tpu.memory_space<vmem>>, vector<1x128xf32>
    %get3A_38 = arith.constant 0 : index
    %get3A_39 = arith.constant 0 : index
    %get3A_40 = vector.load %arg5[%get3A_38, %get3A_39] : memref<1x128xf32, #tpu.memory_space<vmem>>, vector<1x128xf32>
    %mul3A_41 = arith.mulf %get3A_40, %mul3A_34 : vector<1x128xf32>
    %sub3A = arith.subf %get3A_37, %mul3A_41 : vector<1x128xf32>
    %mul3A_42 = vector.broadcast %mul3A_34 : vector<1x128xf32> to vector<10240x128xf32>
    %mul3A_43 = arith.mulf %mul3A, %mul3A_42 : vector<10240x128xf32>
    %add3A_44 = vector.broadcast %sub3A : vector<1x128xf32> to vector<10240x128xf32>
    %add3A_45 = arith.addf %mul3A_43, %add3A_44 : vector<10240x128xf32>
    %max3A_46 = arith.constant 0.000000e+00 : f32
    %max3A_47 = vector.broadcast %max3A_46 : f32 to vector<10240x128xf32>
    %max3A_48 = arith.maximumf %add3A_45, %max3A_47 : vector<10240x128xf32>
    %get3A_49 = arith.constant 0 : index
    %get3A_50 = arith.constant 0 : index
    %get3A_51 = vector.load %arg7[%get3A_49, %get3A_50] : memref<128x128xf32, #tpu.memory_space<vmem>>, vector<128x128xf32>
    %dot_general3A = arith.constant dense<0.000000e+00> : vector<10240x128xf32>
    %dot_general3A_52 = tpu.matmul %max3A_48, %get3A_51, %dot_general3A {dimension_numbers = #tpu.dot_dimension_numbers<[1], [0], [0], [1], [0, 0, 1, 1], [], []>, transpose_lhs_hint = false} : vector<10240x128xf32>, vector<128x128xf32>, vector<10240x128xf32> -> vector<10240x128xf32>
    %get3A_53 = arith.constant 0 : index
    %get3A_54 = arith.constant 0 : index
    %get3A_55 = vector.load %arg8[%get3A_53, %get3A_54] : memref<1x128xf32, #tpu.memory_space<vmem>>, vector<1x128xf32>
    %add3A_56 = vector.broadcast %get3A_55 : vector<1x128xf32> to vector<10240x128xf32>
    %add3A_57 = arith.addf %dot_general3A_52, %add3A_56 : vector<10240x128xf32>
    %mul3A_58 = arith.mulf %add3A_57, %broadcast_in_dim3A_8 : vector<10240x128xf32>
    %swap3A = arith.constant 0 : index
    %swap3A_59 = arith.constant 0 : index
    %swap3A_60 = vector.load %arg9[%swap3A, %swap3A_59] : memref<10240x128xf32, #tpu.memory_space<vmem>>, vector<10240x128xf32>
    tpu.vector_store %arg9[%swap3A, %swap3A_59], %mul3A_58 {strides = array<i32>} : memref<10240x128xf32, #tpu.memory_space<vmem>>, vector<10240x128xf32>,
    return
  }
}

</mosaic_0001>

<sc_bundles>
// kernel: kernel.10.cloned.1.call-start
scs
__scs_entry_jumppad:
0x0: {  	(pc) =	sbr.rel $0x88, $3  }
0x1: {  	(tag) =	ssettag $0x0;
	lr =	simm.s32 $0x1  }
0x2: {  	[smem:$0x3F8C] =	sst lr;
	_ =	strace $0xD0000000  }
0x3: {  	_ = 	snop  }
0x4: {  	_ = 	snop  }
0x5: {  	_ = 	snop  }
0x6: {  	_ = 	snop  }
0x7: {  	_ = 	snop  }
__scs_overlays_trampoline_lowered:
0x8: {  	[smem:$0x3F9B] =	sst s0  }
0x9: {  	[smem:$0x3F9C] =	sst s1  }
0xa: {  	[smem:$0x3F9D] =	sst s2  }
0xb: {  	[smem:$0x3F9E] =	sst s3  }
0xc: {  	[smem:$0x3F9F] =	sst s4  }
0xd: {  	[smem:$0x3FA0] =	sst s5  }
0xe: {  	[smem:$0x3FA1] =	sst s6  }
0xf: {  	[smem:$0x3FA2] =	sst s7  }
0x10: {  	[smem:$0x3FA3] =	sst s8  }
0x11: {  	[smem:$0x3FA4] =	sst s9;
	s0 =	simm.s32 @!p0 $0x0  }
0x12: {  	s1 =	sld [smem:$0x3F8A];
	s0 =	simm.s32 @p0 $0x1  }
0x13: {  	[smem:$0x3FA5] =	sst s0;
	s0 =	simm.s32 @!p1 $0x0  }
0x14: {  	s2 =	sld [smem:$0x3F89];
	s0 =	simm.s32 @p1 $0x1  }
0x15: {  	[smem:$0x3FA6] =	sst s0;
	s0 =	simm.s32 @!p2 $0x0  }
0x16: {  	s3 =	sld [smem:$0x3FDB];
	s0 =	simm.s32 @p2 $0x1  }
0x17: {  	s4 =	simm.s32 $0x1BF5;
	[smem:$0x3FA8] =	sst s0  }
0x18: {  	s0 =	sld [smem:$0x3F8B];
	_ =	swait.ge [sflag:s4], $0x0  }
0x19: {  	s7 =	sld [smem:$0x3F8C]  }
0x1a: {  	s8 =	sadd.s32 $0xFFFFE003, lr  }
0x1b: {  	s9 =	sadd.s32 $0xFFFFFEF7, lr;
	s5 =	simm.s32 $0xFFFFFFFF;
	p2 =	slt.u32 s8, $0xFFFFF086  }
0x1c: {  	p1 =	slt.u32 s9, $0xF7A;
	s5 =	simm.s32 @!p2 $0x0  }
0x1d: {  	s5 =	simm.s32 @p1 $0x1;
	p0 =	seq.s32 s7, s2  }
0x1e: {  	s7 =	smul.u32 @!p0 $0xF7A, s2;
	p2 =	seq.s32 @!p0 s5, $0x0  }
0x1f: {  	s9 =	smul.u32 $0xF7A, s1;
	s8 =	simm.s32 @!p0 $0x1BF5;
	p2 =	por !p2, p0  }
0x20: {  	[sflag:s8] =	ssyncset.s32 @!p0 $0xFFFFF086;
	s6 =	sadd.s32 @!p0 s3, s7;
	s7 =	simm.s32 @!p0 $0x108  }
0x21: {  	s3 =	sadd.s32 s3, s9;
	s6 =	sadd.s32 @!p0 $0x88, s6;
	s7 =	simm.s32 @p2 $0x1082  }
0x22: {  	[simem:s7], [sflag:s8] =	dma.local @!p0 [hbm:s6], $0xF7A  }
0x23: {  	s9 =	sor.u32 $0xD0000000, s2;
	s6 =	simm.s32 $0x108;
	_ =	swait.ge @!p0 [sflag:s8], $0x0  }
0x24: {  	s3 =	sadd.s32 $0x88, s3;
	s6 =	simm.s32 @!p1 $0x1082;
	[sflag:s4] =	ssyncset.s32 $0xFFFFF086  }
0x25: {  	[simem:s6], [sflag:s4] =	dma.local [hbm:s3], $0xF7A  }
0x26: {  	[smem:$0x3F8C] =	sst s1;
	(tag) =	ssettag s2;
	_ =	strace s9  }
0x27: {  	s1 =	sld [smem:$0x3F9C]  }
0x28: {  	s2 =	sld [smem:$0x3F9D]  }
0x29: {  	s4 =	sld [smem:$0x3F9F]  }
0x2a: {  	p0 =	seq.s32 s5, $0x0;
	s5 =	sld [smem:$0x3FA0]  }
0x2b: {  	s6 =	sld [smem:$0x3FA1]  }
0x2c: {  	s7 =	sld [smem:$0x3FA2]  }
0x2d: {  	s3 =	simm.s32 $0x108;
	s8 =	sld [smem:$0x3FA3]  }
0x2e: {  	s3 =	simm.s32 @!p0 $0x1082;
	s9 =	sld [smem:$0x3FA4]  }
0x2f: {  	lr =	sadd.s32 s0, s3;
	s0 =	sld [smem:$0x3F9B]  }
0x30: {  	s3 =	sld [smem:$0x3F9E]  }
0x31: {  	[smem:$0x3FA7] =	sst s10  }
0x32: {  	s10 =	sld [smem:$0x3FA5];
	_ =	sdelay $0x3  }
0x33: {  	p0 =	seq.s32 s10, $0x1;
	s10 =	sld [smem:$0x3FA7];
	_ =	sdelay $0x3  }
0x34: {  	[smem:$0x3FA7] =	sst s10  }
0x35: {  	s10 =	sld [smem:$0x3FA6];
	_ =	sdelay $0x3  }
0x36: {  	p1 =	seq.s32 s10, $0x1;
	s10 =	sld [smem:$0x3FA7];
	_ =	sdelay $0x3  }
0x37: {  	[smem:$0x3FA7] =	sst s10  }
0x38: {  	s10 =	sld [smem:$0x3FA8]  }
0x39: {  	_ = 	snop;
	(pc) =	sbr.ind lr, $3  }
0x3a: {  	_ = 	snop  }
0x3b: {  	_ = 	snop  }
0x3c: {  	p2 =	seq.s32 s10, $0x1;
	s10 =	sld [smem:$0x3FA7]  }
0x3d: {  	_ =	shalt  }
0x3e: {  	_ =	shalt  }
0x3f: {  	_ =	shalt  }
0x40: {  	_ =	shalt  }
0x41: {  	_ =	shalt  }
0x42: {  	_ =	shalt  }
0x43: {  	_ =	shalt  }
0x44: {  	_ =	shalt  }
0x45: {  	_ =	shalt  }
0x46: {  	_ =	shalt  }
0x47: {  	_ =	shalt  }
0x48: {  	_ =	shalt  }
0x49: {  	_ =	shalt  }
0x4a: {  	_ =	shalt  }
0x4b: {  	_ =	shalt  }
0x4c: {  	_ =	shalt  }
0x4d: {  	_ =	shalt  }
0x4e: {  	_ =	shalt  }
0x4f: {  	_ =	shalt  }
0x50: {  	_ =	shalt  }
0x51: {  	_ =	shalt  }
0x52: {  	_ =	shalt  }
0x53: {  	_ =	shalt  }
0x54: {  	_ =	shalt  }
0x55: {  	_ =	shalt  }
0x56: {  	_ =	shalt  }
0x57: {  	_ =	shalt  }
0x58: {  	_ =	shalt  }
0x59: {  	_ =	shalt  }
0x5a: {  	_ =	shalt  }
0x5b: {  	_ =	shalt  }
0x5c: {  	_ =	shalt  }
0x5d: {  	_ =	shalt  }
0x5e: {  	_ =	shalt  }
0x5f: {  	_ =	shalt  }
0x60: {  	_ =	shalt  }
0x61: {  	_ =	shalt  }
0x62: {  	_ =	shalt  }
0x63: {  	_ =	shalt  }
0x64: {  	_ =	shalt  }
0x65: {  	_ =	shalt  }
0x66: {  	_ =	shalt  }
0x67: {  	_ =	shalt  }
0x68: {  	_ =	shalt  }
0x69: {  	_ =	shalt  }
0x6a: {  	_ =	shalt  }
0x6b: {  	_ =	shalt  }
0x6c: {  	_ =	shalt  }
0x6d: {  	_ =	shalt  }
0x6e: {  	_ =	shalt  }
0x6f: {  	_ =	shalt  }
0x70: {  	_ =	shalt  }
0x71: {  	_ =	shalt  }
0x72: {  	_ =	shalt  }
0x73: {  	_ =	shalt  }
0x74: {  	_ =	shalt  }
0x75: {  	_ =	shalt  }
0x76: {  	_ =	shalt  }
0x77: {  	_ =	shalt  }
0x78: {  	_ =	shalt  }
0x79: {  	_ =	shalt  }
0x7a: {  	_ =	shalt  }
0x7b: {  	_ =	shalt  }
0x7c: {  	_ =	shalt  }
0x7d: {  	_ =	shalt  }
0x7e: {  	_ =	shalt  }
0x7f: {  	_ =	shalt  }
0x80: {  	_ =	shalt  }
0x81: {  	_ =	shalt  }
0x82: {  	_ =	shalt  }
0x83: {  	_ =	shalt  }
0x84: {  	_ =	shalt  }
0x85: {  	_ =	shalt  }
0x86: {  	_ =	shalt  }
0x87: {  	_ =	shalt  }
.Lfunc_end0:
.L_simem_size_0:
called_computation_lowered:
.L_overlay_start_0:
0x88: {  	s2 =	sld [smem:$0x3FD9]  }
0x89: {  	s3 =	sld [smem:$0x3FFE];
	_ =	sdelay $0x1  }
0x8a: {  	s1 =	srdreg.scid  }
0x8b: {  	s0 =	sand.u32 $0x1, s1  }
0x8c: {  	s16 =	sshll.u32 s0, $0xA;
	s2 =	sadd.s32 s3, s2  }
0x8d: {  	s2 =	sadd.s32 s2, s16  }
0x8e: {  	[smem:$0x3FB3] =	sst s2  }
0x8f: {  	_ = 	snop  }
0x90: {  	(tm) =	ssettm $0x1  }
0x91: {  	s17 =	sld [smem:$0x3FFB];
	_ =	sdelay $0x3  }
0x92: {  	_ =	strace s17  }
0x93: {  	s2 =	sld [smem:$0x3FFC];
	_ =	sdelay $0x3  }
0x94: {  	_ =	strace s2  }
0x95: {  	s2 =	sld [smem:$0x3FFD];
	_ =	sdelay $0x3  }
0x96: {  	_ =	strace s2  }
0x97: {  	_ =	strace $0x8FFFFFFF  }
0x98: {  	s18 =	sld [smem:$0x3FDB];
	_ =	sdelay $0x1  }
0x99: {  	s19 =	simm.s32 $_scs_section_size  }
0x9a: {  	s4 =	simm.s32 $_size__tile_overlayer_lowered;
	s5 =	simm.s32 $_tile_overlayer_lowered  }
0x9b: {  	s22 =	simm.s32 $0x1BFF;
	s21 =	sshll.u32 s5, $0x1;
	s2 =	sadd.s32 s19, s18  }
0x9c: {  	s6 =	simm.s32 $0x0;
	s20 =	sshll.u32 s4, $0x1;
	s4 =	sadd.s32 s21, s2  }
0x9d: {  	[timem:s6], [sflag:s22] =	dma.local [hbm:s4], s20  }
0x9e: {  	_ =	swait.ge [sflag:s22], s20  }
0x9f: {  	s3 =	ssub.s32 $0x0, s20;
	[sflag:s22] =	ssyncset.done $0x0  }
0xa0: {  	[sflag:s22] =	ssyncadd.s32 s3;
	_ =	sdelay $0x1  }
0xa1: {  	s23 =	simm.s32 $0x1B8B  }
0xa2: {  	_ =	swait.ge [sflag:s23], $0x1  }
0xa3: {  	[sflag:s23] =	ssyncset.done $0x0  }
0xa4: {  	s25 =	simm.s32 $0x1B8E;
	s24 =	sld [smem:$0x3FFE];
	[sflag:s23] =	ssyncadd.s32 $0xFFFFFFFF  }
0xa5: {  	s26 =	simm.s32 $execute0_lowered;
	[smem:$0x3FD2] =	sst s25  }
0xa6: {  	s4 =	sshll.u32 s26, $0x1;
	_ =	strace $0x80000046;
	[dreg:$0x1] =	wrdreg $0xFFFFFFFF  }
0xa7: {  	s28 =	simm.s32 $_size_execute0_lowered;
	s2 =	sadd.s32 s2, s4;
	[dreg:$0x0] =	wrdreg $0x0  }
0xa8: {  	s4 =	sshll.u32 s28, $0x1;
	[dreg:$0x2] =	wrdreg s2  }
0xa9: {  	[dreg:$0x3] =	wrdreg s4  }
0xaa: {  	[dreg:$0x4] =	wrdreg $0xC0  }
0xab: {  	_ =	task [dreg:s6], $0x5FFFF  }
0xac: {  	[dreg:$0x1] =	wrdreg $0xFFFFFFFF  }
0xad: {  	[dreg:$0x0] =	wrdreg $0x60  }
0xae: {  	[dreg:$0x2] =	wrdreg s24  }
0xaf: {  	[dreg:$0x3] =	wrdreg $0x9  }
0xb0: {  	_ =	task.clear_ibuf [dreg:s6], $0x4FFFF;
	_ =	strace $0x90000046  }
0xb1: {  	s29 =	simm.s32 $0x9;
	_ =	strace $0x80000048  }
0xb2: {  	_ =	swait.ge [sflag:s29], $0x1  }
0xb3: {  	[sflag:s29] =	ssyncadd.s32 $0xFFFFFFFF  }
0xb4: {  	_ =	strace $0x90000048  }
0xb5: {  	_ =	sfence  }
0xb6: {  	s30 =	sld [smem:$0x0];
	_ =	sdelay $0x2  }
0xb7: {  	s31 =	sshll.u32 s1, $0xD;
	s1 =	sshrl.u32 s1, $0x2  }
0xb8: {  	s3 =	sand.u32 $0x4000, s31;
	s1 =	sadd.s32 s1, s30  }
0xb9: {  	s0 =	sor.u32 s3, s0;
	s1 =	sshll.u32 s1, $0x11  }
0xba: {  	s0 =	sor.u32 s1, s0  }
0xbb: {  	s0 =	sadd.s32 $0x8F2B, s0  }
0xbc: {  	[sflag:s0] =	ssyncadd.remote.s32 $0x1  }
0xbd: {  	_ =	sfence.sel $0xFFFF  }
0xbe: {  	[dreg:$0x0] =	wrdreg $0xFFFFFFFF;
	(pc) =	sbr.abs _section_cstart, $3  }
0xbf: {  	[dreg:$0x1] =	wrdreg $0xFFFFFFFF  }
0xc0: {  	_ =	task.clear_ibuf [dreg:s6], $0x2FFFF;
	_ =	strace $0x9FFFFFFF  }
0xc1: {  	(tm) =	ssettm $0x7FFFFFFF  }
tec
execute0_lowered:
.L_overlay_start_1:
0x0: {  	(tag) =	ssettag $0x1  }
0x1: {  	s0 =	srdreg.scid  }
0x2: {  	s3 =	sand.u32 $0x1, s0  }
0x3: {  	s0 =	stileid.u32;
	s1 =	sshll.u32 s3, $0x4  }
0x4: {  	s4 =	rddreg [dreg:$0x0];
	s8 =	simm.s32 $0x1;
	s2 =	sor.u32 s0, s1  }
0x5: {  	s9 =	simm.s32 $0x2780;
	s6 =	sshll.u32 s0, $0x7;
	s5 =	sshrl.u32 s2, $0x3  }
0x6: {  	s3 =	ssub.s32 $0x2, s3;
	s1 =	rddreg [dreg:$0x1];
	s7 =	smul.u32 $0x13C00, s5  }
0x7: {  	s30 =	sshrl.u32 s3, $0x1;
	s2 =	simm.s32 $0x0;
	s5 =	smul.u32 $0x14000, s5  }
0x8: {  	s6 =	sand.u32 $0x380, s6;
	s31 =	ssub.s32 s3, s30;
	[smem:$0x7FF] =	sst s2  }
0x9: {  	_ =	strace $0x80000047;
	s7 =	sor.u32 s6, s7;
	s5 =	sor.u32 s6, s5  }
0xa: {  	s6 =	simm.s32 $0x80;
	s7 =	sshrl.u32 s7, $0x3;
	s5 =	sshrl.u32 s5, $0x3  }
0xb: {  	s29 =	sadd.s32 s7, s4;
	s4 =	sadd.s32 s5, s4;
	s5 =	smax.u32 s31, $0x1  }
0xc: {  	v0 =	vimm.f32 $0.0e+00;
	v1 =	vimm.f32 $1.000000000e+00;
	s7 =	simm.s32 $0x400;
	s3 =	sadd.s32 $0x4C00, s29;
	s4 =	sadd.s32 $0xEA00, s4  }
.LBB2_1:
0xd: {  	s10 =	simm.s32 $0x40;
	s11 =	simm.s32 $0x0  }
.LBB2_2:
0xe: {  	p0 =	sne.s32 s10, $0x9FC0;
	[tilespmem:s11+$0x2780] =	vst v0;
	s11 =	smov.u32 s10;
	s10 =	sadd.s32 $0x40, s10  }
.Ltmp0:
0xf: {  	(pc) =	sbr.rel @p0 .LBB2_2-.Ltmp0, $2  }
0x10: {  	_ =	sdelay $0x2  }
0x11: {  	s11 =	sshra.s32 s11, $0x2  }
0x12: {  	[tilespmem:s11+$0x2780] =	vst v0;
	s10 =	simm.s32 $0x0  }
0x13: {  	[tilespmem:s10], [sflag:$0x1] =	stream.strided.gather [hbm4b:s3+s6], $0x2780, s7, s6, $0x38;
	[tilespmem:$0x4F80] =	vst v63  }
0x14: {  	_ =	swait.ge [sflag:s8], $0x2780  }
0x15: {  	[sflag:s8] =	ssyncset.done $0x0  }
0x16: {  	s11 =	simm.s32 $0x0;
	s10 =	simm.s32 $0x40;
	[sflag:s8] =	ssyncadd.s32 $0xFFFFD880  }
.LBB2_4:
0x17: {  	p0 =	sne.s32 s10, $0x9C00;
	v2 =	vld [tilespmem:s11+$0x0];
	_ =	sdelay $0x3  }
.Ltmp1:
0x18: {  	(pc) =	sbr.rel @p0 .LBB2_4-.Ltmp1, $2  }
0x19: {  	_ =	sdelay $0x2  }
0x1a: {  	s11 =	sshra.s32 s10, $0x2;
	s10 =	sadd.s32 $0x40, s10;
	[tilespmem:v2+s9+$0x0] =	vst.idx.add.f32.msk $0xffff, v1  }
0x1b: {  	v2 =	vld [tilespmem:s11+$0x0];
	_ =	sdelay $0x5  }
0x1c: {  	s2 =	sadd.s32 $0x1, s2  }
0x1d: {  	p0 =	sne.s32 s2, s5  }
.Ltmp2:
0x1e: {  	[tilespmem:v2+s9+$0x0] =	vst.idx.add.f32.msk $0xffff, v1;
	(pc) =	sbr.rel @p0 .LBB2_1-.Ltmp2, $4  }
0x1f: {  	[hbm4b:s4+s6] =	stream.strided.scatter [tilespmem:s9], [sflag:$0x1], $0x2800, s7, s6, $0x38;
	[tilespmem:$0x4F80] =	vst v63  }
0x20: {  	_ =	swait.ge [sflag:s8], $0x2800  }
0x21: {  	[sflag:s8] =	ssyncset.done $0x0  }
0x22: {  	[sflag:s8] =	ssyncadd.s32 $0xFFFFD800  }
0x23: {  	_ =	sfence.sel $0x180000  }
0x24: {  	[bflag:$0x0] =	sbarrier.arrive $0xFFFF  }
0x25: {  	p0 =	sne.s32 s0, $0x0;
	_ =	strace $0x90000047  }
0x26: {  	s0 =	sadd.s32 @!p0 $0x100000, s1;
	[bflag:$0x2] =	sbarrier.arrive $0xFFFF  }
0x27: {  	[sflag:s0] =	ssyncadd.tile.s32 @!p0 $0x1;
	_ =	shalt  }
.Lfunc_end2:
_tile_overlayer_lowered:
.L_overlay_start_2:
0x28: {  	(tag) =	ssettag $0x2  }
0x29: {  	s0 =	rddreg [dreg:$0x0];
	s2 =	stileid.u32  }
0x2a: {  	s1 =	rddreg [dreg:$0x1];
	p0 =	sne.s32 s2, $0x0  }
0x2b: {  	s3 =	rddreg [dreg:$0x2];
	[bflag:$0x3] =	sbarrier.arrive $0xFFFF;
	s2 =	simm.s32 @!p0 $0x1C01  }
0x2c: {  	[timem:s3], [sflag:s2] =	dma.local @!p0 [hbm:s0], s1  }
0x2d: {  	s0 =	simm.s32 @!p0 $0x1  }
0x2e: {  	_ =	swait.ge @!p0 [sflag:s0], s1  }
0x2f: {  	s1 =	ssub.s32 @!p0 $0x0, s1;
	[sflag:s0] =	ssyncset.done @!p0 $0x0  }
0x30: {  	[sflag:s0] =	ssyncadd.s32 @!p0 s1  }
0x31: {  	[bflag:$0x3] =	sbarrier.arrive $0xFFFF  }
0x32: {  	_ =	shalt  }

// kernel: kernel.13.cloned.1.call-start
scs
__scs_entry_jumppad:
0x0: {  	(pc) =	sbr.rel $0x88, $3  }
0x1: {  	(tag) =	ssettag $0x0;
	lr =	simm.s32 $0x1  }
0x2: {  	[smem:$0x3F8C] =	sst lr;
	_ =	strace $0xD0000000  }
0x3: {  	_ = 	snop  }
0x4: {  	_ = 	snop  }
0x5: {  	_ = 	snop  }
0x6: {  	_ = 	snop  }
0x7: {  	_ = 	snop  }
__scs_overlays_trampoline_lowered:
0x8: {  	[smem:$0x3F9B] =	sst s0  }
0x9: {  	[smem:$0x3F9C] =	sst s1  }
0xa: {  	[smem:$0x3F9D] =	sst s2  }
0xb: {  	[smem:$0x3F9E] =	sst s3  }
0xc: {  	[smem:$0x3F9F] =	sst s4  }
0xd: {  	[smem:$0x3FA0] =	sst s5  }
0xe: {  	[smem:$0x3FA1] =	sst s6  }
0xf: {  	[smem:$0x3FA2] =	sst s7  }
0x10: {  	[smem:$0x3FA3] =	sst s8  }
0x11: {  	[smem:$0x3FA4] =	sst s9;
	s0 =	simm.s32 @!p0 $0x0  }
0x12: {  	s1 =	sld [smem:$0x3F8A];
	s0 =	simm.s32 @p0 $0x1  }
0x13: {  	[smem:$0x3FA5] =	sst s0;
	s0 =	simm.s32 @!p1 $0x0  }
0x14: {  	s2 =	sld [smem:$0x3F89];
	s0 =	simm.s32 @p1 $0x1  }
0x15: {  	[smem:$0x3FA6] =	sst s0;
	s0 =	simm.s32 @!p2 $0x0  }
0x16: {  	s3 =	sld [smem:$0x3FDB];
	s0 =	simm.s32 @p2 $0x1  }
0x17: {  	s4 =	simm.s32 $0x1BF5;
	[smem:$0x3FA8] =	sst s0  }
0x18: {  	s0 =	sld [smem:$0x3F8B];
	_ =	swait.ge [sflag:s4], $0x0  }
0x19: {  	s7 =	sld [smem:$0x3F8C]  }
0x1a: {  	s8 =	sadd.s32 $0xFFFFE003, lr  }
0x1b: {  	s9 =	sadd.s32 $0xFFFFFEF7, lr;
	s5 =	simm.s32 $0xFFFFFFFF;
	p2 =	slt.u32 s8, $0xFFFFF086  }
0x1c: {  	p1 =	slt.u32 s9, $0xF7A;
	s5 =	simm.s32 @!p2 $0x0  }
0x1d: {  	s5 =	simm.s32 @p1 $0x1;
	p0 =	seq.s32 s7, s2  }
0x1e: {  	s7 =	smul.u32 @!p0 $0xF7A, s2;
	p2 =	seq.s32 @!p0 s5, $0x0  }
0x1f: {  	s9 =	smul.u32 $0xF7A, s1;
	s8 =	simm.s32 @!p0 $0x1BF5;
	p2 =	por !p2, p0  }
0x20: {  	[sflag:s8] =	ssyncset.s32 @!p0 $0xFFFFF086;
	s6 =	sadd.s32 @!p0 s3, s7;
	s7 =	simm.s32 @!p0 $0x108  }
0x21: {  	s3 =	sadd.s32 s3, s9;
	s6 =	sadd.s32 @!p0 $0x88, s6;
	s7 =	simm.s32 @p2 $0x1082  }
0x22: {  	[simem:s7], [sflag:s8] =	dma.local @!p0 [hbm:s6], $0xF7A  }
0x23: {  	s9 =	sor.u32 $0xD0000000, s2;
	s6 =	simm.s32 $0x108;
	_ =	swait.ge @!p0 [sflag:s8], $0x0  }
0x24: {  	s3 =	sadd.s32 $0x88, s3;
	s6 =	simm.s32 @!p1 $0x1082;
	[sflag:s4] =	ssyncset.s32 $0xFFFFF086  }
0x25: {  	[simem:s6], [sflag:s4] =	dma.local [hbm:s3], $0xF7A  }
0x26: {  	[smem:$0x3F8C] =	sst s1;
	(tag) =	ssettag s2;
	_ =	strace s9  }
0x27: {  	s1 =	sld [smem:$0x3F9C]  }
0x28: {  	s2 =	sld [smem:$0x3F9D]  }
0x29: {  	s4 =	sld [smem:$0x3F9F]  }
0x2a: {  	p0 =	seq.s32 s5, $0x0;
	s5 =	sld [smem:$0x3FA0]  }
0x2b: {  	s6 =	sld [smem:$0x3FA1]  }
0x2c: {  	s7 =	sld [smem:$0x3FA2]  }
0x2d: {  	s3 =	simm.s32 $0x108;
	s8 =	sld [smem:$0x3FA3]  }
0x2e: {  	s3 =	simm.s32 @!p0 $0x1082;
	s9 =	sld [smem:$0x3FA4]  }
0x2f: {  	lr =	sadd.s32 s0, s3;
	s0 =	sld [smem:$0x3F9B]  }
0x30: {  	s3 =	sld [smem:$0x3F9E]  }
0x31: {  	[smem:$0x3FA7] =	sst s10  }
0x32: {  	s10 =	sld [smem:$0x3FA5];
	_ =	sdelay $0x3  }
0x33: {  	p0 =	seq.s32 s10, $0x1;
	s10 =	sld [smem:$0x3FA7];
	_ =	sdelay $0x3  }
0x34: {  	[smem:$0x3FA7] =	sst s10  }
0x35: {  	s10 =	sld [smem:$0x3FA6];
	_ =	sdelay $0x3  }
0x36: {  	p1 =	seq.s32 s10, $0x1;
	s10 =	sld [smem:$0x3FA7];
	_ =	sdelay $0x3  }
0x37: {  	[smem:$0x3FA7] =	sst s10  }
0x38: {  	s10 =	sld [smem:$0x3FA8]  }
0x39: {  	_ = 	snop;
	(pc) =	sbr.ind lr, $3  }
0x3a: {  	_ = 	snop  }
0x3b: {  	_ = 	snop  }
0x3c: {  	p2 =	seq.s32 s10, $0x1;
	s10 =	sld [smem:$0x3FA7]  }
0x3d: {  	_ =	shalt  }
0x3e: {  	_ =	shalt  }
0x3f: {  	_ =	shalt  }
0x40: {  	_ =	shalt  }
0x41: {  	_ =	shalt  }
0x42: {  	_ =	shalt  }
0x43: {  	_ =	shalt  }
0x44: {  	_ =	shalt  }
0x45: {  	_ =	shalt  }
0x46: {  	_ =	shalt  }
0x47: {  	_ =	shalt  }
0x48: {  	_ =	shalt  }
0x49: {  	_ =	shalt  }
0x4a: {  	_ =	shalt  }
0x4b: {  	_ =	shalt  }
0x4c: {  	_ =	shalt  }
0x4d: {  	_ =	shalt  }
0x4e: {  	_ =	shalt  }
0x4f: {  	_ =	shalt  }
0x50: {  	_ =	shalt  }
0x51: {  	_ =	shalt  }
0x52: {  	_ =	shalt  }
0x53: {  	_ =	shalt  }
0x54: {  	_ =	shalt  }
0x55: {  	_ =	shalt  }
0x56: {  	_ =	shalt  }
0x57: {  	_ =	shalt  }
0x58: {  	_ =	shalt  }
0x59: {  	_ =	shalt  }
0x5a: {  	_ =	shalt  }
0x5b: {  	_ =	shalt  }
0x5c: {  	_ =	shalt  }
0x5d: {  	_ =	shalt  }
0x5e: {  	_ =	shalt  }
0x5f: {  	_ =	shalt  }
0x60: {  	_ =	shalt  }
0x61: {  	_ =	shalt  }
0x62: {  	_ =	shalt  }
0x63: {  	_ =	shalt  }
0x64: {  	_ =	shalt  }
0x65: {  	_ =	shalt  }
0x66: {  	_ =	shalt  }
0x67: {  	_ =	shalt  }
0x68: {  	_ =	shalt  }
0x69: {  	_ =	shalt  }
0x6a: {  	_ =	shalt  }
0x6b: {  	_ =	shalt  }
0x6c: {  	_ =	shalt  }
0x6d: {  	_ =	shalt  }
0x6e: {  	_ =	shalt  }
0x6f: {  	_ =	shalt  }
0x70: {  	_ =	shalt  }
0x71: {  	_ =	shalt  }
0x72: {  	_ =	shalt  }
0x73: {  	_ =	shalt  }
0x74: {  	_ =	shalt  }
0x75: {  	_ =	shalt  }
0x76: {  	_ =	shalt  }
0x77: {  	_ =	shalt  }
0x78: {  	_ =	shalt  }
0x79: {  	_ =	shalt  }
0x7a: {  	_ =	shalt  }
0x7b: {  	_ =	shalt  }
0x7c: {  	_ =	shalt  }
0x7d: {  	_ =	shalt  }
0x7e: {  	_ =	shalt  }
0x7f: {  	_ =	shalt  }
0x80: {  	_ =	shalt  }
0x81: {  	_ =	shalt  }
0x82: {  	_ =	shalt  }
0x83: {  	_ =	shalt  }
0x84: {  	_ =	shalt  }
0x85: {  	_ =	shalt  }
0x86: {  	_ =	shalt  }
0x87: {  	_ =	shalt  }
.Lfunc_end0:
.L_simem_size_0:
called_computation.1_lowered:
.L_overlay_start_0:
0x88: {  	s2 =	sld [smem:$0x3FD9]  }
0x89: {  	s3 =	sld [smem:$0x3FFE];
	_ =	sdelay $0x1  }
0x8a: {  	s1 =	srdreg.scid  }
0x8b: {  	s0 =	sand.u32 $0x1, s1  }
0x8c: {  	s16 =	sshll.u32 s0, $0xA;
	s2 =	sadd.s32 s3, s2  }
0x8d: {  	s2 =	sadd.s32 s2, s16  }
0x8e: {  	[smem:$0x3FB3] =	sst s2  }
0x8f: {  	_ = 	snop  }
0x90: {  	(tm) =	ssettm $0x1  }
0x91: {  	s17 =	sld [smem:$0x3FFB];
	_ =	sdelay $0x3  }
0x92: {  	_ =	strace s17  }
0x93: {  	s2 =	sld [smem:$0x3FFC];
	_ =	sdelay $0x3  }
0x94: {  	_ =	strace s2  }
0x95: {  	s2 =	sld [smem:$0x3FFD];
	_ =	sdelay $0x3  }
0x96: {  	_ =	strace s2  }
0x97: {  	_ =	strace $0x8FFFFFFF  }
0x98: {  	s18 =	sld [smem:$0x3FDB];
	_ =	sdelay $0x1  }
0x99: {  	s19 =	simm.s32 $_scs_section_size  }
0x9a: {  	s4 =	simm.s32 $_size__tile_overlayer_lowered;
	s5 =	simm.s32 $_tile_overlayer_lowered  }
0x9b: {  	s22 =	simm.s32 $0x1BFF;
	s21 =	sshll.u32 s5, $0x1;
	s2 =	sadd.s32 s19, s18  }
0x9c: {  	s6 =	simm.s32 $0x0;
	s20 =	sshll.u32 s4, $0x1;
	s4 =	sadd.s32 s21, s2  }
0x9d: {  	[timem:s6], [sflag:s22] =	dma.local [hbm:s4], s20  }
0x9e: {  	_ =	swait.ge [sflag:s22], s20  }
0x9f: {  	s3 =	ssub.s32 $0x0, s20;
	[sflag:s22] =	ssyncset.done $0x0  }
0xa0: {  	[sflag:s22] =	ssyncadd.s32 s3;
	_ =	sdelay $0x1  }
0xa1: {  	s23 =	simm.s32 $0x1B8B  }
0xa2: {  	_ =	swait.ge [sflag:s23], $0x1  }
0xa3: {  	[sflag:s23] =	ssyncset.done $0x0  }
0xa4: {  	s25 =	simm.s32 $0x1B8E;
	s24 =	sld [smem:$0x3FFE];
	[sflag:s23] =	ssyncadd.s32 $0xFFFFFFFF  }
0xa5: {  	s26 =	simm.s32 $execute0_lowered;
	[smem:$0x3FD2] =	sst s25  }
0xa6: {  	s4 =	sshll.u32 s26, $0x1;
	_ =	strace $0x80000049;
	[dreg:$0x1] =	wrdreg $0xFFFFFFFF  }
0xa7: {  	s28 =	simm.s32 $_size_execute0_lowered;
	s2 =	sadd.s32 s2, s4;
	[dreg:$0x0] =	wrdreg $0x0  }
0xa8: {  	s4 =	sshll.u32 s28, $0x1;
	[dreg:$0x2] =	wrdreg s2  }
0xa9: {  	[dreg:$0x3] =	wrdreg s4  }
0xaa: {  	[dreg:$0x4] =	wrdreg $0xC0  }
0xab: {  	_ =	task [dreg:s6], $0x5FFFF  }
0xac: {  	[dreg:$0x1] =	wrdreg $0xFFFFFFFF  }
0xad: {  	[dreg:$0x0] =	wrdreg $0x60  }
0xae: {  	[dreg:$0x2] =	wrdreg s24  }
0xaf: {  	[dreg:$0x3] =	wrdreg $0x90000  }
0xb0: {  	[dreg:$0x4] =	wrdreg $0x9  }
0xb1: {  	_ =	task.clear_ibuf [dreg:s6], $0x5FFFF;
	_ =	strace $0x90000049  }
0xb2: {  	s29 =	simm.s32 $0x9;
	_ =	strace $0x8000004B  }
0xb3: {  	_ =	swait.ge [sflag:s29], $0x1  }
0xb4: {  	[sflag:s29] =	ssyncadd.s32 $0xFFFFFFFF  }
0xb5: {  	_ =	strace $0x9000004B  }
0xb6: {  	_ =	sfence  }
0xb7: {  	s30 =	sld [smem:$0x0];
	_ =	sdelay $0x2  }
0xb8: {  	s31 =	sshll.u32 s1, $0xD;
	s1 =	sshrl.u32 s1, $0x2  }
0xb9: {  	s3 =	sand.u32 $0x4000, s31;
	s1 =	sadd.s32 s1, s30  }
0xba: {  	s0 =	sor.u32 s3, s0;
	s1 =	sshll.u32 s1, $0x11  }
0xbb: {  	s0 =	sor.u32 s1, s0  }
0xbc: {  	s0 =	sadd.s32 $0x8F2B, s0  }
0xbd: {  	[sflag:s0] =	ssyncadd.remote.s32 $0x1  }
0xbe: {  	_ =	sfence.sel $0xFFFF  }
0xbf: {  	[dreg:$0x0] =	wrdreg $0xFFFFFFFF;
	(pc) =	sbr.abs _section_cstart, $3  }
0xc0: {  	[dreg:$0x1] =	wrdreg $0xFFFFFFFF  }
0xc1: {  	_ =	task.clear_ibuf [dreg:s6], $0x2FFFF;
	_ =	strace $0x9FFFFFFF  }
0xc2: {  	(tm) =	ssettm $0x7FFFFFFF  }
0xc3: {  	_ =	shalt  }
tec
execute0_lowered:
.L_overlay_start_1:
0x0: {  	(tag) =	ssettag $0x1  }
0x1: {  	s0 =	rddreg [dreg:$0x0]  }
0x2: {  	s1 =	rddreg [dreg:$0x1]  }
0x3: {  	s2 =	simm.s32 $0x0;
	s3 =	srdreg.scid;
	s11 =	stileid.u32  }
0x4: {  	s29 =	simm.s32 $0x1000;
	s30 =	simm.s32 $0x9;
	s31 =	simm.s32 $0x5  }
0x5: {  	[smem:$0x7FF] =	sst s2;
	s4 =	sadd.s32 $0x18A00, s0;
	s5 =	sadd.s32 $0x2CA00, s0  }
0x6: {  	s3 =	sand.u32 $0x1, s3;
	s7 =	smul.u32 $0x50000, s11;
	s6 =	sadd.s32 $0x40A00, s0  }
0x7: {  	s0 =	sadd.s32 $0x68A00, s0;
	s10 =	smul.u32 $0x14000, s11;
	_ =	strace $0x8000004A  }
0x8: {  	s8 =	ssub.s32 $0x2, s3;
	s22 =	sshll.u32 s3, $0x4;
	s3 =	smul.u32 $0x140000, s3  }
0x9: {  	s9 =	sshrl.u32 s8, $0x1;
	s7 =	sshrl.u32 s7, $0x2;
	s12 =	sor.u32 s11, s22  }
0xa: {  	s16 =	sadd.s32 $0x4000, s10;
	s17 =	sadd.s32 $0x8000, s10;
	s25 =	sadd.s32 $0xC000, s10  }
0xb: {  	s18 =	sadd.s32 $0x10000, s10;
	s8 =	ssub.s32 s8, s9;
	s7 =	sadd.s32 s7, s1  }
0xc: {  	s9 =	sadd.s32 s16, s1;
	s11 =	sadd.s32 s17, s1;
	s14 =	sadd.s32 s25, s1  }
0xd: {  	s15 =	sadd.s32 s18, s1;
	s10 =	sadd.s32 s10, s3;
	s16 =	sadd.s32 s3, s16  }
0xe: {  	s17 =	sadd.s32 s3, s17;
	s23 =	sadd.s32 $0x2000, s7;
	s24 =	sadd.s32 $0x6000, s7  }
0xf: {  	s13 =	sadd.s32 $0xA000, s7;
	s10 =	sshrl.u32 s10, $0x3;
	[dreg:$0x3] =	wrdreg s23  }
0x10: {  	s16 =	sshrl.u32 s16, $0x3;
	s22 =	sshrl.u32 s17, $0x3;
	[dreg:$0x4] =	wrdreg s24  }
0x11: {  	s28 =	sadd.s32 $0x12000, s7;
	[dreg:$0x5] =	wrdreg s13;
	s10 =	sadd.s32 s0, s10  }
0x12: {  	s13 =	smul.u32 $0x5000, s12;
	s21 =	sadd.s32 s0, s16;
	[dreg:$0x8] =	wrdreg s10  }
0x13: {  	s12 =	sadd.s32 s3, s25;
	s3 =	sadd.s32 s3, s18;
	[dreg:$0x9] =	wrdreg s21  }
0x14: {  	s12 =	sshrl.u32 s12, $0x3;
	s3 =	sshrl.u32 s3, $0x3;
	s10 =	sadd.s32 s0, s22  }
0x15: {  	s19 =	sshrl.u32 s13, $0x3;
	[dreg:$0xa] =	wrdreg s10;
	s23 =	sadd.s32 s0, s12  }
0x16: {  	s0 =	sadd.s32 s0, s3;
	s3 =	simm.s32 $0x5000;
	[dreg:$0xb] =	wrdreg s23  }
0x17: {  	s10 =	simm.s32 $0x3;
	s20 =	sadd.s32 s4, s19;
	[dreg:$0xc] =	wrdreg s0  }
.Ltmp0:
0x18: {  	s26 =	sadd.s32 s5, s19;
	[dreg:$0x6] =	wrdreg s20;
	(pc) =	sbr.rel .LBB2_1-.Ltmp0, $4  }
0x19: {  	[dreg:$0x7] =	wrdreg s26;
	s20 =	sor.u32 $0x40, s19;
	s26 =	smax.u32 s8, $0x1  }
0x1a: {  	s12 =	simm.s32 $0x0;
	s24 =	sadd.s32 s4, s20;
	[dreg:$0xf] =	wrdreg s26  }
0x1b: {  	s0 =	simm.s32 $0x40;
	s25 =	sadd.s32 s5, s20;
	[dreg:$0xd] =	wrdreg s24  }
0x1c: {  	v0 =	vimm.f32 $0.0e+00;
	s8 =	simm.s32 $0x1;
	s26 =	sadd.s32 $0xE000, s7;
	[dreg:$0xe] =	wrdreg s25  }
.LBB2_9:
0x1d: {  	s16 =	stileid.u32  }
0x1e: {  	[bflag:$0x0] =	sbarrier.arrive $0xFFFF;
	s16 =	sshll.u32 s16, $0x6  }
0x1f: {  	s17 =	sshrl.u32 s7, $0x3;
	s18 =	rddreg [dreg:$0x8];
	s16 =	sor.u32 $0x1C09, s16  }
0x20: {  	[hbm:s18], [sflag:s16] =	dma.local [spmem:s17], $0x800  }
0x21: {  	_ =	swait.ge [sflag:s30], $0x800  }
0x22: {  	[sflag:s30] =	ssyncset.done $0x0  }
0x23: {  	s24 =	sshrl.u32 s9, $0x3;
	s25 =	rddreg [dreg:$0x9];
	[sflag:s30] =	ssyncadd.s32 $0xFFFFF800  }
0x24: {  	[hbm:s25], [sflag:s16] =	dma.local [spmem:s24], $0x800  }
0x25: {  	_ =	swait.ge [sflag:s30], $0x800  }
0x26: {  	[sflag:s30] =	ssyncset.done $0x0  }
0x27: {  	s19 =	sshrl.u32 s11, $0x3;
	s20 =	rddreg [dreg:$0xa];
	[sflag:s30] =	ssyncadd.s32 $0xFFFFF800  }
0x28: {  	[hbm:s20], [sflag:s16] =	dma.local [spmem:s19], $0x800  }
0x29: {  	_ =	swait.ge [sflag:s30], $0x800  }
0x2a: {  	[sflag:s30] =	ssyncset.done $0x0  }
0x2b: {  	s21 =	sshrl.u32 s14, $0x3;
	s22 =	rddreg [dreg:$0xb];
	[sflag:s30] =	ssyncadd.s32 $0xFFFFF800  }
0x2c: {  	[hbm:s22], [sflag:s16] =	dma.local [spmem:s21], $0x800  }
0x2d: {  	_ =	swait.ge [sflag:s30], $0x800  }
0x2e: {  	[sflag:s30] =	ssyncset.done $0x0  }
0x2f: {  	s23 =	sshrl.u32 s15, $0x3;
	s24 =	rddreg [dreg:$0xc];
	[sflag:s30] =	ssyncadd.s32 $0xFFFFF800  }
0x30: {  	[hbm:s24], [sflag:s16] =	dma.local [spmem:s23], $0x800  }
0x31: {  	_ =	swait.ge [sflag:s30], $0x800  }
0x32: {  	s12 =	sadd.s32 $0x1, s12;
	s25 =	rddreg [dreg:$0xf]  }
0x33: {  	p0 =	sne.s32 s12, s25  }
.Ltmp1:
0x34: {  	_ = 	snop;
	(pc) =	sbr.rel @!p0 .LBB2_10-.Ltmp1, $3  }
0x35: {  	_ =	sdelay $0x1  }
0x36: {  	[sflag:s30] =	ssyncset.done $0x0  }
0x37: {  	[sflag:s30] =	ssyncadd.s32 $0xFFFFF800  }
.LBB2_1:
0x38: {  	s16 =	simm.s32 $0x0;
	s17 =	simm.s32 $0x200  }
.LBB2_2:
0x39: {  	p0 =	sne.s32 s17, $0x7E00;
	[tilespmem:s16+$0x1070] =	vst v0  }
0x3a: {  	[tilespmem:s16+$0x1000] =	vst v0  }
0x3b: {  	[tilespmem:s16+$0x1010] =	vst v0  }
.Ltmp2:
0x3c: {  	[tilespmem:s16+$0x1020] =	vst v0;
	(pc) =	sbr.rel @p0 .LBB2_2-.Ltmp2, $4  }
0x3d: {  	[tilespmem:s16+$0x1030] =	vst v0  }
0x3e: {  	[tilespmem:s16+$0x1040] =	vst v0  }
0x3f: {  	[tilespmem:s16+$0x1050] =	vst v0  }
0x40: {  	[tilespmem:s16+$0x1060] =	vst v0;
	s16 =	sshra.s32 s17, $0x2;
	s17 =	sadd.s32 $0x200, s17  }
0x41: {  	[tilespmem:s16+$0x1070] =	vst v0  }
0x42: {  	[tilespmem:s16+$0x1000] =	vst v0  }
0x43: {  	[tilespmem:s16+$0x1010] =	vst v0  }
0x44: {  	[tilespmem:s16+$0x1020] =	vst v0  }
0x45: {  	[tilespmem:s16+$0x1030] =	vst v0  }
0x46: {  	[tilespmem:s16+$0x1040] =	vst v0  }
0x47: {  	[tilespmem:s16+$0x1050] =	vst v0  }
0x48: {  	[tilespmem:s16+$0x1060] =	vst v0  }
0x49: {  	[spmem:s7] =	stream.linear.scatter [tilespmem:s29], [sflag:$0x9], $0x2000, $0x38;
	[tilespmem:$0x1D000] =	vst v63  }
0x4a: {  	_ =	swait.ge [sflag:s30], $0x2000  }
0x4b: {  	[sflag:s30] =	ssyncset.done $0x0  }
0x4c: {  	s19 =	rddreg [dreg:$0x3];
	[sflag:s30] =	ssyncadd.s32 $0xFFFFE000  }
0x4d: {  	[spmem:s19] =	stream.linear.scatter [tilespmem:s29], [sflag:$0x9], $0x2000, $0x38;
	[tilespmem:$0x1D000] =	vst v63  }
0x4e: {  	_ =	swait.ge [sflag:s30], $0x2000  }
0x4f: {  	[sflag:s30] =	ssyncset.done $0x0  }
0x50: {  	[sflag:s30] =	ssyncadd.s32 $0xFFFFE000  }
0x51: {  	[spmem:s9] =	stream.linear.scatter [tilespmem:s29], [sflag:$0x9], $0x2000, $0x38;
	[tilespmem:$0x1D000] =	vst v63  }
0x52: {  	_ =	swait.ge [sflag:s30], $0x2000  }
0x53: {  	[sflag:s30] =	ssyncset.done $0x0  }
0x54: {  	s20 =	rddreg [dreg:$0x4];
	[sflag:s30] =	ssyncadd.s32 $0xFFFFE000  }
0x55: {  	[spmem:s20] =	stream.linear.scatter [tilespmem:s29], [sflag:$0x9], $0x2000, $0x38;
	[tilespmem:$0x1D000] =	vst v63  }
0x56: {  	_ =	swait.ge [sflag:s30], $0x2000  }
0x57: {  	[sflag:s30] =	ssyncset.done $0x0  }
0x58: {  	[sflag:s30] =	ssyncadd.s32 $0xFFFFE000  }
0x59: {  	[spmem:s11] =	stream.linear.scatter [tilespmem:s29], [sflag:$0x9], $0x2000, $0x38;
	[tilespmem:$0x1D000] =	vst v63  }
0x5a: {  	_ =	swait.ge [sflag:s30], $0x2000  }
0x5b: {  	[sflag:s30] =	ssyncset.done $0x0  }
0x5c: {  	s21 =	rddreg [dreg:$0x5];
	[sflag:s30] =	ssyncadd.s32 $0xFFFFE000  }
0x5d: {  	[spmem:s21] =	stream.linear.scatter [tilespmem:s29], [sflag:$0x9], $0x2000, $0x38;
	[tilespmem:$0x1D000] =	vst v63  }
0x5e: {  	_ =	swait.ge [sflag:s30], $0x2000  }
0x5f: {  	[sflag:s30] =	ssyncset.done $0x0  }
0x60: {  	[sflag:s30] =	ssyncadd.s32 $0xFFFFE000  }
0x61: {  	[spmem:s14] =	stream.linear.scatter [tilespmem:s29], [sflag:$0x9], $0x2000, $0x38;
	[tilespmem:$0x1D000] =	vst v63  }
0x62: {  	_ =	swait.ge [sflag:s30], $0x2000  }
0x63: {  	[sflag:s30] =	ssyncset.done $0x0  }
0x64: {  	[sflag:s30] =	ssyncadd.s32 $0xFFFFE000  }
0x65: {  	[spmem:s26] =	stream.linear.scatter [tilespmem:s29], [sflag:$0x9], $0x2000, $0x38;
	[tilespmem:$0x1D000] =	vst v63  }
0x66: {  	_ =	swait.ge [sflag:s30], $0x2000  }
0x67: {  	[sflag:s30] =	ssyncset.done $0x0  }
0x68: {  	[sflag:s30] =	ssyncadd.s32 $0xFFFFE000  }
0x69: {  	[spmem:s15] =	stream.linear.scatter [tilespmem:s29], [sflag:$0x9], $0x2000, $0x38;
	[tilespmem:$0x1D000] =	vst v63  }
0x6a: {  	_ =	swait.ge [sflag:s30], $0x2000  }
0x6b: {  	[sflag:s30] =	ssyncset.done $0x0  }
0x6c: {  	[sflag:s30] =	ssyncadd.s32 $0xFFFFE000  }
0x6d: {  	[spmem:s28] =	stream.linear.scatter [tilespmem:s29], [sflag:$0x9], $0x2000, $0x38;
	[tilespmem:$0x1D000] =	vst v63  }
0x6e: {  	_ =	swait.ge [sflag:s30], $0x2000  }
0x6f: {  	[sflag:s30] =	ssyncset.done $0x0  }
0x70: {  	s17 =	simm.s32 $0x0;
	s22 =	rddreg [dreg:$0x6];
	[sflag:s30] =	ssyncadd.s32 $0xFFFFE000  }
0x71: {  	[tilespmem:s17], [sflag:$0x5] =	stream.linear.gather [hbm4b:s22+s17], $0x200, $0x38;
	[tilespmem:$0x1D000] =	vst v63  }
0x72: {  	s18 =	simm.s32 $0x800;
	s23 =	rddreg [dreg:$0x7]  }
0x73: {  	[tilespmem:s18], [sflag:$0x5] =	stream.linear.gather [hbm4b:s23+s17], $0x200, $0x38;
	[tilespmem:$0x1D000] =	vst v63  }
0x74: {  	s25 =	simm.s32 $0x200;
	s24 =	rddreg [dreg:$0xd]  }
0x75: {  	[tilespmem:s25], [sflag:$0x6] =	stream.linear.gather [hbm4b:s24+s17], $0x200, $0x38;
	[tilespmem:$0x1D000] =	vst v63  }
0x76: {  	s20 =	simm.s32 $0xA00;
	s19 =	rddreg [dreg:$0xe]  }
0x77: {  	[tilespmem:s20], [sflag:$0x6] =	stream.linear.gather [hbm4b:s19+s17], $0x200, $0x38;
	[tilespmem:$0x1D000] =	vst v63  }
0x78: {  	[bflag:$0x0] =	sbarrier.arrive $0xFFFF  }
0x79: {  	_ =	swait.ge [sflag:s31], $0x200  }
0x7a: {  	[sflag:s31] =	ssyncset.done $0x0  }
0x7b: {  	[sflag:s31] =	ssyncadd.s32 $0xFFFFFE00  }
0x7c: {  	_ =	swait.ge [sflag:s31], $0x200  }
0x7d: {  	[sflag:s31] =	ssyncset.done $0x0  }
0x7e: {  	[sflag:s31] =	ssyncadd.s32 $0xFFFFFE00  }
0x7f: {  	[tilespmem:s29], [sflag:$0x1] =	stream.indirect.gather [hbm4b:s6+s0], $0x80, s17, s0, $0xb8;
	[tilespmem:$0x1D000] =	vst v63  }
0x80: {  	s21 =	simm.s32 $0x80;
	s22 =	simm.s32 $0x3000  }
0x81: {  	[tilespmem:s22], [sflag:$0x2] =	stream.indirect.gather [hbm4b:s6+s0], $0x80, s21, s0, $0xb8;
	[tilespmem:$0x1D000] =	vst v63  }
.Ltmp3:
0x82: {  	_ = 	snop;
	(pc) =	sbr.rel .LBB2_4-.Ltmp3, $4  }
0x83: {  	s23 =	simm.s32 $0x100  }
0x84: {  	[tilespmem:s3], [sflag:$0x3] =	stream.indirect.gather [hbm4b:s6+s0], $0x80, s23, s0, $0xb8;
	[tilespmem:$0x1D000] =	vst v63  }
0x85: {  	s16 =	simm.s32 $0x400;
	s24 =	simm.s32 $0x180;
	s25 =	simm.s32 $0x7000  }
0x86: {  	[tilespmem:s25], [sflag:$0x4] =	stream.indirect.gather [hbm4b:s6+s0], $0x80, s24, s0, $0xb8;
	[tilespmem:$0x1D000] =	vst v63  }
.LBB2_5:
0x87: {  	s20 =	sand.u32 $0xFC00, s16;
	s21 =	sadd.s32 $0xFFFFFC00, s16  }
0x88: {  	s20 =	sadd.s32 s13, s20;
	s21 =	sand.u32 $0x200, s21  }
0x89: {  	s17 =	sadd.s32 $0x2, s17;
	s20 =	sor.u32 s21, s20  }
0x8a: {  	s17 =	sand.u32 $0x3, s17;
	s20 =	sshrl.u32 s20, $0x3  }
0x8b: {  	s25 =	sadd.s32 $0x5, s17;
	s17 =	sshll.u32 s17, $0x9;
	s22 =	sadd.s32 s4, s20  }
0x8c: {  	[tilespmem:s17], [sflag:s25] =	stream.linear.gather [hbm4b:s22+s2], $0x200, $0x38;
	[tilespmem:$0x1D000] =	vst v63  }
0x8d: {  	s20 =	sadd.s32 s5, s20;
	s17 =	sor.u32 $0x800, s17  }
0x8e: {  	[tilespmem:s17], [sflag:s25] =	stream.linear.gather [hbm4b:s20+s2], $0x200, $0x38;
	[tilespmem:$0x1D000] =	vst v63  }
.LBB2_7:
0x8f: {  	s17 =	sadd.s32 $0x5, s18  }
0x90: {  	_ =	swait.ge [sflag:s17], $0x200  }
0x91: {  	[sflag:s17] =	ssyncset.done $0x0  }
0x92: {  	[sflag:s17] =	ssyncadd.s32 $0xFFFFFE00  }
0x93: {  	_ =	swait.ge [sflag:s17], $0x200  }
0x94: {  	[sflag:s17] =	ssyncset.done $0x0  }
0x95: {  	p0 =	por $0x0, $0x0;
	[sflag:s17] =	ssyncadd.s32 $0xFFFFFE00  }
.LBB2_8:
0x96: {  	_ =	swait.ge [sflag:s8], $0x2000;
	s17 =	sadd.s32 $0xFFFFFC00, s16  }
0x97: {  	[sflag:s8] =	ssyncset.done $0x0;
	s17 =	sand.u32 $0x600, s17  }
0x98: {  	[sflag:s8] =	ssyncadd.s32 $0xFFFFE000;
	s20 =	sor.u32 $0x800, s17  }
0x99: {  	[spmem:s1] =	stream.indirect.scatter.add.f32 [tilespmem:s29], [sflag:$0x9], $0x80, s20, s0, $0xb8;
	[tilespmem:$0x1D000] =	vst v63  }
0x9a: {  	_ =	swait.ge [sflag:s30], $0x2000  }
0x9b: {  	[sflag:s30] =	ssyncset.done $0x0  }
0x9c: {  	s20 =	simm.s32 @p0 $0x2;
	[sflag:s30] =	ssyncadd.s32 $0xFFFFE000  }
0x9d: {  	_ =	swait.ge @p0 [sflag:s20], $0x2000  }
0x9e: {  	s21 =	simm.s32 @p0 $0x40;
	[sflag:s20] =	ssyncset.done @p0 $0x0  }
0x9f: {  	s22 =	simm.s32 @p0 $0x3000;
	[sflag:s20] =	ssyncadd.s32 @p0 $0xFFFFE000;
	s20 =	sadd.s32 @p0 $0x880, s17  }
0xa0: {  	[spmem:s1] =	stream.indirect.scatter.add.f32 @p0 [tilespmem:s22], [sflag:$0x9], $0x80, s20, s21, $0xb8;
	[tilespmem:$0x1D000] =	vst v63  }
0xa1: {  	s20 =	simm.s32 @p0 $0x9  }
0xa2: {  	_ =	swait.ge @p0 [sflag:s20], $0x2000  }
0xa3: {  	s18 =	sshll.u32 @!p0 s18, $0x9;
	[sflag:s20] =	ssyncset.done @p0 $0x0  }
0xa4: {  	s23 =	simm.s32 @!p0 $0x1000;
	s22 =	simm.s32 @!p0 $0x40;
	[sflag:s20] =	ssyncadd.s32 @p0 $0xFFFFE000  }
0xa5: {  	[tilespmem:s23], [sflag:$0x1] =	stream.indirect.gather @!p0 [hbm4b:s6+s22], $0x80, s18, s22, $0xb8;
	[tilespmem:$0x1D000] =	vst v63  }
0xa6: {  	s23 =	simm.s32 @!p0 $0x2  }
0xa7: {  	_ =	swait.ge @!p0 [sflag:s23], $0x2000  }
0xa8: {  	[sflag:s23] =	ssyncset.done @!p0 $0x0  }
0xa9: {  	s24 =	simm.s32 @!p0 $0x3000;
	[sflag:s23] =	ssyncadd.s32 @!p0 $0xFFFFE000;
	s23 =	sadd.s32 @!p0 $0x880, s17  }
0xaa: {  	[spmem:s1] =	stream.indirect.scatter.add.f32 @!p0 [tilespmem:s24], [sflag:$0x9], $0x80, s23, s22, $0xb8;
	[tilespmem:$0x1D000] =	vst v63  }
0xab: {  	s23 =	simm.s32 @!p0 $0x9  }
0xac: {  	_ =	swait.ge @!p0 [sflag:s23], $0x2000  }
0xad: {  	[sflag:s23] =	ssyncset.done @!p0 $0x0  }
0xae: {  	s25 =	sor.u32 @!p0 $0x80, s18;
	[sflag:s23] =	ssyncadd.s32 @!p0 $0xFFFFE000  }
0xaf: {  	[tilespmem:s24], [sflag:$0x2] =	stream.indirect.gather @!p0 [hbm4b:s6+s22], $0x80, s25, s22, $0xb8;
	[tilespmem:$0x1D000] =	vst v63  }
0xb0: {  	_ =	swait.ge [sflag:s10], $0x2000  }
0xb1: {  	[sflag:s10] =	ssyncset.done $0x0  }
0xb2: {  	s25 =	sadd.s32 $0x900, s17;
	[sflag:s10] =	ssyncadd.s32 $0xFFFFE000  }
0xb3: {  	[spmem:s1] =	stream.indirect.scatter.add.f32 [tilespmem:s3], [sflag:$0x9], $0x80, s25, s0, $0xb8;
	[tilespmem:$0x1D000] =	vst v63  }
0xb4: {  	_ =	swait.ge [sflag:s30], $0x2000  }
0xb5: {  	[sflag:s30] =	ssyncset.done $0x0  }
0xb6: {  	s24 =	simm.s32 @p0 $0x4;
	[sflag:s30] =	ssyncadd.s32 $0xFFFFE000  }
0xb7: {  	_ =	swait.ge @p0 [sflag:s24], $0x2000  }
0xb8: {  	[sflag:s24] =	ssyncset.done @p0 $0x0  }
0xb9: {  	s25 =	simm.s32 @p0 $0x7000;
	[sflag:s24] =	ssyncadd.s32 @p0 $0xFFFFE000;
	s24 =	sadd.s32 @p0 $0x980, s17  }
0xba: {  	[spmem:s1] =	stream.indirect.scatter.add.f32 @p0 [tilespmem:s25], [sflag:$0x9], $0x80, s24, s21, $0xb8;
	[tilespmem:$0x1D000] =	vst v63  }
0xbb: {  	_ =	swait.ge @p0 [sflag:s20], $0x2000  }
0xbc: {  	[sflag:s20] =	ssyncset.done @p0 $0x0  }
0xbd: {  	s21 =	simm.s32 @!p0 $0x5000;
	[sflag:s20] =	ssyncadd.s32 @p0 $0xFFFFE000;
	s20 =	sor.u32 @!p0 $0x100, s18  }
0xbe: {  	[tilespmem:s21], [sflag:$0x3] =	stream.indirect.gather @!p0 [hbm4b:s6+s22], $0x80, s20, s22, $0xb8;
	[tilespmem:$0x1D000] =	vst v63  }
0xbf: {  	s20 =	simm.s32 @!p0 $0x4  }
0xc0: {  	_ =	swait.ge @!p0 [sflag:s20], $0x2000  }
0xc1: {  	[sflag:s20] =	ssyncset.done @!p0 $0x0  }
0xc2: {  	s17 =	sadd.s32 @!p0 $0x980, s17;
	[sflag:s20] =	ssyncadd.s32 @!p0 $0xFFFFE000;
	s20 =	simm.s32 @!p0 $0x7000  }
0xc3: {  	[spmem:s1] =	stream.indirect.scatter.add.f32 @!p0 [tilespmem:s20], [sflag:$0x9], $0x80, s17, s22, $0xb8;
	[tilespmem:$0x1D000] =	vst v63  }
0xc4: {  	_ =	swait.ge @!p0 [sflag:s23], $0x2000  }
0xc5: {  	[sflag:s23] =	ssyncset.done @!p0 $0x0  }
0xc6: {  	s17 =	sor.u32 @!p0 $0x180, s18;
	[sflag:s23] =	ssyncadd.s32 @!p0 $0xFFFFE000  }
0xc7: {  	[tilespmem:s20], [sflag:$0x4] =	stream.indirect.gather @!p0 [hbm4b:s6+s22], $0x80, s17, s22, $0xb8;
	[tilespmem:$0x1D000] =	vst v63  }
0xc8: {  	p0 =	sne.s32 s19, $0x28  }
.Ltmp4:
0xc9: {  	_ = 	snop;
	(pc) =	sbr.rel @!p0 .LBB2_9-.Ltmp4, $2  }
0xca: {  	_ =	sdelay $0x2  }
0xcb: {  	s16 =	sadd.s32 $0x200, s16;
	s17 =	smov.u32 s19  }
.LBB2_4:
0xcc: {  	p0 =	sgt.u32 s17, $0x25  }
.Ltmp5:
0xcd: {  	_ = 	snop;
	(pc) =	sbr.rel @!p0 .LBB2_5-.Ltmp5, $3  }
0xce: {  	_ =	sdelay $0x1  }
0xcf: {  	s19 =	sadd.s32 $0x1, s17  }
0xd0: {  	s18 =	sand.u32 $0x3, s19  }
0xd1: {  	p1 =	seq.s32 s17, $0x27  }
.Ltmp6:
0xd2: {  	_ = 	snop;
	(pc) =	sbr.rel @p1 .LBB2_8-.Ltmp6, $4  }
.Ltmp7:
0xd3: {  	_ = 	snop;
	(pc) =	sbr.rel @!p1 .LBB2_7-.Ltmp7, $4  }
0xd4: {  	_ = 	snop  }
0xd5: {  	_ = 	snop  }
0xd6: {  	p0 =	por $0x1, $0x1  }
0xd7: {  	_ = 	snop  }
.LBB2_10:
0xd8: {  	_ =	sfence.sel $0x180000  }
0xd9: {  	[bflag:$0x0] =	sbarrier.arrive $0xFFFF  }
0xda: {  	_ =	strace $0x9000004A  }
0xdb: {  	s0 =	stileid.u32;
	[bflag:$0x2] =	sbarrier.arrive $0xFFFF  }
0xdc: {  	p0 =	sne.s32 s0, $0x0;
	s0 =	rddreg [dreg:$0x2]  }
0xdd: {  	s0 =	sadd.s32 @!p0 $0x100000, s0  }
0xde: {  	[sflag:s0] =	ssyncadd.tile.s32 @!p0 $0x1;
	_ =	shalt  }
.Lfunc_end2:
_tile_overlayer_lowered:
.L_overlay_start_2:
0xdf: {  	(tag) =	ssettag $0x2  }
0xe0: {  	s0 =	rddreg [dreg:$0x0];
	s2 =	stileid.u32  }
0xe1: {  	s1 =	rddreg [dreg:$0x1];
	p0 =	sne.s32 s2, $0x0  }
0xe2: {  	s3 =	rddreg [dreg:$0x2];
	[bflag:$0x3] =	sbarrier.arrive $0xFFFF;
	s2 =	simm.s32 @!p0 $0x1C09  }
0xe3: {  	[timem:s3], [sflag:s2] =	dma.local @!p0 [hbm:s0], s1  }
0xe4: {  	s0 =	simm.s32 @!p0 $0x9  }
0xe5: {  	_ =	swait.ge @!p0 [sflag:s0], s1  }
0xe6: {  	s1 =	ssub.s32 @!p0 $0x0, s1;
	[sflag:s0] =	ssyncset.done @!p0 $0x0  }
0xe7: {  	[sflag:s0] =	ssyncadd.s32 @!p0 s1  }
0xe8: {  	[bflag:$0x3] =	sbarrier.arrive $0xFFFF  }
0xe9: {  	_ =	shalt  }

// kernel: kernel.16.cloned.1.call-start
scs
__scs_entry_jumppad:
0x0: {  	(pc) =	sbr.rel $0x88, $3  }
0x1: {  	(tag) =	ssettag $0x0;
	lr =	simm.s32 $0x1  }
0x2: {  	[smem:$0x3F8C] =	sst lr;
	_ =	strace $0xD0000000  }
0x3: {  	_ = 	snop  }
0x4: {  	_ = 	snop  }
0x5: {  	_ = 	snop  }
0x6: {  	_ = 	snop  }
0x7: {  	_ = 	snop  }
__scs_overlays_trampoline_lowered:
0x8: {  	[smem:$0x3F9B] =	sst s0  }
0x9: {  	[smem:$0x3F9C] =	sst s1  }
0xa: {  	[smem:$0x3F9D] =	sst s2  }
0xb: {  	[smem:$0x3F9E] =	sst s3  }
0xc: {  	[smem:$0x3F9F] =	sst s4  }
0xd: {  	[smem:$0x3FA0] =	sst s5  }
0xe: {  	[smem:$0x3FA1] =	sst s6  }
0xf: {  	[smem:$0x3FA2] =	sst s7  }
0x10: {  	[smem:$0x3FA3] =	sst s8  }
0x11: {  	[smem:$0x3FA4] =	sst s9;
	s0 =	simm.s32 @!p0 $0x0  }
0x12: {  	s1 =	sld [smem:$0x3F8A];
	s0 =	simm.s32 @p0 $0x1  }
0x13: {  	[smem:$0x3FA5] =	sst s0;
	s0 =	simm.s32 @!p1 $0x0  }
0x14: {  	s2 =	sld [smem:$0x3F89];
	s0 =	simm.s32 @p1 $0x1  }
0x15: {  	[smem:$0x3FA6] =	sst s0;
	s0 =	simm.s32 @!p2 $0x0  }
0x16: {  	s3 =	sld [smem:$0x3FDB];
	s0 =	simm.s32 @p2 $0x1  }
0x17: {  	s4 =	simm.s32 $0x1BF5;
	[smem:$0x3FA8] =	sst s0  }
0x18: {  	s0 =	sld [smem:$0x3F8B];
	_ =	swait.ge [sflag:s4], $0x0  }
0x19: {  	s7 =	sld [smem:$0x3F8C]  }
0x1a: {  	s8 =	sadd.s32 $0xFFFFE003, lr  }
0x1b: {  	s9 =	sadd.s32 $0xFFFFFEF7, lr;
	s5 =	simm.s32 $0xFFFFFFFF;
	p2 =	slt.u32 s8, $0xFFFFF086  }
0x1c: {  	p1 =	slt.u32 s9, $0xF7A;
	s5 =	simm.s32 @!p2 $0x0  }
0x1d: {  	s5 =	simm.s32 @p1 $0x1;
	p0 =	seq.s32 s7, s2  }
0x1e: {  	s7 =	smul.u32 @!p0 $0xF7A, s2;
	p2 =	seq.s32 @!p0 s5, $0x0  }
0x1f: {  	s9 =	smul.u32 $0xF7A, s1;
	s8 =	simm.s32 @!p0 $0x1BF5;
	p2 =	por !p2, p0  }
0x20: {  	[sflag:s8] =	ssyncset.s32 @!p0 $0xFFFFF086;
	s6 =	sadd.s32 @!p0 s3, s7;
	s7 =	simm.s32 @!p0 $0x108  }
0x21: {  	s3 =	sadd.s32 s3, s9;
	s6 =	sadd.s32 @!p0 $0x88, s6;
	s7 =	simm.s32 @p2 $0x1082  }
0x22: {  	[simem:s7], [sflag:s8] =	dma.local @!p0 [hbm:s6], $0xF7A  }
0x23: {  	s9 =	sor.u32 $0xD0000000, s2;
	s6 =	simm.s32 $0x108;
	_ =	swait.ge @!p0 [sflag:s8], $0x0  }
0x24: {  	s3 =	sadd.s32 $0x88, s3;
	s6 =	simm.s32 @!p1 $0x1082;
	[sflag:s4] =	ssyncset.s32 $0xFFFFF086  }
0x25: {  	[simem:s6], [sflag:s4] =	dma.local [hbm:s3], $0xF7A  }
0x26: {  	[smem:$0x3F8C] =	sst s1;
	(tag) =	ssettag s2;
	_ =	strace s9  }
0x27: {  	s1 =	sld [smem:$0x3F9C]  }
0x28: {  	s2 =	sld [smem:$0x3F9D]  }
0x29: {  	s4 =	sld [smem:$0x3F9F]  }
0x2a: {  	p0 =	seq.s32 s5, $0x0;
	s5 =	sld [smem:$0x3FA0]  }
0x2b: {  	s6 =	sld [smem:$0x3FA1]  }
0x2c: {  	s7 =	sld [smem:$0x3FA2]  }
0x2d: {  	s3 =	simm.s32 $0x108;
	s8 =	sld [smem:$0x3FA3]  }
0x2e: {  	s3 =	simm.s32 @!p0 $0x1082;
	s9 =	sld [smem:$0x3FA4]  }
0x2f: {  	lr =	sadd.s32 s0, s3;
	s0 =	sld [smem:$0x3F9B]  }
0x30: {  	s3 =	sld [smem:$0x3F9E]  }
0x31: {  	[smem:$0x3FA7] =	sst s10  }
0x32: {  	s10 =	sld [smem:$0x3FA5];
	_ =	sdelay $0x3  }
0x33: {  	p0 =	seq.s32 s10, $0x1;
	s10 =	sld [smem:$0x3FA7];
	_ =	sdelay $0x3  }
0x34: {  	[smem:$0x3FA7] =	sst s10  }
0x35: {  	s10 =	sld [smem:$0x3FA6];
	_ =	sdelay $0x3  }
0x36: {  	p1 =	seq.s32 s10, $0x1;
	s10 =	sld [smem:$0x3FA7];
	_ =	sdelay $0x3  }
0x37: {  	[smem:$0x3FA7] =	sst s10  }
0x38: {  	s10 =	sld [smem:$0x3FA8]  }
0x39: {  	_ = 	snop;
	(pc) =	sbr.ind lr, $3  }
0x3a: {  	_ = 	snop  }
0x3b: {  	_ = 	snop  }
0x3c: {  	p2 =	seq.s32 s10, $0x1;
	s10 =	sld [smem:$0x3FA7]  }
0x3d: {  	_ =	shalt  }
0x3e: {  	_ =	shalt  }
0x3f: {  	_ =	shalt  }
0x40: {  	_ =	shalt  }
0x41: {  	_ =	shalt  }
0x42: {  	_ =	shalt  }
0x43: {  	_ =	shalt  }
0x44: {  	_ =	shalt  }
0x45: {  	_ =	shalt  }
0x46: {  	_ =	shalt  }
0x47: {  	_ =	shalt  }
0x48: {  	_ =	shalt  }
0x49: {  	_ =	shalt  }
0x4a: {  	_ =	shalt  }
0x4b: {  	_ =	shalt  }
0x4c: {  	_ =	shalt  }
0x4d: {  	_ =	shalt  }
0x4e: {  	_ =	shalt  }
0x4f: {  	_ =	shalt  }
0x50: {  	_ =	shalt  }
0x51: {  	_ =	shalt  }
0x52: {  	_ =	shalt  }
0x53: {  	_ =	shalt  }
0x54: {  	_ =	shalt  }
0x55: {  	_ =	shalt  }
0x56: {  	_ =	shalt  }
0x57: {  	_ =	shalt  }
0x58: {  	_ =	shalt  }
0x59: {  	_ =	shalt  }
0x5a: {  	_ =	shalt  }
0x5b: {  	_ =	shalt  }
0x5c: {  	_ =	shalt  }
0x5d: {  	_ =	shalt  }
0x5e: {  	_ =	shalt  }
0x5f: {  	_ =	shalt  }
0x60: {  	_ =	shalt  }
0x61: {  	_ =	shalt  }
0x62: {  	_ =	shalt  }
0x63: {  	_ =	shalt  }
0x64: {  	_ =	shalt  }
0x65: {  	_ =	shalt  }
0x66: {  	_ =	shalt  }
0x67: {  	_ =	shalt  }
0x68: {  	_ =	shalt  }
0x69: {  	_ =	shalt  }
0x6a: {  	_ =	shalt  }
0x6b: {  	_ =	shalt  }
0x6c: {  	_ =	shalt  }
0x6d: {  	_ =	shalt  }
0x6e: {  	_ =	shalt  }
0x6f: {  	_ =	shalt  }
0x70: {  	_ =	shalt  }
0x71: {  	_ =	shalt  }
0x72: {  	_ =	shalt  }
0x73: {  	_ =	shalt  }
0x74: {  	_ =	shalt  }
0x75: {  	_ =	shalt  }
0x76: {  	_ =	shalt  }
0x77: {  	_ =	shalt  }
0x78: {  	_ =	shalt  }
0x79: {  	_ =	shalt  }
0x7a: {  	_ =	shalt  }
0x7b: {  	_ =	shalt  }
0x7c: {  	_ =	shalt  }
0x7d: {  	_ =	shalt  }
0x7e: {  	_ =	shalt  }
0x7f: {  	_ =	shalt  }
0x80: {  	_ =	shalt  }
0x81: {  	_ =	shalt  }
0x82: {  	_ =	shalt  }
0x83: {  	_ =	shalt  }
0x84: {  	_ =	shalt  }
0x85: {  	_ =	shalt  }
0x86: {  	_ =	shalt  }
0x87: {  	_ =	shalt  }
.Lfunc_end0:
.L_simem_size_0:
called_computation.2_lowered:
.L_overlay_start_0:
0x88: {  	s2 =	sld [smem:$0x3FD9]  }
0x89: {  	s3 =	sld [smem:$0x3FFE];
	_ =	sdelay $0x1  }
0x8a: {  	s1 =	srdreg.scid  }
0x8b: {  	s0 =	sand.u32 $0x1, s1  }
0x8c: {  	s16 =	sshll.u32 s0, $0xA;
	s2 =	sadd.s32 s3, s2  }
0x8d: {  	s2 =	sadd.s32 s2, s16  }
0x8e: {  	[smem:$0x3FB3] =	sst s2  }
0x8f: {  	_ = 	snop  }
0x90: {  	(tm) =	ssettm $0x1  }
0x91: {  	s17 =	sld [smem:$0x3FFB];
	_ =	sdelay $0x3  }
0x92: {  	_ =	strace s17  }
0x93: {  	s2 =	sld [smem:$0x3FFC];
	_ =	sdelay $0x3  }
0x94: {  	_ =	strace s2  }
0x95: {  	s2 =	sld [smem:$0x3FFD];
	_ =	sdelay $0x3  }
0x96: {  	_ =	strace s2  }
0x97: {  	_ =	strace $0x8FFFFFFF  }
0x98: {  	s18 =	sld [smem:$0x3FDB];
	_ =	sdelay $0x1  }
0x99: {  	s19 =	simm.s32 $_scs_section_size  }
0x9a: {  	s4 =	simm.s32 $_size__tile_overlayer_lowered;
	s5 =	simm.s32 $_tile_overlayer_lowered  }
0x9b: {  	s22 =	simm.s32 $0x1BFF;
	s21 =	sshll.u32 s5, $0x1;
	s2 =	sadd.s32 s19, s18  }
0x9c: {  	s6 =	simm.s32 $0x0;
	s20 =	sshll.u32 s4, $0x1;
	s4 =	sadd.s32 s21, s2  }
0x9d: {  	[timem:s6], [sflag:s22] =	dma.local [hbm:s4], s20  }
0x9e: {  	_ =	swait.ge [sflag:s22], s20  }
0x9f: {  	s3 =	ssub.s32 $0x0, s20;
	[sflag:s22] =	ssyncset.done $0x0  }
0xa0: {  	[sflag:s22] =	ssyncadd.s32 s3;
	_ =	sdelay $0x1  }
0xa1: {  	s23 =	simm.s32 $0x1B8B  }
0xa2: {  	_ =	swait.ge [sflag:s23], $0x1  }
0xa3: {  	[sflag:s23] =	ssyncset.done $0x0  }
0xa4: {  	s25 =	simm.s32 $0x1B8E;
	s24 =	sld [smem:$0x3FFE];
	[sflag:s23] =	ssyncadd.s32 $0xFFFFFFFF  }
0xa5: {  	s26 =	simm.s32 $execute0_lowered;
	[smem:$0x3FD2] =	sst s25  }
0xa6: {  	s4 =	sshll.u32 s26, $0x1;
	_ =	strace $0x8000004C;
	[dreg:$0x1] =	wrdreg $0xFFFFFFFF  }
0xa7: {  	s28 =	simm.s32 $_size_execute0_lowered;
	s2 =	sadd.s32 s2, s4;
	[dreg:$0x0] =	wrdreg $0x0  }
0xa8: {  	s4 =	sshll.u32 s28, $0x1;
	[dreg:$0x2] =	wrdreg s2  }
0xa9: {  	[dreg:$0x3] =	wrdreg s4  }
0xaa: {  	[dreg:$0x4] =	wrdreg $0xC0  }
0xab: {  	_ =	task [dreg:s6], $0x5FFFF  }
0xac: {  	[dreg:$0x1] =	wrdreg $0xFFFFFFFF  }
0xad: {  	[dreg:$0x0] =	wrdreg $0x60  }
0xae: {  	[dreg:$0x2] =	wrdreg s24  }
0xaf: {  	[dreg:$0x3] =	wrdreg $0x90000  }
0xb0: {  	[dreg:$0x4] =	wrdreg $0x9  }
0xb1: {  	_ =	task.clear_ibuf [dreg:s6], $0x5FFFF;
	_ =	strace $0x9000004C  }
0xb2: {  	s29 =	simm.s32 $0x9;
	_ =	strace $0x8000004E  }
0xb3: {  	_ =	swait.ge [sflag:s29], $0x1  }
0xb4: {  	[sflag:s29] =	ssyncadd.s32 $0xFFFFFFFF  }
0xb5: {  	_ =	strace $0x9000004E  }
0xb6: {  	_ =	sfence  }
0xb7: {  	s30 =	sld [smem:$0x0];
	_ =	sdelay $0x2  }
0xb8: {  	s31 =	sshll.u32 s1, $0xD;
	s1 =	sshrl.u32 s1, $0x2  }
0xb9: {  	s3 =	sand.u32 $0x4000, s31;
	s1 =	sadd.s32 s1, s30  }
0xba: {  	s0 =	sor.u32 s3, s0;
	s1 =	sshll.u32 s1, $0x11  }
0xbb: {  	s0 =	sor.u32 s1, s0  }
0xbc: {  	s0 =	sadd.s32 $0x8F2B, s0  }
0xbd: {  	[sflag:s0] =	ssyncadd.remote.s32 $0x1  }
0xbe: {  	_ =	sfence.sel $0xFFFF  }
0xbf: {  	[dreg:$0x0] =	wrdreg $0xFFFFFFFF;
	(pc) =	sbr.abs _section_cstart, $3  }
0xc0: {  	[dreg:$0x1] =	wrdreg $0xFFFFFFFF  }
0xc1: {  	_ =	task.clear_ibuf [dreg:s6], $0x2FFFF;
	_ =	strace $0x9FFFFFFF  }
0xc2: {  	(tm) =	ssettm $0x7FFFFFFF  }
0xc3: {  	_ =	shalt  }
tec
execute0_lowered:
.L_overlay_start_1:
0x0: {  	(tag) =	ssettag $0x1  }
0x1: {  	s0 =	rddreg [dreg:$0x0]  }
0x2: {  	s1 =	rddreg [dreg:$0x1]  }
0x3: {  	s2 =	simm.s32 $0x0;
	s3 =	srdreg.scid;
	s11 =	stileid.u32  }
0x4: {  	s29 =	simm.s32 $0x1000;
	s30 =	simm.s32 $0x9;
	s31 =	simm.s32 $0x5  }
0x5: {  	[smem:$0x7FF] =	sst s2;
	s4 =	sadd.s32 $0x18A00, s0;
	s5 =	sadd.s32 $0x2CA00, s0  }
0x6: {  	s3 =	sand.u32 $0x1, s3;
	s7 =	smul.u32 $0x50000, s11;
	s6 =	sadd.s32 $0x40A00, s0  }
0x7: {  	s0 =	sadd.s32 $0x68A00, s0;
	s10 =	smul.u32 $0x14000, s11;
	_ =	strace $0x8000004D  }
0x8: {  	s8 =	ssub.s32 $0x2, s3;
	s22 =	sshll.u32 s3, $0x4;
	s3 =	smul.u32 $0x140000, s3  }
0x9: {  	s9 =	sshrl.u32 s8, $0x1;
	s7 =	sshrl.u32 s7, $0x2;
	s12 =	sor.u32 s11, s22  }
0xa: {  	s16 =	sadd.s32 $0x4000, s10;
	s17 =	sadd.s32 $0x8000, s10;
	s25 =	sadd.s32 $0xC000, s10  }
0xb: {  	s18 =	sadd.s32 $0x10000, s10;
	s8 =	ssub.s32 s8, s9;
	s7 =	sadd.s32 s7, s1  }
0xc: {  	s9 =	sadd.s32 s16, s1;
	s11 =	sadd.s32 s17, s1;
	s14 =	sadd.s32 s25, s1  }
0xd: {  	s15 =	sadd.s32 s18, s1;
	s10 =	sadd.s32 s10, s3;
	s16 =	sadd.s32 s3, s16  }
0xe: {  	s17 =	sadd.s32 s3, s17;
	s23 =	sadd.s32 $0x2000, s7;
	s24 =	sadd.s32 $0x6000, s7  }
0xf: {  	s13 =	sadd.s32 $0xA000, s7;
	s10 =	sshrl.u32 s10, $0x3;
	[dreg:$0x3] =	wrdreg s23  }
0x10: {  	s16 =	sshrl.u32 s16, $0x3;
	s22 =	sshrl.u32 s17, $0x3;
	[dreg:$0x4] =	wrdreg s24  }
0x11: {  	s28 =	sadd.s32 $0x12000, s7;
	[dreg:$0x5] =	wrdreg s13;
	s10 =	sadd.s32 s0, s10  }
0x12: {  	s13 =	smul.u32 $0x5000, s12;
	s21 =	sadd.s32 s0, s16;
	[dreg:$0x8] =	wrdreg s10  }
0x13: {  	s12 =	sadd.s32 s3, s25;
	s3 =	sadd.s32 s3, s18;
	[dreg:$0x9] =	wrdreg s21  }
0x14: {  	s12 =	sshrl.u32 s12, $0x3;
	s3 =	sshrl.u32 s3, $0x3;
	s10 =	sadd.s32 s0, s22  }
0x15: {  	s19 =	sshrl.u32 s13, $0x3;
	[dreg:$0xa] =	wrdreg s10;
	s23 =	sadd.s32 s0, s12  }
0x16: {  	s0 =	sadd.s32 s0, s3;
	s3 =	simm.s32 $0x5000;
	[dreg:$0xb] =	wrdreg s23  }
0x17: {  	s10 =	simm.s32 $0x3;
	s20 =	sadd.s32 s4, s19;
	[dreg:$0xc] =	wrdreg s0  }
.Ltmp0:
0x18: {  	s26 =	sadd.s32 s5, s19;
	[dreg:$0x6] =	wrdreg s20;
	(pc) =	sbr.rel .LBB2_1-.Ltmp0, $4  }
0x19: {  	[dreg:$0x7] =	wrdreg s26;
	s20 =	sor.u32 $0x40, s19;
	s26 =	smax.u32 s8, $0x1  }
0x1a: {  	s12 =	simm.s32 $0x0;
	s24 =	sadd.s32 s4, s20;
	[dreg:$0xf] =	wrdreg s26  }
0x1b: {  	s0 =	simm.s32 $0x40;
	s25 =	sadd.s32 s5, s20;
	[dreg:$0xd] =	wrdreg s24  }
0x1c: {  	v0 =	vimm.f32 $0.0e+00;
	s8 =	simm.s32 $0x1;
	s26 =	sadd.s32 $0xE000, s7;
	[dreg:$0xe] =	wrdreg s25  }
.LBB2_9:
0x1d: {  	s16 =	stileid.u32  }
0x1e: {  	[bflag:$0x0] =	sbarrier.arrive $0xFFFF;
	s16 =	sshll.u32 s16, $0x6  }
0x1f: {  	s17 =	sshrl.u32 s7, $0x3;
	s18 =	rddreg [dreg:$0x8];
	s16 =	sor.u32 $0x1C09, s16  }
0x20: {  	[hbm:s18], [sflag:s16] =	dma.local [spmem:s17], $0x800  }
0x21: {  	_ =	swait.ge [sflag:s30], $0x800  }
0x22: {  	[sflag:s30] =	ssyncset.done $0x0  }
0x23: {  	s24 =	sshrl.u32 s9, $0x3;
	s25 =	rddreg [dreg:$0x9];
	[sflag:s30] =	ssyncadd.s32 $0xFFFFF800  }
0x24: {  	[hbm:s25], [sflag:s16] =	dma.local [spmem:s24], $0x800  }
0x25: {  	_ =	swait.ge [sflag:s30], $0x800  }
0x26: {  	[sflag:s30] =	ssyncset.done $0x0  }
0x27: {  	s19 =	sshrl.u32 s11, $0x3;
	s20 =	rddreg [dreg:$0xa];
	[sflag:s30] =	ssyncadd.s32 $0xFFFFF800  }
0x28: {  	[hbm:s20], [sflag:s16] =	dma.local [spmem:s19], $0x800  }
0x29: {  	_ =	swait.ge [sflag:s30], $0x800  }
0x2a: {  	[sflag:s30] =	ssyncset.done $0x0  }
0x2b: {  	s21 =	sshrl.u32 s14, $0x3;
	s22 =	rddreg [dreg:$0xb];
	[sflag:s30] =	ssyncadd.s32 $0xFFFFF800  }
0x2c: {  	[hbm:s22], [sflag:s16] =	dma.local [spmem:s21], $0x800  }
0x2d: {  	_ =	swait.ge [sflag:s30], $0x800  }
0x2e: {  	[sflag:s30] =	ssyncset.done $0x0  }
0x2f: {  	s23 =	sshrl.u32 s15, $0x3;
	s24 =	rddreg [dreg:$0xc];
	[sflag:s30] =	ssyncadd.s32 $0xFFFFF800  }
0x30: {  	[hbm:s24], [sflag:s16] =	dma.local [spmem:s23], $0x800  }
0x31: {  	_ =	swait.ge [sflag:s30], $0x800  }
0x32: {  	s12 =	sadd.s32 $0x1, s12;
	s25 =	rddreg [dreg:$0xf]  }
0x33: {  	p0 =	sne.s32 s12, s25  }
.Ltmp1:
0x34: {  	_ = 	snop;
	(pc) =	sbr.rel @!p0 .LBB2_10-.Ltmp1, $3  }
0x35: {  	_ =	sdelay $0x1  }
0x36: {  	[sflag:s30] =	ssyncset.done $0x0  }
0x37: {  	[sflag:s30] =	ssyncadd.s32 $0xFFFFF800  }
.LBB2_1:
0x38: {  	s16 =	simm.s32 $0x0;
	s17 =	simm.s32 $0x200  }
.LBB2_2:
0x39: {  	p0 =	sne.s32 s17, $0x7E00;
	[tilespmem:s16+$0x1070] =	vst v0  }
0x3a: {  	[tilespmem:s16+$0x1000] =	vst v0  }
0x3b: {  	[tilespmem:s16+$0x1010] =	vst v0  }
.Ltmp2:
0x3c: {  	[tilespmem:s16+$0x1020] =	vst v0;
	(pc) =	sbr.rel @p0 .LBB2_2-.Ltmp2, $4  }
0x3d: {  	[tilespmem:s16+$0x1030] =	vst v0  }
0x3e: {  	[tilespmem:s16+$0x1040] =	vst v0  }
0x3f: {  	[tilespmem:s16+$0x1050] =	vst v0  }
0x40: {  	[tilespmem:s16+$0x1060] =	vst v0;
	s16 =	sshra.s32 s17, $0x2;
	s17 =	sadd.s32 $0x200, s17  }
0x41: {  	[tilespmem:s16+$0x1070] =	vst v0  }
0x42: {  	[tilespmem:s16+$0x1000] =	vst v0  }
0x43: {  	[tilespmem:s16+$0x1010] =	vst v0  }
0x44: {  	[tilespmem:s16+$0x1020] =	vst v0  }
0x45: {  	[tilespmem:s16+$0x1030] =	vst v0  }
0x46: {  	[tilespmem:s16+$0x1040] =	vst v0  }
0x47: {  	[tilespmem:s16+$0x1050] =	vst v0  }
0x48: {  	[tilespmem:s16+$0x1060] =	vst v0  }
0x49: {  	[spmem:s7] =	stream.linear.scatter [tilespmem:s29], [sflag:$0x9], $0x2000, $0x38;
	[tilespmem:$0x1D000] =	vst v63  }
0x4a: {  	_ =	swait.ge [sflag:s30], $0x2000  }
0x4b: {  	[sflag:s30] =	ssyncset.done $0x0  }
0x4c: {  	s19 =	rddreg [dreg:$0x3];
	[sflag:s30] =	ssyncadd.s32 $0xFFFFE000  }
0x4d: {  	[spmem:s19] =	stream.linear.scatter [tilespmem:s29], [sflag:$0x9], $0x2000, $0x38;
	[tilespmem:$0x1D000] =	vst v63  }
0x4e: {  	_ =	swait.ge [sflag:s30], $0x2000  }
0x4f: {  	[sflag:s30] =	ssyncset.done $0x0  }
0x50: {  	[sflag:s30] =	ssyncadd.s32 $0xFFFFE000  }
0x51: {  	[spmem:s9] =	stream.linear.scatter [tilespmem:s29], [sflag:$0x9], $0x2000, $0x38;
	[tilespmem:$0x1D000] =	vst v63  }
0x52: {  	_ =	swait.ge [sflag:s30], $0x2000  }
0x53: {  	[sflag:s30] =	ssyncset.done $0x0  }
0x54: {  	s20 =	rddreg [dreg:$0x4];
	[sflag:s30] =	ssyncadd.s32 $0xFFFFE000  }
0x55: {  	[spmem:s20] =	stream.linear.scatter [tilespmem:s29], [sflag:$0x9], $0x2000, $0x38;
	[tilespmem:$0x1D000] =	vst v63  }
0x56: {  	_ =	swait.ge [sflag:s30], $0x2000  }
0x57: {  	[sflag:s30] =	ssyncset.done $0x0  }
0x58: {  	[sflag:s30] =	ssyncadd.s32 $0xFFFFE000  }
0x59: {  	[spmem:s11] =	stream.linear.scatter [tilespmem:s29], [sflag:$0x9], $0x2000, $0x38;
	[tilespmem:$0x1D000] =	vst v63  }
0x5a: {  	_ =	swait.ge [sflag:s30], $0x2000  }
0x5b: {  	[sflag:s30] =	ssyncset.done $0x0  }
0x5c: {  	s21 =	rddreg [dreg:$0x5];
	[sflag:s30] =	ssyncadd.s32 $0xFFFFE000  }
0x5d: {  	[spmem:s21] =	stream.linear.scatter [tilespmem:s29], [sflag:$0x9], $0x2000, $0x38;
	[tilespmem:$0x1D000] =	vst v63  }
0x5e: {  	_ =	swait.ge [sflag:s30], $0x2000  }
0x5f: {  	[sflag:s30] =	ssyncset.done $0x0  }
0x60: {  	[sflag:s30] =	ssyncadd.s32 $0xFFFFE000  }
0x61: {  	[spmem:s14] =	stream.linear.scatter [tilespmem:s29], [sflag:$0x9], $0x2000, $0x38;
	[tilespmem:$0x1D000] =	vst v63  }
0x62: {  	_ =	swait.ge [sflag:s30], $0x2000  }
0x63: {  	[sflag:s30] =	ssyncset.done $0x0  }
0x64: {  	[sflag:s30] =	ssyncadd.s32 $0xFFFFE000  }
0x65: {  	[spmem:s26] =	stream.linear.scatter [tilespmem:s29], [sflag:$0x9], $0x2000, $0x38;
	[tilespmem:$0x1D000] =	vst v63  }
0x66: {  	_ =	swait.ge [sflag:s30], $0x2000  }
0x67: {  	[sflag:s30] =	ssyncset.done $0x0  }
0x68: {  	[sflag:s30] =	ssyncadd.s32 $0xFFFFE000  }
0x69: {  	[spmem:s15] =	stream.linear.scatter [tilespmem:s29], [sflag:$0x9], $0x2000, $0x38;
	[tilespmem:$0x1D000] =	vst v63  }
0x6a: {  	_ =	swait.ge [sflag:s30], $0x2000  }
0x6b: {  	[sflag:s30] =	ssyncset.done $0x0  }
0x6c: {  	[sflag:s30] =	ssyncadd.s32 $0xFFFFE000  }
0x6d: {  	[spmem:s28] =	stream.linear.scatter [tilespmem:s29], [sflag:$0x9], $0x2000, $0x38;
	[tilespmem:$0x1D000] =	vst v63  }
0x6e: {  	_ =	swait.ge [sflag:s30], $0x2000  }
0x6f: {  	[sflag:s30] =	ssyncset.done $0x0  }
0x70: {  	s17 =	simm.s32 $0x0;
	s22 =	rddreg [dreg:$0x6];
	[sflag:s30] =	ssyncadd.s32 $0xFFFFE000  }
0x71: {  	[tilespmem:s17], [sflag:$0x5] =	stream.linear.gather [hbm4b:s22+s17], $0x200, $0x38;
	[tilespmem:$0x1D000] =	vst v63  }
0x72: {  	s18 =	simm.s32 $0x800;
	s23 =	rddreg [dreg:$0x7]  }
0x73: {  	[tilespmem:s18], [sflag:$0x5] =	stream.linear.gather [hbm4b:s23+s17], $0x200, $0x38;
	[tilespmem:$0x1D000] =	vst v63  }
0x74: {  	s25 =	simm.s32 $0x200;
	s24 =	rddreg [dreg:$0xd]  }
0x75: {  	[tilespmem:s25], [sflag:$0x6] =	stream.linear.gather [hbm4b:s24+s17], $0x200, $0x38;
	[tilespmem:$0x1D000] =	vst v63  }
0x76: {  	s20 =	simm.s32 $0xA00;
	s19 =	rddreg [dreg:$0xe]  }
0x77: {  	[tilespmem:s20], [sflag:$0x6] =	stream.linear.gather [hbm4b:s19+s17], $0x200, $0x38;
	[tilespmem:$0x1D000] =	vst v63  }
0x78: {  	[bflag:$0x0] =	sbarrier.arrive $0xFFFF  }
0x79: {  	_ =	swait.ge [sflag:s31], $0x200  }
0x7a: {  	[sflag:s31] =	ssyncset.done $0x0  }
0x7b: {  	[sflag:s31] =	ssyncadd.s32 $0xFFFFFE00  }
0x7c: {  	_ =	swait.ge [sflag:s31], $0x200  }
0x7d: {  	[sflag:s31] =	ssyncset.done $0x0  }
0x7e: {  	[sflag:s31] =	ssyncadd.s32 $0xFFFFFE00  }
0x7f: {  	[tilespmem:s29], [sflag:$0x1] =	stream.indirect.gather [hbm4b:s6+s0], $0x80, s17, s0, $0xb8;
	[tilespmem:$0x1D000] =	vst v63  }
0x80: {  	s21 =	simm.s32 $0x80;
	s22 =	simm.s32 $0x3000  }
0x81: {  	[tilespmem:s22], [sflag:$0x2] =	stream.indirect.gather [hbm4b:s6+s0], $0x80, s21, s0, $0xb8;
	[tilespmem:$0x1D000] =	vst v63  }
.Ltmp3:
0x82: {  	_ = 	snop;
	(pc) =	sbr.rel .LBB2_4-.Ltmp3, $4  }
0x83: {  	s23 =	simm.s32 $0x100  }
0x84: {  	[tilespmem:s3], [sflag:$0x3] =	stream.indirect.gather [hbm4b:s6+s0], $0x80, s23, s0, $0xb8;
	[tilespmem:$0x1D000] =	vst v63  }
0x85: {  	s16 =	simm.s32 $0x400;
	s24 =	simm.s32 $0x180;
	s25 =	simm.s32 $0x7000  }
0x86: {  	[tilespmem:s25], [sflag:$0x4] =	stream.indirect.gather [hbm4b:s6+s0], $0x80, s24, s0, $0xb8;
	[tilespmem:$0x1D000] =	vst v63  }
.LBB2_5:
0x87: {  	s20 =	sand.u32 $0xFC00, s16;
	s21 =	sadd.s32 $0xFFFFFC00, s16  }
0x88: {  	s20 =	sadd.s32 s13, s20;
	s21 =	sand.u32 $0x200, s21  }
0x89: {  	s17 =	sadd.s32 $0x2, s17;
	s20 =	sor.u32 s21, s20  }
0x8a: {  	s17 =	sand.u32 $0x3, s17;
	s20 =	sshrl.u32 s20, $0x3  }
0x8b: {  	s25 =	sadd.s32 $0x5, s17;
	s17 =	sshll.u32 s17, $0x9;
	s22 =	sadd.s32 s4, s20  }
0x8c: {  	[tilespmem:s17], [sflag:s25] =	stream.linear.gather [hbm4b:s22+s2], $0x200, $0x38;
	[tilespmem:$0x1D000] =	vst v63  }
0x8d: {  	s20 =	sadd.s32 s5, s20;
	s17 =	sor.u32 $0x800, s17  }
0x8e: {  	[tilespmem:s17], [sflag:s25] =	stream.linear.gather [hbm4b:s20+s2], $0x200, $0x38;
	[tilespmem:$0x1D000] =	vst v63  }
.LBB2_7:
0x8f: {  	s17 =	sadd.s32 $0x5, s18  }
0x90: {  	_ =	swait.ge [sflag:s17], $0x200  }
0x91: {  	[sflag:s17] =	ssyncset.done $0x0  }
0x92: {  	[sflag:s17] =	ssyncadd.s32 $0xFFFFFE00  }
0x93: {  	_ =	swait.ge [sflag:s17], $0x200  }
0x94: {  	[sflag:s17] =	ssyncset.done $0x0  }
0x95: {  	p0 =	por $0x0, $0x0;
	[sflag:s17] =	ssyncadd.s32 $0xFFFFFE00  }
.LBB2_8:
0x96: {  	_ =	swait.ge [sflag:s8], $0x2000;
	s17 =	sadd.s32 $0xFFFFFC00, s16  }
0x97: {  	[sflag:s8] =	ssyncset.done $0x0;
	s17 =	sand.u32 $0x600, s17  }
0x98: {  	[sflag:s8] =	ssyncadd.s32 $0xFFFFE000;
	s20 =	sor.u32 $0x800, s17  }
0x99: {  	[spmem:s1] =	stream.indirect.scatter.add.f32 [tilespmem:s29], [sflag:$0x9], $0x80, s20, s0, $0xb8;
	[tilespmem:$0x1D000] =	vst v63  }
0x9a: {  	_ =	swait.ge [sflag:s30], $0x2000  }
0x9b: {  	[sflag:s30] =	ssyncset.done $0x0  }
0x9c: {  	s20 =	simm.s32 @p0 $0x2;
	[sflag:s30] =	ssyncadd.s32 $0xFFFFE000  }
0x9d: {  	_ =	swait.ge @p0 [sflag:s20], $0x2000  }
0x9e: {  	s21 =	simm.s32 @p0 $0x40;
	[sflag:s20] =	ssyncset.done @p0 $0x0  }
0x9f: {  	s22 =	simm.s32 @p0 $0x3000;
	[sflag:s20] =	ssyncadd.s32 @p0 $0xFFFFE000;
	s20 =	sadd.s32 @p0 $0x880, s17  }
0xa0: {  	[spmem:s1] =	stream.indirect.scatter.add.f32 @p0 [tilespmem:s22], [sflag:$0x9], $0x80, s20, s21, $0xb8;
	[tilespmem:$0x1D000] =	vst v63  }
0xa1: {  	s20 =	simm.s32 @p0 $0x9  }
0xa2: {  	_ =	swait.ge @p0 [sflag:s20], $0x2000  }
0xa3: {  	s18 =	sshll.u32 @!p0 s18, $0x9;
	[sflag:s20] =	ssyncset.done @p0 $0x0  }
0xa4: {  	s23 =	simm.s32 @!p0 $0x1000;
	s22 =	simm.s32 @!p0 $0x40;
	[sflag:s20] =	ssyncadd.s32 @p0 $0xFFFFE000  }
0xa5: {  	[tilespmem:s23], [sflag:$0x1] =	stream.indirect.gather @!p0 [hbm4b:s6+s22], $0x80, s18, s22, $0xb8;
	[tilespmem:$0x1D000] =	vst v63  }
0xa6: {  	s23 =	simm.s32 @!p0 $0x2  }
0xa7: {  	_ =	swait.ge @!p0 [sflag:s23], $0x2000  }
0xa8: {  	[sflag:s23] =	ssyncset.done @!p0 $0x0  }
0xa9: {  	s24 =	simm.s32 @!p0 $0x3000;
	[sflag:s23] =	ssyncadd.s32 @!p0 $0xFFFFE000;
	s23 =	sadd.s32 @!p0 $0x880, s17  }
0xaa: {  	[spmem:s1] =	stream.indirect.scatter.add.f32 @!p0 [tilespmem:s24], [sflag:$0x9], $0x80, s23, s22, $0xb8;
	[tilespmem:$0x1D000] =	vst v63  }
0xab: {  	s23 =	simm.s32 @!p0 $0x9  }
0xac: {  	_ =	swait.ge @!p0 [sflag:s23], $0x2000  }
0xad: {  	[sflag:s23] =	ssyncset.done @!p0 $0x0  }
0xae: {  	s25 =	sor.u32 @!p0 $0x80, s18;
	[sflag:s23] =	ssyncadd.s32 @!p0 $0xFFFFE000  }
0xaf: {  	[tilespmem:s24], [sflag:$0x2] =	stream.indirect.gather @!p0 [hbm4b:s6+s22], $0x80, s25, s22, $0xb8;
	[tilespmem:$0x1D000] =	vst v63  }
0xb0: {  	_ =	swait.ge [sflag:s10], $0x2000  }
0xb1: {  	[sflag:s10] =	ssyncset.done $0x0  }
0xb2: {  	s25 =	sadd.s32 $0x900, s17;
	[sflag:s10] =	ssyncadd.s32 $0xFFFFE000  }
0xb3: {  	[spmem:s1] =	stream.indirect.scatter.add.f32 [tilespmem:s3], [sflag:$0x9], $0x80, s25, s0, $0xb8;
	[tilespmem:$0x1D000] =	vst v63  }
0xb4: {  	_ =	swait.ge [sflag:s30], $0x2000  }
0xb5: {  	[sflag:s30] =	ssyncset.done $0x0  }
0xb6: {  	s24 =	simm.s32 @p0 $0x4;
	[sflag:s30] =	ssyncadd.s32 $0xFFFFE000  }
0xb7: {  	_ =	swait.ge @p0 [sflag:s24], $0x2000  }
0xb8: {  	[sflag:s24] =	ssyncset.done @p0 $0x0  }
0xb9: {  	s25 =	simm.s32 @p0 $0x7000;
	[sflag:s24] =	ssyncadd.s32 @p0 $0xFFFFE000;
	s24 =	sadd.s32 @p0 $0x980, s17  }
0xba: {  	[spmem:s1] =	stream.indirect.scatter.add.f32 @p0 [tilespmem:s25], [sflag:$0x9], $0x80, s24, s21, $0xb8;
	[tilespmem:$0x1D000] =	vst v63  }
0xbb: {  	_ =	swait.ge @p0 [sflag:s20], $0x2000  }
0xbc: {  	[sflag:s20] =	ssyncset.done @p0 $0x0  }
0xbd: {  	s21 =	simm.s32 @!p0 $0x5000;
	[sflag:s20] =	ssyncadd.s32 @p0 $0xFFFFE000;
	s20 =	sor.u32 @!p0 $0x100, s18  }
0xbe: {  	[tilespmem:s21], [sflag:$0x3] =	stream.indirect.gather @!p0 [hbm4b:s6+s22], $0x80, s20, s22, $0xb8;
	[tilespmem:$0x1D000] =	vst v63  }
0xbf: {  	s20 =	simm.s32 @!p0 $0x4  }
0xc0: {  	_ =	swait.ge @!p0 [sflag:s20], $0x2000  }
0xc1: {  	[sflag:s20] =	ssyncset.done @!p0 $0x0  }
0xc2: {  	s17 =	sadd.s32 @!p0 $0x980, s17;
	[sflag:s20] =	ssyncadd.s32 @!p0 $0xFFFFE000;
	s20 =	simm.s32 @!p0 $0x7000  }
0xc3: {  	[spmem:s1] =	stream.indirect.scatter.add.f32 @!p0 [tilespmem:s20], [sflag:$0x9], $0x80, s17, s22, $0xb8;
	[tilespmem:$0x1D000] =	vst v63  }
0xc4: {  	_ =	swait.ge @!p0 [sflag:s23], $0x2000  }
0xc5: {  	[sflag:s23] =	ssyncset.done @!p0 $0x0  }
0xc6: {  	s17 =	sor.u32 @!p0 $0x180, s18;
	[sflag:s23] =	ssyncadd.s32 @!p0 $0xFFFFE000  }
0xc7: {  	[tilespmem:s20], [sflag:$0x4] =	stream.indirect.gather @!p0 [hbm4b:s6+s22], $0x80, s17, s22, $0xb8;
	[tilespmem:$0x1D000] =	vst v63  }
0xc8: {  	p0 =	sne.s32 s19, $0x28  }
.Ltmp4:
0xc9: {  	_ = 	snop;
	(pc) =	sbr.rel @!p0 .LBB2_9-.Ltmp4, $2  }
0xca: {  	_ =	sdelay $0x2  }
0xcb: {  	s16 =	sadd.s32 $0x200, s16;
	s17 =	smov.u32 s19  }
.LBB2_4:
0xcc: {  	p0 =	sgt.u32 s17, $0x25  }
.Ltmp5:
0xcd: {  	_ = 	snop;
	(pc) =	sbr.rel @!p0 .LBB2_5-.Ltmp5, $3  }
0xce: {  	_ =	sdelay $0x1  }
0xcf: {  	s19 =	sadd.s32 $0x1, s17  }
0xd0: {  	s18 =	sand.u32 $0x3, s19  }
0xd1: {  	p1 =	seq.s32 s17, $0x27  }
.Ltmp6:
0xd2: {  	_ = 	snop;
	(pc) =	sbr.rel @p1 .LBB2_8-.Ltmp6, $4  }
.Ltmp7:
0xd3: {  	_ = 	snop;
	(pc) =	sbr.rel @!p1 .LBB2_7-.Ltmp7, $4  }
0xd4: {  	_ = 	snop  }
0xd5: {  	_ = 	snop  }
0xd6: {  	p0 =	por $0x1, $0x1  }
0xd7: {  	_ = 	snop  }
.LBB2_10:
0xd8: {  	_ =	sfence.sel $0x180000  }
0xd9: {  	[bflag:$0x0] =	sbarrier.arrive $0xFFFF  }
0xda: {  	_ =	strace $0x9000004D  }
0xdb: {  	s0 =	stileid.u32;
	[bflag:$0x2] =	sbarrier.arrive $0xFFFF  }
0xdc: {  	p0 =	sne.s32 s0, $0x0;
	s0 =	rddreg [dreg:$0x2]  }
0xdd: {  	s0 =	sadd.s32 @!p0 $0x100000, s0  }
0xde: {  	[sflag:s0] =	ssyncadd.tile.s32 @!p0 $0x1;
	_ =	shalt  }
.Lfunc_end2:
_tile_overlayer_lowered:
.L_overlay_start_2:
0xdf: {  	(tag) =	ssettag $0x2  }
0xe0: {  	s0 =	rddreg [dreg:$0x0];
	s2 =	stileid.u32  }
0xe1: {  	s1 =	rddreg [dreg:$0x1];
	p0 =	sne.s32 s2, $0x0  }
0xe2: {  	s3 =	rddreg [dreg:$0x2];
	[bflag:$0x3] =	sbarrier.arrive $0xFFFF;
	s2 =	simm.s32 @!p0 $0x1C09  }
0xe3: {  	[timem:s3], [sflag:s2] =	dma.local @!p0 [hbm:s0], s1  }
0xe4: {  	s0 =	simm.s32 @!p0 $0x9  }
0xe5: {  	_ =	swait.ge @!p0 [sflag:s0], s1  }
0xe6: {  	s1 =	ssub.s32 @!p0 $0x0, s1;
	[sflag:s0] =	ssyncset.done @!p0 $0x0  }
0xe7: {  	[sflag:s0] =	ssyncadd.s32 @!p0 s1  }
0xe8: {  	[bflag:$0x3] =	sbarrier.arrive $0xFFFF  }
0xe9: {  	_ =	shalt  }

// kernel: kernel.19.cloned.1.call-start
scs
__scs_entry_jumppad:
0x0: {  	(pc) =	sbr.rel $0x88, $3  }
0x1: {  	(tag) =	ssettag $0x0;
	lr =	simm.s32 $0x1  }
0x2: {  	[smem:$0x3F8C] =	sst lr;
	_ =	strace $0xD0000000  }
0x3: {  	_ = 	snop  }
0x4: {  	_ = 	snop  }
0x5: {  	_ = 	snop  }
0x6: {  	_ = 	snop  }
0x7: {  	_ = 	snop  }
__scs_overlays_trampoline_lowered:
0x8: {  	[smem:$0x3F9B] =	sst s0  }
0x9: {  	[smem:$0x3F9C] =	sst s1  }
0xa: {  	[smem:$0x3F9D] =	sst s2  }
0xb: {  	[smem:$0x3F9E] =	sst s3  }
0xc: {  	[smem:$0x3F9F] =	sst s4  }
0xd: {  	[smem:$0x3FA0] =	sst s5  }
0xe: {  	[smem:$0x3FA1] =	sst s6  }
0xf: {  	[smem:$0x3FA2] =	sst s7  }
0x10: {  	[smem:$0x3FA3] =	sst s8  }
0x11: {  	[smem:$0x3FA4] =	sst s9;
	s0 =	simm.s32 @!p0 $0x0  }
0x12: {  	s1 =	sld [smem:$0x3F8A];
	s0 =	simm.s32 @p0 $0x1  }
0x13: {  	[smem:$0x3FA5] =	sst s0;
	s0 =	simm.s32 @!p1 $0x0  }
0x14: {  	s2 =	sld [smem:$0x3F89];
	s0 =	simm.s32 @p1 $0x1  }
0x15: {  	[smem:$0x3FA6] =	sst s0;
	s0 =	simm.s32 @!p2 $0x0  }
0x16: {  	s3 =	sld [smem:$0x3FDB];
	s0 =	simm.s32 @p2 $0x1  }
0x17: {  	s4 =	simm.s32 $0x1BF5;
	[smem:$0x3FA8] =	sst s0  }
0x18: {  	s0 =	sld [smem:$0x3F8B];
	_ =	swait.ge [sflag:s4], $0x0  }
0x19: {  	s7 =	sld [smem:$0x3F8C]  }
0x1a: {  	s8 =	sadd.s32 $0xFFFFE003, lr  }
0x1b: {  	s9 =	sadd.s32 $0xFFFFFEF7, lr;
	s5 =	simm.s32 $0xFFFFFFFF;
	p2 =	slt.u32 s8, $0xFFFFF086  }
0x1c: {  	p1 =	slt.u32 s9, $0xF7A;
	s5 =	simm.s32 @!p2 $0x0  }
0x1d: {  	s5 =	simm.s32 @p1 $0x1;
	p0 =	seq.s32 s7, s2  }
0x1e: {  	s7 =	smul.u32 @!p0 $0xF7A, s2;
	p2 =	seq.s32 @!p0 s5, $0x0  }
0x1f: {  	s9 =	smul.u32 $0xF7A, s1;
	s8 =	simm.s32 @!p0 $0x1BF5;
	p2 =	por !p2, p0  }
0x20: {  	[sflag:s8] =	ssyncset.s32 @!p0 $0xFFFFF086;
	s6 =	sadd.s32 @!p0 s3, s7;
	s7 =	simm.s32 @!p0 $0x108  }
0x21: {  	s3 =	sadd.s32 s3, s9;
	s6 =	sadd.s32 @!p0 $0x88, s6;
	s7 =	simm.s32 @p2 $0x1082  }
0x22: {  	[simem:s7], [sflag:s8] =	dma.local @!p0 [hbm:s6], $0xF7A  }
0x23: {  	s9 =	sor.u32 $0xD0000000, s2;
	s6 =	simm.s32 $0x108;
	_ =	swait.ge @!p0 [sflag:s8], $0x0  }
0x24: {  	s3 =	sadd.s32 $0x88, s3;
	s6 =	simm.s32 @!p1 $0x1082;
	[sflag:s4] =	ssyncset.s32 $0xFFFFF086  }
0x25: {  	[simem:s6], [sflag:s4] =	dma.local [hbm:s3], $0xF7A  }
0x26: {  	[smem:$0x3F8C] =	sst s1;
	(tag) =	ssettag s2;
	_ =	strace s9  }
0x27: {  	s1 =	sld [smem:$0x3F9C]  }
0x28: {  	s2 =	sld [smem:$0x3F9D]  }
0x29: {  	s4 =	sld [smem:$0x3F9F]  }
0x2a: {  	p0 =	seq.s32 s5, $0x0;
	s5 =	sld [smem:$0x3FA0]  }
0x2b: {  	s6 =	sld [smem:$0x3FA1]  }
0x2c: {  	s7 =	sld [smem:$0x3FA2]  }
0x2d: {  	s3 =	simm.s32 $0x108;
	s8 =	sld [smem:$0x3FA3]  }
0x2e: {  	s3 =	simm.s32 @!p0 $0x1082;
	s9 =	sld [smem:$0x3FA4]  }
0x2f: {  	lr =	sadd.s32 s0, s3;
	s0 =	sld [smem:$0x3F9B]  }
0x30: {  	s3 =	sld [smem:$0x3F9E]  }
0x31: {  	[smem:$0x3FA7] =	sst s10  }
0x32: {  	s10 =	sld [smem:$0x3FA5];
	_ =	sdelay $0x3  }
0x33: {  	p0 =	seq.s32 s10, $0x1;
	s10 =	sld [smem:$0x3FA7];
	_ =	sdelay $0x3  }
0x34: {  	[smem:$0x3FA7] =	sst s10  }
0x35: {  	s10 =	sld [smem:$0x3FA6];
	_ =	sdelay $0x3  }
0x36: {  	p1 =	seq.s32 s10, $0x1;
	s10 =	sld [smem:$0x3FA7];
	_ =	sdelay $0x3  }
0x37: {  	[smem:$0x3FA7] =	sst s10  }
0x38: {  	s10 =	sld [smem:$0x3FA8]  }
0x39: {  	_ = 	snop;
	(pc) =	sbr.ind lr, $3  }
0x3a: {  	_ = 	snop  }
0x3b: {  	_ = 	snop  }
0x3c: {  	p2 =	seq.s32 s10, $0x1;
	s10 =	sld [smem:$0x3FA7]  }
0x3d: {  	_ =	shalt  }
0x3e: {  	_ =	shalt  }
0x3f: {  	_ =	shalt  }
0x40: {  	_ =	shalt  }
0x41: {  	_ =	shalt  }
0x42: {  	_ =	shalt  }
0x43: {  	_ =	shalt  }
0x44: {  	_ =	shalt  }
0x45: {  	_ =	shalt  }
0x46: {  	_ =	shalt  }
0x47: {  	_ =	shalt  }
0x48: {  	_ =	shalt  }
0x49: {  	_ =	shalt  }
0x4a: {  	_ =	shalt  }
0x4b: {  	_ =	shalt  }
0x4c: {  	_ =	shalt  }
0x4d: {  	_ =	shalt  }
0x4e: {  	_ =	shalt  }
0x4f: {  	_ =	shalt  }
0x50: {  	_ =	shalt  }
0x51: {  	_ =	shalt  }
0x52: {  	_ =	shalt  }
0x53: {  	_ =	shalt  }
0x54: {  	_ =	shalt  }
0x55: {  	_ =	shalt  }
0x56: {  	_ =	shalt  }
0x57: {  	_ =	shalt  }
0x58: {  	_ =	shalt  }
0x59: {  	_ =	shalt  }
0x5a: {  	_ =	shalt  }
0x5b: {  	_ =	shalt  }
0x5c: {  	_ =	shalt  }
0x5d: {  	_ =	shalt  }
0x5e: {  	_ =	shalt  }
0x5f: {  	_ =	shalt  }
0x60: {  	_ =	shalt  }
0x61: {  	_ =	shalt  }
0x62: {  	_ =	shalt  }
0x63: {  	_ =	shalt  }
0x64: {  	_ =	shalt  }
0x65: {  	_ =	shalt  }
0x66: {  	_ =	shalt  }
0x67: {  	_ =	shalt  }
0x68: {  	_ =	shalt  }
0x69: {  	_ =	shalt  }
0x6a: {  	_ =	shalt  }
0x6b: {  	_ =	shalt  }
0x6c: {  	_ =	shalt  }
0x6d: {  	_ =	shalt  }
0x6e: {  	_ =	shalt  }
0x6f: {  	_ =	shalt  }
0x70: {  	_ =	shalt  }
0x71: {  	_ =	shalt  }
0x72: {  	_ =	shalt  }
0x73: {  	_ =	shalt  }
0x74: {  	_ =	shalt  }
0x75: {  	_ =	shalt  }
0x76: {  	_ =	shalt  }
0x77: {  	_ =	shalt  }
0x78: {  	_ =	shalt  }
0x79: {  	_ =	shalt  }
0x7a: {  	_ =	shalt  }
0x7b: {  	_ =	shalt  }
0x7c: {  	_ =	shalt  }
0x7d: {  	_ =	shalt  }
0x7e: {  	_ =	shalt  }
0x7f: {  	_ =	shalt  }
0x80: {  	_ =	shalt  }
0x81: {  	_ =	shalt  }
0x82: {  	_ =	shalt  }
0x83: {  	_ =	shalt  }
0x84: {  	_ =	shalt  }
0x85: {  	_ =	shalt  }
0x86: {  	_ =	shalt  }
0x87: {  	_ =	shalt  }
.Lfunc_end0:
.L_simem_size_0:
called_computation.3_lowered:
.L_overlay_start_0:
0x88: {  	s2 =	sld [smem:$0x3FD9]  }
0x89: {  	s3 =	sld [smem:$0x3FFE];
	_ =	sdelay $0x1  }
0x8a: {  	s1 =	srdreg.scid  }
0x8b: {  	s0 =	sand.u32 $0x1, s1  }
0x8c: {  	s16 =	sshll.u32 s0, $0xA;
	s2 =	sadd.s32 s3, s2  }
0x8d: {  	s2 =	sadd.s32 s2, s16  }
0x8e: {  	[smem:$0x3FB3] =	sst s2  }
0x8f: {  	_ = 	snop  }
0x90: {  	(tm) =	ssettm $0x1  }
0x91: {  	s17 =	sld [smem:$0x3FFB];
	_ =	sdelay $0x3  }
0x92: {  	_ =	strace s17  }
0x93: {  	s2 =	sld [smem:$0x3FFC];
	_ =	sdelay $0x3  }
0x94: {  	_ =	strace s2  }
0x95: {  	s2 =	sld [smem:$0x3FFD];
	_ =	sdelay $0x3  }
0x96: {  	_ =	strace s2  }
0x97: {  	_ =	strace $0x8FFFFFFF  }
0x98: {  	s18 =	sld [smem:$0x3FDB];
	_ =	sdelay $0x1  }
0x99: {  	s19 =	simm.s32 $_scs_section_size  }
0x9a: {  	s4 =	simm.s32 $_size__tile_overlayer_lowered;
	s5 =	simm.s32 $_tile_overlayer_lowered  }
0x9b: {  	s22 =	simm.s32 $0x1BFF;
	s21 =	sshll.u32 s5, $0x1;
	s2 =	sadd.s32 s19, s18  }
0x9c: {  	s6 =	simm.s32 $0x0;
	s20 =	sshll.u32 s4, $0x1;
	s4 =	sadd.s32 s21, s2  }
0x9d: {  	[timem:s6], [sflag:s22] =	dma.local [hbm:s4], s20  }
0x9e: {  	_ =	swait.ge [sflag:s22], s20  }
0x9f: {  	s3 =	ssub.s32 $0x0, s20;
	[sflag:s22] =	ssyncset.done $0x0  }
0xa0: {  	[sflag:s22] =	ssyncadd.s32 s3;
	_ =	sdelay $0x1  }
0xa1: {  	s23 =	simm.s32 $0x1B8B  }
0xa2: {  	_ =	swait.ge [sflag:s23], $0x1  }
0xa3: {  	[sflag:s23] =	ssyncset.done $0x0  }
0xa4: {  	s25 =	simm.s32 $0x1B8E;
	s24 =	sld [smem:$0x3FFE];
	[sflag:s23] =	ssyncadd.s32 $0xFFFFFFFF  }
0xa5: {  	s26 =	simm.s32 $execute0_lowered;
	[smem:$0x3FD2] =	sst s25  }
0xa6: {  	s4 =	sshll.u32 s26, $0x1;
	_ =	strace $0x8000004F;
	[dreg:$0x1] =	wrdreg $0xFFFFFFFF  }
0xa7: {  	s28 =	simm.s32 $_size_execute0_lowered;
	s2 =	sadd.s32 s2, s4;
	[dreg:$0x0] =	wrdreg $0x0  }
0xa8: {  	s4 =	sshll.u32 s28, $0x1;
	[dreg:$0x2] =	wrdreg s2  }
0xa9: {  	[dreg:$0x3] =	wrdreg s4  }
0xaa: {  	[dreg:$0x4] =	wrdreg $0xC0  }
0xab: {  	_ =	task [dreg:s6], $0x5FFFF  }
0xac: {  	[dreg:$0x1] =	wrdreg $0xFFFFFFFF  }
0xad: {  	[dreg:$0x0] =	wrdreg $0x60  }
0xae: {  	[dreg:$0x2] =	wrdreg s24  }
0xaf: {  	[dreg:$0x3] =	wrdreg $0x90000  }
0xb0: {  	[dreg:$0x4] =	wrdreg $0x9  }
0xb1: {  	_ =	task.clear_ibuf [dreg:s6], $0x5FFFF;
	_ =	strace $0x9000004F  }
0xb2: {  	s29 =	simm.s32 $0x9;
	_ =	strace $0x80000051  }
0xb3: {  	_ =	swait.ge [sflag:s29], $0x1  }
0xb4: {  	[sflag:s29] =	ssyncadd.s32 $0xFFFFFFFF  }
0xb5: {  	_ =	strace $0x90000051  }
0xb6: {  	_ =	sfence  }
0xb7: {  	s30 =	sld [smem:$0x0];
	_ =	sdelay $0x2  }
0xb8: {  	s31 =	sshll.u32 s1, $0xD;
	s1 =	sshrl.u32 s1, $0x2  }
0xb9: {  	s3 =	sand.u32 $0x4000, s31;
	s1 =	sadd.s32 s1, s30  }
0xba: {  	s0 =	sor.u32 s3, s0;
	s1 =	sshll.u32 s1, $0x11  }
0xbb: {  	s0 =	sor.u32 s1, s0  }
0xbc: {  	s0 =	sadd.s32 $0x8F2B, s0  }
0xbd: {  	[sflag:s0] =	ssyncadd.remote.s32 $0x1  }
0xbe: {  	_ =	sfence.sel $0xFFFF  }
0xbf: {  	[dreg:$0x0] =	wrdreg $0xFFFFFFFF;
	(pc) =	sbr.abs _section_cstart, $3  }
0xc0: {  	[dreg:$0x1] =	wrdreg $0xFFFFFFFF  }
0xc1: {  	_ =	task.clear_ibuf [dreg:s6], $0x2FFFF;
	_ =	strace $0x9FFFFFFF  }
0xc2: {  	(tm) =	ssettm $0x7FFFFFFF  }
0xc3: {  	_ =	shalt  }
tec
execute0_lowered:
.L_overlay_start_1:
0x0: {  	(tag) =	ssettag $0x1  }
0x1: {  	s0 =	rddreg [dreg:$0x0]  }
0x2: {  	s1 =	rddreg [dreg:$0x1]  }
0x3: {  	s2 =	simm.s32 $0x0;
	s3 =	srdreg.scid;
	s11 =	stileid.u32  }
0x4: {  	s29 =	simm.s32 $0x1000;
	s30 =	simm.s32 $0x9;
	s31 =	simm.s32 $0x5  }
0x5: {  	[smem:$0x7FF] =	sst s2;
	s4 =	sadd.s32 $0x18A00, s0;
	s5 =	sadd.s32 $0x2CA00, s0  }
0x6: {  	s3 =	sand.u32 $0x1, s3;
	s7 =	smul.u32 $0x50000, s11;
	s6 =	sadd.s32 $0x40A00, s0  }
0x7: {  	s0 =	sadd.s32 $0x68A00, s0;
	s10 =	smul.u32 $0x14000, s11;
	_ =	strace $0x80000050  }
0x8: {  	s8 =	ssub.s32 $0x2, s3;
	s22 =	sshll.u32 s3, $0x4;
	s3 =	smul.u32 $0x140000, s3  }
0x9: {  	s9 =	sshrl.u32 s8, $0x1;
	s7 =	sshrl.u32 s7, $0x2;
	s12 =	sor.u32 s11, s22  }
0xa: {  	s16 =	sadd.s32 $0x4000, s10;
	s17 =	sadd.s32 $0x8000, s10;
	s25 =	sadd.s32 $0xC000, s10  }
0xb: {  	s18 =	sadd.s32 $0x10000, s10;
	s8 =	ssub.s32 s8, s9;
	s7 =	sadd.s32 s7, s1  }
0xc: {  	s9 =	sadd.s32 s16, s1;
	s11 =	sadd.s32 s17, s1;
	s14 =	sadd.s32 s25, s1  }
0xd: {  	s15 =	sadd.s32 s18, s1;
	s10 =	sadd.s32 s10, s3;
	s16 =	sadd.s32 s3, s16  }
0xe: {  	s17 =	sadd.s32 s3, s17;
	s23 =	sadd.s32 $0x2000, s7;
	s24 =	sadd.s32 $0x6000, s7  }
0xf: {  	s13 =	sadd.s32 $0xA000, s7;
	s10 =	sshrl.u32 s10, $0x3;
	[dreg:$0x3] =	wrdreg s23  }
0x10: {  	s16 =	sshrl.u32 s16, $0x3;
	s22 =	sshrl.u32 s17, $0x3;
	[dreg:$0x4] =	wrdreg s24  }
0x11: {  	s28 =	sadd.s32 $0x12000, s7;
	[dreg:$0x5] =	wrdreg s13;
	s10 =	sadd.s32 s0, s10  }
0x12: {  	s13 =	smul.u32 $0x5000, s12;
	s21 =	sadd.s32 s0, s16;
	[dreg:$0x8] =	wrdreg s10  }
0x13: {  	s12 =	sadd.s32 s3, s25;
	s3 =	sadd.s32 s3, s18;
	[dreg:$0x9] =	wrdreg s21  }
0x14: {  	s12 =	sshrl.u32 s12, $0x3;
	s3 =	sshrl.u32 s3, $0x3;
	s10 =	sadd.s32 s0, s22  }
0x15: {  	s19 =	sshrl.u32 s13, $0x3;
	[dreg:$0xa] =	wrdreg s10;
	s23 =	sadd.s32 s0, s12  }
0x16: {  	s0 =	sadd.s32 s0, s3;
	s3 =	simm.s32 $0x5000;
	[dreg:$0xb] =	wrdreg s23  }
0x17: {  	s10 =	simm.s32 $0x3;
	s20 =	sadd.s32 s4, s19;
	[dreg:$0xc] =	wrdreg s0  }
.Ltmp0:
0x18: {  	s26 =	sadd.s32 s5, s19;
	[dreg:$0x6] =	wrdreg s20;
	(pc) =	sbr.rel .LBB2_1-.Ltmp0, $4  }
0x19: {  	[dreg:$0x7] =	wrdreg s26;
	s20 =	sor.u32 $0x40, s19;
	s26 =	smax.u32 s8, $0x1  }
0x1a: {  	s12 =	simm.s32 $0x0;
	s24 =	sadd.s32 s4, s20;
	[dreg:$0xf] =	wrdreg s26  }
0x1b: {  	s0 =	simm.s32 $0x40;
	s25 =	sadd.s32 s5, s20;
	[dreg:$0xd] =	wrdreg s24  }
0x1c: {  	v0 =	vimm.f32 $0.0e+00;
	s8 =	simm.s32 $0x1;
	s26 =	sadd.s32 $0xE000, s7;
	[dreg:$0xe] =	wrdreg s25  }
.LBB2_9:
0x1d: {  	s16 =	stileid.u32  }
0x1e: {  	[bflag:$0x0] =	sbarrier.arrive $0xFFFF;
	s16 =	sshll.u32 s16, $0x6  }
0x1f: {  	s17 =	sshrl.u32 s7, $0x3;
	s18 =	rddreg [dreg:$0x8];
	s16 =	sor.u32 $0x1C09, s16  }
0x20: {  	[hbm:s18], [sflag:s16] =	dma.local [spmem:s17], $0x800  }
0x21: {  	_ =	swait.ge [sflag:s30], $0x800  }
0x22: {  	[sflag:s30] =	ssyncset.done $0x0  }
0x23: {  	s24 =	sshrl.u32 s9, $0x3;
	s25 =	rddreg [dreg:$0x9];
	[sflag:s30] =	ssyncadd.s32 $0xFFFFF800  }
0x24: {  	[hbm:s25], [sflag:s16] =	dma.local [spmem:s24], $0x800  }
0x25: {  	_ =	swait.ge [sflag:s30], $0x800  }
0x26: {  	[sflag:s30] =	ssyncset.done $0x0  }
0x27: {  	s19 =	sshrl.u32 s11, $0x3;
	s20 =	rddreg [dreg:$0xa];
	[sflag:s30] =	ssyncadd.s32 $0xFFFFF800  }
0x28: {  	[hbm:s20], [sflag:s16] =	dma.local [spmem:s19], $0x800  }
0x29: {  	_ =	swait.ge [sflag:s30], $0x800  }
0x2a: {  	[sflag:s30] =	ssyncset.done $0x0  }
0x2b: {  	s21 =	sshrl.u32 s14, $0x3;
	s22 =	rddreg [dreg:$0xb];
	[sflag:s30] =	ssyncadd.s32 $0xFFFFF800  }
0x2c: {  	[hbm:s22], [sflag:s16] =	dma.local [spmem:s21], $0x800  }
0x2d: {  	_ =	swait.ge [sflag:s30], $0x800  }
0x2e: {  	[sflag:s30] =	ssyncset.done $0x0  }
0x2f: {  	s23 =	sshrl.u32 s15, $0x3;
	s24 =	rddreg [dreg:$0xc];
	[sflag:s30] =	ssyncadd.s32 $0xFFFFF800  }
0x30: {  	[hbm:s24], [sflag:s16] =	dma.local [spmem:s23], $0x800  }
0x31: {  	_ =	swait.ge [sflag:s30], $0x800  }
0x32: {  	s12 =	sadd.s32 $0x1, s12;
	s25 =	rddreg [dreg:$0xf]  }
0x33: {  	p0 =	sne.s32 s12, s25  }
.Ltmp1:
0x34: {  	_ = 	snop;
	(pc) =	sbr.rel @!p0 .LBB2_10-.Ltmp1, $3  }
0x35: {  	_ =	sdelay $0x1  }
0x36: {  	[sflag:s30] =	ssyncset.done $0x0  }
0x37: {  	[sflag:s30] =	ssyncadd.s32 $0xFFFFF800  }
.LBB2_1:
0x38: {  	s16 =	simm.s32 $0x0;
	s17 =	simm.s32 $0x200  }
.LBB2_2:
0x39: {  	p0 =	sne.s32 s17, $0x7E00;
	[tilespmem:s16+$0x1070] =	vst v0  }
0x3a: {  	[tilespmem:s16+$0x1000] =	vst v0  }
0x3b: {  	[tilespmem:s16+$0x1010] =	vst v0  }
.Ltmp2:
0x3c: {  	[tilespmem:s16+$0x1020] =	vst v0;
	(pc) =	sbr.rel @p0 .LBB2_2-.Ltmp2, $4  }
0x3d: {  	[tilespmem:s16+$0x1030] =	vst v0  }
0x3e: {  	[tilespmem:s16+$0x1040] =	vst v0  }
0x3f: {  	[tilespmem:s16+$0x1050] =	vst v0  }
0x40: {  	[tilespmem:s16+$0x1060] =	vst v0;
	s16 =	sshra.s32 s17, $0x2;
	s17 =	sadd.s32 $0x200, s17  }
0x41: {  	[tilespmem:s16+$0x1070] =	vst v0  }
0x42: {  	[tilespmem:s16+$0x1000] =	vst v0  }
0x43: {  	[tilespmem:s16+$0x1010] =	vst v0  }
0x44: {  	[tilespmem:s16+$0x1020] =	vst v0  }
0x45: {  	[tilespmem:s16+$0x1030] =	vst v0  }
0x46: {  	[tilespmem:s16+$0x1040] =	vst v0  }
0x47: {  	[tilespmem:s16+$0x1050] =	vst v0  }
0x48: {  	[tilespmem:s16+$0x1060] =	vst v0  }
0x49: {  	[spmem:s7] =	stream.linear.scatter [tilespmem:s29], [sflag:$0x9], $0x2000, $0x38;
	[tilespmem:$0x1D000] =	vst v63  }
0x4a: {  	_ =	swait.ge [sflag:s30], $0x2000  }
0x4b: {  	[sflag:s30] =	ssyncset.done $0x0  }
0x4c: {  	s19 =	rddreg [dreg:$0x3];
	[sflag:s30] =	ssyncadd.s32 $0xFFFFE000  }
0x4d: {  	[spmem:s19] =	stream.linear.scatter [tilespmem:s29], [sflag:$0x9], $0x2000, $0x38;
	[tilespmem:$0x1D000] =	vst v63  }
0x4e: {  	_ =	swait.ge [sflag:s30], $0x2000  }
0x4f: {  	[sflag:s30] =	ssyncset.done $0x0  }
0x50: {  	[sflag:s30] =	ssyncadd.s32 $0xFFFFE000  }
0x51: {  	[spmem:s9] =	stream.linear.scatter [tilespmem:s29], [sflag:$0x9], $0x2000, $0x38;
	[tilespmem:$0x1D000] =	vst v63  }
0x52: {  	_ =	swait.ge [sflag:s30], $0x2000  }
0x53: {  	[sflag:s30] =	ssyncset.done $0x0  }
0x54: {  	s20 =	rddreg [dreg:$0x4];
	[sflag:s30] =	ssyncadd.s32 $0xFFFFE000  }
0x55: {  	[spmem:s20] =	stream.linear.scatter [tilespmem:s29], [sflag:$0x9], $0x2000, $0x38;
	[tilespmem:$0x1D000] =	vst v63  }
0x56: {  	_ =	swait.ge [sflag:s30], $0x2000  }
0x57: {  	[sflag:s30] =	ssyncset.done $0x0  }
0x58: {  	[sflag:s30] =	ssyncadd.s32 $0xFFFFE000  }
0x59: {  	[spmem:s11] =	stream.linear.scatter [tilespmem:s29], [sflag:$0x9], $0x2000, $0x38;
	[tilespmem:$0x1D000] =	vst v63  }
0x5a: {  	_ =	swait.ge [sflag:s30], $0x2000  }
0x5b: {  	[sflag:s30] =	ssyncset.done $0x0  }
0x5c: {  	s21 =	rddreg [dreg:$0x5];
	[sflag:s30] =	ssyncadd.s32 $0xFFFFE000  }
0x5d: {  	[spmem:s21] =	stream.linear.scatter [tilespmem:s29], [sflag:$0x9], $0x2000, $0x38;
	[tilespmem:$0x1D000] =	vst v63  }
0x5e: {  	_ =	swait.ge [sflag:s30], $0x2000  }
0x5f: {  	[sflag:s30] =	ssyncset.done $0x0  }
0x60: {  	[sflag:s30] =	ssyncadd.s32 $0xFFFFE000  }
0x61: {  	[spmem:s14] =	stream.linear.scatter [tilespmem:s29], [sflag:$0x9], $0x2000, $0x38;
	[tilespmem:$0x1D000] =	vst v63  }
0x62: {  	_ =	swait.ge [sflag:s30], $0x2000  }
0x63: {  	[sflag:s30] =	ssyncset.done $0x0  }
0x64: {  	[sflag:s30] =	ssyncadd.s32 $0xFFFFE000  }
0x65: {  	[spmem:s26] =	stream.linear.scatter [tilespmem:s29], [sflag:$0x9], $0x2000, $0x38;
	[tilespmem:$0x1D000] =	vst v63  }
0x66: {  	_ =	swait.ge [sflag:s30], $0x2000  }
0x67: {  	[sflag:s30] =	ssyncset.done $0x0  }
0x68: {  	[sflag:s30] =	ssyncadd.s32 $0xFFFFE000  }
0x69: {  	[spmem:s15] =	stream.linear.scatter [tilespmem:s29], [sflag:$0x9], $0x2000, $0x38;
	[tilespmem:$0x1D000] =	vst v63  }
0x6a: {  	_ =	swait.ge [sflag:s30], $0x2000  }
0x6b: {  	[sflag:s30] =	ssyncset.done $0x0  }
0x6c: {  	[sflag:s30] =	ssyncadd.s32 $0xFFFFE000  }
0x6d: {  	[spmem:s28] =	stream.linear.scatter [tilespmem:s29], [sflag:$0x9], $0x2000, $0x38;
	[tilespmem:$0x1D000] =	vst v63  }
0x6e: {  	_ =	swait.ge [sflag:s30], $0x2000  }
0x6f: {  	[sflag:s30] =	ssyncset.done $0x0  }
0x70: {  	s17 =	simm.s32 $0x0;
	s22 =	rddreg [dreg:$0x6];
	[sflag:s30] =	ssyncadd.s32 $0xFFFFE000  }
0x71: {  	[tilespmem:s17], [sflag:$0x5] =	stream.linear.gather [hbm4b:s22+s17], $0x200, $0x38;
	[tilespmem:$0x1D000] =	vst v63  }
0x72: {  	s18 =	simm.s32 $0x800;
	s23 =	rddreg [dreg:$0x7]  }
0x73: {  	[tilespmem:s18], [sflag:$0x5] =	stream.linear.gather [hbm4b:s23+s17], $0x200, $0x38;
	[tilespmem:$0x1D000] =	vst v63  }
0x74: {  	s25 =	simm.s32 $0x200;
	s24 =	rddreg [dreg:$0xd]  }
0x75: {  	[tilespmem:s25], [sflag:$0x6] =	stream.linear.gather [hbm4b:s24+s17], $0x200, $0x38;
	[tilespmem:$0x1D000] =	vst v63  }
0x76: {  	s20 =	simm.s32 $0xA00;
	s19 =	rddreg [dreg:$0xe]  }
0x77: {  	[tilespmem:s20], [sflag:$0x6] =	stream.linear.gather [hbm4b:s19+s17], $0x200, $0x38;
	[tilespmem:$0x1D000] =	vst v63  }
0x78: {  	[bflag:$0x0] =	sbarrier.arrive $0xFFFF  }
0x79: {  	_ =	swait.ge [sflag:s31], $0x200  }
0x7a: {  	[sflag:s31] =	ssyncset.done $0x0  }
0x7b: {  	[sflag:s31] =	ssyncadd.s32 $0xFFFFFE00  }
0x7c: {  	_ =	swait.ge [sflag:s31], $0x200  }
0x7d: {  	[sflag:s31] =	ssyncset.done $0x0  }
0x7e: {  	[sflag:s31] =	ssyncadd.s32 $0xFFFFFE00  }
0x7f: {  	[tilespmem:s29], [sflag:$0x1] =	stream.indirect.gather [hbm4b:s6+s0], $0x80, s17, s0, $0xb8;
	[tilespmem:$0x1D000] =	vst v63  }
0x80: {  	s21 =	simm.s32 $0x80;
	s22 =	simm.s32 $0x3000  }
0x81: {  	[tilespmem:s22], [sflag:$0x2] =	stream.indirect.gather [hbm4b:s6+s0], $0x80, s21, s0, $0xb8;
	[tilespmem:$0x1D000] =	vst v63  }
.Ltmp3:
0x82: {  	_ = 	snop;
	(pc) =	sbr.rel .LBB2_4-.Ltmp3, $4  }
0x83: {  	s23 =	simm.s32 $0x100  }
0x84: {  	[tilespmem:s3], [sflag:$0x3] =	stream.indirect.gather [hbm4b:s6+s0], $0x80, s23, s0, $0xb8;
	[tilespmem:$0x1D000] =	vst v63  }
0x85: {  	s16 =	simm.s32 $0x400;
	s24 =	simm.s32 $0x180;
	s25 =	simm.s32 $0x7000  }
0x86: {  	[tilespmem:s25], [sflag:$0x4] =	stream.indirect.gather [hbm4b:s6+s0], $0x80, s24, s0, $0xb8;
	[tilespmem:$0x1D000] =	vst v63  }
.LBB2_5:
0x87: {  	s20 =	sand.u32 $0xFC00, s16;
	s21 =	sadd.s32 $0xFFFFFC00, s16  }
0x88: {  	s20 =	sadd.s32 s13, s20;
	s21 =	sand.u32 $0x200, s21  }
0x89: {  	s17 =	sadd.s32 $0x2, s17;
	s20 =	sor.u32 s21, s20  }
0x8a: {  	s17 =	sand.u32 $0x3, s17;
	s20 =	sshrl.u32 s20, $0x3  }
0x8b: {  	s25 =	sadd.s32 $0x5, s17;
	s17 =	sshll.u32 s17, $0x9;
	s22 =	sadd.s32 s4, s20  }
0x8c: {  	[tilespmem:s17], [sflag:s25] =	stream.linear.gather [hbm4b:s22+s2], $0x200, $0x38;
	[tilespmem:$0x1D000] =	vst v63  }
0x8d: {  	s20 =	sadd.s32 s5, s20;
	s17 =	sor.u32 $0x800, s17  }
0x8e: {  	[tilespmem:s17], [sflag:s25] =	stream.linear.gather [hbm4b:s20+s2], $0x200, $0x38;
	[tilespmem:$0x1D000] =	vst v63  }
.LBB2_7:
0x8f: {  	s17 =	sadd.s32 $0x5, s18  }
0x90: {  	_ =	swait.ge [sflag:s17], $0x200  }
0x91: {  	[sflag:s17] =	ssyncset.done $0x0  }
0x92: {  	[sflag:s17] =	ssyncadd.s32 $0xFFFFFE00  }
0x93: {  	_ =	swait.ge [sflag:s17], $0x200  }
0x94: {  	[sflag:s17] =	ssyncset.done $0x0  }
0x95: {  	p0 =	por $0x0, $0x0;
	[sflag:s17] =	ssyncadd.s32 $0xFFFFFE00  }
.LBB2_8:
0x96: {  	_ =	swait.ge [sflag:s8], $0x2000;
	s17 =	sadd.s32 $0xFFFFFC00, s16  }
0x97: {  	[sflag:s8] =	ssyncset.done $0x0;
	s17 =	sand.u32 $0x600, s17  }
0x98: {  	[sflag:s8] =	ssyncadd.s32 $0xFFFFE000;
	s20 =	sor.u32 $0x800, s17  }
0x99: {  	[spmem:s1] =	stream.indirect.scatter.add.f32 [tilespmem:s29], [sflag:$0x9], $0x80, s20, s0, $0xb8;
	[tilespmem:$0x1D000] =	vst v63  }
0x9a: {  	_ =	swait.ge [sflag:s30], $0x2000  }
0x9b: {  	[sflag:s30] =	ssyncset.done $0x0  }
0x9c: {  	s20 =	simm.s32 @p0 $0x2;
	[sflag:s30] =	ssyncadd.s32 $0xFFFFE000  }
0x9d: {  	_ =	swait.ge @p0 [sflag:s20], $0x2000  }
0x9e: {  	s21 =	simm.s32 @p0 $0x40;
	[sflag:s20] =	ssyncset.done @p0 $0x0  }
0x9f: {  	s22 =	simm.s32 @p0 $0x3000;
	[sflag:s20] =	ssyncadd.s32 @p0 $0xFFFFE000;
	s20 =	sadd.s32 @p0 $0x880, s17  }
0xa0: {  	[spmem:s1] =	stream.indirect.scatter.add.f32 @p0 [tilespmem:s22], [sflag:$0x9], $0x80, s20, s21, $0xb8;
	[tilespmem:$0x1D000] =	vst v63  }
0xa1: {  	s20 =	simm.s32 @p0 $0x9  }
0xa2: {  	_ =	swait.ge @p0 [sflag:s20], $0x2000  }
0xa3: {  	s18 =	sshll.u32 @!p0 s18, $0x9;
	[sflag:s20] =	ssyncset.done @p0 $0x0  }
0xa4: {  	s23 =	simm.s32 @!p0 $0x1000;
	s22 =	simm.s32 @!p0 $0x40;
	[sflag:s20] =	ssyncadd.s32 @p0 $0xFFFFE000  }
0xa5: {  	[tilespmem:s23], [sflag:$0x1] =	stream.indirect.gather @!p0 [hbm4b:s6+s22], $0x80, s18, s22, $0xb8;
	[tilespmem:$0x1D000] =	vst v63  }
0xa6: {  	s23 =	simm.s32 @!p0 $0x2  }
0xa7: {  	_ =	swait.ge @!p0 [sflag:s23], $0x2000  }
0xa8: {  	[sflag:s23] =	ssyncset.done @!p0 $0x0  }
0xa9: {  	s24 =	simm.s32 @!p0 $0x3000;
	[sflag:s23] =	ssyncadd.s32 @!p0 $0xFFFFE000;
	s23 =	sadd.s32 @!p0 $0x880, s17  }
0xaa: {  	[spmem:s1] =	stream.indirect.scatter.add.f32 @!p0 [tilespmem:s24], [sflag:$0x9], $0x80, s23, s22, $0xb8;
	[tilespmem:$0x1D000] =	vst v63  }
0xab: {  	s23 =	simm.s32 @!p0 $0x9  }
0xac: {  	_ =	swait.ge @!p0 [sflag:s23], $0x2000  }
0xad: {  	[sflag:s23] =	ssyncset.done @!p0 $0x0  }
0xae: {  	s25 =	sor.u32 @!p0 $0x80, s18;
	[sflag:s23] =	ssyncadd.s32 @!p0 $0xFFFFE000  }
0xaf: {  	[tilespmem:s24], [sflag:$0x2] =	stream.indirect.gather @!p0 [hbm4b:s6+s22], $0x80, s25, s22, $0xb8;
	[tilespmem:$0x1D000] =	vst v63  }
0xb0: {  	_ =	swait.ge [sflag:s10], $0x2000  }
0xb1: {  	[sflag:s10] =	ssyncset.done $0x0  }
0xb2: {  	s25 =	sadd.s32 $0x900, s17;
	[sflag:s10] =	ssyncadd.s32 $0xFFFFE000  }
0xb3: {  	[spmem:s1] =	stream.indirect.scatter.add.f32 [tilespmem:s3], [sflag:$0x9], $0x80, s25, s0, $0xb8;
	[tilespmem:$0x1D000] =	vst v63  }
0xb4: {  	_ =	swait.ge [sflag:s30], $0x2000  }
0xb5: {  	[sflag:s30] =	ssyncset.done $0x0  }
0xb6: {  	s24 =	simm.s32 @p0 $0x4;
	[sflag:s30] =	ssyncadd.s32 $0xFFFFE000  }
0xb7: {  	_ =	swait.ge @p0 [sflag:s24], $0x2000  }
0xb8: {  	[sflag:s24] =	ssyncset.done @p0 $0x0  }
0xb9: {  	s25 =	simm.s32 @p0 $0x7000;
	[sflag:s24] =	ssyncadd.s32 @p0 $0xFFFFE000;
	s24 =	sadd.s32 @p0 $0x980, s17  }
0xba: {  	[spmem:s1] =	stream.indirect.scatter.add.f32 @p0 [tilespmem:s25], [sflag:$0x9], $0x80, s24, s21, $0xb8;
	[tilespmem:$0x1D000] =	vst v63  }
0xbb: {  	_ =	swait.ge @p0 [sflag:s20], $0x2000  }
0xbc: {  	[sflag:s20] =	ssyncset.done @p0 $0x0  }
0xbd: {  	s21 =	simm.s32 @!p0 $0x5000;
	[sflag:s20] =	ssyncadd.s32 @p0 $0xFFFFE000;
	s20 =	sor.u32 @!p0 $0x100, s18  }
0xbe: {  	[tilespmem:s21], [sflag:$0x3] =	stream.indirect.gather @!p0 [hbm4b:s6+s22], $0x80, s20, s22, $0xb8;
	[tilespmem:$0x1D000] =	vst v63  }
0xbf: {  	s20 =	simm.s32 @!p0 $0x4  }
0xc0: {  	_ =	swait.ge @!p0 [sflag:s20], $0x2000  }
0xc1: {  	[sflag:s20] =	ssyncset.done @!p0 $0x0  }
0xc2: {  	s17 =	sadd.s32 @!p0 $0x980, s17;
	[sflag:s20] =	ssyncadd.s32 @!p0 $0xFFFFE000;
	s20 =	simm.s32 @!p0 $0x7000  }
0xc3: {  	[spmem:s1] =	stream.indirect.scatter.add.f32 @!p0 [tilespmem:s20], [sflag:$0x9], $0x80, s17, s22, $0xb8;
	[tilespmem:$0x1D000] =	vst v63  }
0xc4: {  	_ =	swait.ge @!p0 [sflag:s23], $0x2000  }
0xc5: {  	[sflag:s23] =	ssyncset.done @!p0 $0x0  }
0xc6: {  	s17 =	sor.u32 @!p0 $0x180, s18;
	[sflag:s23] =	ssyncadd.s32 @!p0 $0xFFFFE000  }
0xc7: {  	[tilespmem:s20], [sflag:$0x4] =	stream.indirect.gather @!p0 [hbm4b:s6+s22], $0x80, s17, s22, $0xb8;
	[tilespmem:$0x1D000] =	vst v63  }
0xc8: {  	p0 =	sne.s32 s19, $0x28  }
.Ltmp4:
0xc9: {  	_ = 	snop;
	(pc) =	sbr.rel @!p0 .LBB2_9-.Ltmp4, $2  }
0xca: {  	_ =	sdelay $0x2  }
0xcb: {  	s16 =	sadd.s32 $0x200, s16;
	s17 =	smov.u32 s19  }
.LBB2_4:
0xcc: {  	p0 =	sgt.u32 s17, $0x25  }
.Ltmp5:
0xcd: {  	_ = 	snop;
	(pc) =	sbr.rel @!p0 .LBB2_5-.Ltmp5, $3  }
0xce: {  	_ =	sdelay $0x1  }
0xcf: {  	s19 =	sadd.s32 $0x1, s17  }
0xd0: {  	s18 =	sand.u32 $0x3, s19  }
0xd1: {  	p1 =	seq.s32 s17, $0x27  }
.Ltmp6:
0xd2: {  	_ = 	snop;
	(pc) =	sbr.rel @p1 .LBB2_8-.Ltmp6, $4  }
.Ltmp7:
0xd3: {  	_ = 	snop;
	(pc) =	sbr.rel @!p1 .LBB2_7-.Ltmp7, $4  }
0xd4: {  	_ = 	snop  }
0xd5: {  	_ = 	snop  }
0xd6: {  	p0 =	por $0x1, $0x1  }
0xd7: {  	_ = 	snop  }
.LBB2_10:
0xd8: {  	_ =	sfence.sel $0x180000  }
0xd9: {  	[bflag:$0x0] =	sbarrier.arrive $0xFFFF  }
0xda: {  	_ =	strace $0x90000050  }
0xdb: {  	s0 =	stileid.u32;
	[bflag:$0x2] =	sbarrier.arrive $0xFFFF  }
0xdc: {  	p0 =	sne.s32 s0, $0x0;
	s0 =	rddreg [dreg:$0x2]  }
0xdd: {  	s0 =	sadd.s32 @!p0 $0x100000, s0  }
0xde: {  	[sflag:s0] =	ssyncadd.tile.s32 @!p0 $0x1;
	_ =	shalt  }
.Lfunc_end2:
_tile_overlayer_lowered:
.L_overlay_start_2:
0xdf: {  	(tag) =	ssettag $0x2  }
0xe0: {  	s0 =	rddreg [dreg:$0x0];
	s2 =	stileid.u32  }
0xe1: {  	s1 =	rddreg [dreg:$0x1];
	p0 =	sne.s32 s2, $0x0  }
0xe2: {  	s3 =	rddreg [dreg:$0x2];
	[bflag:$0x3] =	sbarrier.arrive $0xFFFF;
	s2 =	simm.s32 @!p0 $0x1C09  }
0xe3: {  	[timem:s3], [sflag:s2] =	dma.local @!p0 [hbm:s0], s1  }
0xe4: {  	s0 =	simm.s32 @!p0 $0x9  }
0xe5: {  	_ =	swait.ge @!p0 [sflag:s0], s1  }
0xe6: {  	s1 =	ssub.s32 @!p0 $0x0, s1;
	[sflag:s0] =	ssyncset.done @!p0 $0x0  }
0xe7: {  	[sflag:s0] =	ssyncadd.s32 @!p0 s1  }
0xe8: {  	[bflag:$0x3] =	sbarrier.arrive $0xFFFF  }
0xe9: {  	_ =	shalt  }

</sc_bundles>
